<compile_context>
chip_gen: v7x
topology: tpu7x:2x2x1
jax: 0.10.2.dev20260603
libtpu: 0.0.44.dev20260713+nightly
codegen_flags: <defaults>
</compile_context>

<pallas_src>
import functools

import jax
import jax.numpy as jnp
from jax import lax
from jax.experimental import pallas as pl
from jax.experimental.pallas import tpu as pltpu
from jax.experimental.pallas import tpu_sc as plsc

N = 10000
E = 320000
C = 128
NPAD = 10240
F = 128

_NC = 2
_NS = 16
WR = 80
RP = _NC * _NS * WR
DR = RP // _NS


@functools.cache
def _mesh():
    return plsc.VectorSubcoreMesh(core_axis_name="c", subcore_axis_name="s",
                                  num_cores=_NC, num_subcores=_NS)


def _edge_weight_body(src2d, dst2d, ew2d, w_out,
                      dstb, ewb, srcb, dstw, eww, wstage, wb, dinv, deg_s,
                      sem):
    cid = lax.axis_index("c")
    tid = lax.axis_index("s")

    for k in range(5):
        for i in range(8):
            wb[k, pl.ds(i * 16, 16)] = jnp.zeros((16,), jnp.float32)
    for k in range(5):
        pltpu.sync_copy(wb.at[k], deg_s.at[pl.ds(tid * 640 + k * 128, 128)])
    plsc.subcore_barrier()

    dbase = tid * DR
    pltpu.sync_copy(dst2d.at[pl.ds(dbase, DR)], dstb)
    pltpu.sync_copy(ew2d.at[pl.ds(dbase, DR)], ewb)

    def deg_fire(r, carry):
        pltpu.make_async_copy(ewb.at[r], deg_s.at[dstb.at[r]], sem
                              ).start(add=True)
        return carry

    def deg_drain(r, carry):
        pltpu.make_async_copy(ewb.at[r], deg_s.at[dstb.at[r]], sem).wait()
        return carry

    lax.fori_loop(0, DR, deg_fire, 0)
    lax.fori_loop(0, DR, deg_drain, 0)
    plsc.subcore_barrier()

    pltpu.sync_copy(deg_s.at[pl.ds(tid * 640, 640)], dinv.at[pl.ds(0, 640)])

    def rsqrt_body(i, carry):
        d = dinv[pl.ds(i * 16, 16)]
        bits = plsc.bitcast(d, jnp.int32)
        y = plsc.bitcast(jnp.int32(0x5F3759DF) - (bits >> 1), jnp.float32)
        for _ in range(3):
            y = y * (1.5 - 0.5 * d * y * y)
        dinv[pl.ds(i * 16, 16)] = jnp.where(d > 0.0, y, 0.0)
        return carry

    lax.fori_loop(0, 640 // 16, rsqrt_body, 0)
    pltpu.sync_copy(dinv.at[pl.ds(0, 640)], deg_s.at[pl.ds(tid * 640, 640)])
    plsc.subcore_barrier()
    pltpu.sync_copy(deg_s, dinv)

    wid = cid * _NS + tid
    wbase = wid * WR
    pltpu.sync_copy(src2d.at[pl.ds(wbase, WR)], srcb)
    pltpu.sync_copy(dst2d.at[pl.ds(wbase, WR)], dstw)
    pltpu.sync_copy(ew2d.at[pl.ds(wbase, WR)], eww)

    def w_body(r, carry):
        for j in range(8):
            sl = pl.ds(j * 16, 16)
            gs = plsc.load_gather(dinv, [srcb[r, sl]])
            gt = plsc.load_gather(dinv, [dstw[r, sl]])
            wstage[r, sl] = eww[r, sl] * gs * gt
        return carry

    lax.fori_loop(0, WR, w_body, 0)
    pltpu.sync_copy(wstage, w_out.at[pl.ds(wbase, WR)])


@functools.cache
def _edge_weight_kernel():
    return pl.kernel(
        _edge_weight_body,
        out_type=jax.ShapeDtypeStruct((RP, C), jnp.float32),
        mesh=_mesh(),
        compiler_params=pltpu.CompilerParams(needs_layout_passes=False),
        scratch_types=[
            pltpu.VMEM((DR, C), jnp.int32),
            pltpu.VMEM((DR, C), jnp.float32),
            pltpu.VMEM((WR, C), jnp.int32),
            pltpu.VMEM((WR, C), jnp.int32),
            pltpu.VMEM((WR, C), jnp.float32),
            pltpu.VMEM((WR, C), jnp.float32),
            pltpu.VMEM((5, C), jnp.float32),
            pltpu.VMEM((NPAD,), jnp.float32),
            pltpu.VMEM_SHARED((NPAD,), jnp.float32),
            pltpu.SemaphoreType.DMA,
        ],
    )


def _aggregate_body(table, src2d, dst2d, w2d, out,
                    srcb, dstb, wb, rows, acc_s, gsem, ssem, isem):
    cid = lax.axis_index("c")
    tid = lax.axis_index("s")

    def zero_body(i, carry):
        for j in range(F // 16):
            rows[0, i, pl.ds(j * 16, 16)] = jnp.zeros((16,), jnp.float32)
        return carry

    lax.fori_loop(0, C, zero_body, 0)
    for k in range(5):
        pltpu.make_async_copy(
            rows.at[0], acc_s.at[pl.ds(tid * 640 + k * 128, 128)], gsem
        ).start()
    for k in range(5):
        pltpu.make_async_copy(
            rows.at[0], acc_s.at[pl.ds(tid * 640 + k * 128, 128)], gsem
        ).wait()
    plsc.subcore_barrier()

    wid = cid * _NS + tid
    base = wid * WR

    def idx_fetch(r):
        s = r % 3
        return (pltpu.make_async_copy(src2d.at[base + r], srcb.at[s], isem),
                pltpu.make_async_copy(dst2d.at[base + r], dstb.at[s], isem),
                pltpu.make_async_copy(w2d.at[base + r], wb.at[s], isem))

    def gather(r, buf):
        return pltpu.make_async_copy(
            table.at[srcb.at[r % 3]], rows.at[buf], gsem)

    def scatter(r, buf):
        return pltpu.make_async_copy(
            rows.at[buf], acc_s.at[dstb.at[r % 3]], ssem)

    for cp in idx_fetch(0):
        cp.start()
    for cp in idx_fetch(0):
        cp.wait()
    for cp in idx_fetch(1):
        cp.start()
    gather(0, 0).start()

    def body(r, carry):
        b = r & 1
        gather(r, b).wait()

        def scale_half(lo, hi):
            @plsc.parallel_loop(lo, hi, unroll=4)
            def _(e):
                sp = plsc.load_gather(wb.at[r % 3],
                                      [jnp.zeros((16,), jnp.int32) + e])
                for f in range(F // 16):
                    sl = pl.ds(f * 16, 16)
                    rows[b, e, sl] = rows[b, e, sl] * sp

        @pl.when(r > 0)
        def _():
            scatter(r - 1, 1 - b).start(add=True)

        scale_half(0, C // 2)

        @pl.when(r > 0)
        def _():
            scatter(r - 1, 1 - b).wait()

        @pl.when(r < WR - 1)
        def _():
            for cp in idx_fetch(r + 1):
                cp.wait()
            gather(r + 1, 1 - b).start()

        scale_half(C // 2, C)

        @pl.when(r < WR - 2)
        def _():
            for cp in idx_fetch(r + 2):
                cp.start()

        return carry

    lax.fori_loop(0, WR, body, 0)
    scatter(WR - 1, (WR - 1) & 1).start(add=True)
    scatter(WR - 1, (WR - 1) & 1).wait()
    plsc.subcore_barrier()

    pltpu.sync_copy(acc_s.at[pl.ds(tid * 640, 640)],
                    out.at[cid, pl.ds(tid * 640, 640)])


@functools.cache
def _aggregate_kernel():
    return pl.kernel(
        _aggregate_body,
        out_type=jax.ShapeDtypeStruct((_NC, NPAD, F), jnp.float32),
        mesh=_mesh(),
        compiler_params=pltpu.CompilerParams(needs_layout_passes=False),
        scratch_types=[
            pltpu.VMEM((3, C), jnp.int32),
            pltpu.VMEM((3, C), jnp.int32),
            pltpu.VMEM((3, C), jnp.float32),
            pltpu.VMEM((2, C, F), jnp.float32),
            pltpu.VMEM_SHARED((NPAD, F), jnp.float32),
            pltpu.SemaphoreType.DMA,
            pltpu.SemaphoreType.DMA,
            pltpu.SemaphoreType.DMA,
        ],
    )


_BR = 1000


def _mlp_body(a_ref, w1_ref, b1_ref, w2_ref, o_ref):
    t = a_ref[0] + a_ref[1]
    h = jnp.dot(t, w1_ref[...], preferred_element_type=jnp.float32)
    h = jnp.maximum(h + b1_ref[...], 0.0)
    o_ref[...] = jnp.dot(h, w2_ref[...], preferred_element_type=jnp.float32)


def _mlp(agg1, W1, b1, W2):
    return pl.pallas_call(
        _mlp_body,
        grid=(N // _BR,),
        in_specs=[
            pl.BlockSpec((_NC, _BR, F), lambda i: (0, i, 0)),
            pl.BlockSpec((F, 256), lambda i: (0, 0)),
            pl.BlockSpec((1, 256), lambda i: (0, 0)),
            pl.BlockSpec((256, F), lambda i: (0, 0)),
        ],
        out_specs=pl.BlockSpec((_BR, F), lambda i: (i, 0)),
        out_shape=jax.ShapeDtypeStruct((N, F), jnp.float32),
    )(agg1, W1, b1.reshape(1, 256), W2)


def _finish_body(a_ref, b2_ref, o_ref):
    o_ref[...] = a_ref[0] + a_ref[1] + b2_ref[...]


def _finish(agg2, b2):
    return pl.pallas_call(
        _finish_body,
        grid=(N // _BR,),
        in_specs=[
            pl.BlockSpec((_NC, _BR, F), lambda i: (0, i, 0)),
            pl.BlockSpec((1, F), lambda i: (0, 0)),
        ],
        out_specs=pl.BlockSpec((_BR, F), lambda i: (i, 0)),
        out_shape=jax.ShapeDtypeStruct((N, F), jnp.float32),
    )(agg2, b2.reshape(1, F))


def kernel(x, edge_index, edge_weight, W1, b1, W2, b2):
    x = x.astype(jnp.float32)
    npad = RP * C - E
    pad_idx = jnp.arange(npad, dtype=jnp.int32) % N
    src2d = jnp.concatenate(
        [edge_index[0].astype(jnp.int32), pad_idx]).reshape(RP, C)
    dst2d = jnp.concatenate(
        [edge_index[1].astype(jnp.int32), pad_idx]).reshape(RP, C)
    ew2d = jnp.concatenate(
        [edge_weight.astype(jnp.float32), jnp.zeros((npad,), jnp.float32)]
    ).reshape(RP, C)

    w2d = _edge_weight_kernel()(src2d, dst2d, ew2d)
    agg1 = _aggregate_kernel()(x, src2d, dst2d, w2d)
    z2 = _mlp(agg1, W1, b1, W2)
    agg2 = _aggregate_kernel()(z2, src2d, dst2d, w2d)
    return _finish(agg2, b2)

# --- scband reference (transcript-rebuilt; emitter-appended) ---
"""Pipeline reference for scband-spatial-gcn-56444460204637 (READ-ONLY COPY).

The authoritative reference and input builder live on the scoring server;
editing this copy changes nothing except your own understanding.
"""

import jax, jax.numpy as jnp
import numpy as np

N = 10000
E = 320000
IN_DIM = 128
HIDDEN_DIM = 256
OUT_DIM = 128


def setup_inputs(seed: int = 0) -> dict:
    key = jax.random.key(seed)
    k_x, k_ei, k_ew, k_w1, k_b1, k_w2, k_b2 = jax.random.split(key, 7)
    x = jax.random.normal(k_x, (N, IN_DIM), dtype=jnp.float32)
    edge_index = jax.random.randint(k_ei, (2, E), 0, N, dtype=jnp.int64)
    edge_weight = jax.random.uniform(k_ew, (E,), dtype=jnp.float32)
    # Glorot-style init for GCN layer weights, zeros for biases (PyG default)
    s1 = (6.0 / (IN_DIM + HIDDEN_DIM)) ** 0.5
    W1 = jax.random.uniform(k_w1, (IN_DIM, HIDDEN_DIM), minval=-s1, maxval=s1, dtype=jnp.float32)
    b1 = jnp.zeros((HIDDEN_DIM,), dtype=jnp.float32)
    s2 = (6.0 / (HIDDEN_DIM + OUT_DIM)) ** 0.5
    W2 = jax.random.uniform(k_w2, (HIDDEN_DIM, OUT_DIM), minval=-s2, maxval=s2, dtype=jnp.float32)
    b2 = jnp.zeros((OUT_DIM,), dtype=jnp.float32)
    return {"x": x, "edge_index": edge_index, "edge_weight": edge_weight,
            "W1": W1, "b1": b1, "W2": W2, "b2": b2}


def _gcn_conv(x, src, dst, edge_weight, W, b):
    # gcn_norm with add_self_loops=False:
    # deg[j] = sum of edge_weight over edges with dst == j
    n = x.shape[0]
    deg = jnp.zeros((n,), dtype=jnp.float32).at[dst].add(edge_weight)
    deg_inv_sqrt = jnp.where(deg > 0, 1.0 / jnp.sqrt(deg), 0.0)
    norm = deg_inv_sqrt[src] * edge_weight * deg_inv_sqrt[dst]
    xw = x @ W
    msgs = xw[src] * norm[:, None]
    out = jnp.zeros((n, W.shape[1]), dtype=jnp.float32).at[dst].add(msgs)
    return out + b


def reference(x, edge_index, edge_weight, W1, b1, W2, b2):
    x = x.astype(jnp.float32)
    edge_weight = edge_weight.astype(jnp.float32)
    src = edge_index[0]
    dst = edge_index[1]
    h = _gcn_conv(x, src, dst, edge_weight, W1, b1)
    h = jax.nn.relu(h)
    # dropout is identity in eval mode
    out = _gcn_conv(h, src, dst, edge_weight, W2, b2)
    return out

if __name__ == "__main__":
    import jax
    _d = setup_inputs()
    print(jax.jit(kernel)(*tuple(_d.values())))

</pallas_src>

<mosaic_0001>
#map = affine_map<(d0, d1) -> (0, 0)>
module attributes {stable_mosaic.version = 14 : i64} {
  func.func @_edge_weight_body(%arg0: i32, %arg1: i32, %arg2: memref<2560x128xi32, #tpu.memory_space<hbm>>, %arg3: memref<2560x128xi32, #tpu.memory_space<hbm>>, %arg4: memref<2560x128xf32, #tpu.memory_space<hbm>>, %arg5: memref<2560x128xf32, #tpu.memory_space<hbm>>, %arg6: memref<160x128xi32, #tpu.memory_space<vmem>>, %arg7: memref<160x128xf32, #tpu.memory_space<vmem>>, %arg8: memref<80x128xi32, #tpu.memory_space<vmem>>, %arg9: memref<80x128xi32, #tpu.memory_space<vmem>>, %arg10: memref<80x128xf32, #tpu.memory_space<vmem>>, %arg11: memref<80x128xf32, #tpu.memory_space<vmem>>, %arg12: memref<5x128xf32, #tpu.memory_space<vmem>>, %arg13: memref<10240xf32, #tpu.memory_space<vmem>>, %arg14: memref<10240xf32, #tpu.memory_space<vmem_shared>>, %arg15: memref<!tpu.dma_semaphore, #tpu.memory_space<semaphore_mem>>) attributes {dimension_semantics = [#tpu.dimension_semantics<core_parallel>, #tpu.dimension_semantics<subcore_parallel>], iteration_bounds = array<i64: 2, 16>, scalar_prefetch = 0 : i64, scratch_operands = 10 : i64, tpu.core_type = #tpu.core_type<sc_vector_subcore>, window_params = [{transform_indices = #map}, {transform_indices = #map}, {transform_indices = #map}, {transform_indices = #map}]} {
    %broadcast_in_dim3A = arith.constant 0.000000e+00 : f32
    %broadcast_in_dim3A_0 = vector.broadcast %broadcast_in_dim3A : f32 to vector<16xf32>
    %swap3A = arith.constant 0 : i32
    %swap3A_1 = arith.index_cast %swap3A : i32 to index
    %swap3A_2 = arith.constant 0 : index
    %swap3A_3 = tpu.vector_load %arg12[%swap3A_1, %swap3A_2] {strides = array<i32>} : memref<5x128xf32, #tpu.memory_space<vmem>>, vector<16xf32>,
    tpu.vector_store %arg12[%swap3A_1, %swap3A_2], %broadcast_in_dim3A_0 {strides = array<i32>} : memref<5x128xf32, #tpu.memory_space<vmem>>, vector<16xf32>,
    %broadcast_in_dim3A_4 = arith.constant 0.000000e+00 : f32
    %broadcast_in_dim3A_5 = vector.broadcast %broadcast_in_dim3A_4 : f32 to vector<16xf32>
    %swap3A_6 = arith.constant 0 : i32
    %swap3A_7 = arith.index_cast %swap3A_6 : i32 to index
    %swap3A_8 = arith.constant 16 : index
    %swap3A_9 = tpu.vector_load %arg12[%swap3A_7, %swap3A_8] {strides = array<i32>} : memref<5x128xf32, #tpu.memory_space<vmem>>, vector<16xf32>,
    tpu.vector_store %arg12[%swap3A_7, %swap3A_8], %broadcast_in_dim3A_5 {strides = array<i32>} : memref<5x128xf32, #tpu.memory_space<vmem>>, vector<16xf32>,
    %broadcast_in_dim3A_10 = arith.constant 0.000000e+00 : f32
    %broadcast_in_dim3A_11 = vector.broadcast %broadcast_in_dim3A_10 : f32 to vector<16xf32>
    %swap3A_12 = arith.constant 0 : i32
    %swap3A_13 = arith.index_cast %swap3A_12 : i32 to index
    %swap3A_14 = arith.constant 32 : index
    %swap3A_15 = tpu.vector_load %arg12[%swap3A_13, %swap3A_14] {strides = array<i32>} : memref<5x128xf32, #tpu.memory_space<vmem>>, vector<16xf32>,
    tpu.vector_store %arg12[%swap3A_13, %swap3A_14], %broadcast_in_dim3A_11 {strides = array<i32>} : memref<5x128xf32, #tpu.memory_space<vmem>>, vector<16xf32>,
    %broadcast_in_dim3A_16 = arith.constant 0.000000e+00 : f32
    %broadcast_in_dim3A_17 = vector.broadcast %broadcast_in_dim3A_16 : f32 to vector<16xf32>
    %swap3A_18 = arith.constant 0 : i32
    %swap3A_19 = arith.index_cast %swap3A_18 : i32 to index
    %swap3A_20 = arith.constant 48 : index
    %swap3A_21 = tpu.vector_load %arg12[%swap3A_19, %swap3A_20] {strides = array<i32>} : memref<5x128xf32, #tpu.memory_space<vmem>>, vector<16xf32>,
    tpu.vector_store %arg12[%swap3A_19, %swap3A_20], %broadcast_in_dim3A_17 {strides = array<i32>} : memref<5x128xf32, #tpu.memory_space<vmem>>, vector<16xf32>,
    %broadcast_in_dim3A_22 = arith.constant 0.000000e+00 : f32
    %broadcast_in_dim3A_23 = vector.broadcast %broadcast_in_dim3A_22 : f32 to vector<16xf32>
    %swap3A_24 = arith.constant 0 : i32
    %swap3A_25 = arith.index_cast %swap3A_24 : i32 to index
    %swap3A_26 = arith.constant 64 : index
    %swap3A_27 = tpu.vector_load %arg12[%swap3A_25, %swap3A_26] {strides = array<i32>} : memref<5x128xf32, #tpu.memory_space<vmem>>, vector<16xf32>,
    tpu.vector_store %arg12[%swap3A_25, %swap3A_26], %broadcast_in_dim3A_23 {strides = array<i32>} : memref<5x128xf32, #tpu.memory_space<vmem>>, vector<16xf32>,
    %broadcast_in_dim3A_28 = arith.constant 0.000000e+00 : f32
    %broadcast_in_dim3A_29 = vector.broadcast %broadcast_in_dim3A_28 : f32 to vector<16xf32>
    %swap3A_30 = arith.constant 0 : i32
    %swap3A_31 = arith.index_cast %swap3A_30 : i32 to index
    %swap3A_32 = arith.constant 80 : index
    %swap3A_33 = tpu.vector_load %arg12[%swap3A_31, %swap3A_32] {strides = array<i32>} : memref<5x128xf32, #tpu.memory_space<vmem>>, vector<16xf32>,
    tpu.vector_store %arg12[%swap3A_31, %swap3A_32], %broadcast_in_dim3A_29 {strides = array<i32>} : memref<5x128xf32, #tpu.memory_space<vmem>>, vector<16xf32>,
    %broadcast_in_dim3A_34 = arith.constant 0.000000e+00 : f32
    %broadcast_in_dim3A_35 = vector.broadcast %broadcast_in_dim3A_34 : f32 to vector<16xf32>
    %swap3A_36 = arith.constant 0 : i32
    %swap3A_37 = arith.index_cast %swap3A_36 : i32 to index
    %swap3A_38 = arith.constant 96 : index
    %swap3A_39 = tpu.vector_load %arg12[%swap3A_37, %swap3A_38] {strides = array<i32>} : memref<5x128xf32, #tpu.memory_space<vmem>>, vector<16xf32>,
    tpu.vector_store %arg12[%swap3A_37, %swap3A_38], %broadcast_in_dim3A_35 {strides = array<i32>} : memref<5x128xf32, #tpu.memory_space<vmem>>, vector<16xf32>,
    %broadcast_in_dim3A_40 = arith.constant 0.000000e+00 : f32
    %broadcast_in_dim3A_41 = vector.broadcast %broadcast_in_dim3A_40 : f32 to vector<16xf32>
    %swap3A_42 = arith.constant 0 : i32
    %swap3A_43 = arith.index_cast %swap3A_42 : i32 to index
    %swap3A_44 = arith.constant 112 : index
    %swap3A_45 = tpu.vector_load %arg12[%swap3A_43, %swap3A_44] {strides = array<i32>} : memref<5x128xf32, #tpu.memory_space<vmem>>, vector<16xf32>,
    tpu.vector_store %arg12[%swap3A_43, %swap3A_44], %broadcast_in_dim3A_41 {strides = array<i32>} : memref<5x128xf32, #tpu.memory_space<vmem>>, vector<16xf32>,
    %broadcast_in_dim3A_46 = arith.constant 0.000000e+00 : f32
    %broadcast_in_dim3A_47 = vector.broadcast %broadcast_in_dim3A_46 : f32 to vector<16xf32>
    %swap3A_48 = arith.constant 1 : i32
    %swap3A_49 = arith.index_cast %swap3A_48 : i32 to index
    %swap3A_50 = arith.constant 0 : index
    %swap3A_51 = tpu.vector_load %arg12[%swap3A_49, %swap3A_50] {strides = array<i32>} : memref<5x128xf32, #tpu.memory_space<vmem>>, vector<16xf32>,
    tpu.vector_store %arg12[%swap3A_49, %swap3A_50], %broadcast_in_dim3A_47 {strides = array<i32>} : memref<5x128xf32, #tpu.memory_space<vmem>>, vector<16xf32>,
    %broadcast_in_dim3A_52 = arith.constant 0.000000e+00 : f32
    %broadcast_in_dim3A_53 = vector.broadcast %broadcast_in_dim3A_52 : f32 to vector<16xf32>
    %swap3A_54 = arith.constant 1 : i32
    %swap3A_55 = arith.index_cast %swap3A_54 : i32 to index
    %swap3A_56 = arith.constant 16 : index
    %swap3A_57 = tpu.vector_load %arg12[%swap3A_55, %swap3A_56] {strides = array<i32>} : memref<5x128xf32, #tpu.memory_space<vmem>>, vector<16xf32>,
    tpu.vector_store %arg12[%swap3A_55, %swap3A_56], %broadcast_in_dim3A_53 {strides = array<i32>} : memref<5x128xf32, #tpu.memory_space<vmem>>, vector<16xf32>,
    %broadcast_in_dim3A_58 = arith.constant 0.000000e+00 : f32
    %broadcast_in_dim3A_59 = vector.broadcast %broadcast_in_dim3A_58 : f32 to vector<16xf32>
    %swap3A_60 = arith.constant 1 : i32
    %swap3A_61 = arith.index_cast %swap3A_60 : i32 to index
    %swap3A_62 = arith.constant 32 : index
    %swap3A_63 = tpu.vector_load %arg12[%swap3A_61, %swap3A_62] {strides = array<i32>} : memref<5x128xf32, #tpu.memory_space<vmem>>, vector<16xf32>,
    tpu.vector_store %arg12[%swap3A_61, %swap3A_62], %broadcast_in_dim3A_59 {strides = array<i32>} : memref<5x128xf32, #tpu.memory_space<vmem>>, vector<16xf32>,
    %broadcast_in_dim3A_64 = arith.constant 0.000000e+00 : f32
    %broadcast_in_dim3A_65 = vector.broadcast %broadcast_in_dim3A_64 : f32 to vector<16xf32>
    %swap3A_66 = arith.constant 1 : i32
    %swap3A_67 = arith.index_cast %swap3A_66 : i32 to index
    %swap3A_68 = arith.constant 48 : index
    %swap3A_69 = tpu.vector_load %arg12[%swap3A_67, %swap3A_68] {strides = array<i32>} : memref<5x128xf32, #tpu.memory_space<vmem>>, vector<16xf32>,
    tpu.vector_store %arg12[%swap3A_67, %swap3A_68], %broadcast_in_dim3A_65 {strides = array<i32>} : memref<5x128xf32, #tpu.memory_space<vmem>>, vector<16xf32>,
    %broadcast_in_dim3A_70 = arith.constant 0.000000e+00 : f32
    %broadcast_in_dim3A_71 = vector.broadcast %broadcast_in_dim3A_70 : f32 to vector<16xf32>
    %swap3A_72 = arith.constant 1 : i32
    %swap3A_73 = arith.index_cast %swap3A_72 : i32 to index
    %swap3A_74 = arith.constant 64 : index
    %swap3A_75 = tpu.vector_load %arg12[%swap3A_73, %swap3A_74] {strides = array<i32>} : memref<5x128xf32, #tpu.memory_space<vmem>>, vector<16xf32>,
    tpu.vector_store %arg12[%swap3A_73, %swap3A_74], %broadcast_in_dim3A_71 {strides = array<i32>} : memref<5x128xf32, #tpu.memory_space<vmem>>, vector<16xf32>,
    %broadcast_in_dim3A_76 = arith.constant 0.000000e+00 : f32
    %broadcast_in_dim3A_77 = vector.broadcast %broadcast_in_dim3A_76 : f32 to vector<16xf32>
    %swap3A_78 = arith.constant 1 : i32
    %swap3A_79 = arith.index_cast %swap3A_78 : i32 to index
    %swap3A_80 = arith.constant 80 : index
    %swap3A_81 = tpu.vector_load %arg12[%swap3A_79, %swap3A_80] {strides = array<i32>} : memref<5x128xf32, #tpu.memory_space<vmem>>, vector<16xf32>,
    tpu.vector_store %arg12[%swap3A_79, %swap3A_80], %broadcast_in_dim3A_77 {strides = array<i32>} : memref<5x128xf32, #tpu.memory_space<vmem>>, vector<16xf32>,
    %broadcast_in_dim3A_82 = arith.constant 0.000000e+00 : f32
    %broadcast_in_dim3A_83 = vector.broadcast %broadcast_in_dim3A_82 : f32 to vector<16xf32>
    %swap3A_84 = arith.constant 1 : i32
    %swap3A_85 = arith.index_cast %swap3A_84 : i32 to index
    %swap3A_86 = arith.constant 96 : index
    %swap3A_87 = tpu.vector_load %arg12[%swap3A_85, %swap3A_86] {strides = array<i32>} : memref<5x128xf32, #tpu.memory_space<vmem>>, vector<16xf32>,
    tpu.vector_store %arg12[%swap3A_85, %swap3A_86], %broadcast_in_dim3A_83 {strides = array<i32>} : memref<5x128xf32, #tpu.memory_space<vmem>>, vector<16xf32>,
    %broadcast_in_dim3A_88 = arith.constant 0.000000e+00 : f32
    %broadcast_in_dim3A_89 = vector.broadcast %broadcast_in_dim3A_88 : f32 to vector<16xf32>
    %swap3A_90 = arith.constant 1 : i32
    %swap3A_91 = arith.index_cast %swap3A_90 : i32 to index
    %swap3A_92 = arith.constant 112 : index
    %swap3A_93 = tpu.vector_load %arg12[%swap3A_91, %swap3A_92] {strides = array<i32>} : memref<5x128xf32, #tpu.memory_space<vmem>>, vector<16xf32>,
    tpu.vector_store %arg12[%swap3A_91, %swap3A_92], %broadcast_in_dim3A_89 {strides = array<i32>} : memref<5x128xf32, #tpu.memory_space<vmem>>, vector<16xf32>,
    %broadcast_in_dim3A_94 = arith.constant 0.000000e+00 : f32
    %broadcast_in_dim3A_95 = vector.broadcast %broadcast_in_dim3A_94 : f32 to vector<16xf32>
    %swap3A_96 = arith.constant 2 : i32
    %swap3A_97 = arith.index_cast %swap3A_96 : i32 to index
    %swap3A_98 = arith.constant 0 : index
    %swap3A_99 = tpu.vector_load %arg12[%swap3A_97, %swap3A_98] {strides = array<i32>} : memref<5x128xf32, #tpu.memory_space<vmem>>, vector<16xf32>,
    tpu.vector_store %arg12[%swap3A_97, %swap3A_98], %broadcast_in_dim3A_95 {strides = array<i32>} : memref<5x128xf32, #tpu.memory_space<vmem>>, vector<16xf32>,
    %broadcast_in_dim3A_100 = arith.constant 0.000000e+00 : f32
    %broadcast_in_dim3A_101 = vector.broadcast %broadcast_in_dim3A_100 : f32 to vector<16xf32>
    %swap3A_102 = arith.constant 2 : i32
    %swap3A_103 = arith.index_cast %swap3A_102 : i32 to index
    %swap3A_104 = arith.constant 16 : index
    %swap3A_105 = tpu.vector_load %arg12[%swap3A_103, %swap3A_104] {strides = array<i32>} : memref<5x128xf32, #tpu.memory_space<vmem>>, vector<16xf32>,
    tpu.vector_store %arg12[%swap3A_103, %swap3A_104], %broadcast_in_dim3A_101 {strides = array<i32>} : memref<5x128xf32, #tpu.memory_space<vmem>>, vector<16xf32>,
    %broadcast_in_dim3A_106 = arith.constant 0.000000e+00 : f32
    %broadcast_in_dim3A_107 = vector.broadcast %broadcast_in_dim3A_106 : f32 to vector<16xf32>
    %swap3A_108 = arith.constant 2 : i32
    %swap3A_109 = arith.index_cast %swap3A_108 : i32 to index
    %swap3A_110 = arith.constant 32 : index
    %swap3A_111 = tpu.vector_load %arg12[%swap3A_109, %swap3A_110] {strides = array<i32>} : memref<5x128xf32, #tpu.memory_space<vmem>>, vector<16xf32>,
    tpu.vector_store %arg12[%swap3A_109, %swap3A_110], %broadcast_in_dim3A_107 {strides = array<i32>} : memref<5x128xf32, #tpu.memory_space<vmem>>, vector<16xf32>,
    %broadcast_in_dim3A_112 = arith.constant 0.000000e+00 : f32
    %broadcast_in_dim3A_113 = vector.broadcast %broadcast_in_dim3A_112 : f32 to vector<16xf32>
    %swap3A_114 = arith.constant 2 : i32
    %swap3A_115 = arith.index_cast %swap3A_114 : i32 to index
    %swap3A_116 = arith.constant 48 : index
    %swap3A_117 = tpu.vector_load %arg12[%swap3A_115, %swap3A_116] {strides = array<i32>} : memref<5x128xf32, #tpu.memory_space<vmem>>, vector<16xf32>,
    tpu.vector_store %arg12[%swap3A_115, %swap3A_116], %broadcast_in_dim3A_113 {strides = array<i32>} : memref<5x128xf32, #tpu.memory_space<vmem>>, vector<16xf32>,
    %broadcast_in_dim3A_118 = arith.constant 0.000000e+00 : f32
    %broadcast_in_dim3A_119 = vector.broadcast %broadcast_in_dim3A_118 : f32 to vector<16xf32>
    %swap3A_120 = arith.constant 2 : i32
    %swap3A_121 = arith.index_cast %swap3A_120 : i32 to index
    %swap3A_122 = arith.constant 64 : index
    %swap3A_123 = tpu.vector_load %arg12[%swap3A_121, %swap3A_122] {strides = array<i32>} : memref<5x128xf32, #tpu.memory_space<vmem>>, vector<16xf32>,
    tpu.vector_store %arg12[%swap3A_121, %swap3A_122], %broadcast_in_dim3A_119 {strides = array<i32>} : memref<5x128xf32, #tpu.memory_space<vmem>>, vector<16xf32>,
    %broadcast_in_dim3A_124 = arith.constant 0.000000e+00 : f32
    %broadcast_in_dim3A_125 = vector.broadcast %broadcast_in_dim3A_124 : f32 to vector<16xf32>
    %swap3A_126 = arith.constant 2 : i32
    %swap3A_127 = arith.index_cast %swap3A_126 : i32 to index
    %swap3A_128 = arith.constant 80 : index
    %swap3A_129 = tpu.vector_load %arg12[%swap3A_127, %swap3A_128] {strides = array<i32>} : memref<5x128xf32, #tpu.memory_space<vmem>>, vector<16xf32>,
    tpu.vector_store %arg12[%swap3A_127, %swap3A_128], %broadcast_in_dim3A_125 {strides = array<i32>} : memref<5x128xf32, #tpu.memory_space<vmem>>, vector<16xf32>,
    %broadcast_in_dim3A_130 = arith.constant 0.000000e+00 : f32
    %broadcast_in_dim3A_131 = vector.broadcast %broadcast_in_dim3A_130 : f32 to vector<16xf32>
    %swap3A_132 = arith.constant 2 : i32
    %swap3A_133 = arith.index_cast %swap3A_132 : i32 to index
    %swap3A_134 = arith.constant 96 : index
    %swap3A_135 = tpu.vector_load %arg12[%swap3A_133, %swap3A_134] {strides = array<i32>} : memref<5x128xf32, #tpu.memory_space<vmem>>, vector<16xf32>,
    tpu.vector_store %arg12[%swap3A_133, %swap3A_134], %broadcast_in_dim3A_131 {strides = array<i32>} : memref<5x128xf32, #tpu.memory_space<vmem>>, vector<16xf32>,
    %broadcast_in_dim3A_136 = arith.constant 0.000000e+00 : f32
    %broadcast_in_dim3A_137 = vector.broadcast %broadcast_in_dim3A_136 : f32 to vector<16xf32>
    %swap3A_138 = arith.constant 2 : i32
    %swap3A_139 = arith.index_cast %swap3A_138 : i32 to index
    %swap3A_140 = arith.constant 112 : index
    %swap3A_141 = tpu.vector_load %arg12[%swap3A_139, %swap3A_140] {strides = array<i32>} : memref<5x128xf32, #tpu.memory_space<vmem>>, vector<16xf32>,
    tpu.vector_store %arg12[%swap3A_139, %swap3A_140], %broadcast_in_dim3A_137 {strides = array<i32>} : memref<5x128xf32, #tpu.memory_space<vmem>>, vector<16xf32>,
    %broadcast_in_dim3A_142 = arith.constant 0.000000e+00 : f32
    %broadcast_in_dim3A_143 = vector.broadcast %broadcast_in_dim3A_142 : f32 to vector<16xf32>
    %swap3A_144 = arith.constant 3 : i32
    %swap3A_145 = arith.index_cast %swap3A_144 : i32 to index
    %swap3A_146 = arith.constant 0 : index
    %swap3A_147 = tpu.vector_load %arg12[%swap3A_145, %swap3A_146] {strides = array<i32>} : memref<5x128xf32, #tpu.memory_space<vmem>>, vector<16xf32>,
    tpu.vector_store %arg12[%swap3A_145, %swap3A_146], %broadcast_in_dim3A_143 {strides = array<i32>} : memref<5x128xf32, #tpu.memory_space<vmem>>, vector<16xf32>,
    %broadcast_in_dim3A_148 = arith.constant 0.000000e+00 : f32
    %broadcast_in_dim3A_149 = vector.broadcast %broadcast_in_dim3A_148 : f32 to vector<16xf32>
    %swap3A_150 = arith.constant 3 : i32
    %swap3A_151 = arith.index_cast %swap3A_150 : i32 to index
    %swap3A_152 = arith.constant 16 : index
    %swap3A_153 = tpu.vector_load %arg12[%swap3A_151, %swap3A_152] {strides = array<i32>} : memref<5x128xf32, #tpu.memory_space<vmem>>, vector<16xf32>,
    tpu.vector_store %arg12[%swap3A_151, %swap3A_152], %broadcast_in_dim3A_149 {strides = array<i32>} : memref<5x128xf32, #tpu.memory_space<vmem>>, vector<16xf32>,
    %broadcast_in_dim3A_154 = arith.constant 0.000000e+00 : f32
    %broadcast_in_dim3A_155 = vector.broadcast %broadcast_in_dim3A_154 : f32 to vector<16xf32>
    %swap3A_156 = arith.constant 3 : i32
    %swap3A_157 = arith.index_cast %swap3A_156 : i32 to index
    %swap3A_158 = arith.constant 32 : index
    %swap3A_159 = tpu.vector_load %arg12[%swap3A_157, %swap3A_158] {strides = array<i32>} : memref<5x128xf32, #tpu.memory_space<vmem>>, vector<16xf32>,
    tpu.vector_store %arg12[%swap3A_157, %swap3A_158], %broadcast_in_dim3A_155 {strides = array<i32>} : memref<5x128xf32, #tpu.memory_space<vmem>>, vector<16xf32>,
    %broadcast_in_dim3A_160 = arith.constant 0.000000e+00 : f32
    %broadcast_in_dim3A_161 = vector.broadcast %broadcast_in_dim3A_160 : f32 to vector<16xf32>
    %swap3A_162 = arith.constant 3 : i32
    %swap3A_163 = arith.index_cast %swap3A_162 : i32 to index
    %swap3A_164 = arith.constant 48 : index
    %swap3A_165 = tpu.vector_load %arg12[%swap3A_163, %swap3A_164] {strides = array<i32>} : memref<5x128xf32, #tpu.memory_space<vmem>>, vector<16xf32>,
    tpu.vector_store %arg12[%swap3A_163, %swap3A_164], %broadcast_in_dim3A_161 {strides = array<i32>} : memref<5x128xf32, #tpu.memory_space<vmem>>, vector<16xf32>,
    %broadcast_in_dim3A_166 = arith.constant 0.000000e+00 : f32
    %broadcast_in_dim3A_167 = vector.broadcast %broadcast_in_dim3A_166 : f32 to vector<16xf32>
    %swap3A_168 = arith.constant 3 : i32
    %swap3A_169 = arith.index_cast %swap3A_168 : i32 to index
    %swap3A_170 = arith.constant 64 : index
    %swap3A_171 = tpu.vector_load %arg12[%swap3A_169, %swap3A_170] {strides = array<i32>} : memref<5x128xf32, #tpu.memory_space<vmem>>, vector<16xf32>,
    tpu.vector_store %arg12[%swap3A_169, %swap3A_170], %broadcast_in_dim3A_167 {strides = array<i32>} : memref<5x128xf32, #tpu.memory_space<vmem>>, vector<16xf32>,
    %broadcast_in_dim3A_172 = arith.constant 0.000000e+00 : f32
    %broadcast_in_dim3A_173 = vector.broadcast %broadcast_in_dim3A_172 : f32 to vector<16xf32>
    %swap3A_174 = arith.constant 3 : i32
    %swap3A_175 = arith.index_cast %swap3A_174 : i32 to index
    %swap3A_176 = arith.constant 80 : index
    %swap3A_177 = tpu.vector_load %arg12[%swap3A_175, %swap3A_176] {strides = array<i32>} : memref<5x128xf32, #tpu.memory_space<vmem>>, vector<16xf32>,
    tpu.vector_store %arg12[%swap3A_175, %swap3A_176], %broadcast_in_dim3A_173 {strides = array<i32>} : memref<5x128xf32, #tpu.memory_space<vmem>>, vector<16xf32>,
    %broadcast_in_dim3A_178 = arith.constant 0.000000e+00 : f32
    %broadcast_in_dim3A_179 = vector.broadcast %broadcast_in_dim3A_178 : f32 to vector<16xf32>
    %swap3A_180 = arith.constant 3 : i32
    %swap3A_181 = arith.index_cast %swap3A_180 : i32 to index
    %swap3A_182 = arith.constant 96 : index
    %swap3A_183 = tpu.vector_load %arg12[%swap3A_181, %swap3A_182] {strides = array<i32>} : memref<5x128xf32, #tpu.memory_space<vmem>>, vector<16xf32>,
    tpu.vector_store %arg12[%swap3A_181, %swap3A_182], %broadcast_in_dim3A_179 {strides = array<i32>} : memref<5x128xf32, #tpu.memory_space<vmem>>, vector<16xf32>,
    %broadcast_in_dim3A_184 = arith.constant 0.000000e+00 : f32
    %broadcast_in_dim3A_185 = vector.broadcast %broadcast_in_dim3A_184 : f32 to vector<16xf32>
    %swap3A_186 = arith.constant 3 : i32
    %swap3A_187 = arith.index_cast %swap3A_186 : i32 to index
    %swap3A_188 = arith.constant 112 : index
    %swap3A_189 = tpu.vector_load %arg12[%swap3A_187, %swap3A_188] {strides = array<i32>} : memref<5x128xf32, #tpu.memory_space<vmem>>, vector<16xf32>,
    tpu.vector_store %arg12[%swap3A_187, %swap3A_188], %broadcast_in_dim3A_185 {strides = array<i32>} : memref<5x128xf32, #tpu.memory_space<vmem>>, vector<16xf32>,
    %broadcast_in_dim3A_190 = arith.constant 0.000000e+00 : f32
    %broadcast_in_dim3A_191 = vector.broadcast %broadcast_in_dim3A_190 : f32 to vector<16xf32>
    %swap3A_192 = arith.constant 4 : i32
    %swap3A_193 = arith.index_cast %swap3A_192 : i32 to index
    %swap3A_194 = arith.constant 0 : index
    %swap3A_195 = tpu.vector_load %arg12[%swap3A_193, %swap3A_194] {strides = array<i32>} : memref<5x128xf32, #tpu.memory_space<vmem>>, vector<16xf32>,
    tpu.vector_store %arg12[%swap3A_193, %swap3A_194], %broadcast_in_dim3A_191 {strides = array<i32>} : memref<5x128xf32, #tpu.memory_space<vmem>>, vector<16xf32>,
    %broadcast_in_dim3A_196 = arith.constant 0.000000e+00 : f32
    %broadcast_in_dim3A_197 = vector.broadcast %broadcast_in_dim3A_196 : f32 to vector<16xf32>
    %swap3A_198 = arith.constant 4 : i32
    %swap3A_199 = arith.index_cast %swap3A_198 : i32 to index
    %swap3A_200 = arith.constant 16 : index
    %swap3A_201 = tpu.vector_load %arg12[%swap3A_199, %swap3A_200] {strides = array<i32>} : memref<5x128xf32, #tpu.memory_space<vmem>>, vector<16xf32>,
    tpu.vector_store %arg12[%swap3A_199, %swap3A_200], %broadcast_in_dim3A_197 {strides = array<i32>} : memref<5x128xf32, #tpu.memory_space<vmem>>, vector<16xf32>,
    %broadcast_in_dim3A_202 = arith.constant 0.000000e+00 : f32
    %broadcast_in_dim3A_203 = vector.broadcast %broadcast_in_dim3A_202 : f32 to vector<16xf32>
    %swap3A_204 = arith.constant 4 : i32
    %swap3A_205 = arith.index_cast %swap3A_204 : i32 to index
    %swap3A_206 = arith.constant 32 : index
    %swap3A_207 = tpu.vector_load %arg12[%swap3A_205, %swap3A_206] {strides = array<i32>} : memref<5x128xf32, #tpu.memory_space<vmem>>, vector<16xf32>,
    tpu.vector_store %arg12[%swap3A_205, %swap3A_206], %broadcast_in_dim3A_203 {strides = array<i32>} : memref<5x128xf32, #tpu.memory_space<vmem>>, vector<16xf32>,
    %broadcast_in_dim3A_208 = arith.constant 0.000000e+00 : f32
    %broadcast_in_dim3A_209 = vector.broadcast %broadcast_in_dim3A_208 : f32 to vector<16xf32>
    %swap3A_210 = arith.constant 4 : i32
    %swap3A_211 = arith.index_cast %swap3A_210 : i32 to index
    %swap3A_212 = arith.constant 48 : index
    %swap3A_213 = tpu.vector_load %arg12[%swap3A_211, %swap3A_212] {strides = array<i32>} : memref<5x128xf32, #tpu.memory_space<vmem>>, vector<16xf32>,
    tpu.vector_store %arg12[%swap3A_211, %swap3A_212], %broadcast_in_dim3A_209 {strides = array<i32>} : memref<5x128xf32, #tpu.memory_space<vmem>>, vector<16xf32>,
    %broadcast_in_dim3A_214 = arith.constant 0.000000e+00 : f32
    %broadcast_in_dim3A_215 = vector.broadcast %broadcast_in_dim3A_214 : f32 to vector<16xf32>
    %swap3A_216 = arith.constant 4 : i32
    %swap3A_217 = arith.index_cast %swap3A_216 : i32 to index
    %swap3A_218 = arith.constant 64 : index
    %swap3A_219 = tpu.vector_load %arg12[%swap3A_217, %swap3A_218] {strides = array<i32>} : memref<5x128xf32, #tpu.memory_space<vmem>>, vector<16xf32>,
    tpu.vector_store %arg12[%swap3A_217, %swap3A_218], %broadcast_in_dim3A_215 {strides = array<i32>} : memref<5x128xf32, #tpu.memory_space<vmem>>, vector<16xf32>,
    %broadcast_in_dim3A_220 = arith.constant 0.000000e+00 : f32
    %broadcast_in_dim3A_221 = vector.broadcast %broadcast_in_dim3A_220 : f32 to vector<16xf32>
    %swap3A_222 = arith.constant 4 : i32
    %swap3A_223 = arith.index_cast %swap3A_222 : i32 to index
    %swap3A_224 = arith.constant 80 : index
    %swap3A_225 = tpu.vector_load %arg12[%swap3A_223, %swap3A_224] {strides = array<i32>} : memref<5x128xf32, #tpu.memory_space<vmem>>, vector<16xf32>,
    tpu.vector_store %arg12[%swap3A_223, %swap3A_224], %broadcast_in_dim3A_221 {strides = array<i32>} : memref<5x128xf32, #tpu.memory_space<vmem>>, vector<16xf32>,
    %broadcast_in_dim3A_226 = arith.constant 0.000000e+00 : f32
    %broadcast_in_dim3A_227 = vector.broadcast %broadcast_in_dim3A_226 : f32 to vector<16xf32>
    %swap3A_228 = arith.constant 4 : i32
    %swap3A_229 = arith.index_cast %swap3A_228 : i32 to index
    %swap3A_230 = arith.constant 96 : index
    %swap3A_231 = tpu.vector_load %arg12[%swap3A_229, %swap3A_230] {strides = array<i32>} : memref<5x128xf32, #tpu.memory_space<vmem>>, vector<16xf32>,
    tpu.vector_store %arg12[%swap3A_229, %swap3A_230], %broadcast_in_dim3A_227 {strides = array<i32>} : memref<5x128xf32, #tpu.memory_space<vmem>>, vector<16xf32>,
    %broadcast_in_dim3A_232 = arith.constant 0.000000e+00 : f32
    %broadcast_in_dim3A_233 = vector.broadcast %broadcast_in_dim3A_232 : f32 to vector<16xf32>
    %swap3A_234 = arith.constant 4 : i32
    %swap3A_235 = arith.index_cast %swap3A_234 : i32 to index
    %swap3A_236 = arith.constant 112 : index
    %swap3A_237 = tpu.vector_load %arg12[%swap3A_235, %swap3A_236] {strides = array<i32>} : memref<5x128xf32, #tpu.memory_space<vmem>>, vector<16xf32>,
    tpu.vector_store %arg12[%swap3A_235, %swap3A_236], %broadcast_in_dim3A_233 {strides = array<i32>} : memref<5x128xf32, #tpu.memory_space<vmem>>, vector<16xf32>,
    %mul3A = arith.constant 640 : i32
    %mul3A_238 = arith.muli %arg1, %mul3A : i32
    %add3A = arith.constant 0 : i32
    %add3A_239 = arith.addi %mul3A_238, %add3A : i32
    %run_scoped3A = arith.constant 0 : i32
    "tpu.region"() ({
      %run_scoped3A_296 = tpu.sem_alloc : memref<!tpu.dma_semaphore, #tpu.memory_space<semaphore_mem>>
      %dma_start3A = arith.constant 0 : i32
      %dma_start3A_297 = tpu.memref_slice %arg12[%run_scoped3A, %dma_start3A] : memref<5x128xf32, #tpu.memory_space<vmem>> -> memref<1x128xf32, #tpu.memory_space<vmem>>
      %dma_start3A_298 = tpu.memref_squeeze %dma_start3A_297 : memref<1x128xf32, #tpu.memory_space<vmem>> -> memref<128xf32, #tpu.memory_space<vmem>>
      %dma_start3A_299 = tpu.memref_slice %arg14[%add3A_239] : memref<10240xf32, #tpu.memory_space<vmem_shared>> -> memref<128xf32, #tpu.memory_space<vmem_shared>>
      %dma_start3A_300 = tpu.memref_slice %arg14[%add3A_239] : memref<10240xf32, #tpu.memory_space<vmem_shared>> -> memref<128xf32, #tpu.memory_space<vmem_shared>>
      %dma_start3A_301 = arith.constant 0 : i32
      %dma_start3A_302 = tpu.memref_slice %arg12[%run_scoped3A, %dma_start3A_301] : memref<5x128xf32, #tpu.memory_space<vmem>> -> memref<1x128xf32, #tpu.memory_space<vmem>>
      %dma_start3A_303 = tpu.memref_squeeze %dma_start3A_302 : memref<1x128xf32, #tpu.memory_space<vmem>> -> memref<128xf32, #tpu.memory_space<vmem>>
      tpu.enqueue_dma source(%dma_start3A_303 : memref<128xf32, #tpu.memory_space<vmem>>) target(%dma_start3A_300 : memref<128xf32, #tpu.memory_space<vmem_shared>>) target_semaphore(%run_scoped3A_296 : memref<!tpu.dma_semaphore, #tpu.memory_space<semaphore_mem>>)
      %dma_wait3A = arith.constant 0 : i32
      %dma_wait3A_304 = tpu.memref_slice %arg12[%run_scoped3A, %dma_wait3A] : memref<5x128xf32, #tpu.memory_space<vmem>> -> memref<1x128xf32, #tpu.memory_space<vmem>>
      %dma_wait3A_305 = tpu.memref_squeeze %dma_wait3A_304 : memref<1x128xf32, #tpu.memory_space<vmem>> -> memref<128xf32, #tpu.memory_space<vmem>>
      %dma_wait3A_306 = tpu.memref_slice %arg14[%add3A_239] : memref<10240xf32, #tpu.memory_space<vmem_shared>> -> memref<128xf32, #tpu.memory_space<vmem_shared>>
      %dma_wait3A_307 = tpu.memref_slice %arg14[%add3A_239] : memref<10240xf32, #tpu.memory_space<vmem_shared>> -> memref<128xf32, #tpu.memory_space<vmem_shared>>
      %dma_wait3A_308 = arith.constant 0 : i32
      %dma_wait3A_309 = tpu.memref_slice %arg12[%run_scoped3A, %dma_wait3A_308] : memref<5x128xf32, #tpu.memory_space<vmem>> -> memref<1x128xf32, #tpu.memory_space<vmem>>
      %dma_wait3A_310 = tpu.memref_squeeze %dma_wait3A_309 : memref<1x128xf32, #tpu.memory_space<vmem>> -> memref<128xf32, #tpu.memory_space<vmem>>
      tpu.wait_dma2 semaphore(%run_scoped3A_296 : memref<!tpu.dma_semaphore, #tpu.memory_space<semaphore_mem>>) src(%dma_wait3A_310 : memref<128xf32, #tpu.memory_space<vmem>>) dst(%dma_wait3A_307 : memref<128xf32, #tpu.memory_space<vmem_shared>>)
      tpu.yield
    }) : () -> ()
    %mul3A_240 = arith.constant 640 : i32
    %mul3A_241 = arith.muli %arg1, %mul3A_240 : i32
    %add3A_242 = arith.constant 128 : i32
    %add3A_243 = arith.addi %mul3A_241, %add3A_242 : i32
    %run_scoped3A_244 = arith.constant 1 : i32
    "tpu.region"() ({
      %run_scoped3A_296 = tpu.sem_alloc : memref<!tpu.dma_semaphore, #tpu.memory_space<semaphore_mem>>
      %dma_start3A = arith.constant 0 : i32
      %dma_start3A_297 = tpu.memref_slice %arg12[%run_scoped3A_244, %dma_start3A] : memref<5x128xf32, #tpu.memory_space<vmem>> -> memref<1x128xf32, #tpu.memory_space<vmem>>
      %dma_start3A_298 = tpu.memref_squeeze %dma_start3A_297 : memref<1x128xf32, #tpu.memory_space<vmem>> -> memref<128xf32, #tpu.memory_space<vmem>>
      %dma_start3A_299 = tpu.memref_slice %arg14[%add3A_243] : memref<10240xf32, #tpu.memory_space<vmem_shared>> -> memref<128xf32, #tpu.memory_space<vmem_shared>>
      %dma_start3A_300 = tpu.memref_slice %arg14[%add3A_243] : memref<10240xf32, #tpu.memory_space<vmem_shared>> -> memref<128xf32, #tpu.memory_space<vmem_shared>>
      %dma_start3A_301 = arith.constant 0 : i32
      %dma_start3A_302 = tpu.memref_slice %arg12[%run_scoped3A_244, %dma_start3A_301] : memref<5x128xf32, #tpu.memory_space<vmem>> -> memref<1x128xf32, #tpu.memory_space<vmem>>
      %dma_start3A_303 = tpu.memref_squeeze %dma_start3A_302 : memref<1x128xf32, #tpu.memory_space<vmem>> -> memref<128xf32, #tpu.memory_space<vmem>>
      tpu.enqueue_dma source(%dma_start3A_303 : memref<128xf32, #tpu.memory_space<vmem>>) target(%dma_start3A_300 : memref<128xf32, #tpu.memory_space<vmem_shared>>) target_semaphore(%run_scoped3A_296 : memref<!tpu.dma_semaphore, #tpu.memory_space<semaphore_mem>>)
      %dma_wait3A = arith.constant 0 : i32
      %dma_wait3A_304 = tpu.memref_slice %arg12[%run_scoped3A_244, %dma_wait3A] : memref<5x128xf32, #tpu.memory_space<vmem>> -> memref<1x128xf32, #tpu.memory_space<vmem>>
      %dma_wait3A_305 = tpu.memref_squeeze %dma_wait3A_304 : memref<1x128xf32, #tpu.memory_space<vmem>> -> memref<128xf32, #tpu.memory_space<vmem>>
      %dma_wait3A_306 = tpu.memref_slice %arg14[%add3A_243] : memref<10240xf32, #tpu.memory_space<vmem_shared>> -> memref<128xf32, #tpu.memory_space<vmem_shared>>
      %dma_wait3A_307 = tpu.memref_slice %arg14[%add3A_243] : memref<10240xf32, #tpu.memory_space<vmem_shared>> -> memref<128xf32, #tpu.memory_space<vmem_shared>>
      %dma_wait3A_308 = arith.constant 0 : i32
      %dma_wait3A_309 = tpu.memref_slice %arg12[%run_scoped3A_244, %dma_wait3A_308] : memref<5x128xf32, #tpu.memory_space<vmem>> -> memref<1x128xf32, #tpu.memory_space<vmem>>
      %dma_wait3A_310 = tpu.memref_squeeze %dma_wait3A_309 : memref<1x128xf32, #tpu.memory_space<vmem>> -> memref<128xf32, #tpu.memory_space<vmem>>
      tpu.wait_dma2 semaphore(%run_scoped3A_296 : memref<!tpu.dma_semaphore, #tpu.memory_space<semaphore_mem>>) src(%dma_wait3A_310 : memref<128xf32, #tpu.memory_space<vmem>>) dst(%dma_wait3A_307 : memref<128xf32, #tpu.memory_space<vmem_shared>>)
      tpu.yield
    }) : () -> ()
    %mul3A_245 = arith.constant 640 : i32
    %mul3A_246 = arith.muli %arg1, %mul3A_245 : i32
    %add3A_247 = arith.constant 256 : i32
    %add3A_248 = arith.addi %mul3A_246, %add3A_247 : i32
    %run_scoped3A_249 = arith.constant 2 : i32
    "tpu.region"() ({
      %run_scoped3A_296 = tpu.sem_alloc : memref<!tpu.dma_semaphore, #tpu.memory_space<semaphore_mem>>
      %dma_start3A = arith.constant 0 : i32
      %dma_start3A_297 = tpu.memref_slice %arg12[%run_scoped3A_249, %dma_start3A] : memref<5x128xf32, #tpu.memory_space<vmem>> -> memref<1x128xf32, #tpu.memory_space<vmem>>
      %dma_start3A_298 = tpu.memref_squeeze %dma_start3A_297 : memref<1x128xf32, #tpu.memory_space<vmem>> -> memref<128xf32, #tpu.memory_space<vmem>>
      %dma_start3A_299 = tpu.memref_slice %arg14[%add3A_248] : memref<10240xf32, #tpu.memory_space<vmem_shared>> -> memref<128xf32, #tpu.memory_space<vmem_shared>>
      %dma_start3A_300 = tpu.memref_slice %arg14[%add3A_248] : memref<10240xf32, #tpu.memory_space<vmem_shared>> -> memref<128xf32, #tpu.memory_space<vmem_shared>>
      %dma_start3A_301 = arith.constant 0 : i32
      %dma_start3A_302 = tpu.memref_slice %arg12[%run_scoped3A_249, %dma_start3A_301] : memref<5x128xf32, #tpu.memory_space<vmem>> -> memref<1x128xf32, #tpu.memory_space<vmem>>
      %dma_start3A_303 = tpu.memref_squeeze %dma_start3A_302 : memref<1x128xf32, #tpu.memory_space<vmem>> -> memref<128xf32, #tpu.memory_space<vmem>>
      tpu.enqueue_dma source(%dma_start3A_303 : memref<128xf32, #tpu.memory_space<vmem>>) target(%dma_start3A_300 : memref<128xf32, #tpu.memory_space<vmem_shared>>) target_semaphore(%run_scoped3A_296 : memref<!tpu.dma_semaphore, #tpu.memory_space<semaphore_mem>>)
      %dma_wait3A = arith.constant 0 : i32
      %dma_wait3A_304 = tpu.memref_slice %arg12[%run_scoped3A_249, %dma_wait3A] : memref<5x128xf32, #tpu.memory_space<vmem>> -> memref<1x128xf32, #tpu.memory_space<vmem>>
      %dma_wait3A_305 = tpu.memref_squeeze %dma_wait3A_304 : memref<1x128xf32, #tpu.memory_space<vmem>> -> memref<128xf32, #tpu.memory_space<vmem>>
      %dma_wait3A_306 = tpu.memref_slice %arg14[%add3A_248] : memref<10240xf32, #tpu.memory_space<vmem_shared>> -> memref<128xf32, #tpu.memory_space<vmem_shared>>
      %dma_wait3A_307 = tpu.memref_slice %arg14[%add3A_248] : memref<10240xf32, #tpu.memory_space<vmem_shared>> -> memref<128xf32, #tpu.memory_space<vmem_shared>>
      %dma_wait3A_308 = arith.constant 0 : i32
      %dma_wait3A_309 = tpu.memref_slice %arg12[%run_scoped3A_249, %dma_wait3A_308] : memref<5x128xf32, #tpu.memory_space<vmem>> -> memref<1x128xf32, #tpu.memory_space<vmem>>
      %dma_wait3A_310 = tpu.memref_squeeze %dma_wait3A_309 : memref<1x128xf32, #tpu.memory_space<vmem>> -> memref<128xf32, #tpu.memory_space<vmem>>
      tpu.wait_dma2 semaphore(%run_scoped3A_296 : memref<!tpu.dma_semaphore, #tpu.memory_space<semaphore_mem>>) src(%dma_wait3A_310 : memref<128xf32, #tpu.memory_space<vmem>>) dst(%dma_wait3A_307 : memref<128xf32, #tpu.memory_space<vmem_shared>>)
      tpu.yield
    }) : () -> ()
    %mul3A_250 = arith.constant 640 : i32
    %mul3A_251 = arith.muli %arg1, %mul3A_250 : i32
    %add3A_252 = arith.constant 384 : i32
    %add3A_253 = arith.addi %mul3A_251, %add3A_252 : i32
    %run_scoped3A_254 = arith.constant 3 : i32
    "tpu.region"() ({
      %run_scoped3A_296 = tpu.sem_alloc : memref<!tpu.dma_semaphore, #tpu.memory_space<semaphore_mem>>
      %dma_start3A = arith.constant 0 : i32
      %dma_start3A_297 = tpu.memref_slice %arg12[%run_scoped3A_254, %dma_start3A] : memref<5x128xf32, #tpu.memory_space<vmem>> -> memref<1x128xf32, #tpu.memory_space<vmem>>
      %dma_start3A_298 = tpu.memref_squeeze %dma_start3A_297 : memref<1x128xf32, #tpu.memory_space<vmem>> -> memref<128xf32, #tpu.memory_space<vmem>>
      %dma_start3A_299 = tpu.memref_slice %arg14[%add3A_253] : memref<10240xf32, #tpu.memory_space<vmem_shared>> -> memref<128xf32, #tpu.memory_space<vmem_shared>>
      %dma_start3A_300 = tpu.memref_slice %arg14[%add3A_253] : memref<10240xf32, #tpu.memory_space<vmem_shared>> -> memref<128xf32, #tpu.memory_space<vmem_shared>>
      %dma_start3A_301 = arith.constant 0 : i32
      %dma_start3A_302 = tpu.memref_slice %arg12[%run_scoped3A_254, %dma_start3A_301] : memref<5x128xf32, #tpu.memory_space<vmem>> -> memref<1x128xf32, #tpu.memory_space<vmem>>
      %dma_start3A_303 = tpu.memref_squeeze %dma_start3A_302 : memref<1x128xf32, #tpu.memory_space<vmem>> -> memref<128xf32, #tpu.memory_space<vmem>>
      tpu.enqueue_dma source(%dma_start3A_303 : memref<128xf32, #tpu.memory_space<vmem>>) target(%dma_start3A_300 : memref<128xf32, #tpu.memory_space<vmem_shared>>) target_semaphore(%run_scoped3A_296 : memref<!tpu.dma_semaphore, #tpu.memory_space<semaphore_mem>>)
      %dma_wait3A = arith.constant 0 : i32
      %dma_wait3A_304 = tpu.memref_slice %arg12[%run_scoped3A_254, %dma_wait3A] : memref<5x128xf32, #tpu.memory_space<vmem>> -> memref<1x128xf32, #tpu.memory_space<vmem>>
      %dma_wait3A_305 = tpu.memref_squeeze %dma_wait3A_304 : memref<1x128xf32, #tpu.memory_space<vmem>> -> memref<128xf32, #tpu.memory_space<vmem>>
      %dma_wait3A_306 = tpu.memref_slice %arg14[%add3A_253] : memref<10240xf32, #tpu.memory_space<vmem_shared>> -> memref<128xf32, #tpu.memory_space<vmem_shared>>
      %dma_wait3A_307 = tpu.memref_slice %arg14[%add3A_253] : memref<10240xf32, #tpu.memory_space<vmem_shared>> -> memref<128xf32, #tpu.memory_space<vmem_shared>>
      %dma_wait3A_308 = arith.constant 0 : i32
      %dma_wait3A_309 = tpu.memref_slice %arg12[%run_scoped3A_254, %dma_wait3A_308] : memref<5x128xf32, #tpu.memory_space<vmem>> -> memref<1x128xf32, #tpu.memory_space<vmem>>
      %dma_wait3A_310 = tpu.memref_squeeze %dma_wait3A_309 : memref<1x128xf32, #tpu.memory_space<vmem>> -> memref<128xf32, #tpu.memory_space<vmem>>
      tpu.wait_dma2 semaphore(%run_scoped3A_296 : memref<!tpu.dma_semaphore, #tpu.memory_space<semaphore_mem>>) src(%dma_wait3A_310 : memref<128xf32, #tpu.memory_space<vmem>>) dst(%dma_wait3A_307 : memref<128xf32, #tpu.memory_space<vmem_shared>>)
      tpu.yield
    }) : () -> ()
    %mul3A_255 = arith.constant 640 : i32
    %mul3A_256 = arith.muli %arg1, %mul3A_255 : i32
    %add3A_257 = arith.constant 512 : i32
    %add3A_258 = arith.addi %mul3A_256, %add3A_257 : i32
    %run_scoped3A_259 = arith.constant 4 : i32
    "tpu.region"() ({
      %run_scoped3A_296 = tpu.sem_alloc : memref<!tpu.dma_semaphore, #tpu.memory_space<semaphore_mem>>
      %dma_start3A = arith.constant 0 : i32
      %dma_start3A_297 = tpu.memref_slice %arg12[%run_scoped3A_259, %dma_start3A] : memref<5x128xf32, #tpu.memory_space<vmem>> -> memref<1x128xf32, #tpu.memory_space<vmem>>
      %dma_start3A_298 = tpu.memref_squeeze %dma_start3A_297 : memref<1x128xf32, #tpu.memory_space<vmem>> -> memref<128xf32, #tpu.memory_space<vmem>>
      %dma_start3A_299 = tpu.memref_slice %arg14[%add3A_258] : memref<10240xf32, #tpu.memory_space<vmem_shared>> -> memref<128xf32, #tpu.memory_space<vmem_shared>>
      %dma_start3A_300 = tpu.memref_slice %arg14[%add3A_258] : memref<10240xf32, #tpu.memory_space<vmem_shared>> -> memref<128xf32, #tpu.memory_space<vmem_shared>>
      %dma_start3A_301 = arith.constant 0 : i32
      %dma_start3A_302 = tpu.memref_slice %arg12[%run_scoped3A_259, %dma_start3A_301] : memref<5x128xf32, #tpu.memory_space<vmem>> -> memref<1x128xf32, #tpu.memory_space<vmem>>
      %dma_start3A_303 = tpu.memref_squeeze %dma_start3A_302 : memref<1x128xf32, #tpu.memory_space<vmem>> -> memref<128xf32, #tpu.memory_space<vmem>>
      tpu.enqueue_dma source(%dma_start3A_303 : memref<128xf32, #tpu.memory_space<vmem>>) target(%dma_start3A_300 : memref<128xf32, #tpu.memory_space<vmem_shared>>) target_semaphore(%run_scoped3A_296 : memref<!tpu.dma_semaphore, #tpu.memory_space<semaphore_mem>>)
      %dma_wait3A = arith.constant 0 : i32
      %dma_wait3A_304 = tpu.memref_slice %arg12[%run_scoped3A_259, %dma_wait3A] : memref<5x128xf32, #tpu.memory_space<vmem>> -> memref<1x128xf32, #tpu.memory_space<vmem>>
      %dma_wait3A_305 = tpu.memref_squeeze %dma_wait3A_304 : memref<1x128xf32, #tpu.memory_space<vmem>> -> memref<128xf32, #tpu.memory_space<vmem>>
      %dma_wait3A_306 = tpu.memref_slice %arg14[%add3A_258] : memref<10240xf32, #tpu.memory_space<vmem_shared>> -> memref<128xf32, #tpu.memory_space<vmem_shared>>
      %dma_wait3A_307 = tpu.memref_slice %arg14[%add3A_258] : memref<10240xf32, #tpu.memory_space<vmem_shared>> -> memref<128xf32, #tpu.memory_space<vmem_shared>>
      %dma_wait3A_308 = arith.constant 0 : i32
      %dma_wait3A_309 = tpu.memref_slice %arg12[%run_scoped3A_259, %dma_wait3A_308] : memref<5x128xf32, #tpu.memory_space<vmem>> -> memref<1x128xf32, #tpu.memory_space<vmem>>
      %dma_wait3A_310 = tpu.memref_squeeze %dma_wait3A_309 : memref<1x128xf32, #tpu.memory_space<vmem>> -> memref<128xf32, #tpu.memory_space<vmem>>
      tpu.wait_dma2 semaphore(%run_scoped3A_296 : memref<!tpu.dma_semaphore, #tpu.memory_space<semaphore_mem>>) src(%dma_wait3A_310 : memref<128xf32, #tpu.memory_space<vmem>>) dst(%dma_wait3A_307 : memref<128xf32, #tpu.memory_space<vmem_shared>>)
      tpu.yield
    }) : () -> ()
    %barrier3A = arith.constant 0 : index
    tpu.barrier barrier_id(%barrier3A)
    %mul3A_260 = arith.constant 160 : i32
    %mul3A_261 = arith.muli %arg1, %mul3A_260 : i32
    "tpu.region"() ({
      %run_scoped3A_296 = tpu.sem_alloc : memref<!tpu.dma_semaphore, #tpu.memory_space<semaphore_mem>>
      %dma_start3A = arith.constant 0 : i32
      %dma_start3A_297 = tpu.memref_slice %arg3[%mul3A_261, %dma_start3A] : memref<2560x128xi32, #tpu.memory_space<hbm>> -> memref<160x128xi32, #tpu.memory_space<hbm>>
      %dma_start3A_298 = arith.constant 0 : i32
      %dma_start3A_299 = tpu.memref_slice %arg3[%mul3A_261, %dma_start3A_298] : memref<2560x128xi32, #tpu.memory_space<hbm>> -> memref<160x128xi32, #tpu.memory_space<hbm>>
      tpu.enqueue_dma source(%dma_start3A_299 : memref<160x128xi32, #tpu.memory_space<hbm>>) target(%arg6 : memref<160x128xi32, #tpu.memory_space<vmem>>) target_semaphore(%run_scoped3A_296 : memref<!tpu.dma_semaphore, #tpu.memory_space<semaphore_mem>>)
      %dma_wait3A = arith.constant 0 : i32
      %dma_wait3A_300 = tpu.memref_slice %arg3[%mul3A_261, %dma_wait3A] : memref<2560x128xi32, #tpu.memory_space<hbm>> -> memref<160x128xi32, #tpu.memory_space<hbm>>
      %dma_wait3A_301 = arith.constant 0 : i32
      %dma_wait3A_302 = tpu.memref_slice %arg3[%mul3A_261, %dma_wait3A_301] : memref<2560x128xi32, #tpu.memory_space<hbm>> -> memref<160x128xi32, #tpu.memory_space<hbm>>
      tpu.wait_dma2 semaphore(%run_scoped3A_296 : memref<!tpu.dma_semaphore, #tpu.memory_space<semaphore_mem>>) src(%dma_wait3A_302 : memref<160x128xi32, #tpu.memory_space<hbm>>) dst(%arg6 : memref<160x128xi32, #tpu.memory_space<vmem>>)
      tpu.yield
    }) : () -> ()
    "tpu.region"() ({
      %run_scoped3A_296 = tpu.sem_alloc : memref<!tpu.dma_semaphore, #tpu.memory_space<semaphore_mem>>
      %dma_start3A = arith.constant 0 : i32
      %dma_start3A_297 = tpu.memref_slice %arg4[%mul3A_261, %dma_start3A] : memref<2560x128xf32, #tpu.memory_space<hbm>> -> memref<160x128xf32, #tpu.memory_space<hbm>>
      %dma_start3A_298 = arith.constant 0 : i32
      %dma_start3A_299 = tpu.memref_slice %arg4[%mul3A_261, %dma_start3A_298] : memref<2560x128xf32, #tpu.memory_space<hbm>> -> memref<160x128xf32, #tpu.memory_space<hbm>>
      tpu.enqueue_dma source(%dma_start3A_299 : memref<160x128xf32, #tpu.memory_space<hbm>>) target(%arg7 : memref<160x128xf32, #tpu.memory_space<vmem>>) target_semaphore(%run_scoped3A_296 : memref<!tpu.dma_semaphore, #tpu.memory_space<semaphore_mem>>)
      %dma_wait3A = arith.constant 0 : i32
      %dma_wait3A_300 = tpu.memref_slice %arg4[%mul3A_261, %dma_wait3A] : memref<2560x128xf32, #tpu.memory_space<hbm>> -> memref<160x128xf32, #tpu.memory_space<hbm>>
      %dma_wait3A_301 = arith.constant 0 : i32
      %dma_wait3A_302 = tpu.memref_slice %arg4[%mul3A_261, %dma_wait3A_301] : memref<2560x128xf32, #tpu.memory_space<hbm>> -> memref<160x128xf32, #tpu.memory_space<hbm>>
      tpu.wait_dma2 semaphore(%run_scoped3A_296 : memref<!tpu.dma_semaphore, #tpu.memory_space<semaphore_mem>>) src(%dma_wait3A_302 : memref<160x128xf32, #tpu.memory_space<hbm>>) dst(%arg7 : memref<160x128xf32, #tpu.memory_space<vmem>>)
      tpu.yield
    }) : () -> ()
    %scan3A = arith.constant 0 : i32
    %scan3A_262 = arith.constant 0 : i32
    %scan3A_263 = arith.constant 160 : i32
    %scan3A_264 = arith.addi %scan3A_262, %scan3A_263 : i32
    %scan3A_265 = arith.constant 1 : i32
    scf.for %scan3A_296 = %scan3A_262 to %scan3A_264 step %scan3A_265  : i32 {
      %dma_start3A = arith.constant 0 : i32
      %dma_start3A_297 = tpu.memref_slice %arg7[%scan3A_296, %dma_start3A] : memref<160x128xf32, #tpu.memory_space<vmem>> -> memref<1x128xf32, #tpu.memory_space<vmem>>
      %dma_start3A_298 = tpu.memref_squeeze %dma_start3A_297 : memref<1x128xf32, #tpu.memory_space<vmem>> -> memref<128xf32, #tpu.memory_space<vmem>>
      %dma_start3A_299 = arith.constant 0 : i32
      %dma_start3A_300 = tpu.memref_slice %arg6[%scan3A_296, %dma_start3A_299] : memref<160x128xi32, #tpu.memory_space<vmem>> -> memref<1x128xi32, #tpu.memory_space<vmem>>
      %dma_start3A_301 = tpu.memref_squeeze %dma_start3A_300 : memref<1x128xi32, #tpu.memory_space<vmem>> -> memref<128xi32, #tpu.memory_space<vmem>>
      %dma_start3A_302 = arith.constant 0 : i32
      %dma_start3A_303 = tpu.memref_slice %arg14[%dma_start3A_302] : memref<10240xf32, #tpu.memory_space<vmem_shared>> -> memref<10240xf32, #tpu.memory_space<vmem_shared>>
      tpu.enqueue_indirect_dma source(%dma_start3A_298 : memref<128xf32, #tpu.memory_space<vmem>>) target(%dma_start3A_303 : memref<10240xf32, #tpu.memory_space<vmem_shared>>) offsets(%dma_start3A_301 : memref<128xi32, #tpu.memory_space<vmem>>) semaphore(%arg15 : memref<!tpu.dma_semaphore, #tpu.memory_space<semaphore_mem>>) {add = true}
    }
    %scan3A_266 = arith.constant 160 : i32
    %scan3A_267 = arith.constant 0 : i32
    %scan3A_268 = arith.constant 0 : i32
    %scan3A_269 = arith.constant 160 : i32
    %scan3A_270 = arith.addi %scan3A_268, %scan3A_269 : i32
    %scan3A_271 = arith.constant 1 : i32
    scf.for %scan3A_296 = %scan3A_268 to %scan3A_270 step %scan3A_271  : i32 {
      %dma_wait3A = arith.constant 0 : i32
      %dma_wait3A_297 = tpu.memref_slice %arg7[%scan3A_296, %dma_wait3A] : memref<160x128xf32, #tpu.memory_space<vmem>> -> memref<1x128xf32, #tpu.memory_space<vmem>>
      %dma_wait3A_298 = tpu.memref_squeeze %dma_wait3A_297 : memref<1x128xf32, #tpu.memory_space<vmem>> -> memref<128xf32, #tpu.memory_space<vmem>>
      %dma_wait3A_299 = arith.constant 0 : i32
      %dma_wait3A_300 = tpu.memref_slice %arg6[%scan3A_296, %dma_wait3A_299] : memref<160x128xi32, #tpu.memory_space<vmem>> -> memref<1x128xi32, #tpu.memory_space<vmem>>
      %dma_wait3A_301 = tpu.memref_squeeze %dma_wait3A_300 : memref<1x128xi32, #tpu.memory_space<vmem>> -> memref<128xi32, #tpu.memory_space<vmem>>
      %dma_wait3A_302 = arith.constant 0 : i32
      %dma_wait3A_303 = tpu.memref_slice %arg14[%dma_wait3A_302] : memref<10240xf32, #tpu.memory_space<vmem_shared>> -> memref<10240xf32, #tpu.memory_space<vmem_shared>>
      tpu.wait_indirect_dma semaphore(%arg15 : memref<!tpu.dma_semaphore, #tpu.memory_space<semaphore_mem>>) src(%dma_wait3A_298 : memref<128xf32, #tpu.memory_space<vmem>>) dst(%dma_wait3A_303 : memref<10240xf32, #tpu.memory_space<vmem_shared>>)
    }
    %scan3A_272 = arith.constant 160 : i32
    %barrier3A_273 = arith.constant 0 : index
    tpu.barrier barrier_id(%barrier3A_273)
    %mul3A_274 = arith.constant 640 : i32
    %mul3A_275 = arith.muli %arg1, %mul3A_274 : i32
    "tpu.region"() ({
      %run_scoped3A_296 = tpu.sem_alloc : memref<!tpu.dma_semaphore, #tpu.memory_space<semaphore_mem>>
      %dma_start3A = arith.constant 0 : i32
      %dma_start3A_297 = tpu.memref_slice %arg13[%dma_start3A] : memref<10240xf32, #tpu.memory_space<vmem>> -> memref<640xf32, #tpu.memory_space<vmem>>
      %dma_start3A_298 = tpu.memref_slice %arg14[%mul3A_275] : memref<10240xf32, #tpu.memory_space<vmem_shared>> -> memref<640xf32, #tpu.memory_space<vmem_shared>>
      %dma_start3A_299 = arith.constant 0 : i32
      %dma_start3A_300 = tpu.memref_slice %arg13[%dma_start3A_299] : memref<10240xf32, #tpu.memory_space<vmem>> -> memref<640xf32, #tpu.memory_space<vmem>>
      %dma_start3A_301 = tpu.memref_slice %arg14[%mul3A_275] : memref<10240xf32, #tpu.memory_space<vmem_shared>> -> memref<640xf32, #tpu.memory_space<vmem_shared>>
      tpu.enqueue_dma source(%dma_start3A_301 : memref<640xf32, #tpu.memory_space<vmem_shared>>) target(%dma_start3A_300 : memref<640xf32, #tpu.memory_space<vmem>>) target_semaphore(%run_scoped3A_296 : memref<!tpu.dma_semaphore, #tpu.memory_space<semaphore_mem>>)
      %dma_wait3A = arith.constant 0 : i32
      %dma_wait3A_302 = tpu.memref_slice %arg13[%dma_wait3A] : memref<10240xf32, #tpu.memory_space<vmem>> -> memref<640xf32, #tpu.memory_space<vmem>>
      %dma_wait3A_303 = tpu.memref_slice %arg14[%mul3A_275] : memref<10240xf32, #tpu.memory_space<vmem_shared>> -> memref<640xf32, #tpu.memory_space<vmem_shared>>
      %dma_wait3A_304 = arith.constant 0 : i32
      %dma_wait3A_305 = tpu.memref_slice %arg13[%dma_wait3A_304] : memref<10240xf32, #tpu.memory_space<vmem>> -> memref<640xf32, #tpu.memory_space<vmem>>
      %dma_wait3A_306 = tpu.memref_slice %arg14[%mul3A_275] : memref<10240xf32, #tpu.memory_space<vmem_shared>> -> memref<640xf32, #tpu.memory_space<vmem_shared>>
      tpu.wait_dma2 semaphore(%run_scoped3A_296 : memref<!tpu.dma_semaphore, #tpu.memory_space<semaphore_mem>>) src(%dma_wait3A_306 : memref<640xf32, #tpu.memory_space<vmem_shared>>) dst(%dma_wait3A_305 : memref<640xf32, #tpu.memory_space<vmem>>)
      tpu.yield
    }) : () -> ()
    %scan3A_276 = arith.constant 0 : i32
    %scan3A_277 = arith.constant 0 : i32
    %scan3A_278 = arith.constant 40 : i32
    %scan3A_279 = arith.addi %scan3A_277, %scan3A_278 : i32
    %scan3A_280 = arith.constant 1 : i32
    scf.for %scan3A_296 = %scan3A_277 to %scan3A_279 step %scan3A_280  : i32 {
      %mul3A_297 = arith.constant 16 : i32
      %mul3A_298 = arith.muli %scan3A_296, %mul3A_297 : i32
      %get3A = arith.index_cast %mul3A_298 : i32 to index
      %get3A_299 = tpu.vector_load %arg13[%get3A] {strides = array<i32>} : memref<10240xf32, #tpu.memory_space<vmem>>, vector<16xf32>,
      %bitcast3A = vector.bitcast %get3A_299 : vector<16xf32> to vector<16xi32>
      %shift_right_arithmetic3A = arith.constant 1 : i32
      %shift_right_arithmetic3A_300 = vector.broadcast %shift_right_arithmetic3A : i32 to vector<16xi32>
      %shift_right_arithmetic3A_301 = arith.shrsi %bitcast3A, %shift_right_arithmetic3A_300 : vector<16xi32>
      %sub3A = arith.constant 1597463007 : i32
      %sub3A_302 = vector.broadcast %sub3A : i32 to vector<16xi32>
      %sub3A_303 = arith.subi %sub3A_302, %shift_right_arithmetic3A_301 : vector<16xi32>
      %bitcast3A_304 = vector.bitcast %sub3A_303 : vector<16xi32> to vector<16xf32>
      %mul3A_305 = arith.constant 5.000000e-01 : f32
      %mul3A_306 = vector.broadcast %mul3A_305 : f32 to vector<16xf32>
      %mul3A_307 = arith.mulf %mul3A_306, %get3A_299 : vector<16xf32>
      %mul3A_308 = arith.mulf %mul3A_307, %bitcast3A_304 : vector<16xf32>
      %mul3A_309 = arith.mulf %mul3A_308, %bitcast3A_304 : vector<16xf32>
      %sub3A_310 = arith.constant 1.500000e+00 : f32
      %sub3A_311 = vector.broadcast %sub3A_310 : f32 to vector<16xf32>
      %sub3A_312 = arith.subf %sub3A_311, %mul3A_309 : vector<16xf32>
      %mul3A_313 = arith.mulf %bitcast3A_304, %sub3A_312 : vector<16xf32>
      %mul3A_314 = arith.constant 5.000000e-01 : f32
      %mul3A_315 = vector.broadcast %mul3A_314 : f32 to vector<16xf32>
      %mul3A_316 = arith.mulf %mul3A_315, %get3A_299 : vector<16xf32>
      %mul3A_317 = arith.mulf %mul3A_316, %mul3A_313 : vector<16xf32>
      %mul3A_318 = arith.mulf %mul3A_317, %mul3A_313 : vector<16xf32>
      %sub3A_319 = arith.constant 1.500000e+00 : f32
      %sub3A_320 = vector.broadcast %sub3A_319 : f32 to vector<16xf32>
      %sub3A_321 = arith.subf %sub3A_320, %mul3A_318 : vector<16xf32>
      %mul3A_322 = arith.mulf %mul3A_313, %sub3A_321 : vector<16xf32>
      %mul3A_323 = arith.constant 5.000000e-01 : f32
      %mul3A_324 = vector.broadcast %mul3A_323 : f32 to vector<16xf32>
      %mul3A_325 = arith.mulf %mul3A_324, %get3A_299 : vector<16xf32>
      %mul3A_326 = arith.mulf %mul3A_325, %mul3A_322 : vector<16xf32>
      %mul3A_327 = arith.mulf %mul3A_326, %mul3A_322 : vector<16xf32>
      %sub3A_328 = arith.constant 1.500000e+00 : f32
      %sub3A_329 = vector.broadcast %sub3A_328 : f32 to vector<16xf32>
      %sub3A_330 = arith.subf %sub3A_329, %mul3A_327 : vector<16xf32>
      %mul3A_331 = arith.mulf %mul3A_322, %sub3A_330 : vector<16xf32>
      %gt3A = arith.constant 0.000000e+00 : f32
      %gt3A_332 = vector.broadcast %gt3A : f32 to vector<16xf32>
      %gt3A_333 = arith.cmpf ogt, %get3A_299, %gt3A_332 : vector<16xf32>
      %jit3A = arith.constant 0.000000e+00 : f32
      %broadcast_in_dim3A_334 = vector.broadcast %jit3A : f32 to vector<16xf32>
      %select_n3A = arith.select %gt3A_333, %mul3A_331, %broadcast_in_dim3A_334 : vector<16xi1>, vector<16xf32>
      %mul3A_335 = arith.constant 16 : i32
      %mul3A_336 = arith.muli %scan3A_296, %mul3A_335 : i32
      %swap3A_337 = arith.index_cast %mul3A_336 : i32 to index
      %swap3A_338 = tpu.vector_load %arg13[%swap3A_337] {strides = array<i32>} : memref<10240xf32, #tpu.memory_space<vmem>>, vector<16xf32>,
      tpu.vector_store %arg13[%swap3A_337], %select_n3A {strides = array<i32>} : memref<10240xf32, #tpu.memory_space<vmem>>, vector<16xf32>,
    }
    %scan3A_281 = arith.constant 40 : i32
    %mul3A_282 = arith.constant 640 : i32
    %mul3A_283 = arith.muli %arg1, %mul3A_282 : i32
    "tpu.region"() ({
      %run_scoped3A_296 = tpu.sem_alloc : memref<!tpu.dma_semaphore, #tpu.memory_space<semaphore_mem>>
      %dma_start3A = arith.constant 0 : i32
      %dma_start3A_297 = tpu.memref_slice %arg13[%dma_start3A] : memref<10240xf32, #tpu.memory_space<vmem>> -> memref<640xf32, #tpu.memory_space<vmem>>
      %dma_start3A_298 = tpu.memref_slice %arg14[%mul3A_283] : memref<10240xf32, #tpu.memory_space<vmem_shared>> -> memref<640xf32, #tpu.memory_space<vmem_shared>>
      %dma_start3A_299 = tpu.memref_slice %arg14[%mul3A_283] : memref<10240xf32, #tpu.memory_space<vmem_shared>> -> memref<640xf32, #tpu.memory_space<vmem_shared>>
      %dma_start3A_300 = arith.constant 0 : i32
      %dma_start3A_301 = tpu.memref_slice %arg13[%dma_start3A_300] : memref<10240xf32, #tpu.memory_space<vmem>> -> memref<640xf32, #tpu.memory_space<vmem>>
      tpu.enqueue_dma source(%dma_start3A_301 : memref<640xf32, #tpu.memory_space<vmem>>) target(%dma_start3A_299 : memref<640xf32, #tpu.memory_space<vmem_shared>>) target_semaphore(%run_scoped3A_296 : memref<!tpu.dma_semaphore, #tpu.memory_space<semaphore_mem>>)
      %dma_wait3A = arith.constant 0 : i32
      %dma_wait3A_302 = tpu.memref_slice %arg13[%dma_wait3A] : memref<10240xf32, #tpu.memory_space<vmem>> -> memref<640xf32, #tpu.memory_space<vmem>>
      %dma_wait3A_303 = tpu.memref_slice %arg14[%mul3A_283] : memref<10240xf32, #tpu.memory_space<vmem_shared>> -> memref<640xf32, #tpu.memory_space<vmem_shared>>
      %dma_wait3A_304 = tpu.memref_slice %arg14[%mul3A_283] : memref<10240xf32, #tpu.memory_space<vmem_shared>> -> memref<640xf32, #tpu.memory_space<vmem_shared>>
      %dma_wait3A_305 = arith.constant 0 : i32
      %dma_wait3A_306 = tpu.memref_slice %arg13[%dma_wait3A_305] : memref<10240xf32, #tpu.memory_space<vmem>> -> memref<640xf32, #tpu.memory_space<vmem>>
      tpu.wait_dma2 semaphore(%run_scoped3A_296 : memref<!tpu.dma_semaphore, #tpu.memory_space<semaphore_mem>>) src(%dma_wait3A_306 : memref<640xf32, #tpu.memory_space<vmem>>) dst(%dma_wait3A_304 : memref<640xf32, #tpu.memory_space<vmem_shared>>)
      tpu.yield
    }) : () -> ()
    %barrier3A_284 = arith.constant 0 : index
    tpu.barrier barrier_id(%barrier3A_284)
    "tpu.region"() ({
      %run_scoped3A_296 = tpu.sem_alloc : memref<!tpu.dma_semaphore, #tpu.memory_space<semaphore_mem>>
      tpu.enqueue_dma source(%arg14 : memref<10240xf32, #tpu.memory_space<vmem_shared>>) target(%arg13 : memref<10240xf32, #tpu.memory_space<vmem>>) target_semaphore(%run_scoped3A_296 : memref<!tpu.dma_semaphore, #tpu.memory_space<semaphore_mem>>)
      tpu.wait_dma2 semaphore(%run_scoped3A_296 : memref<!tpu.dma_semaphore, #tpu.memory_space<semaphore_mem>>) src(%arg14 : memref<10240xf32, #tpu.memory_space<vmem_shared>>) dst(%arg13 : memref<10240xf32, #tpu.memory_space<vmem>>)
      tpu.yield
    }) : () -> ()
    %mul3A_285 = arith.constant 16 : i32
    %mul3A_286 = arith.muli %arg0, %mul3A_285 : i32
    %add3A_287 = arith.addi %mul3A_286, %arg1 : i32
    %mul3A_288 = arith.constant 80 : i32
    %mul3A_289 = arith.muli %add3A_287, %mul3A_288 : i32
    "tpu.region"() ({
      %run_scoped3A_296 = tpu.sem_alloc : memref<!tpu.dma_semaphore, #tpu.memory_space<semaphore_mem>>
      %dma_start3A = arith.constant 0 : i32
      %dma_start3A_297 = tpu.memref_slice %arg2[%mul3A_289, %dma_start3A] : memref<2560x128xi32, #tpu.memory_space<hbm>> -> memref<80x128xi32, #tpu.memory_space<hbm>>
      %dma_start3A_298 = arith.constant 0 : i32
      %dma_start3A_299 = tpu.memref_slice %arg2[%mul3A_289, %dma_start3A_298] : memref<2560x128xi32, #tpu.memory_space<hbm>> -> memref<80x128xi32, #tpu.memory_space<hbm>>
      tpu.enqueue_dma source(%dma_start3A_299 : memref<80x128xi32, #tpu.memory_space<hbm>>) target(%arg8 : memref<80x128xi32, #tpu.memory_space<vmem>>) target_semaphore(%run_scoped3A_296 : memref<!tpu.dma_semaphore, #tpu.memory_space<semaphore_mem>>)
      %dma_wait3A = arith.constant 0 : i32
      %dma_wait3A_300 = tpu.memref_slice %arg2[%mul3A_289, %dma_wait3A] : memref<2560x128xi32, #tpu.memory_space<hbm>> -> memref<80x128xi32, #tpu.memory_space<hbm>>
      %dma_wait3A_301 = arith.constant 0 : i32
      %dma_wait3A_302 = tpu.memref_slice %arg2[%mul3A_289, %dma_wait3A_301] : memref<2560x128xi32, #tpu.memory_space<hbm>> -> memref<80x128xi32, #tpu.memory_space<hbm>>
      tpu.wait_dma2 semaphore(%run_scoped3A_296 : memref<!tpu.dma_semaphore, #tpu.memory_space<semaphore_mem>>) src(%dma_wait3A_302 : memref<80x128xi32, #tpu.memory_space<hbm>>) dst(%arg8 : memref<80x128xi32, #tpu.memory_space<vmem>>)
      tpu.yield
    }) : () -> ()
    "tpu.region"() ({
      %run_scoped3A_296 = tpu.sem_alloc : memref<!tpu.dma_semaphore, #tpu.memory_space<semaphore_mem>>
      %dma_start3A = arith.constant 0 : i32
      %dma_start3A_297 = tpu.memref_slice %arg3[%mul3A_289, %dma_start3A] : memref<2560x128xi32, #tpu.memory_space<hbm>> -> memref<80x128xi32, #tpu.memory_space<hbm>>
      %dma_start3A_298 = arith.constant 0 : i32
      %dma_start3A_299 = tpu.memref_slice %arg3[%mul3A_289, %dma_start3A_298] : memref<2560x128xi32, #tpu.memory_space<hbm>> -> memref<80x128xi32, #tpu.memory_space<hbm>>
      tpu.enqueue_dma source(%dma_start3A_299 : memref<80x128xi32, #tpu.memory_space<hbm>>) target(%arg9 : memref<80x128xi32, #tpu.memory_space<vmem>>) target_semaphore(%run_scoped3A_296 : memref<!tpu.dma_semaphore, #tpu.memory_space<semaphore_mem>>)
      %dma_wait3A = arith.constant 0 : i32
      %dma_wait3A_300 = tpu.memref_slice %arg3[%mul3A_289, %dma_wait3A] : memref<2560x128xi32, #tpu.memory_space<hbm>> -> memref<80x128xi32, #tpu.memory_space<hbm>>
      %dma_wait3A_301 = arith.constant 0 : i32
      %dma_wait3A_302 = tpu.memref_slice %arg3[%mul3A_289, %dma_wait3A_301] : memref<2560x128xi32, #tpu.memory_space<hbm>> -> memref<80x128xi32, #tpu.memory_space<hbm>>
      tpu.wait_dma2 semaphore(%run_scoped3A_296 : memref<!tpu.dma_semaphore, #tpu.memory_space<semaphore_mem>>) src(%dma_wait3A_302 : memref<80x128xi32, #tpu.memory_space<hbm>>) dst(%arg9 : memref<80x128xi32, #tpu.memory_space<vmem>>)
      tpu.yield
    }) : () -> ()
    "tpu.region"() ({
      %run_scoped3A_296 = tpu.sem_alloc : memref<!tpu.dma_semaphore, #tpu.memory_space<semaphore_mem>>
      %dma_start3A = arith.constant 0 : i32
      %dma_start3A_297 = tpu.memref_slice %arg4[%mul3A_289, %dma_start3A] : memref<2560x128xf32, #tpu.memory_space<hbm>> -> memref<80x128xf32, #tpu.memory_space<hbm>>
      %dma_start3A_298 = arith.constant 0 : i32
      %dma_start3A_299 = tpu.memref_slice %arg4[%mul3A_289, %dma_start3A_298] : memref<2560x128xf32, #tpu.memory_space<hbm>> -> memref<80x128xf32, #tpu.memory_space<hbm>>
      tpu.enqueue_dma source(%dma_start3A_299 : memref<80x128xf32, #tpu.memory_space<hbm>>) target(%arg10 : memref<80x128xf32, #tpu.memory_space<vmem>>) target_semaphore(%run_scoped3A_296 : memref<!tpu.dma_semaphore, #tpu.memory_space<semaphore_mem>>)
      %dma_wait3A = arith.constant 0 : i32
      %dma_wait3A_300 = tpu.memref_slice %arg4[%mul3A_289, %dma_wait3A] : memref<2560x128xf32, #tpu.memory_space<hbm>> -> memref<80x128xf32, #tpu.memory_space<hbm>>
      %dma_wait3A_301 = arith.constant 0 : i32
      %dma_wait3A_302 = tpu.memref_slice %arg4[%mul3A_289, %dma_wait3A_301] : memref<2560x128xf32, #tpu.memory_space<hbm>> -> memref<80x128xf32, #tpu.memory_space<hbm>>
      tpu.wait_dma2 semaphore(%run_scoped3A_296 : memref<!tpu.dma_semaphore, #tpu.memory_space<semaphore_mem>>) src(%dma_wait3A_302 : memref<80x128xf32, #tpu.memory_space<hbm>>) dst(%arg10 : memref<80x128xf32, #tpu.memory_space<vmem>>)
      tpu.yield
    }) : () -> ()
    %scan3A_290 = arith.constant 0 : i32
    %scan3A_291 = arith.constant 0 : i32
    %scan3A_292 = arith.constant 80 : i32
    %scan3A_293 = arith.addi %scan3A_291, %scan3A_292 : i32
    %scan3A_294 = arith.constant 1 : i32
    scf.for %scan3A_296 = %scan3A_291 to %scan3A_293 step %scan3A_294  : i32 {
      %get3A = arith.index_cast %scan3A_296 : i32 to index
      %get3A_297 = arith.constant 0 : index
      %get3A_298 = tpu.vector_load %arg8[%get3A, %get3A_297] {strides = array<i32>} : memref<80x128xi32, #tpu.memory_space<vmem>>, vector<16xi32>,
      %gather3A = tpu.vector_load_idx %arg13[%get3A_298] : memref<10240xf32, #tpu.memory_space<vmem>>[vector<16xi32>], vector<16xf32>,
      %get3A_299 = arith.index_cast %scan3A_296 : i32 to index
      %get3A_300 = arith.constant 0 : index
      %get3A_301 = tpu.vector_load %arg9[%get3A_299, %get3A_300] {strides = array<i32>} : memref<80x128xi32, #tpu.memory_space<vmem>>, vector<16xi32>,
      %gather3A_302 = tpu.vector_load_idx %arg13[%get3A_301] : memref<10240xf32, #tpu.memory_space<vmem>>[vector<16xi32>], vector<16xf32>,
      %get3A_303 = arith.index_cast %scan3A_296 : i32 to index
      %get3A_304 = arith.constant 0 : index
      %get3A_305 = tpu.vector_load %arg10[%get3A_303, %get3A_304] {strides = array<i32>} : memref<80x128xf32, #tpu.memory_space<vmem>>, vector<16xf32>,
      %mul3A_306 = arith.mulf %get3A_305, %gather3A : vector<16xf32>
      %mul3A_307 = arith.mulf %mul3A_306, %gather3A_302 : vector<16xf32>
      %swap3A_308 = arith.index_cast %scan3A_296 : i32 to index
      %swap3A_309 = arith.constant 0 : index
      %swap3A_310 = tpu.vector_load %arg11[%swap3A_308, %swap3A_309] {strides = array<i32>} : memref<80x128xf32, #tpu.memory_space<vmem>>, vector<16xf32>,
      tpu.vector_store %arg11[%swap3A_308, %swap3A_309], %mul3A_307 {strides = array<i32>} : memref<80x128xf32, #tpu.memory_space<vmem>>, vector<16xf32>,
      %get3A_311 = arith.index_cast %scan3A_296 : i32 to index
      %get3A_312 = arith.constant 16 : index
      %get3A_313 = tpu.vector_load %arg8[%get3A_311, %get3A_312] {strides = array<i32>} : memref<80x128xi32, #tpu.memory_space<vmem>>, vector<16xi32>,
      %gather3A_314 = tpu.vector_load_idx %arg13[%get3A_313] : memref<10240xf32, #tpu.memory_space<vmem>>[vector<16xi32>], vector<16xf32>,
      %get3A_315 = arith.index_cast %scan3A_296 : i32 to index
      %get3A_316 = arith.constant 16 : index
      %get3A_317 = tpu.vector_load %arg9[%get3A_315, %get3A_316] {strides = array<i32>} : memref<80x128xi32, #tpu.memory_space<vmem>>, vector<16xi32>,
      %gather3A_318 = tpu.vector_load_idx %arg13[%get3A_317] : memref<10240xf32, #tpu.memory_space<vmem>>[vector<16xi32>], vector<16xf32>,
      %get3A_319 = arith.index_cast %scan3A_296 : i32 to index
      %get3A_320 = arith.constant 16 : index
      %get3A_321 = tpu.vector_load %arg10[%get3A_319, %get3A_320] {strides = array<i32>} : memref<80x128xf32, #tpu.memory_space<vmem>>, vector<16xf32>,
      %mul3A_322 = arith.mulf %get3A_321, %gather3A_314 : vector<16xf32>
      %mul3A_323 = arith.mulf %mul3A_322, %gather3A_318 : vector<16xf32>
      %swap3A_324 = arith.index_cast %scan3A_296 : i32 to index
      %swap3A_325 = arith.constant 16 : index
      %swap3A_326 = tpu.vector_load %arg11[%swap3A_324, %swap3A_325] {strides = array<i32>} : memref<80x128xf32, #tpu.memory_space<vmem>>, vector<16xf32>,
      tpu.vector_store %arg11[%swap3A_324, %swap3A_325], %mul3A_323 {strides = array<i32>} : memref<80x128xf32, #tpu.memory_space<vmem>>, vector<16xf32>,
      %get3A_327 = arith.index_cast %scan3A_296 : i32 to index
      %get3A_328 = arith.constant 32 : index
      %get3A_329 = tpu.vector_load %arg8[%get3A_327, %get3A_328] {strides = array<i32>} : memref<80x128xi32, #tpu.memory_space<vmem>>, vector<16xi32>,
      %gather3A_330 = tpu.vector_load_idx %arg13[%get3A_329] : memref<10240xf32, #tpu.memory_space<vmem>>[vector<16xi32>], vector<16xf32>,
      %get3A_331 = arith.index_cast %scan3A_296 : i32 to index
      %get3A_332 = arith.constant 32 : index
      %get3A_333 = tpu.vector_load %arg9[%get3A_331, %get3A_332] {strides = array<i32>} : memref<80x128xi32, #tpu.memory_space<vmem>>, vector<16xi32>,
      %gather3A_334 = tpu.vector_load_idx %arg13[%get3A_333] : memref<10240xf32, #tpu.memory_space<vmem>>[vector<16xi32>], vector<16xf32>,
      %get3A_335 = arith.index_cast %scan3A_296 : i32 to index
      %get3A_336 = arith.constant 32 : index
      %get3A_337 = tpu.vector_load %arg10[%get3A_335, %get3A_336] {strides = array<i32>} : memref<80x128xf32, #tpu.memory_space<vmem>>, vector<16xf32>,
      %mul3A_338 = arith.mulf %get3A_337, %gather3A_330 : vector<16xf32>
      %mul3A_339 = arith.mulf %mul3A_338, %gather3A_334 : vector<16xf32>
      %swap3A_340 = arith.index_cast %scan3A_296 : i32 to index
      %swap3A_341 = arith.constant 32 : index
      %swap3A_342 = tpu.vector_load %arg11[%swap3A_340, %swap3A_341] {strides = array<i32>} : memref<80x128xf32, #tpu.memory_space<vmem>>, vector<16xf32>,
      tpu.vector_store %arg11[%swap3A_340, %swap3A_341], %mul3A_339 {strides = array<i32>} : memref<80x128xf32, #tpu.memory_space<vmem>>, vector<16xf32>,
      %get3A_343 = arith.index_cast %scan3A_296 : i32 to index
      %get3A_344 = arith.constant 48 : index
      %get3A_345 = tpu.vector_load %arg8[%get3A_343, %get3A_344] {strides = array<i32>} : memref<80x128xi32, #tpu.memory_space<vmem>>, vector<16xi32>,
      %gather3A_346 = tpu.vector_load_idx %arg13[%get3A_345] : memref<10240xf32, #tpu.memory_space<vmem>>[vector<16xi32>], vector<16xf32>,
      %get3A_347 = arith.index_cast %scan3A_296 : i32 to index
      %get3A_348 = arith.constant 48 : index
      %get3A_349 = tpu.vector_load %arg9[%get3A_347, %get3A_348] {strides = array<i32>} : memref<80x128xi32, #tpu.memory_space<vmem>>, vector<16xi32>,
      %gather3A_350 = tpu.vector_load_idx %arg13[%get3A_349] : memref<10240xf32, #tpu.memory_space<vmem>>[vector<16xi32>], vector<16xf32>,
      %get3A_351 = arith.index_cast %scan3A_296 : i32 to index
      %get3A_352 = arith.constant 48 : index
      %get3A_353 = tpu.vector_load %arg10[%get3A_351, %get3A_352] {strides = array<i32>} : memref<80x128xf32, #tpu.memory_space<vmem>>, vector<16xf32>,
      %mul3A_354 = arith.mulf %get3A_353, %gather3A_346 : vector<16xf32>
      %mul3A_355 = arith.mulf %mul3A_354, %gather3A_350 : vector<16xf32>
      %swap3A_356 = arith.index_cast %scan3A_296 : i32 to index
      %swap3A_357 = arith.constant 48 : index
      %swap3A_358 = tpu.vector_load %arg11[%swap3A_356, %swap3A_357] {strides = array<i32>} : memref<80x128xf32, #tpu.memory_space<vmem>>, vector<16xf32>,
      tpu.vector_store %arg11[%swap3A_356, %swap3A_357], %mul3A_355 {strides = array<i32>} : memref<80x128xf32, #tpu.memory_space<vmem>>, vector<16xf32>,
      %get3A_359 = arith.index_cast %scan3A_296 : i32 to index
      %get3A_360 = arith.constant 64 : index
      %get3A_361 = tpu.vector_load %arg8[%get3A_359, %get3A_360] {strides = array<i32>} : memref<80x128xi32, #tpu.memory_space<vmem>>, vector<16xi32>,
      %gather3A_362 = tpu.vector_load_idx %arg13[%get3A_361] : memref<10240xf32, #tpu.memory_space<vmem>>[vector<16xi32>], vector<16xf32>,
      %get3A_363 = arith.index_cast %scan3A_296 : i32 to index
      %get3A_364 = arith.constant 64 : index
      %get3A_365 = tpu.vector_load %arg9[%get3A_363, %get3A_364] {strides = array<i32>} : memref<80x128xi32, #tpu.memory_space<vmem>>, vector<16xi32>,
      %gather3A_366 = tpu.vector_load_idx %arg13[%get3A_365] : memref<10240xf32, #tpu.memory_space<vmem>>[vector<16xi32>], vector<16xf32>,
      %get3A_367 = arith.index_cast %scan3A_296 : i32 to index
      %get3A_368 = arith.constant 64 : index
      %get3A_369 = tpu.vector_load %arg10[%get3A_367, %get3A_368] {strides = array<i32>} : memref<80x128xf32, #tpu.memory_space<vmem>>, vector<16xf32>,
      %mul3A_370 = arith.mulf %get3A_369, %gather3A_362 : vector<16xf32>
      %mul3A_371 = arith.mulf %mul3A_370, %gather3A_366 : vector<16xf32>
      %swap3A_372 = arith.index_cast %scan3A_296 : i32 to index
      %swap3A_373 = arith.constant 64 : index
      %swap3A_374 = tpu.vector_load %arg11[%swap3A_372, %swap3A_373] {strides = array<i32>} : memref<80x128xf32, #tpu.memory_space<vmem>>, vector<16xf32>,
      tpu.vector_store %arg11[%swap3A_372, %swap3A_373], %mul3A_371 {strides = array<i32>} : memref<80x128xf32, #tpu.memory_space<vmem>>, vector<16xf32>,
      %get3A_375 = arith.index_cast %scan3A_296 : i32 to index
      %get3A_376 = arith.constant 80 : index
      %get3A_377 = tpu.vector_load %arg8[%get3A_375, %get3A_376] {strides = array<i32>} : memref<80x128xi32, #tpu.memory_space<vmem>>, vector<16xi32>,
      %gather3A_378 = tpu.vector_load_idx %arg13[%get3A_377] : memref<10240xf32, #tpu.memory_space<vmem>>[vector<16xi32>], vector<16xf32>,
      %get3A_379 = arith.index_cast %scan3A_296 : i32 to index
      %get3A_380 = arith.constant 80 : index
      %get3A_381 = tpu.vector_load %arg9[%get3A_379, %get3A_380] {strides = array<i32>} : memref<80x128xi32, #tpu.memory_space<vmem>>, vector<16xi32>,
      %gather3A_382 = tpu.vector_load_idx %arg13[%get3A_381] : memref<10240xf32, #tpu.memory_space<vmem>>[vector<16xi32>], vector<16xf32>,
      %get3A_383 = arith.index_cast %scan3A_296 : i32 to index
      %get3A_384 = arith.constant 80 : index
      %get3A_385 = tpu.vector_load %arg10[%get3A_383, %get3A_384] {strides = array<i32>} : memref<80x128xf32, #tpu.memory_space<vmem>>, vector<16xf32>,
      %mul3A_386 = arith.mulf %get3A_385, %gather3A_378 : vector<16xf32>
      %mul3A_387 = arith.mulf %mul3A_386, %gather3A_382 : vector<16xf32>
      %swap3A_388 = arith.index_cast %scan3A_296 : i32 to index
      %swap3A_389 = arith.constant 80 : index
      %swap3A_390 = tpu.vector_load %arg11[%swap3A_388, %swap3A_389] {strides = array<i32>} : memref<80x128xf32, #tpu.memory_space<vmem>>, vector<16xf32>,
      tpu.vector_store %arg11[%swap3A_388, %swap3A_389], %mul3A_387 {strides = array<i32>} : memref<80x128xf32, #tpu.memory_space<vmem>>, vector<16xf32>,
      %get3A_391 = arith.index_cast %scan3A_296 : i32 to index
      %get3A_392 = arith.constant 96 : index
      %get3A_393 = tpu.vector_load %arg8[%get3A_391, %get3A_392] {strides = array<i32>} : memref<80x128xi32, #tpu.memory_space<vmem>>, vector<16xi32>,
      %gather3A_394 = tpu.vector_load_idx %arg13[%get3A_393] : memref<10240xf32, #tpu.memory_space<vmem>>[vector<16xi32>], vector<16xf32>,
      %get3A_395 = arith.index_cast %scan3A_296 : i32 to index
      %get3A_396 = arith.constant 96 : index
      %get3A_397 = tpu.vector_load %arg9[%get3A_395, %get3A_396] {strides = array<i32>} : memref<80x128xi32, #tpu.memory_space<vmem>>, vector<16xi32>,
      %gather3A_398 = tpu.vector_load_idx %arg13[%get3A_397] : memref<10240xf32, #tpu.memory_space<vmem>>[vector<16xi32>], vector<16xf32>,
      %get3A_399 = arith.index_cast %scan3A_296 : i32 to index
      %get3A_400 = arith.constant 96 : index
      %get3A_401 = tpu.vector_load %arg10[%get3A_399, %get3A_400] {strides = array<i32>} : memref<80x128xf32, #tpu.memory_space<vmem>>, vector<16xf32>,
      %mul3A_402 = arith.mulf %get3A_401, %gather3A_394 : vector<16xf32>
      %mul3A_403 = arith.mulf %mul3A_402, %gather3A_398 : vector<16xf32>
      %swap3A_404 = arith.index_cast %scan3A_296 : i32 to index
      %swap3A_405 = arith.constant 96 : index
      %swap3A_406 = tpu.vector_load %arg11[%swap3A_404, %swap3A_405] {strides = array<i32>} : memref<80x128xf32, #tpu.memory_space<vmem>>, vector<16xf32>,
      tpu.vector_store %arg11[%swap3A_404, %swap3A_405], %mul3A_403 {strides = array<i32>} : memref<80x128xf32, #tpu.memory_space<vmem>>, vector<16xf32>,
      %get3A_407 = arith.index_cast %scan3A_296 : i32 to index
      %get3A_408 = arith.constant 112 : index
      %get3A_409 = tpu.vector_load %arg8[%get3A_407, %get3A_408] {strides = array<i32>} : memref<80x128xi32, #tpu.memory_space<vmem>>, vector<16xi32>,
      %gather3A_410 = tpu.vector_load_idx %arg13[%get3A_409] : memref<10240xf32, #tpu.memory_space<vmem>>[vector<16xi32>], vector<16xf32>,
      %get3A_411 = arith.index_cast %scan3A_296 : i32 to index
      %get3A_412 = arith.constant 112 : index
      %get3A_413 = tpu.vector_load %arg9[%get3A_411, %get3A_412] {strides = array<i32>} : memref<80x128xi32, #tpu.memory_space<vmem>>, vector<16xi32>,
      %gather3A_414 = tpu.vector_load_idx %arg13[%get3A_413] : memref<10240xf32, #tpu.memory_space<vmem>>[vector<16xi32>], vector<16xf32>,
      %get3A_415 = arith.index_cast %scan3A_296 : i32 to index
      %get3A_416 = arith.constant 112 : index
      %get3A_417 = tpu.vector_load %arg10[%get3A_415, %get3A_416] {strides = array<i32>} : memref<80x128xf32, #tpu.memory_space<vmem>>, vector<16xf32>,
      %mul3A_418 = arith.mulf %get3A_417, %gather3A_410 : vector<16xf32>
      %mul3A_419 = arith.mulf %mul3A_418, %gather3A_414 : vector<16xf32>
      %swap3A_420 = arith.index_cast %scan3A_296 : i32 to index
      %swap3A_421 = arith.constant 112 : index
      %swap3A_422 = tpu.vector_load %arg11[%swap3A_420, %swap3A_421] {strides = array<i32>} : memref<80x128xf32, #tpu.memory_space<vmem>>, vector<16xf32>,
      tpu.vector_store %arg11[%swap3A_420, %swap3A_421], %mul3A_419 {strides = array<i32>} : memref<80x128xf32, #tpu.memory_space<vmem>>, vector<16xf32>,
    }
    %scan3A_295 = arith.constant 80 : i32
    "tpu.region"() ({
      %run_scoped3A_296 = tpu.sem_alloc : memref<!tpu.dma_semaphore, #tpu.memory_space<semaphore_mem>>
      %dma_start3A = arith.constant 0 : i32
      %dma_start3A_297 = tpu.memref_slice %arg5[%mul3A_289, %dma_start3A] : memref<2560x128xf32, #tpu.memory_space<hbm>> -> memref<80x128xf32, #tpu.memory_space<hbm>>
      %dma_start3A_298 = arith.constant 0 : i32
      %dma_start3A_299 = tpu.memref_slice %arg5[%mul3A_289, %dma_start3A_298] : memref<2560x128xf32, #tpu.memory_space<hbm>> -> memref<80x128xf32, #tpu.memory_space<hbm>>
      tpu.enqueue_dma source(%arg11 : memref<80x128xf32, #tpu.memory_space<vmem>>) target(%dma_start3A_299 : memref<80x128xf32, #tpu.memory_space<hbm>>) target_semaphore(%run_scoped3A_296 : memref<!tpu.dma_semaphore, #tpu.memory_space<semaphore_mem>>)
      %dma_wait3A = arith.constant 0 : i32
      %dma_wait3A_300 = tpu.memref_slice %arg5[%mul3A_289, %dma_wait3A] : memref<2560x128xf32, #tpu.memory_space<hbm>> -> memref<80x128xf32, #tpu.memory_space<hbm>>
      %dma_wait3A_301 = arith.constant 0 : i32
      %dma_wait3A_302 = tpu.memref_slice %arg5[%mul3A_289, %dma_wait3A_301] : memref<2560x128xf32, #tpu.memory_space<hbm>> -> memref<80x128xf32, #tpu.memory_space<hbm>>
      tpu.wait_dma2 semaphore(%run_scoped3A_296 : memref<!tpu.dma_semaphore, #tpu.memory_space<semaphore_mem>>) src(%arg11 : memref<80x128xf32, #tpu.memory_space<vmem>>) dst(%dma_wait3A_302 : memref<80x128xf32, #tpu.memory_space<hbm>>)
      tpu.yield
    }) : () -> ()
    return
  }
}

#map = affine_map<(d0, d1) -> (0, 0)>
#map1 = affine_map<(d0, d1) -> (0, 0, 0)>
module attributes {stable_mosaic.version = 14 : i64} {
  func.func @_aggregate_body(%arg0: i32, %arg1: i32, %arg2: memref<10000x128xf32, #tpu.memory_space<hbm>>, %arg3: memref<2560x128xi32, #tpu.memory_space<hbm>>, %arg4: memref<2560x128xi32, #tpu.memory_space<hbm>>, %arg5: memref<2560x128xf32, #tpu.memory_space<hbm>>, %arg6: memref<2x10240x128xf32, #tpu.memory_space<hbm>>, %arg7: memref<3x128xi32, #tpu.memory_space<vmem>>, %arg8: memref<3x128xi32, #tpu.memory_space<vmem>>, %arg9: memref<3x128xf32, #tpu.memory_space<vmem>>, %arg10: memref<2x128x128xf32, #tpu.memory_space<vmem>>, %arg11: memref<10240x128xf32, #tpu.memory_space<vmem_shared>>, %arg12: memref<!tpu.dma_semaphore, #tpu.memory_space<semaphore_mem>>, %arg13: memref<!tpu.dma_semaphore, #tpu.memory_space<semaphore_mem>>, %arg14: memref<!tpu.dma_semaphore, #tpu.memory_space<semaphore_mem>>) attributes {dimension_semantics = [#tpu.dimension_semantics<core_parallel>, #tpu.dimension_semantics<subcore_parallel>], iteration_bounds = array<i64: 2, 16>, scalar_prefetch = 0 : i64, scratch_operands = 8 : i64, tpu.core_type = #tpu.core_type<sc_vector_subcore>, window_params = [{transform_indices = #map}, {transform_indices = #map}, {transform_indices = #map}, {transform_indices = #map}, {transform_indices = #map1}]} {
    %scan3A = arith.constant 0 : i32
    %scan3A_0 = arith.constant 0 : i32
    %scan3A_1 = arith.constant 128 : i32
    %scan3A_2 = arith.addi %scan3A_0, %scan3A_1 : i32
    %scan3A_3 = arith.constant 1 : i32
    scf.for %scan3A_358 = %scan3A_0 to %scan3A_2 step %scan3A_3  : i32 {
      %broadcast_in_dim3A = arith.constant 0.000000e+00 : f32
      %broadcast_in_dim3A_359 = vector.broadcast %broadcast_in_dim3A : f32 to vector<16xf32>
      %swap3A = arith.constant 0 : i32
      %swap3A_360 = arith.index_cast %swap3A : i32 to index
      %swap3A_361 = arith.index_cast %scan3A_358 : i32 to index
      %swap3A_362 = arith.constant 0 : index
      %swap3A_363 = tpu.vector_load %arg10[%swap3A_360, %swap3A_361, %swap3A_362] {strides = array<i32>} : memref<2x128x128xf32, #tpu.memory_space<vmem>>, vector<16xf32>,
      tpu.vector_store %arg10[%swap3A_360, %swap3A_361, %swap3A_362], %broadcast_in_dim3A_359 {strides = array<i32>} : memref<2x128x128xf32, #tpu.memory_space<vmem>>, vector<16xf32>,
      %broadcast_in_dim3A_364 = arith.constant 0.000000e+00 : f32
      %broadcast_in_dim3A_365 = vector.broadcast %broadcast_in_dim3A_364 : f32 to vector<16xf32>
      %swap3A_366 = arith.constant 0 : i32
      %swap3A_367 = arith.index_cast %swap3A_366 : i32 to index
      %swap3A_368 = arith.index_cast %scan3A_358 : i32 to index
      %swap3A_369 = arith.constant 16 : index
      %swap3A_370 = tpu.vector_load %arg10[%swap3A_367, %swap3A_368, %swap3A_369] {strides = array<i32>} : memref<2x128x128xf32, #tpu.memory_space<vmem>>, vector<16xf32>,
      tpu.vector_store %arg10[%swap3A_367, %swap3A_368, %swap3A_369], %broadcast_in_dim3A_365 {strides = array<i32>} : memref<2x128x128xf32, #tpu.memory_space<vmem>>, vector<16xf32>,
      %broadcast_in_dim3A_371 = arith.constant 0.000000e+00 : f32
      %broadcast_in_dim3A_372 = vector.broadcast %broadcast_in_dim3A_371 : f32 to vector<16xf32>
      %swap3A_373 = arith.constant 0 : i32
      %swap3A_374 = arith.index_cast %swap3A_373 : i32 to index
      %swap3A_375 = arith.index_cast %scan3A_358 : i32 to index
      %swap3A_376 = arith.constant 32 : index
      %swap3A_377 = tpu.vector_load %arg10[%swap3A_374, %swap3A_375, %swap3A_376] {strides = array<i32>} : memref<2x128x128xf32, #tpu.memory_space<vmem>>, vector<16xf32>,
      tpu.vector_store %arg10[%swap3A_374, %swap3A_375, %swap3A_376], %broadcast_in_dim3A_372 {strides = array<i32>} : memref<2x128x128xf32, #tpu.memory_space<vmem>>, vector<16xf32>,
      %broadcast_in_dim3A_378 = arith.constant 0.000000e+00 : f32
      %broadcast_in_dim3A_379 = vector.broadcast %broadcast_in_dim3A_378 : f32 to vector<16xf32>
      %swap3A_380 = arith.constant 0 : i32
      %swap3A_381 = arith.index_cast %swap3A_380 : i32 to index
      %swap3A_382 = arith.index_cast %scan3A_358 : i32 to index
      %swap3A_383 = arith.constant 48 : index
      %swap3A_384 = tpu.vector_load %arg10[%swap3A_381, %swap3A_382, %swap3A_383] {strides = array<i32>} : memref<2x128x128xf32, #tpu.memory_space<vmem>>, vector<16xf32>,
      tpu.vector_store %arg10[%swap3A_381, %swap3A_382, %swap3A_383], %broadcast_in_dim3A_379 {strides = array<i32>} : memref<2x128x128xf32, #tpu.memory_space<vmem>>, vector<16xf32>,
      %broadcast_in_dim3A_385 = arith.constant 0.000000e+00 : f32
      %broadcast_in_dim3A_386 = vector.broadcast %broadcast_in_dim3A_385 : f32 to vector<16xf32>
      %swap3A_387 = arith.constant 0 : i32
      %swap3A_388 = arith.index_cast %swap3A_387 : i32 to index
      %swap3A_389 = arith.index_cast %scan3A_358 : i32 to index
      %swap3A_390 = arith.constant 64 : index
      %swap3A_391 = tpu.vector_load %arg10[%swap3A_388, %swap3A_389, %swap3A_390] {strides = array<i32>} : memref<2x128x128xf32, #tpu.memory_space<vmem>>, vector<16xf32>,
      tpu.vector_store %arg10[%swap3A_388, %swap3A_389, %swap3A_390], %broadcast_in_dim3A_386 {strides = array<i32>} : memref<2x128x128xf32, #tpu.memory_space<vmem>>, vector<16xf32>,
      %broadcast_in_dim3A_392 = arith.constant 0.000000e+00 : f32
      %broadcast_in_dim3A_393 = vector.broadcast %broadcast_in_dim3A_392 : f32 to vector<16xf32>
      %swap3A_394 = arith.constant 0 : i32
      %swap3A_395 = arith.index_cast %swap3A_394 : i32 to index
      %swap3A_396 = arith.index_cast %scan3A_358 : i32 to index
      %swap3A_397 = arith.constant 80 : index
      %swap3A_398 = tpu.vector_load %arg10[%swap3A_395, %swap3A_396, %swap3A_397] {strides = array<i32>} : memref<2x128x128xf32, #tpu.memory_space<vmem>>, vector<16xf32>,
      tpu.vector_store %arg10[%swap3A_395, %swap3A_396, %swap3A_397], %broadcast_in_dim3A_393 {strides = array<i32>} : memref<2x128x128xf32, #tpu.memory_space<vmem>>, vector<16xf32>,
      %broadcast_in_dim3A_399 = arith.constant 0.000000e+00 : f32
      %broadcast_in_dim3A_400 = vector.broadcast %broadcast_in_dim3A_399 : f32 to vector<16xf32>
      %swap3A_401 = arith.constant 0 : i32
      %swap3A_402 = arith.index_cast %swap3A_401 : i32 to index
      %swap3A_403 = arith.index_cast %scan3A_358 : i32 to index
      %swap3A_404 = arith.constant 96 : index
      %swap3A_405 = tpu.vector_load %arg10[%swap3A_402, %swap3A_403, %swap3A_404] {strides = array<i32>} : memref<2x128x128xf32, #tpu.memory_space<vmem>>, vector<16xf32>,
      tpu.vector_store %arg10[%swap3A_402, %swap3A_403, %swap3A_404], %broadcast_in_dim3A_400 {strides = array<i32>} : memref<2x128x128xf32, #tpu.memory_space<vmem>>, vector<16xf32>,
      %broadcast_in_dim3A_406 = arith.constant 0.000000e+00 : f32
      %broadcast_in_dim3A_407 = vector.broadcast %broadcast_in_dim3A_406 : f32 to vector<16xf32>
      %swap3A_408 = arith.constant 0 : i32
      %swap3A_409 = arith.index_cast %swap3A_408 : i32 to index
      %swap3A_410 = arith.index_cast %scan3A_358 : i32 to index
      %swap3A_411 = arith.constant 112 : index
      %swap3A_412 = tpu.vector_load %arg10[%swap3A_409, %swap3A_410, %swap3A_411] {strides = array<i32>} : memref<2x128x128xf32, #tpu.memory_space<vmem>>, vector<16xf32>,
      tpu.vector_store %arg10[%swap3A_409, %swap3A_410, %swap3A_411], %broadcast_in_dim3A_407 {strides = array<i32>} : memref<2x128x128xf32, #tpu.memory_space<vmem>>, vector<16xf32>,
    }
    %scan3A_4 = arith.constant 128 : i32
    %mul3A = arith.constant 640 : i32
    %mul3A_5 = arith.muli %arg1, %mul3A : i32
    %add3A = arith.constant 0 : i32
    %add3A_6 = arith.addi %mul3A_5, %add3A : i32
    %dma_start3A = arith.constant 0 : i32
    %dma_start3A_7 = arith.constant 0 : i32
    %dma_start3A_8 = arith.constant 0 : i32
    %dma_start3A_9 = tpu.memref_slice %arg10[%dma_start3A, %dma_start3A_7, %dma_start3A_8] : memref<2x128x128xf32, #tpu.memory_space<vmem>> -> memref<1x128x128xf32, #tpu.memory_space<vmem>>
    %dma_start3A_10 = tpu.memref_squeeze %dma_start3A_9 : memref<1x128x128xf32, #tpu.memory_space<vmem>> -> memref<128x128xf32, #tpu.memory_space<vmem>>
    %dma_start3A_11 = arith.constant 0 : i32
    %dma_start3A_12 = tpu.memref_slice %arg11[%add3A_6, %dma_start3A_11] : memref<10240x128xf32, #tpu.memory_space<vmem_shared>> -> memref<128x128xf32, #tpu.memory_space<vmem_shared>>
    %dma_start3A_13 = arith.constant 0 : i32
    %dma_start3A_14 = tpu.memref_slice %arg11[%add3A_6, %dma_start3A_13] : memref<10240x128xf32, #tpu.memory_space<vmem_shared>> -> memref<128x128xf32, #tpu.memory_space<vmem_shared>>
    %dma_start3A_15 = arith.constant 0 : i32
    %dma_start3A_16 = arith.constant 0 : i32
    %dma_start3A_17 = tpu.memref_slice %arg10[%dma_start3A, %dma_start3A_15, %dma_start3A_16] : memref<2x128x128xf32, #tpu.memory_space<vmem>> -> memref<1x128x128xf32, #tpu.memory_space<vmem>>
    %dma_start3A_18 = tpu.memref_squeeze %dma_start3A_17 : memref<1x128x128xf32, #tpu.memory_space<vmem>> -> memref<128x128xf32, #tpu.memory_space<vmem>>
    tpu.enqueue_dma source(%dma_start3A_18 : memref<128x128xf32, #tpu.memory_space<vmem>>) target(%dma_start3A_14 : memref<128x128xf32, #tpu.memory_space<vmem_shared>>) target_semaphore(%arg12 : memref<!tpu.dma_semaphore, #tpu.memory_space<semaphore_mem>>)
    %mul3A_19 = arith.constant 640 : i32
    %mul3A_20 = arith.muli %arg1, %mul3A_19 : i32
    %add3A_21 = arith.constant 128 : i32
    %add3A_22 = arith.addi %mul3A_20, %add3A_21 : i32
    %dma_start3A_23 = arith.constant 0 : i32
    %dma_start3A_24 = arith.constant 0 : i32
    %dma_start3A_25 = arith.constant 0 : i32
    %dma_start3A_26 = tpu.memref_slice %arg10[%dma_start3A_23, %dma_start3A_24, %dma_start3A_25] : memref<2x128x128xf32, #tpu.memory_space<vmem>> -> memref<1x128x128xf32, #tpu.memory_space<vmem>>
    %dma_start3A_27 = tpu.memref_squeeze %dma_start3A_26 : memref<1x128x128xf32, #tpu.memory_space<vmem>> -> memref<128x128xf32, #tpu.memory_space<vmem>>
    %dma_start3A_28 = arith.constant 0 : i32
    %dma_start3A_29 = tpu.memref_slice %arg11[%add3A_22, %dma_start3A_28] : memref<10240x128xf32, #tpu.memory_space<vmem_shared>> -> memref<128x128xf32, #tpu.memory_space<vmem_shared>>
    %dma_start3A_30 = arith.constant 0 : i32
    %dma_start3A_31 = tpu.memref_slice %arg11[%add3A_22, %dma_start3A_30] : memref<10240x128xf32, #tpu.memory_space<vmem_shared>> -> memref<128x128xf32, #tpu.memory_space<vmem_shared>>
    %dma_start3A_32 = arith.constant 0 : i32
    %dma_start3A_33 = arith.constant 0 : i32
    %dma_start3A_34 = tpu.memref_slice %arg10[%dma_start3A_23, %dma_start3A_32, %dma_start3A_33] : memref<2x128x128xf32, #tpu.memory_space<vmem>> -> memref<1x128x128xf32, #tpu.memory_space<vmem>>
    %dma_start3A_35 = tpu.memref_squeeze %dma_start3A_34 : memref<1x128x128xf32, #tpu.memory_space<vmem>> -> memref<128x128xf32, #tpu.memory_space<vmem>>
    tpu.enqueue_dma source(%dma_start3A_35 : memref<128x128xf32, #tpu.memory_space<vmem>>) target(%dma_start3A_31 : memref<128x128xf32, #tpu.memory_space<vmem_shared>>) target_semaphore(%arg12 : memref<!tpu.dma_semaphore, #tpu.memory_space<semaphore_mem>>)
    %mul3A_36 = arith.constant 640 : i32
    %mul3A_37 = arith.muli %arg1, %mul3A_36 : i32
    %add3A_38 = arith.constant 256 : i32
    %add3A_39 = arith.addi %mul3A_37, %add3A_38 : i32
    %dma_start3A_40 = arith.constant 0 : i32
    %dma_start3A_41 = arith.constant 0 : i32
    %dma_start3A_42 = arith.constant 0 : i32
    %dma_start3A_43 = tpu.memref_slice %arg10[%dma_start3A_40, %dma_start3A_41, %dma_start3A_42] : memref<2x128x128xf32, #tpu.memory_space<vmem>> -> memref<1x128x128xf32, #tpu.memory_space<vmem>>
    %dma_start3A_44 = tpu.memref_squeeze %dma_start3A_43 : memref<1x128x128xf32, #tpu.memory_space<vmem>> -> memref<128x128xf32, #tpu.memory_space<vmem>>
    %dma_start3A_45 = arith.constant 0 : i32
    %dma_start3A_46 = tpu.memref_slice %arg11[%add3A_39, %dma_start3A_45] : memref<10240x128xf32, #tpu.memory_space<vmem_shared>> -> memref<128x128xf32, #tpu.memory_space<vmem_shared>>
    %dma_start3A_47 = arith.constant 0 : i32
    %dma_start3A_48 = tpu.memref_slice %arg11[%add3A_39, %dma_start3A_47] : memref<10240x128xf32, #tpu.memory_space<vmem_shared>> -> memref<128x128xf32, #tpu.memory_space<vmem_shared>>
    %dma_start3A_49 = arith.constant 0 : i32
    %dma_start3A_50 = arith.constant 0 : i32
    %dma_start3A_51 = tpu.memref_slice %arg10[%dma_start3A_40, %dma_start3A_49, %dma_start3A_50] : memref<2x128x128xf32, #tpu.memory_space<vmem>> -> memref<1x128x128xf32, #tpu.memory_space<vmem>>
    %dma_start3A_52 = tpu.memref_squeeze %dma_start3A_51 : memref<1x128x128xf32, #tpu.memory_space<vmem>> -> memref<128x128xf32, #tpu.memory_space<vmem>>
    tpu.enqueue_dma source(%dma_start3A_52 : memref<128x128xf32, #tpu.memory_space<vmem>>) target(%dma_start3A_48 : memref<128x128xf32, #tpu.memory_space<vmem_shared>>) target_semaphore(%arg12 : memref<!tpu.dma_semaphore, #tpu.memory_space<semaphore_mem>>)
    %mul3A_53 = arith.constant 640 : i32
    %mul3A_54 = arith.muli %arg1, %mul3A_53 : i32
    %add3A_55 = arith.constant 384 : i32
    %add3A_56 = arith.addi %mul3A_54, %add3A_55 : i32
    %dma_start3A_57 = arith.constant 0 : i32
    %dma_start3A_58 = arith.constant 0 : i32
    %dma_start3A_59 = arith.constant 0 : i32
    %dma_start3A_60 = tpu.memref_slice %arg10[%dma_start3A_57, %dma_start3A_58, %dma_start3A_59] : memref<2x128x128xf32, #tpu.memory_space<vmem>> -> memref<1x128x128xf32, #tpu.memory_space<vmem>>
    %dma_start3A_61 = tpu.memref_squeeze %dma_start3A_60 : memref<1x128x128xf32, #tpu.memory_space<vmem>> -> memref<128x128xf32, #tpu.memory_space<vmem>>
    %dma_start3A_62 = arith.constant 0 : i32
    %dma_start3A_63 = tpu.memref_slice %arg11[%add3A_56, %dma_start3A_62] : memref<10240x128xf32, #tpu.memory_space<vmem_shared>> -> memref<128x128xf32, #tpu.memory_space<vmem_shared>>
    %dma_start3A_64 = arith.constant 0 : i32
    %dma_start3A_65 = tpu.memref_slice %arg11[%add3A_56, %dma_start3A_64] : memref<10240x128xf32, #tpu.memory_space<vmem_shared>> -> memref<128x128xf32, #tpu.memory_space<vmem_shared>>
    %dma_start3A_66 = arith.constant 0 : i32
    %dma_start3A_67 = arith.constant 0 : i32
    %dma_start3A_68 = tpu.memref_slice %arg10[%dma_start3A_57, %dma_start3A_66, %dma_start3A_67] : memref<2x128x128xf32, #tpu.memory_space<vmem>> -> memref<1x128x128xf32, #tpu.memory_space<vmem>>
    %dma_start3A_69 = tpu.memref_squeeze %dma_start3A_68 : memref<1x128x128xf32, #tpu.memory_space<vmem>> -> memref<128x128xf32, #tpu.memory_space<vmem>>
    tpu.enqueue_dma source(%dma_start3A_69 : memref<128x128xf32, #tpu.memory_space<vmem>>) target(%dma_start3A_65 : memref<128x128xf32, #tpu.memory_space<vmem_shared>>) target_semaphore(%arg12 : memref<!tpu.dma_semaphore, #tpu.memory_space<semaphore_mem>>)
    %mul3A_70 = arith.constant 640 : i32
    %mul3A_71 = arith.muli %arg1, %mul3A_70 : i32
    %add3A_72 = arith.constant 512 : i32
    %add3A_73 = arith.addi %mul3A_71, %add3A_72 : i32
    %dma_start3A_74 = arith.constant 0 : i32
    %dma_start3A_75 = arith.constant 0 : i32
    %dma_start3A_76 = arith.constant 0 : i32
    %dma_start3A_77 = tpu.memref_slice %arg10[%dma_start3A_74, %dma_start3A_75, %dma_start3A_76] : memref<2x128x128xf32, #tpu.memory_space<vmem>> -> memref<1x128x128xf32, #tpu.memory_space<vmem>>
    %dma_start3A_78 = tpu.memref_squeeze %dma_start3A_77 : memref<1x128x128xf32, #tpu.memory_space<vmem>> -> memref<128x128xf32, #tpu.memory_space<vmem>>
    %dma_start3A_79 = arith.constant 0 : i32
    %dma_start3A_80 = tpu.memref_slice %arg11[%add3A_73, %dma_start3A_79] : memref<10240x128xf32, #tpu.memory_space<vmem_shared>> -> memref<128x128xf32, #tpu.memory_space<vmem_shared>>
    %dma_start3A_81 = arith.constant 0 : i32
    %dma_start3A_82 = tpu.memref_slice %arg11[%add3A_73, %dma_start3A_81] : memref<10240x128xf32, #tpu.memory_space<vmem_shared>> -> memref<128x128xf32, #tpu.memory_space<vmem_shared>>
    %dma_start3A_83 = arith.constant 0 : i32
    %dma_start3A_84 = arith.constant 0 : i32
    %dma_start3A_85 = tpu.memref_slice %arg10[%dma_start3A_74, %dma_start3A_83, %dma_start3A_84] : memref<2x128x128xf32, #tpu.memory_space<vmem>> -> memref<1x128x128xf32, #tpu.memory_space<vmem>>
    %dma_start3A_86 = tpu.memref_squeeze %dma_start3A_85 : memref<1x128x128xf32, #tpu.memory_space<vmem>> -> memref<128x128xf32, #tpu.memory_space<vmem>>
    tpu.enqueue_dma source(%dma_start3A_86 : memref<128x128xf32, #tpu.memory_space<vmem>>) target(%dma_start3A_82 : memref<128x128xf32, #tpu.memory_space<vmem_shared>>) target_semaphore(%arg12 : memref<!tpu.dma_semaphore, #tpu.memory_space<semaphore_mem>>)
    %mul3A_87 = arith.constant 640 : i32
    %mul3A_88 = arith.muli %arg1, %mul3A_87 : i32
    %add3A_89 = arith.constant 0 : i32
    %add3A_90 = arith.addi %mul3A_88, %add3A_89 : i32
    %dma_wait3A = arith.constant 0 : i32
    %dma_wait3A_91 = arith.constant 0 : i32
    %dma_wait3A_92 = arith.constant 0 : i32
    %dma_wait3A_93 = tpu.memref_slice %arg10[%dma_wait3A, %dma_wait3A_91, %dma_wait3A_92] : memref<2x128x128xf32, #tpu.memory_space<vmem>> -> memref<1x128x128xf32, #tpu.memory_space<vmem>>
    %dma_wait3A_94 = tpu.memref_squeeze %dma_wait3A_93 : memref<1x128x128xf32, #tpu.memory_space<vmem>> -> memref<128x128xf32, #tpu.memory_space<vmem>>
    %dma_wait3A_95 = arith.constant 0 : i32
    %dma_wait3A_96 = tpu.memref_slice %arg11[%add3A_90, %dma_wait3A_95] : memref<10240x128xf32, #tpu.memory_space<vmem_shared>> -> memref<128x128xf32, #tpu.memory_space<vmem_shared>>
    %dma_wait3A_97 = arith.constant 0 : i32
    %dma_wait3A_98 = tpu.memref_slice %arg11[%add3A_90, %dma_wait3A_97] : memref<10240x128xf32, #tpu.memory_space<vmem_shared>> -> memref<128x128xf32, #tpu.memory_space<vmem_shared>>
    %dma_wait3A_99 = arith.constant 0 : i32
    %dma_wait3A_100 = arith.constant 0 : i32
    %dma_wait3A_101 = tpu.memref_slice %arg10[%dma_wait3A, %dma_wait3A_99, %dma_wait3A_100] : memref<2x128x128xf32, #tpu.memory_space<vmem>> -> memref<1x128x128xf32, #tpu.memory_space<vmem>>
    %dma_wait3A_102 = tpu.memref_squeeze %dma_wait3A_101 : memref<1x128x128xf32, #tpu.memory_space<vmem>> -> memref<128x128xf32, #tpu.memory_space<vmem>>
    tpu.wait_dma2 semaphore(%arg12 : memref<!tpu.dma_semaphore, #tpu.memory_space<semaphore_mem>>) src(%dma_wait3A_102 : memref<128x128xf32, #tpu.memory_space<vmem>>) dst(%dma_wait3A_98 : memref<128x128xf32, #tpu.memory_space<vmem_shared>>)
    %mul3A_103 = arith.constant 640 : i32
    %mul3A_104 = arith.muli %arg1, %mul3A_103 : i32
    %add3A_105 = arith.constant 128 : i32
    %add3A_106 = arith.addi %mul3A_104, %add3A_105 : i32
    %dma_wait3A_107 = arith.constant 0 : i32
    %dma_wait3A_108 = arith.constant 0 : i32
    %dma_wait3A_109 = arith.constant 0 : i32
    %dma_wait3A_110 = tpu.memref_slice %arg10[%dma_wait3A_107, %dma_wait3A_108, %dma_wait3A_109] : memref<2x128x128xf32, #tpu.memory_space<vmem>> -> memref<1x128x128xf32, #tpu.memory_space<vmem>>
    %dma_wait3A_111 = tpu.memref_squeeze %dma_wait3A_110 : memref<1x128x128xf32, #tpu.memory_space<vmem>> -> memref<128x128xf32, #tpu.memory_space<vmem>>
    %dma_wait3A_112 = arith.constant 0 : i32
    %dma_wait3A_113 = tpu.memref_slice %arg11[%add3A_106, %dma_wait3A_112] : memref<10240x128xf32, #tpu.memory_space<vmem_shared>> -> memref<128x128xf32, #tpu.memory_space<vmem_shared>>
    %dma_wait3A_114 = arith.constant 0 : i32
    %dma_wait3A_115 = tpu.memref_slice %arg11[%add3A_106, %dma_wait3A_114] : memref<10240x128xf32, #tpu.memory_space<vmem_shared>> -> memref<128x128xf32, #tpu.memory_space<vmem_shared>>
    %dma_wait3A_116 = arith.constant 0 : i32
    %dma_wait3A_117 = arith.constant 0 : i32
    %dma_wait3A_118 = tpu.memref_slice %arg10[%dma_wait3A_107, %dma_wait3A_116, %dma_wait3A_117] : memref<2x128x128xf32, #tpu.memory_space<vmem>> -> memref<1x128x128xf32, #tpu.memory_space<vmem>>
    %dma_wait3A_119 = tpu.memref_squeeze %dma_wait3A_118 : memref<1x128x128xf32, #tpu.memory_space<vmem>> -> memref<128x128xf32, #tpu.memory_space<vmem>>
    tpu.wait_dma2 semaphore(%arg12 : memref<!tpu.dma_semaphore, #tpu.memory_space<semaphore_mem>>) src(%dma_wait3A_119 : memref<128x128xf32, #tpu.memory_space<vmem>>) dst(%dma_wait3A_115 : memref<128x128xf32, #tpu.memory_space<vmem_shared>>)
    %mul3A_120 = arith.constant 640 : i32
    %mul3A_121 = arith.muli %arg1, %mul3A_120 : i32
    %add3A_122 = arith.constant 256 : i32
    %add3A_123 = arith.addi %mul3A_121, %add3A_122 : i32
    %dma_wait3A_124 = arith.constant 0 : i32
    %dma_wait3A_125 = arith.constant 0 : i32
    %dma_wait3A_126 = arith.constant 0 : i32
    %dma_wait3A_127 = tpu.memref_slice %arg10[%dma_wait3A_124, %dma_wait3A_125, %dma_wait3A_126] : memref<2x128x128xf32, #tpu.memory_space<vmem>> -> memref<1x128x128xf32, #tpu.memory_space<vmem>>
    %dma_wait3A_128 = tpu.memref_squeeze %dma_wait3A_127 : memref<1x128x128xf32, #tpu.memory_space<vmem>> -> memref<128x128xf32, #tpu.memory_space<vmem>>
    %dma_wait3A_129 = arith.constant 0 : i32
    %dma_wait3A_130 = tpu.memref_slice %arg11[%add3A_123, %dma_wait3A_129] : memref<10240x128xf32, #tpu.memory_space<vmem_shared>> -> memref<128x128xf32, #tpu.memory_space<vmem_shared>>
    %dma_wait3A_131 = arith.constant 0 : i32
    %dma_wait3A_132 = tpu.memref_slice %arg11[%add3A_123, %dma_wait3A_131] : memref<10240x128xf32, #tpu.memory_space<vmem_shared>> -> memref<128x128xf32, #tpu.memory_space<vmem_shared>>
    %dma_wait3A_133 = arith.constant 0 : i32
    %dma_wait3A_134 = arith.constant 0 : i32
    %dma_wait3A_135 = tpu.memref_slice %arg10[%dma_wait3A_124, %dma_wait3A_133, %dma_wait3A_134] : memref<2x128x128xf32, #tpu.memory_space<vmem>> -> memref<1x128x128xf32, #tpu.memory_space<vmem>>
    %dma_wait3A_136 = tpu.memref_squeeze %dma_wait3A_135 : memref<1x128x128xf32, #tpu.memory_space<vmem>> -> memref<128x128xf32, #tpu.memory_space<vmem>>
    tpu.wait_dma2 semaphore(%arg12 : memref<!tpu.dma_semaphore, #tpu.memory_space<semaphore_mem>>) src(%dma_wait3A_136 : memref<128x128xf32, #tpu.memory_space<vmem>>) dst(%dma_wait3A_132 : memref<128x128xf32, #tpu.memory_space<vmem_shared>>)
    %mul3A_137 = arith.constant 640 : i32
    %mul3A_138 = arith.muli %arg1, %mul3A_137 : i32
    %add3A_139 = arith.constant 384 : i32
    %add3A_140 = arith.addi %mul3A_138, %add3A_139 : i32
    %dma_wait3A_141 = arith.constant 0 : i32
    %dma_wait3A_142 = arith.constant 0 : i32
    %dma_wait3A_143 = arith.constant 0 : i32
    %dma_wait3A_144 = tpu.memref_slice %arg10[%dma_wait3A_141, %dma_wait3A_142, %dma_wait3A_143] : memref<2x128x128xf32, #tpu.memory_space<vmem>> -> memref<1x128x128xf32, #tpu.memory_space<vmem>>
    %dma_wait3A_145 = tpu.memref_squeeze %dma_wait3A_144 : memref<1x128x128xf32, #tpu.memory_space<vmem>> -> memref<128x128xf32, #tpu.memory_space<vmem>>
    %dma_wait3A_146 = arith.constant 0 : i32
    %dma_wait3A_147 = tpu.memref_slice %arg11[%add3A_140, %dma_wait3A_146] : memref<10240x128xf32, #tpu.memory_space<vmem_shared>> -> memref<128x128xf32, #tpu.memory_space<vmem_shared>>
    %dma_wait3A_148 = arith.constant 0 : i32
    %dma_wait3A_149 = tpu.memref_slice %arg11[%add3A_140, %dma_wait3A_148] : memref<10240x128xf32, #tpu.memory_space<vmem_shared>> -> memref<128x128xf32, #tpu.memory_space<vmem_shared>>
    %dma_wait3A_150 = arith.constant 0 : i32
    %dma_wait3A_151 = arith.constant 0 : i32
    %dma_wait3A_152 = tpu.memref_slice %arg10[%dma_wait3A_141, %dma_wait3A_150, %dma_wait3A_151] : memref<2x128x128xf32, #tpu.memory_space<vmem>> -> memref<1x128x128xf32, #tpu.memory_space<vmem>>
    %dma_wait3A_153 = tpu.memref_squeeze %dma_wait3A_152 : memref<1x128x128xf32, #tpu.memory_space<vmem>> -> memref<128x128xf32, #tpu.memory_space<vmem>>
    tpu.wait_dma2 semaphore(%arg12 : memref<!tpu.dma_semaphore, #tpu.memory_space<semaphore_mem>>) src(%dma_wait3A_153 : memref<128x128xf32, #tpu.memory_space<vmem>>) dst(%dma_wait3A_149 : memref<128x128xf32, #tpu.memory_space<vmem_shared>>)
    %mul3A_154 = arith.constant 640 : i32
    %mul3A_155 = arith.muli %arg1, %mul3A_154 : i32
    %add3A_156 = arith.constant 512 : i32
    %add3A_157 = arith.addi %mul3A_155, %add3A_156 : i32
    %dma_wait3A_158 = arith.constant 0 : i32
    %dma_wait3A_159 = arith.constant 0 : i32
    %dma_wait3A_160 = arith.constant 0 : i32
    %dma_wait3A_161 = tpu.memref_slice %arg10[%dma_wait3A_158, %dma_wait3A_159, %dma_wait3A_160] : memref<2x128x128xf32, #tpu.memory_space<vmem>> -> memref<1x128x128xf32, #tpu.memory_space<vmem>>
    %dma_wait3A_162 = tpu.memref_squeeze %dma_wait3A_161 : memref<1x128x128xf32, #tpu.memory_space<vmem>> -> memref<128x128xf32, #tpu.memory_space<vmem>>
    %dma_wait3A_163 = arith.constant 0 : i32
    %dma_wait3A_164 = tpu.memref_slice %arg11[%add3A_157, %dma_wait3A_163] : memref<10240x128xf32, #tpu.memory_space<vmem_shared>> -> memref<128x128xf32, #tpu.memory_space<vmem_shared>>
    %dma_wait3A_165 = arith.constant 0 : i32
    %dma_wait3A_166 = tpu.memref_slice %arg11[%add3A_157, %dma_wait3A_165] : memref<10240x128xf32, #tpu.memory_space<vmem_shared>> -> memref<128x128xf32, #tpu.memory_space<vmem_shared>>
    %dma_wait3A_167 = arith.constant 0 : i32
    %dma_wait3A_168 = arith.constant 0 : i32
    %dma_wait3A_169 = tpu.memref_slice %arg10[%dma_wait3A_158, %dma_wait3A_167, %dma_wait3A_168] : memref<2x128x128xf32, #tpu.memory_space<vmem>> -> memref<1x128x128xf32, #tpu.memory_space<vmem>>
    %dma_wait3A_170 = tpu.memref_squeeze %dma_wait3A_169 : memref<1x128x128xf32, #tpu.memory_space<vmem>> -> memref<128x128xf32, #tpu.memory_space<vmem>>
    tpu.wait_dma2 semaphore(%arg12 : memref<!tpu.dma_semaphore, #tpu.memory_space<semaphore_mem>>) src(%dma_wait3A_170 : memref<128x128xf32, #tpu.memory_space<vmem>>) dst(%dma_wait3A_166 : memref<128x128xf32, #tpu.memory_space<vmem_shared>>)
    %barrier3A = arith.constant 0 : index
    tpu.barrier barrier_id(%barrier3A)
    %mul3A_171 = arith.constant 16 : i32
    %mul3A_172 = arith.muli %arg0, %mul3A_171 : i32
    %add3A_173 = arith.addi %mul3A_172, %arg1 : i32
    %mul3A_174 = arith.constant 80 : i32
    %mul3A_175 = arith.muli %add3A_173, %mul3A_174 : i32
    %add3A_176 = arith.constant 0 : i32
    %add3A_177 = arith.addi %mul3A_175, %add3A_176 : i32
    %add3A_178 = arith.constant 0 : i32
    %add3A_179 = arith.addi %mul3A_175, %add3A_178 : i32
    %add3A_180 = arith.constant 0 : i32
    %add3A_181 = arith.addi %mul3A_175, %add3A_180 : i32
    %dma_start3A_182 = arith.constant 0 : i32
    %dma_start3A_183 = arith.constant 0 : i32
    %dma_start3A_184 = tpu.memref_slice %arg7[%dma_start3A_182, %dma_start3A_183] : memref<3x128xi32, #tpu.memory_space<vmem>> -> memref<1x128xi32, #tpu.memory_space<vmem>>
    %dma_start3A_185 = tpu.memref_squeeze %dma_start3A_184 : memref<1x128xi32, #tpu.memory_space<vmem>> -> memref<128xi32, #tpu.memory_space<vmem>>
    %dma_start3A_186 = arith.constant 0 : i32
    %dma_start3A_187 = tpu.memref_slice %arg3[%add3A_177, %dma_start3A_186] : memref<2560x128xi32, #tpu.memory_space<hbm>> -> memref<1x128xi32, #tpu.memory_space<hbm>>
    %dma_start3A_188 = tpu.memref_squeeze %dma_start3A_187 : memref<1x128xi32, #tpu.memory_space<hbm>> -> memref<128xi32, #tpu.memory_space<hbm>>
    %dma_start3A_189 = arith.constant 0 : i32
    %dma_start3A_190 = tpu.memref_slice %arg7[%dma_start3A_182, %dma_start3A_189] : memref<3x128xi32, #tpu.memory_space<vmem>> -> memref<1x128xi32, #tpu.memory_space<vmem>>
    %dma_start3A_191 = tpu.memref_squeeze %dma_start3A_190 : memref<1x128xi32, #tpu.memory_space<vmem>> -> memref<128xi32, #tpu.memory_space<vmem>>
    %dma_start3A_192 = arith.constant 0 : i32
    %dma_start3A_193 = tpu.memref_slice %arg3[%add3A_177, %dma_start3A_192] : memref<2560x128xi32, #tpu.memory_space<hbm>> -> memref<1x128xi32, #tpu.memory_space<hbm>>
    %dma_start3A_194 = tpu.memref_squeeze %dma_start3A_193 : memref<1x128xi32, #tpu.memory_space<hbm>> -> memref<128xi32, #tpu.memory_space<hbm>>
    tpu.enqueue_dma source(%dma_start3A_194 : memref<128xi32, #tpu.memory_space<hbm>>) target(%dma_start3A_191 : memref<128xi32, #tpu.memory_space<vmem>>) target_semaphore(%arg14 : memref<!tpu.dma_semaphore, #tpu.memory_space<semaphore_mem>>)
    %dma_start3A_195 = arith.constant 0 : i32
    %dma_start3A_196 = arith.constant 0 : i32
    %dma_start3A_197 = tpu.memref_slice %arg8[%dma_start3A_195, %dma_start3A_196] : memref<3x128xi32, #tpu.memory_space<vmem>> -> memref<1x128xi32, #tpu.memory_space<vmem>>
    %dma_start3A_198 = tpu.memref_squeeze %dma_start3A_197 : memref<1x128xi32, #tpu.memory_space<vmem>> -> memref<128xi32, #tpu.memory_space<vmem>>
    %dma_start3A_199 = arith.constant 0 : i32
    %dma_start3A_200 = tpu.memref_slice %arg4[%add3A_179, %dma_start3A_199] : memref<2560x128xi32, #tpu.memory_space<hbm>> -> memref<1x128xi32, #tpu.memory_space<hbm>>
    %dma_start3A_201 = tpu.memref_squeeze %dma_start3A_200 : memref<1x128xi32, #tpu.memory_space<hbm>> -> memref<128xi32, #tpu.memory_space<hbm>>
    %dma_start3A_202 = arith.constant 0 : i32
    %dma_start3A_203 = tpu.memref_slice %arg8[%dma_start3A_195, %dma_start3A_202] : memref<3x128xi32, #tpu.memory_space<vmem>> -> memref<1x128xi32, #tpu.memory_space<vmem>>
    %dma_start3A_204 = tpu.memref_squeeze %dma_start3A_203 : memref<1x128xi32, #tpu.memory_space<vmem>> -> memref<128xi32, #tpu.memory_space<vmem>>
    %dma_start3A_205 = arith.constant 0 : i32
    %dma_start3A_206 = tpu.memref_slice %arg4[%add3A_179, %dma_start3A_205] : memref<2560x128xi32, #tpu.memory_space<hbm>> -> memref<1x128xi32, #tpu.memory_space<hbm>>
    %dma_start3A_207 = tpu.memref_squeeze %dma_start3A_206 : memref<1x128xi32, #tpu.memory_space<hbm>> -> memref<128xi32, #tpu.memory_space<hbm>>
    tpu.enqueue_dma source(%dma_start3A_207 : memref<128xi32, #tpu.memory_space<hbm>>) target(%dma_start3A_204 : memref<128xi32, #tpu.memory_space<vmem>>) target_semaphore(%arg14 : memref<!tpu.dma_semaphore, #tpu.memory_space<semaphore_mem>>)
    %dma_start3A_208 = arith.constant 0 : i32
    %dma_start3A_209 = arith.constant 0 : i32
    %dma_start3A_210 = tpu.memref_slice %arg9[%dma_start3A_208, %dma_start3A_209] : memref<3x128xf32, #tpu.memory_space<vmem>> -> memref<1x128xf32, #tpu.memory_space<vmem>>
    %dma_start3A_211 = tpu.memref_squeeze %dma_start3A_210 : memref<1x128xf32, #tpu.memory_space<vmem>> -> memref<128xf32, #tpu.memory_space<vmem>>
    %dma_start3A_212 = arith.constant 0 : i32
    %dma_start3A_213 = tpu.memref_slice %arg5[%add3A_181, %dma_start3A_212] : memref<2560x128xf32, #tpu.memory_space<hbm>> -> memref<1x128xf32, #tpu.memory_space<hbm>>
    %dma_start3A_214 = tpu.memref_squeeze %dma_start3A_213 : memref<1x128xf32, #tpu.memory_space<hbm>> -> memref<128xf32, #tpu.memory_space<hbm>>
    %dma_start3A_215 = arith.constant 0 : i32
    %dma_start3A_216 = tpu.memref_slice %arg9[%dma_start3A_208, %dma_start3A_215] : memref<3x128xf32, #tpu.memory_space<vmem>> -> memref<1x128xf32, #tpu.memory_space<vmem>>
    %dma_start3A_217 = tpu.memref_squeeze %dma_start3A_216 : memref<1x128xf32, #tpu.memory_space<vmem>> -> memref<128xf32, #tpu.memory_space<vmem>>
    %dma_start3A_218 = arith.constant 0 : i32
    %dma_start3A_219 = tpu.memref_slice %arg5[%add3A_181, %dma_start3A_218] : memref<2560x128xf32, #tpu.memory_space<hbm>> -> memref<1x128xf32, #tpu.memory_space<hbm>>
    %dma_start3A_220 = tpu.memref_squeeze %dma_start3A_219 : memref<1x128xf32, #tpu.memory_space<hbm>> -> memref<128xf32, #tpu.memory_space<hbm>>
    tpu.enqueue_dma source(%dma_start3A_220 : memref<128xf32, #tpu.memory_space<hbm>>) target(%dma_start3A_217 : memref<128xf32, #tpu.memory_space<vmem>>) target_semaphore(%arg14 : memref<!tpu.dma_semaphore, #tpu.memory_space<semaphore_mem>>)
    %add3A_221 = arith.constant 0 : i32
    %add3A_222 = arith.addi %mul3A_175, %add3A_221 : i32
    %add3A_223 = arith.constant 0 : i32
    %add3A_224 = arith.addi %mul3A_175, %add3A_223 : i32
    %add3A_225 = arith.constant 0 : i32
    %add3A_226 = arith.addi %mul3A_175, %add3A_225 : i32
    %dma_wait3A_227 = arith.constant 0 : i32
    %dma_wait3A_228 = arith.constant 0 : i32
    %dma_wait3A_229 = tpu.memref_slice %arg7[%dma_wait3A_227, %dma_wait3A_228] : memref<3x128xi32, #tpu.memory_space<vmem>> -> memref<1x128xi32, #tpu.memory_space<vmem>>
    %dma_wait3A_230 = tpu.memref_squeeze %dma_wait3A_229 : memref<1x128xi32, #tpu.memory_space<vmem>> -> memref<128xi32, #tpu.memory_space<vmem>>
    %dma_wait3A_231 = arith.constant 0 : i32
    %dma_wait3A_232 = tpu.memref_slice %arg3[%add3A_222, %dma_wait3A_231] : memref<2560x128xi32, #tpu.memory_space<hbm>> -> memref<1x128xi32, #tpu.memory_space<hbm>>
    %dma_wait3A_233 = tpu.memref_squeeze %dma_wait3A_232 : memref<1x128xi32, #tpu.memory_space<hbm>> -> memref<128xi32, #tpu.memory_space<hbm>>
    %dma_wait3A_234 = arith.constant 0 : i32
    %dma_wait3A_235 = tpu.memref_slice %arg7[%dma_wait3A_227, %dma_wait3A_234] : memref<3x128xi32, #tpu.memory_space<vmem>> -> memref<1x128xi32, #tpu.memory_space<vmem>>
    %dma_wait3A_236 = tpu.memref_squeeze %dma_wait3A_235 : memref<1x128xi32, #tpu.memory_space<vmem>> -> memref<128xi32, #tpu.memory_space<vmem>>
    %dma_wait3A_237 = arith.constant 0 : i32
    %dma_wait3A_238 = tpu.memref_slice %arg3[%add3A_222, %dma_wait3A_237] : memref<2560x128xi32, #tpu.memory_space<hbm>> -> memref<1x128xi32, #tpu.memory_space<hbm>>
    %dma_wait3A_239 = tpu.memref_squeeze %dma_wait3A_238 : memref<1x128xi32, #tpu.memory_space<hbm>> -> memref<128xi32, #tpu.memory_space<hbm>>
    tpu.wait_dma2 semaphore(%arg14 : memref<!tpu.dma_semaphore, #tpu.memory_space<semaphore_mem>>) src(%dma_wait3A_239 : memref<128xi32, #tpu.memory_space<hbm>>) dst(%dma_wait3A_236 : memref<128xi32, #tpu.memory_space<vmem>>)
    %dma_wait3A_240 = arith.constant 0 : i32
    %dma_wait3A_241 = arith.constant 0 : i32
    %dma_wait3A_242 = tpu.memref_slice %arg8[%dma_wait3A_240, %dma_wait3A_241] : memref<3x128xi32, #tpu.memory_space<vmem>> -> memref<1x128xi32, #tpu.memory_space<vmem>>
    %dma_wait3A_243 = tpu.memref_squeeze %dma_wait3A_242 : memref<1x128xi32, #tpu.memory_space<vmem>> -> memref<128xi32, #tpu.memory_space<vmem>>
    %dma_wait3A_244 = arith.constant 0 : i32
    %dma_wait3A_245 = tpu.memref_slice %arg4[%add3A_224, %dma_wait3A_244] : memref<2560x128xi32, #tpu.memory_space<hbm>> -> memref<1x128xi32, #tpu.memory_space<hbm>>
    %dma_wait3A_246 = tpu.memref_squeeze %dma_wait3A_245 : memref<1x128xi32, #tpu.memory_space<hbm>> -> memref<128xi32, #tpu.memory_space<hbm>>
    %dma_wait3A_247 = arith.constant 0 : i32
    %dma_wait3A_248 = tpu.memref_slice %arg8[%dma_wait3A_240, %dma_wait3A_247] : memref<3x128xi32, #tpu.memory_space<vmem>> -> memref<1x128xi32, #tpu.memory_space<vmem>>
    %dma_wait3A_249 = tpu.memref_squeeze %dma_wait3A_248 : memref<1x128xi32, #tpu.memory_space<vmem>> -> memref<128xi32, #tpu.memory_space<vmem>>
    %dma_wait3A_250 = arith.constant 0 : i32
    %dma_wait3A_251 = tpu.memref_slice %arg4[%add3A_224, %dma_wait3A_250] : memref<2560x128xi32, #tpu.memory_space<hbm>> -> memref<1x128xi32, #tpu.memory_space<hbm>>
    %dma_wait3A_252 = tpu.memref_squeeze %dma_wait3A_251 : memref<1x128xi32, #tpu.memory_space<hbm>> -> memref<128xi32, #tpu.memory_space<hbm>>
    tpu.wait_dma2 semaphore(%arg14 : memref<!tpu.dma_semaphore, #tpu.memory_space<semaphore_mem>>) src(%dma_wait3A_252 : memref<128xi32, #tpu.memory_space<hbm>>) dst(%dma_wait3A_249 : memref<128xi32, #tpu.memory_space<vmem>>)
    %dma_wait3A_253 = arith.constant 0 : i32
    %dma_wait3A_254 = arith.constant 0 : i32
    %dma_wait3A_255 = tpu.memref_slice %arg9[%dma_wait3A_253, %dma_wait3A_254] : memref<3x128xf32, #tpu.memory_space<vmem>> -> memref<1x128xf32, #tpu.memory_space<vmem>>
    %dma_wait3A_256 = tpu.memref_squeeze %dma_wait3A_255 : memref<1x128xf32, #tpu.memory_space<vmem>> -> memref<128xf32, #tpu.memory_space<vmem>>
    %dma_wait3A_257 = arith.constant 0 : i32
    %dma_wait3A_258 = tpu.memref_slice %arg5[%add3A_226, %dma_wait3A_257] : memref<2560x128xf32, #tpu.memory_space<hbm>> -> memref<1x128xf32, #tpu.memory_space<hbm>>
    %dma_wait3A_259 = tpu.memref_squeeze %dma_wait3A_258 : memref<1x128xf32, #tpu.memory_space<hbm>> -> memref<128xf32, #tpu.memory_space<hbm>>
    %dma_wait3A_260 = arith.constant 0 : i32
    %dma_wait3A_261 = tpu.memref_slice %arg9[%dma_wait3A_253, %dma_wait3A_260] : memref<3x128xf32, #tpu.memory_space<vmem>> -> memref<1x128xf32, #tpu.memory_space<vmem>>
    %dma_wait3A_262 = tpu.memref_squeeze %dma_wait3A_261 : memref<1x128xf32, #tpu.memory_space<vmem>> -> memref<128xf32, #tpu.memory_space<vmem>>
    %dma_wait3A_263 = arith.constant 0 : i32
    %dma_wait3A_264 = tpu.memref_slice %arg5[%add3A_226, %dma_wait3A_263] : memref<2560x128xf32, #tpu.memory_space<hbm>> -> memref<1x128xf32, #tpu.memory_space<hbm>>
    %dma_wait3A_265 = tpu.memref_squeeze %dma_wait3A_264 : memref<1x128xf32, #tpu.memory_space<hbm>> -> memref<128xf32, #tpu.memory_space<hbm>>
    tpu.wait_dma2 semaphore(%arg14 : memref<!tpu.dma_semaphore, #tpu.memory_space<semaphore_mem>>) src(%dma_wait3A_265 : memref<128xf32, #tpu.memory_space<hbm>>) dst(%dma_wait3A_262 : memref<128xf32, #tpu.memory_space<vmem>>)
    %add3A_266 = arith.constant 1 : i32
    %add3A_267 = arith.addi %mul3A_175, %add3A_266 : i32
    %add3A_268 = arith.constant 1 : i32
    %add3A_269 = arith.addi %mul3A_175, %add3A_268 : i32
    %add3A_270 = arith.constant 1 : i32
    %add3A_271 = arith.addi %mul3A_175, %add3A_270 : i32
    %dma_start3A_272 = arith.constant 1 : i32
    %dma_start3A_273 = arith.constant 0 : i32
    %dma_start3A_274 = tpu.memref_slice %arg7[%dma_start3A_272, %dma_start3A_273] : memref<3x128xi32, #tpu.memory_space<vmem>> -> memref<1x128xi32, #tpu.memory_space<vmem>>
    %dma_start3A_275 = tpu.memref_squeeze %dma_start3A_274 : memref<1x128xi32, #tpu.memory_space<vmem>> -> memref<128xi32, #tpu.memory_space<vmem>>
    %dma_start3A_276 = arith.constant 0 : i32
    %dma_start3A_277 = tpu.memref_slice %arg3[%add3A_267, %dma_start3A_276] : memref<2560x128xi32, #tpu.memory_space<hbm>> -> memref<1x128xi32, #tpu.memory_space<hbm>>
    %dma_start3A_278 = tpu.memref_squeeze %dma_start3A_277 : memref<1x128xi32, #tpu.memory_space<hbm>> -> memref<128xi32, #tpu.memory_space<hbm>>
    %dma_start3A_279 = arith.constant 0 : i32
    %dma_start3A_280 = tpu.memref_slice %arg7[%dma_start3A_272, %dma_start3A_279] : memref<3x128xi32, #tpu.memory_space<vmem>> -> memref<1x128xi32, #tpu.memory_space<vmem>>
    %dma_start3A_281 = tpu.memref_squeeze %dma_start3A_280 : memref<1x128xi32, #tpu.memory_space<vmem>> -> memref<128xi32, #tpu.memory_space<vmem>>
    %dma_start3A_282 = arith.constant 0 : i32
    %dma_start3A_283 = tpu.memref_slice %arg3[%add3A_267, %dma_start3A_282] : memref<2560x128xi32, #tpu.memory_space<hbm>> -> memref<1x128xi32, #tpu.memory_space<hbm>>
    %dma_start3A_284 = tpu.memref_squeeze %dma_start3A_283 : memref<1x128xi32, #tpu.memory_space<hbm>> -> memref<128xi32, #tpu.memory_space<hbm>>
    tpu.enqueue_dma source(%dma_start3A_284 : memref<128xi32, #tpu.memory_space<hbm>>) target(%dma_start3A_281 : memref<128xi32, #tpu.memory_space<vmem>>) target_semaphore(%arg14 : memref<!tpu.dma_semaphore, #tpu.memory_space<semaphore_mem>>)
    %dma_start3A_285 = arith.constant 1 : i32
    %dma_start3A_286 = arith.constant 0 : i32
    %dma_start3A_287 = tpu.memref_slice %arg8[%dma_start3A_285, %dma_start3A_286] : memref<3x128xi32, #tpu.memory_space<vmem>> -> memref<1x128xi32, #tpu.memory_space<vmem>>
    %dma_start3A_288 = tpu.memref_squeeze %dma_start3A_287 : memref<1x128xi32, #tpu.memory_space<vmem>> -> memref<128xi32, #tpu.memory_space<vmem>>
    %dma_start3A_289 = arith.constant 0 : i32
    %dma_start3A_290 = tpu.memref_slice %arg4[%add3A_269, %dma_start3A_289] : memref<2560x128xi32, #tpu.memory_space<hbm>> -> memref<1x128xi32, #tpu.memory_space<hbm>>
    %dma_start3A_291 = tpu.memref_squeeze %dma_start3A_290 : memref<1x128xi32, #tpu.memory_space<hbm>> -> memref<128xi32, #tpu.memory_space<hbm>>
    %dma_start3A_292 = arith.constant 0 : i32
    %dma_start3A_293 = tpu.memref_slice %arg8[%dma_start3A_285, %dma_start3A_292] : memref<3x128xi32, #tpu.memory_space<vmem>> -> memref<1x128xi32, #tpu.memory_space<vmem>>
    %dma_start3A_294 = tpu.memref_squeeze %dma_start3A_293 : memref<1x128xi32, #tpu.memory_space<vmem>> -> memref<128xi32, #tpu.memory_space<vmem>>
    %dma_start3A_295 = arith.constant 0 : i32
    %dma_start3A_296 = tpu.memref_slice %arg4[%add3A_269, %dma_start3A_295] : memref<2560x128xi32, #tpu.memory_space<hbm>> -> memref<1x128xi32, #tpu.memory_space<hbm>>
    %dma_start3A_297 = tpu.memref_squeeze %dma_start3A_296 : memref<1x128xi32, #tpu.memory_space<hbm>> -> memref<128xi32, #tpu.memory_space<hbm>>
    tpu.enqueue_dma source(%dma_start3A_297 : memref<128xi32, #tpu.memory_space<hbm>>) target(%dma_start3A_294 : memref<128xi32, #tpu.memory_space<vmem>>) target_semaphore(%arg14 : memref<!tpu.dma_semaphore, #tpu.memory_space<semaphore_mem>>)
    %dma_start3A_298 = arith.constant 1 : i32
    %dma_start3A_299 = arith.constant 0 : i32
    %dma_start3A_300 = tpu.memref_slice %arg9[%dma_start3A_298, %dma_start3A_299] : memref<3x128xf32, #tpu.memory_space<vmem>> -> memref<1x128xf32, #tpu.memory_space<vmem>>
    %dma_start3A_301 = tpu.memref_squeeze %dma_start3A_300 : memref<1x128xf32, #tpu.memory_space<vmem>> -> memref<128xf32, #tpu.memory_space<vmem>>
    %dma_start3A_302 = arith.constant 0 : i32
    %dma_start3A_303 = tpu.memref_slice %arg5[%add3A_271, %dma_start3A_302] : memref<2560x128xf32, #tpu.memory_space<hbm>> -> memref<1x128xf32, #tpu.memory_space<hbm>>
    %dma_start3A_304 = tpu.memref_squeeze %dma_start3A_303 : memref<1x128xf32, #tpu.memory_space<hbm>> -> memref<128xf32, #tpu.memory_space<hbm>>
    %dma_start3A_305 = arith.constant 0 : i32
    %dma_start3A_306 = tpu.memref_slice %arg9[%dma_start3A_298, %dma_start3A_305] : memref<3x128xf32, #tpu.memory_space<vmem>> -> memref<1x128xf32, #tpu.memory_space<vmem>>
    %dma_start3A_307 = tpu.memref_squeeze %dma_start3A_306 : memref<1x128xf32, #tpu.memory_space<vmem>> -> memref<128xf32, #tpu.memory_space<vmem>>
    %dma_start3A_308 = arith.constant 0 : i32
    %dma_start3A_309 = tpu.memref_slice %arg5[%add3A_271, %dma_start3A_308] : memref<2560x128xf32, #tpu.memory_space<hbm>> -> memref<1x128xf32, #tpu.memory_space<hbm>>
    %dma_start3A_310 = tpu.memref_squeeze %dma_start3A_309 : memref<1x128xf32, #tpu.memory_space<hbm>> -> memref<128xf32, #tpu.memory_space<hbm>>
    tpu.enqueue_dma source(%dma_start3A_310 : memref<128xf32, #tpu.memory_space<hbm>>) target(%dma_start3A_307 : memref<128xf32, #tpu.memory_space<vmem>>) target_semaphore(%arg14 : memref<!tpu.dma_semaphore, #tpu.memory_space<semaphore_mem>>)
    %dma_start3A_311 = arith.constant 0 : i32
    %dma_start3A_312 = arith.constant 0 : i32
    %dma_start3A_313 = arith.constant 0 : i32
    %dma_start3A_314 = arith.constant 0 : i32
    %dma_start3A_315 = tpu.memref_slice %arg10[%dma_start3A_312, %dma_start3A_313, %dma_start3A_314] : memref<2x128x128xf32, #tpu.memory_space<vmem>> -> memref<1x128x128xf32, #tpu.memory_space<vmem>>
    %dma_start3A_316 = tpu.memref_squeeze %dma_start3A_315 : memref<1x128x128xf32, #tpu.memory_space<vmem>> -> memref<128x128xf32, #tpu.memory_space<vmem>>
    %dma_start3A_317 = arith.constant 0 : i32
    %dma_start3A_318 = tpu.memref_slice %arg7[%dma_start3A_311, %dma_start3A_317] : memref<3x128xi32, #tpu.memory_space<vmem>> -> memref<1x128xi32, #tpu.memory_space<vmem>>
    %dma_start3A_319 = tpu.memref_squeeze %dma_start3A_318 : memref<1x128xi32, #tpu.memory_space<vmem>> -> memref<128xi32, #tpu.memory_space<vmem>>
    %dma_start3A_320 = arith.constant 0 : i32
    %dma_start3A_321 = arith.constant 0 : i32
    %dma_start3A_322 = tpu.memref_slice %arg2[%dma_start3A_320, %dma_start3A_321] : memref<10000x128xf32, #tpu.memory_space<hbm>> -> memref<10000x128xf32, #tpu.memory_space<hbm>>
    tpu.enqueue_indirect_dma source(%dma_start3A_322 : memref<10000x128xf32, #tpu.memory_space<hbm>>) target(%dma_start3A_316 : memref<128x128xf32, #tpu.memory_space<vmem>>) offsets(%dma_start3A_319 : memref<128xi32, #tpu.memory_space<vmem>>) semaphore(%arg12 : memref<!tpu.dma_semaphore, #tpu.memory_space<semaphore_mem>>)
    %scan3A_323 = arith.constant 0 : i32
    %scan3A_324 = arith.constant 0 : i32
    %scan3A_325 = arith.constant 80 : i32
    %scan3A_326 = arith.addi %scan3A_324, %scan3A_325 : i32
    %scan3A_327 = arith.constant 1 : i32
    scf.for %scan3A_358 = %scan3A_324 to %scan3A_326 step %scan3A_327  : i32 {
      %and3A = arith.constant 1 : i32
      %and3A_359 = arith.andi %scan3A_358, %and3A : i32
      %jit3A = arith.constant 3 : i32
      %eq3A = arith.constant 0 : i32
      %eq3A_360 = arith.cmpi eq, %jit3A, %eq3A : i32
      %jit3A_361 = arith.constant 1 : i32
      %select_n3A = arith.select %eq3A_360, %jit3A_361, %jit3A : i32
      %rem3A = arith.remsi %scan3A_358, %select_n3A : i32
      %ne3A = arith.constant 0 : i32
      %ne3A_362 = arith.cmpi ne, %rem3A, %ne3A : i32
      %lt3A = arith.constant 0 : i32
      %lt3A_363 = arith.cmpi slt, %rem3A, %lt3A : i32
      %lt3A_364 = arith.constant 0 : i32
      %lt3A_365 = arith.cmpi slt, %select_n3A, %lt3A_364 : i32
      %ne3A_366 = arith.xori %lt3A_363, %lt3A_365 : i1
      %and3A_367 = arith.andi %ne3A_366, %ne3A_362 : i1
      %add3A_368 = arith.addi %rem3A, %select_n3A : i32
      %select_n3A_369 = arith.select %and3A_367, %add3A_368, %rem3A : i32
      %dma_wait3A_370 = arith.constant 0 : i32
      %dma_wait3A_371 = arith.constant 0 : i32
      %dma_wait3A_372 = tpu.memref_slice %arg10[%and3A_359, %dma_wait3A_370, %dma_wait3A_371] : memref<2x128x128xf32, #tpu.memory_space<vmem>> -> memref<1x128x128xf32, #tpu.memory_space<vmem>>
      %dma_wait3A_373 = tpu.memref_squeeze %dma_wait3A_372 : memref<1x128x128xf32, #tpu.memory_space<vmem>> -> memref<128x128xf32, #tpu.memory_space<vmem>>
      %dma_wait3A_374 = arith.constant 0 : i32
      %dma_wait3A_375 = tpu.memref_slice %arg7[%select_n3A_369, %dma_wait3A_374] : memref<3x128xi32, #tpu.memory_space<vmem>> -> memref<1x128xi32, #tpu.memory_space<vmem>>
      %dma_wait3A_376 = tpu.memref_squeeze %dma_wait3A_375 : memref<1x128xi32, #tpu.memory_space<vmem>> -> memref<128xi32, #tpu.memory_space<vmem>>
      %dma_wait3A_377 = arith.constant 0 : i32
      %dma_wait3A_378 = arith.constant 0 : i32
      %dma_wait3A_379 = tpu.memref_slice %arg2[%dma_wait3A_377, %dma_wait3A_378] : memref<10000x128xf32, #tpu.memory_space<hbm>> -> memref<10000x128xf32, #tpu.memory_space<hbm>>
      tpu.wait_indirect_dma semaphore(%arg12 : memref<!tpu.dma_semaphore, #tpu.memory_space<semaphore_mem>>) src(%dma_wait3A_379 : memref<10000x128xf32, #tpu.memory_space<hbm>>) dst(%dma_wait3A_373 : memref<128x128xf32, #tpu.memory_space<vmem>>)
      %gt3A = arith.constant 0 : i32
      %gt3A_380 = arith.cmpi sgt, %scan3A_358, %gt3A : i32
      %convert_element_type3A = arith.extui %gt3A_380 : i1 to i32
      %cond3A = arith.constant 0 : i32
      %cond3A_381 = arith.cmpi ne, %convert_element_type3A, %cond3A : i32
      scf.if %cond3A_381 {
        %sub3A = arith.constant 1 : i32
        %sub3A_402 = arith.subi %scan3A_358, %sub3A : i32
        %sub3A_403 = arith.constant 1 : i32
        %sub3A_404 = arith.subi %sub3A_403, %and3A_359 : i32
        %jit3A_405 = arith.constant 3 : i32
        %eq3A_406 = arith.constant 0 : i32
        %eq3A_407 = arith.cmpi eq, %jit3A_405, %eq3A_406 : i32
        %jit3A_408 = arith.constant 1 : i32
        %select_n3A_409 = arith.select %eq3A_407, %jit3A_408, %jit3A_405 : i32
        %rem3A_410 = arith.remsi %sub3A_402, %select_n3A_409 : i32
        %ne3A_411 = arith.constant 0 : i32
        %ne3A_412 = arith.cmpi ne, %rem3A_410, %ne3A_411 : i32
        %lt3A_413 = arith.constant 0 : i32
        %lt3A_414 = arith.cmpi slt, %rem3A_410, %lt3A_413 : i32
        %lt3A_415 = arith.constant 0 : i32
        %lt3A_416 = arith.cmpi slt, %select_n3A_409, %lt3A_415 : i32
        %ne3A_417 = arith.xori %lt3A_414, %lt3A_416 : i1
        %and3A_418 = arith.andi %ne3A_417, %ne3A_412 : i1
        %add3A_419 = arith.addi %rem3A_410, %select_n3A_409 : i32
        %select_n3A_420 = arith.select %and3A_418, %add3A_419, %rem3A_410 : i32
        %dma_start3A_421 = arith.constant 0 : i32
        %dma_start3A_422 = arith.constant 0 : i32
        %dma_start3A_423 = tpu.memref_slice %arg10[%sub3A_404, %dma_start3A_421, %dma_start3A_422] : memref<2x128x128xf32, #tpu.memory_space<vmem>> -> memref<1x128x128xf32, #tpu.memory_space<vmem>>
        %dma_start3A_424 = tpu.memref_squeeze %dma_start3A_423 : memref<1x128x128xf32, #tpu.memory_space<vmem>> -> memref<128x128xf32, #tpu.memory_space<vmem>>
        %dma_start3A_425 = arith.constant 0 : i32
        %dma_start3A_426 = tpu.memref_slice %arg8[%select_n3A_420, %dma_start3A_425] : memref<3x128xi32, #tpu.memory_space<vmem>> -> memref<1x128xi32, #tpu.memory_space<vmem>>
        %dma_start3A_427 = tpu.memref_squeeze %dma_start3A_426 : memref<1x128xi32, #tpu.memory_space<vmem>> -> memref<128xi32, #tpu.memory_space<vmem>>
        %dma_start3A_428 = arith.constant 0 : i32
        %dma_start3A_429 = arith.constant 0 : i32
        %dma_start3A_430 = tpu.memref_slice %arg11[%dma_start3A_428, %dma_start3A_429] : memref<10240x128xf32, #tpu.memory_space<vmem_shared>> -> memref<10240x128xf32, #tpu.memory_space<vmem_shared>>
        tpu.enqueue_indirect_dma source(%dma_start3A_424 : memref<128x128xf32, #tpu.memory_space<vmem>>) target(%dma_start3A_430 : memref<10240x128xf32, #tpu.memory_space<vmem_shared>>) offsets(%dma_start3A_427 : memref<128xi32, #tpu.memory_space<vmem>>) semaphore(%arg13 : memref<!tpu.dma_semaphore, #tpu.memory_space<semaphore_mem>>) {add = true}
      } else {
      }
      %parallel_loop3A = arith.constant 0 : i32
      %parallel_loop3A_382 = arith.constant 64 : i32
      %parallel_loop3A_383 = arith.constant 1 : i32
      scf.for %parallel_loop3A_402 = %parallel_loop3A to %parallel_loop3A_382 step %parallel_loop3A_383  : i32 {
        %parallel_loop3A_403 = arith.constant 3 : i32
        %parallel_loop3A_404 = arith.constant 0 : i32
        %parallel_loop3A_405 = arith.cmpi eq, %parallel_loop3A_403, %parallel_loop3A_404 : i32
        %parallel_loop3A_406 = arith.constant 1 : i32
        %parallel_loop3A_407 = arith.select %parallel_loop3A_405, %parallel_loop3A_406, %parallel_loop3A_403 : i32
        %parallel_loop3A_408 = arith.remsi %scan3A_358, %parallel_loop3A_407 : i32
        %parallel_loop3A_409 = arith.constant 0 : i32
        %parallel_loop3A_410 = arith.cmpi ne, %parallel_loop3A_408, %parallel_loop3A_409 : i32
        %parallel_loop3A_411 = arith.constant 0 : i32
        %parallel_loop3A_412 = arith.cmpi slt, %parallel_loop3A_408, %parallel_loop3A_411 : i32
        %parallel_loop3A_413 = arith.constant 0 : i32
        %parallel_loop3A_414 = arith.cmpi slt, %parallel_loop3A_407, %parallel_loop3A_413 : i32
        %parallel_loop3A_415 = arith.xori %parallel_loop3A_412, %parallel_loop3A_414 : i1
        %parallel_loop3A_416 = arith.andi %parallel_loop3A_415, %parallel_loop3A_410 : i1
        %parallel_loop3A_417 = arith.addi %parallel_loop3A_408, %parallel_loop3A_407 : i32
        %parallel_loop3A_418 = arith.select %parallel_loop3A_416, %parallel_loop3A_417, %parallel_loop3A_408 : i32
        %parallel_loop3A_419 = arith.constant 0 : i32
        %parallel_loop3A_420 = vector.broadcast %parallel_loop3A_419 : i32 to vector<16xi32>
        %parallel_loop3A_421 = vector.broadcast %parallel_loop3A_402 : i32 to vector<16xi32>
        %parallel_loop3A_422 = arith.addi %parallel_loop3A_420, %parallel_loop3A_421 : vector<16xi32>
        %parallel_loop3A_423 = arith.constant 0 : i32
        %parallel_loop3A_424 = tpu.memref_slice %arg9[%parallel_loop3A_418, %parallel_loop3A_423] : memref<3x128xf32, #tpu.memory_space<vmem>> -> memref<1x128xf32, #tpu.memory_space<vmem>>
        %parallel_loop3A_425 = tpu.memref_squeeze %parallel_loop3A_424 : memref<1x128xf32, #tpu.memory_space<vmem>> -> memref<128xf32, #tpu.memory_space<vmem>>
        %parallel_loop3A_426 = tpu.vector_load_idx %parallel_loop3A_425[%parallel_loop3A_422] : memref<128xf32, #tpu.memory_space<vmem>>[vector<16xi32>], vector<16xf32>,
        %parallel_loop3A_427 = arith.index_cast %and3A_359 : i32 to index
        %parallel_loop3A_428 = arith.index_cast %parallel_loop3A_402 : i32 to index
        %parallel_loop3A_429 = arith.constant 0 : index
        %parallel_loop3A_430 = tpu.vector_load %arg10[%parallel_loop3A_427, %parallel_loop3A_428, %parallel_loop3A_429] {strides = array<i32>} : memref<2x128x128xf32, #tpu.memory_space<vmem>>, vector<16xf32>,
        %parallel_loop3A_431 = arith.mulf %parallel_loop3A_430, %parallel_loop3A_426 : vector<16xf32>
        %parallel_loop3A_432 = arith.index_cast %and3A_359 : i32 to index
        %parallel_loop3A_433 = arith.index_cast %parallel_loop3A_402 : i32 to index
        %parallel_loop3A_434 = arith.constant 0 : index
        %parallel_loop3A_435 = tpu.vector_load %arg10[%parallel_loop3A_432, %parallel_loop3A_433, %parallel_loop3A_434] {strides = array<i32>} : memref<2x128x128xf32, #tpu.memory_space<vmem>>, vector<16xf32>,
        tpu.vector_store %arg10[%parallel_loop3A_432, %parallel_loop3A_433, %parallel_loop3A_434], %parallel_loop3A_431 {strides = array<i32>} : memref<2x128x128xf32, #tpu.memory_space<vmem>>, vector<16xf32>,
        %parallel_loop3A_436 = arith.index_cast %and3A_359 : i32 to index
        %parallel_loop3A_437 = arith.index_cast %parallel_loop3A_402 : i32 to index
        %parallel_loop3A_438 = arith.constant 16 : index
        %parallel_loop3A_439 = tpu.vector_load %arg10[%parallel_loop3A_436, %parallel_loop3A_437, %parallel_loop3A_438] {strides = array<i32>} : memref<2x128x128xf32, #tpu.memory_space<vmem>>, vector<16xf32>,
        %parallel_loop3A_440 = arith.mulf %parallel_loop3A_439, %parallel_loop3A_426 : vector<16xf32>
        %parallel_loop3A_441 = arith.index_cast %and3A_359 : i32 to index
        %parallel_loop3A_442 = arith.index_cast %parallel_loop3A_402 : i32 to index
        %parallel_loop3A_443 = arith.constant 16 : index
        %parallel_loop3A_444 = tpu.vector_load %arg10[%parallel_loop3A_441, %parallel_loop3A_442, %parallel_loop3A_443] {strides = array<i32>} : memref<2x128x128xf32, #tpu.memory_space<vmem>>, vector<16xf32>,
        tpu.vector_store %arg10[%parallel_loop3A_441, %parallel_loop3A_442, %parallel_loop3A_443], %parallel_loop3A_440 {strides = array<i32>} : memref<2x128x128xf32, #tpu.memory_space<vmem>>, vector<16xf32>,
        %parallel_loop3A_445 = arith.index_cast %and3A_359 : i32 to index
        %parallel_loop3A_446 = arith.index_cast %parallel_loop3A_402 : i32 to index
        %parallel_loop3A_447 = arith.constant 32 : index
        %parallel_loop3A_448 = tpu.vector_load %arg10[%parallel_loop3A_445, %parallel_loop3A_446, %parallel_loop3A_447] {strides = array<i32>} : memref<2x128x128xf32, #tpu.memory_space<vmem>>, vector<16xf32>,
        %parallel_loop3A_449 = arith.mulf %parallel_loop3A_448, %parallel_loop3A_426 : vector<16xf32>
        %parallel_loop3A_450 = arith.index_cast %and3A_359 : i32 to index
        %parallel_loop3A_451 = arith.index_cast %parallel_loop3A_402 : i32 to index
        %parallel_loop3A_452 = arith.constant 32 : index
        %parallel_loop3A_453 = tpu.vector_load %arg10[%parallel_loop3A_450, %parallel_loop3A_451, %parallel_loop3A_452] {strides = array<i32>} : memref<2x128x128xf32, #tpu.memory_space<vmem>>, vector<16xf32>,
        tpu.vector_store %arg10[%parallel_loop3A_450, %parallel_loop3A_451, %parallel_loop3A_452], %parallel_loop3A_449 {strides = array<i32>} : memref<2x128x128xf32, #tpu.memory_space<vmem>>, vector<16xf32>,
        %parallel_loop3A_454 = arith.index_cast %and3A_359 : i32 to index
        %parallel_loop3A_455 = arith.index_cast %parallel_loop3A_402 : i32 to index
        %parallel_loop3A_456 = arith.constant 48 : index
        %parallel_loop3A_457 = tpu.vector_load %arg10[%parallel_loop3A_454, %parallel_loop3A_455, %parallel_loop3A_456] {strides = array<i32>} : memref<2x128x128xf32, #tpu.memory_space<vmem>>, vector<16xf32>,
        %parallel_loop3A_458 = arith.mulf %parallel_loop3A_457, %parallel_loop3A_426 : vector<16xf32>
        %parallel_loop3A_459 = arith.index_cast %and3A_359 : i32 to index
        %parallel_loop3A_460 = arith.index_cast %parallel_loop3A_402 : i32 to index
        %parallel_loop3A_461 = arith.constant 48 : index
        %parallel_loop3A_462 = tpu.vector_load %arg10[%parallel_loop3A_459, %parallel_loop3A_460, %parallel_loop3A_461] {strides = array<i32>} : memref<2x128x128xf32, #tpu.memory_space<vmem>>, vector<16xf32>,
        tpu.vector_store %arg10[%parallel_loop3A_459, %parallel_loop3A_460, %parallel_loop3A_461], %parallel_loop3A_458 {strides = array<i32>} : memref<2x128x128xf32, #tpu.memory_space<vmem>>, vector<16xf32>,
        %parallel_loop3A_463 = arith.index_cast %and3A_359 : i32 to index
        %parallel_loop3A_464 = arith.index_cast %parallel_loop3A_402 : i32 to index
        %parallel_loop3A_465 = arith.constant 64 : index
        %parallel_loop3A_466 = tpu.vector_load %arg10[%parallel_loop3A_463, %parallel_loop3A_464, %parallel_loop3A_465] {strides = array<i32>} : memref<2x128x128xf32, #tpu.memory_space<vmem>>, vector<16xf32>,
        %parallel_loop3A_467 = arith.mulf %parallel_loop3A_466, %parallel_loop3A_426 : vector<16xf32>
        %parallel_loop3A_468 = arith.index_cast %and3A_359 : i32 to index
        %parallel_loop3A_469 = arith.index_cast %parallel_loop3A_402 : i32 to index
        %parallel_loop3A_470 = arith.constant 64 : index
        %parallel_loop3A_471 = tpu.vector_load %arg10[%parallel_loop3A_468, %parallel_loop3A_469, %parallel_loop3A_470] {strides = array<i32>} : memref<2x128x128xf32, #tpu.memory_space<vmem>>, vector<16xf32>,
        tpu.vector_store %arg10[%parallel_loop3A_468, %parallel_loop3A_469, %parallel_loop3A_470], %parallel_loop3A_467 {strides = array<i32>} : memref<2x128x128xf32, #tpu.memory_space<vmem>>, vector<16xf32>,
        %parallel_loop3A_472 = arith.index_cast %and3A_359 : i32 to index
        %parallel_loop3A_473 = arith.index_cast %parallel_loop3A_402 : i32 to index
        %parallel_loop3A_474 = arith.constant 80 : index
        %parallel_loop3A_475 = tpu.vector_load %arg10[%parallel_loop3A_472, %parallel_loop3A_473, %parallel_loop3A_474] {strides = array<i32>} : memref<2x128x128xf32, #tpu.memory_space<vmem>>, vector<16xf32>,
        %parallel_loop3A_476 = arith.mulf %parallel_loop3A_475, %parallel_loop3A_426 : vector<16xf32>
        %parallel_loop3A_477 = arith.index_cast %and3A_359 : i32 to index
        %parallel_loop3A_478 = arith.index_cast %parallel_loop3A_402 : i32 to index
        %parallel_loop3A_479 = arith.constant 80 : index
        %parallel_loop3A_480 = tpu.vector_load %arg10[%parallel_loop3A_477, %parallel_loop3A_478, %parallel_loop3A_479] {strides = array<i32>} : memref<2x128x128xf32, #tpu.memory_space<vmem>>, vector<16xf32>,
        tpu.vector_store %arg10[%parallel_loop3A_477, %parallel_loop3A_478, %parallel_loop3A_479], %parallel_loop3A_476 {strides = array<i32>} : memref<2x128x128xf32, #tpu.memory_space<vmem>>, vector<16xf32>,
        %parallel_loop3A_481 = arith.index_cast %and3A_359 : i32 to index
        %parallel_loop3A_482 = arith.index_cast %parallel_loop3A_402 : i32 to index
        %parallel_loop3A_483 = arith.constant 96 : index
        %parallel_loop3A_484 = tpu.vector_load %arg10[%parallel_loop3A_481, %parallel_loop3A_482, %parallel_loop3A_483] {strides = array<i32>} : memref<2x128x128xf32, #tpu.memory_space<vmem>>, vector<16xf32>,
        %parallel_loop3A_485 = arith.mulf %parallel_loop3A_484, %parallel_loop3A_426 : vector<16xf32>
        %parallel_loop3A_486 = arith.index_cast %and3A_359 : i32 to index
        %parallel_loop3A_487 = arith.index_cast %parallel_loop3A_402 : i32 to index
        %parallel_loop3A_488 = arith.constant 96 : index
        %parallel_loop3A_489 = tpu.vector_load %arg10[%parallel_loop3A_486, %parallel_loop3A_487, %parallel_loop3A_488] {strides = array<i32>} : memref<2x128x128xf32, #tpu.memory_space<vmem>>, vector<16xf32>,
        tpu.vector_store %arg10[%parallel_loop3A_486, %parallel_loop3A_487, %parallel_loop3A_488], %parallel_loop3A_485 {strides = array<i32>} : memref<2x128x128xf32, #tpu.memory_space<vmem>>, vector<16xf32>,
        %parallel_loop3A_490 = arith.index_cast %and3A_359 : i32 to index
        %parallel_loop3A_491 = arith.index_cast %parallel_loop3A_402 : i32 to index
        %parallel_loop3A_492 = arith.constant 112 : index
        %parallel_loop3A_493 = tpu.vector_load %arg10[%parallel_loop3A_490, %parallel_loop3A_491, %parallel_loop3A_492] {strides = array<i32>} : memref<2x128x128xf32, #tpu.memory_space<vmem>>, vector<16xf32>,
        %parallel_loop3A_494 = arith.mulf %parallel_loop3A_493, %parallel_loop3A_426 : vector<16xf32>
        %parallel_loop3A_495 = arith.index_cast %and3A_359 : i32 to index
        %parallel_loop3A_496 = arith.index_cast %parallel_loop3A_402 : i32 to index
        %parallel_loop3A_497 = arith.constant 112 : index
        %parallel_loop3A_498 = tpu.vector_load %arg10[%parallel_loop3A_495, %parallel_loop3A_496, %parallel_loop3A_497] {strides = array<i32>} : memref<2x128x128xf32, #tpu.memory_space<vmem>>, vector<16xf32>,
        tpu.vector_store %arg10[%parallel_loop3A_495, %parallel_loop3A_496, %parallel_loop3A_497], %parallel_loop3A_494 {strides = array<i32>} : memref<2x128x128xf32, #tpu.memory_space<vmem>>, vector<16xf32>,
      } {sc.loop_unroll_factor = 4 : i64, sc.parallel_access}
      %gt3A_384 = arith.constant 0 : i32
      %gt3A_385 = arith.cmpi sgt, %scan3A_358, %gt3A_384 : i32
      %convert_element_type3A_386 = arith.extui %gt3A_385 : i1 to i32
      %cond3A_387 = arith.constant 0 : i32
      %cond3A_388 = arith.cmpi ne, %convert_element_type3A_386, %cond3A_387 : i32
      scf.if %cond3A_388 {
        %sub3A = arith.constant 1 : i32
        %sub3A_402 = arith.subi %scan3A_358, %sub3A : i32
        %sub3A_403 = arith.constant 1 : i32
        %sub3A_404 = arith.subi %sub3A_403, %and3A_359 : i32
        %jit3A_405 = arith.constant 3 : i32
        %eq3A_406 = arith.constant 0 : i32
        %eq3A_407 = arith.cmpi eq, %jit3A_405, %eq3A_406 : i32
        %jit3A_408 = arith.constant 1 : i32
        %select_n3A_409 = arith.select %eq3A_407, %jit3A_408, %jit3A_405 : i32
        %rem3A_410 = arith.remsi %sub3A_402, %select_n3A_409 : i32
        %ne3A_411 = arith.constant 0 : i32
        %ne3A_412 = arith.cmpi ne, %rem3A_410, %ne3A_411 : i32
        %lt3A_413 = arith.constant 0 : i32
        %lt3A_414 = arith.cmpi slt, %rem3A_410, %lt3A_413 : i32
        %lt3A_415 = arith.constant 0 : i32
        %lt3A_416 = arith.cmpi slt, %select_n3A_409, %lt3A_415 : i32
        %ne3A_417 = arith.xori %lt3A_414, %lt3A_416 : i1
        %and3A_418 = arith.andi %ne3A_417, %ne3A_412 : i1
        %add3A_419 = arith.addi %rem3A_410, %select_n3A_409 : i32
        %select_n3A_420 = arith.select %and3A_418, %add3A_419, %rem3A_410 : i32
        %dma_wait3A_421 = arith.constant 0 : i32
        %dma_wait3A_422 = arith.constant 0 : i32
        %dma_wait3A_423 = tpu.memref_slice %arg10[%sub3A_404, %dma_wait3A_421, %dma_wait3A_422] : memref<2x128x128xf32, #tpu.memory_space<vmem>> -> memref<1x128x128xf32, #tpu.memory_space<vmem>>
        %dma_wait3A_424 = tpu.memref_squeeze %dma_wait3A_423 : memref<1x128x128xf32, #tpu.memory_space<vmem>> -> memref<128x128xf32, #tpu.memory_space<vmem>>
        %dma_wait3A_425 = arith.constant 0 : i32
        %dma_wait3A_426 = tpu.memref_slice %arg8[%select_n3A_420, %dma_wait3A_425] : memref<3x128xi32, #tpu.memory_space<vmem>> -> memref<1x128xi32, #tpu.memory_space<vmem>>
        %dma_wait3A_427 = tpu.memref_squeeze %dma_wait3A_426 : memref<1x128xi32, #tpu.memory_space<vmem>> -> memref<128xi32, #tpu.memory_space<vmem>>
        %dma_wait3A_428 = arith.constant 0 : i32
        %dma_wait3A_429 = arith.constant 0 : i32
        %dma_wait3A_430 = tpu.memref_slice %arg11[%dma_wait3A_428, %dma_wait3A_429] : memref<10240x128xf32, #tpu.memory_space<vmem_shared>> -> memref<10240x128xf32, #tpu.memory_space<vmem_shared>>
        tpu.wait_indirect_dma semaphore(%arg13 : memref<!tpu.dma_semaphore, #tpu.memory_space<semaphore_mem>>) src(%dma_wait3A_424 : memref<128x128xf32, #tpu.memory_space<vmem>>) dst(%dma_wait3A_430 : memref<10240x128xf32, #tpu.memory_space<vmem_shared>>)
      } else {
      }
      %lt3A_389 = arith.constant 79 : i32
      %lt3A_390 = arith.cmpi slt, %scan3A_358, %lt3A_389 : i32
      %convert_element_type3A_391 = arith.extui %lt3A_390 : i1 to i32
      %cond3A_392 = arith.constant 0 : i32
      %cond3A_393 = arith.cmpi ne, %convert_element_type3A_391, %cond3A_392 : i32
      scf.if %cond3A_393 {
        %add3A_402 = arith.constant 1 : i32
        %add3A_403 = arith.addi %scan3A_358, %add3A_402 : i32
        %jit3A_404 = arith.constant 3 : i32
        %eq3A_405 = arith.constant 0 : i32
        %eq3A_406 = arith.cmpi eq, %jit3A_404, %eq3A_405 : i32
        %jit3A_407 = arith.constant 1 : i32
        %select_n3A_408 = arith.select %eq3A_406, %jit3A_407, %jit3A_404 : i32
        %rem3A_409 = arith.remsi %add3A_403, %select_n3A_408 : i32
        %ne3A_410 = arith.constant 0 : i32
        %ne3A_411 = arith.cmpi ne, %rem3A_409, %ne3A_410 : i32
        %lt3A_412 = arith.constant 0 : i32
        %lt3A_413 = arith.cmpi slt, %rem3A_409, %lt3A_412 : i32
        %lt3A_414 = arith.constant 0 : i32
        %lt3A_415 = arith.cmpi slt, %select_n3A_408, %lt3A_414 : i32
        %ne3A_416 = arith.xori %lt3A_413, %lt3A_415 : i1
        %and3A_417 = arith.andi %ne3A_416, %ne3A_411 : i1
        %add3A_418 = arith.addi %rem3A_409, %select_n3A_408 : i32
        %select_n3A_419 = arith.select %and3A_417, %add3A_418, %rem3A_409 : i32
        %add3A_420 = arith.addi %mul3A_175, %add3A_403 : i32
        %add3A_421 = arith.addi %mul3A_175, %add3A_403 : i32
        %add3A_422 = arith.addi %mul3A_175, %add3A_403 : i32
        %dma_wait3A_423 = arith.constant 0 : i32
        %dma_wait3A_424 = tpu.memref_slice %arg7[%select_n3A_419, %dma_wait3A_423] : memref<3x128xi32, #tpu.memory_space<vmem>> -> memref<1x128xi32, #tpu.memory_space<vmem>>
        %dma_wait3A_425 = tpu.memref_squeeze %dma_wait3A_424 : memref<1x128xi32, #tpu.memory_space<vmem>> -> memref<128xi32, #tpu.memory_space<vmem>>
        %dma_wait3A_426 = arith.constant 0 : i32
        %dma_wait3A_427 = tpu.memref_slice %arg3[%add3A_420, %dma_wait3A_426] : memref<2560x128xi32, #tpu.memory_space<hbm>> -> memref<1x128xi32, #tpu.memory_space<hbm>>
        %dma_wait3A_428 = tpu.memref_squeeze %dma_wait3A_427 : memref<1x128xi32, #tpu.memory_space<hbm>> -> memref<128xi32, #tpu.memory_space<hbm>>
        %dma_wait3A_429 = arith.constant 0 : i32
        %dma_wait3A_430 = tpu.memref_slice %arg7[%select_n3A_419, %dma_wait3A_429] : memref<3x128xi32, #tpu.memory_space<vmem>> -> memref<1x128xi32, #tpu.memory_space<vmem>>
        %dma_wait3A_431 = tpu.memref_squeeze %dma_wait3A_430 : memref<1x128xi32, #tpu.memory_space<vmem>> -> memref<128xi32, #tpu.memory_space<vmem>>
        %dma_wait3A_432 = arith.constant 0 : i32
        %dma_wait3A_433 = tpu.memref_slice %arg3[%add3A_420, %dma_wait3A_432] : memref<2560x128xi32, #tpu.memory_space<hbm>> -> memref<1x128xi32, #tpu.memory_space<hbm>>
        %dma_wait3A_434 = tpu.memref_squeeze %dma_wait3A_433 : memref<1x128xi32, #tpu.memory_space<hbm>> -> memref<128xi32, #tpu.memory_space<hbm>>
        tpu.wait_dma2 semaphore(%arg14 : memref<!tpu.dma_semaphore, #tpu.memory_space<semaphore_mem>>) src(%dma_wait3A_434 : memref<128xi32, #tpu.memory_space<hbm>>) dst(%dma_wait3A_431 : memref<128xi32, #tpu.memory_space<vmem>>)
        %dma_wait3A_435 = arith.constant 0 : i32
        %dma_wait3A_436 = tpu.memref_slice %arg8[%select_n3A_419, %dma_wait3A_435] : memref<3x128xi32, #tpu.memory_space<vmem>> -> memref<1x128xi32, #tpu.memory_space<vmem>>
        %dma_wait3A_437 = tpu.memref_squeeze %dma_wait3A_436 : memref<1x128xi32, #tpu.memory_space<vmem>> -> memref<128xi32, #tpu.memory_space<vmem>>
        %dma_wait3A_438 = arith.constant 0 : i32
        %dma_wait3A_439 = tpu.memref_slice %arg4[%add3A_421, %dma_wait3A_438] : memref<2560x128xi32, #tpu.memory_space<hbm>> -> memref<1x128xi32, #tpu.memory_space<hbm>>
        %dma_wait3A_440 = tpu.memref_squeeze %dma_wait3A_439 : memref<1x128xi32, #tpu.memory_space<hbm>> -> memref<128xi32, #tpu.memory_space<hbm>>
        %dma_wait3A_441 = arith.constant 0 : i32
        %dma_wait3A_442 = tpu.memref_slice %arg8[%select_n3A_419, %dma_wait3A_441] : memref<3x128xi32, #tpu.memory_space<vmem>> -> memref<1x128xi32, #tpu.memory_space<vmem>>
        %dma_wait3A_443 = tpu.memref_squeeze %dma_wait3A_442 : memref<1x128xi32, #tpu.memory_space<vmem>> -> memref<128xi32, #tpu.memory_space<vmem>>
        %dma_wait3A_444 = arith.constant 0 : i32
        %dma_wait3A_445 = tpu.memref_slice %arg4[%add3A_421, %dma_wait3A_444] : memref<2560x128xi32, #tpu.memory_space<hbm>> -> memref<1x128xi32, #tpu.memory_space<hbm>>
        %dma_wait3A_446 = tpu.memref_squeeze %dma_wait3A_445 : memref<1x128xi32, #tpu.memory_space<hbm>> -> memref<128xi32, #tpu.memory_space<hbm>>
        tpu.wait_dma2 semaphore(%arg14 : memref<!tpu.dma_semaphore, #tpu.memory_space<semaphore_mem>>) src(%dma_wait3A_446 : memref<128xi32, #tpu.memory_space<hbm>>) dst(%dma_wait3A_443 : memref<128xi32, #tpu.memory_space<vmem>>)
        %dma_wait3A_447 = arith.constant 0 : i32
        %dma_wait3A_448 = tpu.memref_slice %arg9[%select_n3A_419, %dma_wait3A_447] : memref<3x128xf32, #tpu.memory_space<vmem>> -> memref<1x128xf32, #tpu.memory_space<vmem>>
        %dma_wait3A_449 = tpu.memref_squeeze %dma_wait3A_448 : memref<1x128xf32, #tpu.memory_space<vmem>> -> memref<128xf32, #tpu.memory_space<vmem>>
        %dma_wait3A_450 = arith.constant 0 : i32
        %dma_wait3A_451 = tpu.memref_slice %arg5[%add3A_422, %dma_wait3A_450] : memref<2560x128xf32, #tpu.memory_space<hbm>> -> memref<1x128xf32, #tpu.memory_space<hbm>>
        %dma_wait3A_452 = tpu.memref_squeeze %dma_wait3A_451 : memref<1x128xf32, #tpu.memory_space<hbm>> -> memref<128xf32, #tpu.memory_space<hbm>>
        %dma_wait3A_453 = arith.constant 0 : i32
        %dma_wait3A_454 = tpu.memref_slice %arg9[%select_n3A_419, %dma_wait3A_453] : memref<3x128xf32, #tpu.memory_space<vmem>> -> memref<1x128xf32, #tpu.memory_space<vmem>>
        %dma_wait3A_455 = tpu.memref_squeeze %dma_wait3A_454 : memref<1x128xf32, #tpu.memory_space<vmem>> -> memref<128xf32, #tpu.memory_space<vmem>>
        %dma_wait3A_456 = arith.constant 0 : i32
        %dma_wait3A_457 = tpu.memref_slice %arg5[%add3A_422, %dma_wait3A_456] : memref<2560x128xf32, #tpu.memory_space<hbm>> -> memref<1x128xf32, #tpu.memory_space<hbm>>
        %dma_wait3A_458 = tpu.memref_squeeze %dma_wait3A_457 : memref<1x128xf32, #tpu.memory_space<hbm>> -> memref<128xf32, #tpu.memory_space<hbm>>
        tpu.wait_dma2 semaphore(%arg14 : memref<!tpu.dma_semaphore, #tpu.memory_space<semaphore_mem>>) src(%dma_wait3A_458 : memref<128xf32, #tpu.memory_space<hbm>>) dst(%dma_wait3A_455 : memref<128xf32, #tpu.memory_space<vmem>>)
        %add3A_459 = arith.constant 1 : i32
        %add3A_460 = arith.addi %scan3A_358, %add3A_459 : i32
        %sub3A = arith.constant 1 : i32
        %sub3A_461 = arith.subi %sub3A, %and3A_359 : i32
        %jit3A_462 = arith.constant 3 : i32
        %eq3A_463 = arith.constant 0 : i32
        %eq3A_464 = arith.cmpi eq, %jit3A_462, %eq3A_463 : i32
        %jit3A_465 = arith.constant 1 : i32
        %select_n3A_466 = arith.select %eq3A_464, %jit3A_465, %jit3A_462 : i32
        %rem3A_467 = arith.remsi %add3A_460, %select_n3A_466 : i32
        %ne3A_468 = arith.constant 0 : i32
        %ne3A_469 = arith.cmpi ne, %rem3A_467, %ne3A_468 : i32
        %lt3A_470 = arith.constant 0 : i32
        %lt3A_471 = arith.cmpi slt, %rem3A_467, %lt3A_470 : i32
        %lt3A_472 = arith.constant 0 : i32
        %lt3A_473 = arith.cmpi slt, %select_n3A_466, %lt3A_472 : i32
        %ne3A_474 = arith.xori %lt3A_471, %lt3A_473 : i1
        %and3A_475 = arith.andi %ne3A_474, %ne3A_469 : i1
        %add3A_476 = arith.addi %rem3A_467, %select_n3A_466 : i32
        %select_n3A_477 = arith.select %and3A_475, %add3A_476, %rem3A_467 : i32
        %dma_start3A_478 = arith.constant 0 : i32
        %dma_start3A_479 = arith.constant 0 : i32
        %dma_start3A_480 = tpu.memref_slice %arg10[%sub3A_461, %dma_start3A_478, %dma_start3A_479] : memref<2x128x128xf32, #tpu.memory_space<vmem>> -> memref<1x128x128xf32, #tpu.memory_space<vmem>>
        %dma_start3A_481 = tpu.memref_squeeze %dma_start3A_480 : memref<1x128x128xf32, #tpu.memory_space<vmem>> -> memref<128x128xf32, #tpu.memory_space<vmem>>
        %dma_start3A_482 = arith.constant 0 : i32
        %dma_start3A_483 = tpu.memref_slice %arg7[%select_n3A_477, %dma_start3A_482] : memref<3x128xi32, #tpu.memory_space<vmem>> -> memref<1x128xi32, #tpu.memory_space<vmem>>
        %dma_start3A_484 = tpu.memref_squeeze %dma_start3A_483 : memref<1x128xi32, #tpu.memory_space<vmem>> -> memref<128xi32, #tpu.memory_space<vmem>>
        %dma_start3A_485 = arith.constant 0 : i32
        %dma_start3A_486 = arith.constant 0 : i32
        %dma_start3A_487 = tpu.memref_slice %arg2[%dma_start3A_485, %dma_start3A_486] : memref<10000x128xf32, #tpu.memory_space<hbm>> -> memref<10000x128xf32, #tpu.memory_space<hbm>>
        tpu.enqueue_indirect_dma source(%dma_start3A_487 : memref<10000x128xf32, #tpu.memory_space<hbm>>) target(%dma_start3A_481 : memref<128x128xf32, #tpu.memory_space<vmem>>) offsets(%dma_start3A_484 : memref<128xi32, #tpu.memory_space<vmem>>) semaphore(%arg12 : memref<!tpu.dma_semaphore, #tpu.memory_space<semaphore_mem>>)
      } else {
      }
      %parallel_loop3A_394 = arith.constant 64 : i32
      %parallel_loop3A_395 = arith.constant 128 : i32
      %parallel_loop3A_396 = arith.constant 1 : i32
      scf.for %parallel_loop3A_402 = %parallel_loop3A_394 to %parallel_loop3A_395 step %parallel_loop3A_396  : i32 {
        %parallel_loop3A_403 = arith.constant 3 : i32
        %parallel_loop3A_404 = arith.constant 0 : i32
        %parallel_loop3A_405 = arith.cmpi eq, %parallel_loop3A_403, %parallel_loop3A_404 : i32
        %parallel_loop3A_406 = arith.constant 1 : i32
        %parallel_loop3A_407 = arith.select %parallel_loop3A_405, %parallel_loop3A_406, %parallel_loop3A_403 : i32
        %parallel_loop3A_408 = arith.remsi %scan3A_358, %parallel_loop3A_407 : i32
        %parallel_loop3A_409 = arith.constant 0 : i32
        %parallel_loop3A_410 = arith.cmpi ne, %parallel_loop3A_408, %parallel_loop3A_409 : i32
        %parallel_loop3A_411 = arith.constant 0 : i32
        %parallel_loop3A_412 = arith.cmpi slt, %parallel_loop3A_408, %parallel_loop3A_411 : i32
        %parallel_loop3A_413 = arith.constant 0 : i32
        %parallel_loop3A_414 = arith.cmpi slt, %parallel_loop3A_407, %parallel_loop3A_413 : i32
        %parallel_loop3A_415 = arith.xori %parallel_loop3A_412, %parallel_loop3A_414 : i1
        %parallel_loop3A_416 = arith.andi %parallel_loop3A_415, %parallel_loop3A_410 : i1
        %parallel_loop3A_417 = arith.addi %parallel_loop3A_408, %parallel_loop3A_407 : i32
        %parallel_loop3A_418 = arith.select %parallel_loop3A_416, %parallel_loop3A_417, %parallel_loop3A_408 : i32
        %parallel_loop3A_419 = arith.constant 0 : i32
        %parallel_loop3A_420 = vector.broadcast %parallel_loop3A_419 : i32 to vector<16xi32>
        %parallel_loop3A_421 = vector.broadcast %parallel_loop3A_402 : i32 to vector<16xi32>
        %parallel_loop3A_422 = arith.addi %parallel_loop3A_420, %parallel_loop3A_421 : vector<16xi32>
        %parallel_loop3A_423 = arith.constant 0 : i32
        %parallel_loop3A_424 = tpu.memref_slice %arg9[%parallel_loop3A_418, %parallel_loop3A_423] : memref<3x128xf32, #tpu.memory_space<vmem>> -> memref<1x128xf32, #tpu.memory_space<vmem>>
        %parallel_loop3A_425 = tpu.memref_squeeze %parallel_loop3A_424 : memref<1x128xf32, #tpu.memory_space<vmem>> -> memref<128xf32, #tpu.memory_space<vmem>>
        %parallel_loop3A_426 = tpu.vector_load_idx %parallel_loop3A_425[%parallel_loop3A_422] : memref<128xf32, #tpu.memory_space<vmem>>[vector<16xi32>], vector<16xf32>,
        %parallel_loop3A_427 = arith.index_cast %and3A_359 : i32 to index
        %parallel_loop3A_428 = arith.index_cast %parallel_loop3A_402 : i32 to index
        %parallel_loop3A_429 = arith.constant 0 : index
        %parallel_loop3A_430 = tpu.vector_load %arg10[%parallel_loop3A_427, %parallel_loop3A_428, %parallel_loop3A_429] {strides = array<i32>} : memref<2x128x128xf32, #tpu.memory_space<vmem>>, vector<16xf32>,
        %parallel_loop3A_431 = arith.mulf %parallel_loop3A_430, %parallel_loop3A_426 : vector<16xf32>
        %parallel_loop3A_432 = arith.index_cast %and3A_359 : i32 to index
        %parallel_loop3A_433 = arith.index_cast %parallel_loop3A_402 : i32 to index
        %parallel_loop3A_434 = arith.constant 0 : index
        %parallel_loop3A_435 = tpu.vector_load %arg10[%parallel_loop3A_432, %parallel_loop3A_433, %parallel_loop3A_434] {strides = array<i32>} : memref<2x128x128xf32, #tpu.memory_space<vmem>>, vector<16xf32>,
        tpu.vector_store %arg10[%parallel_loop3A_432, %parallel_loop3A_433, %parallel_loop3A_434], %parallel_loop3A_431 {strides = array<i32>} : memref<2x128x128xf32, #tpu.memory_space<vmem>>, vector<16xf32>,
        %parallel_loop3A_436 = arith.index_cast %and3A_359 : i32 to index
        %parallel_loop3A_437 = arith.index_cast %parallel_loop3A_402 : i32 to index
        %parallel_loop3A_438 = arith.constant 16 : index
        %parallel_loop3A_439 = tpu.vector_load %arg10[%parallel_loop3A_436, %parallel_loop3A_437, %parallel_loop3A_438] {strides = array<i32>} : memref<2x128x128xf32, #tpu.memory_space<vmem>>, vector<16xf32>,
        %parallel_loop3A_440 = arith.mulf %parallel_loop3A_439, %parallel_loop3A_426 : vector<16xf32>
        %parallel_loop3A_441 = arith.index_cast %and3A_359 : i32 to index
        %parallel_loop3A_442 = arith.index_cast %parallel_loop3A_402 : i32 to index
        %parallel_loop3A_443 = arith.constant 16 : index
        %parallel_loop3A_444 = tpu.vector_load %arg10[%parallel_loop3A_441, %parallel_loop3A_442, %parallel_loop3A_443] {strides = array<i32>} : memref<2x128x128xf32, #tpu.memory_space<vmem>>, vector<16xf32>,
        tpu.vector_store %arg10[%parallel_loop3A_441, %parallel_loop3A_442, %parallel_loop3A_443], %parallel_loop3A_440 {strides = array<i32>} : memref<2x128x128xf32, #tpu.memory_space<vmem>>, vector<16xf32>,
        %parallel_loop3A_445 = arith.index_cast %and3A_359 : i32 to index
        %parallel_loop3A_446 = arith.index_cast %parallel_loop3A_402 : i32 to index
        %parallel_loop3A_447 = arith.constant 32 : index
        %parallel_loop3A_448 = tpu.vector_load %arg10[%parallel_loop3A_445, %parallel_loop3A_446, %parallel_loop3A_447] {strides = array<i32>} : memref<2x128x128xf32, #tpu.memory_space<vmem>>, vector<16xf32>,
        %parallel_loop3A_449 = arith.mulf %parallel_loop3A_448, %parallel_loop3A_426 : vector<16xf32>
        %parallel_loop3A_450 = arith.index_cast %and3A_359 : i32 to index
        %parallel_loop3A_451 = arith.index_cast %parallel_loop3A_402 : i32 to index
        %parallel_loop3A_452 = arith.constant 32 : index
        %parallel_loop3A_453 = tpu.vector_load %arg10[%parallel_loop3A_450, %parallel_loop3A_451, %parallel_loop3A_452] {strides = array<i32>} : memref<2x128x128xf32, #tpu.memory_space<vmem>>, vector<16xf32>,
        tpu.vector_store %arg10[%parallel_loop3A_450, %parallel_loop3A_451, %parallel_loop3A_452], %parallel_loop3A_449 {strides = array<i32>} : memref<2x128x128xf32, #tpu.memory_space<vmem>>, vector<16xf32>,
        %parallel_loop3A_454 = arith.index_cast %and3A_359 : i32 to index
        %parallel_loop3A_455 = arith.index_cast %parallel_loop3A_402 : i32 to index
        %parallel_loop3A_456 = arith.constant 48 : index
        %parallel_loop3A_457 = tpu.vector_load %arg10[%parallel_loop3A_454, %parallel_loop3A_455, %parallel_loop3A_456] {strides = array<i32>} : memref<2x128x128xf32, #tpu.memory_space<vmem>>, vector<16xf32>,
        %parallel_loop3A_458 = arith.mulf %parallel_loop3A_457, %parallel_loop3A_426 : vector<16xf32>
        %parallel_loop3A_459 = arith.index_cast %and3A_359 : i32 to index
        %parallel_loop3A_460 = arith.index_cast %parallel_loop3A_402 : i32 to index
        %parallel_loop3A_461 = arith.constant 48 : index
        %parallel_loop3A_462 = tpu.vector_load %arg10[%parallel_loop3A_459, %parallel_loop3A_460, %parallel_loop3A_461] {strides = array<i32>} : memref<2x128x128xf32, #tpu.memory_space<vmem>>, vector<16xf32>,
        tpu.vector_store %arg10[%parallel_loop3A_459, %parallel_loop3A_460, %parallel_loop3A_461], %parallel_loop3A_458 {strides = array<i32>} : memref<2x128x128xf32, #tpu.memory_space<vmem>>, vector<16xf32>,
        %parallel_loop3A_463 = arith.index_cast %and3A_359 : i32 to index
        %parallel_loop3A_464 = arith.index_cast %parallel_loop3A_402 : i32 to index
        %parallel_loop3A_465 = arith.constant 64 : index
        %parallel_loop3A_466 = tpu.vector_load %arg10[%parallel_loop3A_463, %parallel_loop3A_464, %parallel_loop3A_465] {strides = array<i32>} : memref<2x128x128xf32, #tpu.memory_space<vmem>>, vector<16xf32>,
        %parallel_loop3A_467 = arith.mulf %parallel_loop3A_466, %parallel_loop3A_426 : vector<16xf32>
        %parallel_loop3A_468 = arith.index_cast %and3A_359 : i32 to index
        %parallel_loop3A_469 = arith.index_cast %parallel_loop3A_402 : i32 to index
        %parallel_loop3A_470 = arith.constant 64 : index
        %parallel_loop3A_471 = tpu.vector_load %arg10[%parallel_loop3A_468, %parallel_loop3A_469, %parallel_loop3A_470] {strides = array<i32>} : memref<2x128x128xf32, #tpu.memory_space<vmem>>, vector<16xf32>,
        tpu.vector_store %arg10[%parallel_loop3A_468, %parallel_loop3A_469, %parallel_loop3A_470], %parallel_loop3A_467 {strides = array<i32>} : memref<2x128x128xf32, #tpu.memory_space<vmem>>, vector<16xf32>,
        %parallel_loop3A_472 = arith.index_cast %and3A_359 : i32 to index
        %parallel_loop3A_473 = arith.index_cast %parallel_loop3A_402 : i32 to index
        %parallel_loop3A_474 = arith.constant 80 : index
        %parallel_loop3A_475 = tpu.vector_load %arg10[%parallel_loop3A_472, %parallel_loop3A_473, %parallel_loop3A_474] {strides = array<i32>} : memref<2x128x128xf32, #tpu.memory_space<vmem>>, vector<16xf32>,
        %parallel_loop3A_476 = arith.mulf %parallel_loop3A_475, %parallel_loop3A_426 : vector<16xf32>
        %parallel_loop3A_477 = arith.index_cast %and3A_359 : i32 to index
        %parallel_loop3A_478 = arith.index_cast %parallel_loop3A_402 : i32 to index
        %parallel_loop3A_479 = arith.constant 80 : index
        %parallel_loop3A_480 = tpu.vector_load %arg10[%parallel_loop3A_477, %parallel_loop3A_478, %parallel_loop3A_479] {strides = array<i32>} : memref<2x128x128xf32, #tpu.memory_space<vmem>>, vector<16xf32>,
        tpu.vector_store %arg10[%parallel_loop3A_477, %parallel_loop3A_478, %parallel_loop3A_479], %parallel_loop3A_476 {strides = array<i32>} : memref<2x128x128xf32, #tpu.memory_space<vmem>>, vector<16xf32>,
        %parallel_loop3A_481 = arith.index_cast %and3A_359 : i32 to index
        %parallel_loop3A_482 = arith.index_cast %parallel_loop3A_402 : i32 to index
        %parallel_loop3A_483 = arith.constant 96 : index
        %parallel_loop3A_484 = tpu.vector_load %arg10[%parallel_loop3A_481, %parallel_loop3A_482, %parallel_loop3A_483] {strides = array<i32>} : memref<2x128x128xf32, #tpu.memory_space<vmem>>, vector<16xf32>,
        %parallel_loop3A_485 = arith.mulf %parallel_loop3A_484, %parallel_loop3A_426 : vector<16xf32>
        %parallel_loop3A_486 = arith.index_cast %and3A_359 : i32 to index
        %parallel_loop3A_487 = arith.index_cast %parallel_loop3A_402 : i32 to index
        %parallel_loop3A_488 = arith.constant 96 : index
        %parallel_loop3A_489 = tpu.vector_load %arg10[%parallel_loop3A_486, %parallel_loop3A_487, %parallel_loop3A_488] {strides = array<i32>} : memref<2x128x128xf32, #tpu.memory_space<vmem>>, vector<16xf32>,
        tpu.vector_store %arg10[%parallel_loop3A_486, %parallel_loop3A_487, %parallel_loop3A_488], %parallel_loop3A_485 {strides = array<i32>} : memref<2x128x128xf32, #tpu.memory_space<vmem>>, vector<16xf32>,
        %parallel_loop3A_490 = arith.index_cast %and3A_359 : i32 to index
        %parallel_loop3A_491 = arith.index_cast %parallel_loop3A_402 : i32 to index
        %parallel_loop3A_492 = arith.constant 112 : index
        %parallel_loop3A_493 = tpu.vector_load %arg10[%parallel_loop3A_490, %parallel_loop3A_491, %parallel_loop3A_492] {strides = array<i32>} : memref<2x128x128xf32, #tpu.memory_space<vmem>>, vector<16xf32>,
        %parallel_loop3A_494 = arith.mulf %parallel_loop3A_493, %parallel_loop3A_426 : vector<16xf32>
        %parallel_loop3A_495 = arith.index_cast %and3A_359 : i32 to index
        %parallel_loop3A_496 = arith.index_cast %parallel_loop3A_402 : i32 to index
        %parallel_loop3A_497 = arith.constant 112 : index
        %parallel_loop3A_498 = tpu.vector_load %arg10[%parallel_loop3A_495, %parallel_loop3A_496, %parallel_loop3A_497] {strides = array<i32>} : memref<2x128x128xf32, #tpu.memory_space<vmem>>, vector<16xf32>,
        tpu.vector_store %arg10[%parallel_loop3A_495, %parallel_loop3A_496, %parallel_loop3A_497], %parallel_loop3A_494 {strides = array<i32>} : memref<2x128x128xf32, #tpu.memory_space<vmem>>, vector<16xf32>,
      } {sc.loop_unroll_factor = 4 : i64, sc.parallel_access}
      %lt3A_397 = arith.constant 78 : i32
      %lt3A_398 = arith.cmpi slt, %scan3A_358, %lt3A_397 : i32
      %convert_element_type3A_399 = arith.extui %lt3A_398 : i1 to i32
      %cond3A_400 = arith.constant 0 : i32
      %cond3A_401 = arith.cmpi ne, %convert_element_type3A_399, %cond3A_400 : i32
      scf.if %cond3A_401 {
        %add3A_402 = arith.constant 2 : i32
        %add3A_403 = arith.addi %scan3A_358, %add3A_402 : i32
        %jit3A_404 = arith.constant 3 : i32
        %eq3A_405 = arith.constant 0 : i32
        %eq3A_406 = arith.cmpi eq, %jit3A_404, %eq3A_405 : i32
        %jit3A_407 = arith.constant 1 : i32
        %select_n3A_408 = arith.select %eq3A_406, %jit3A_407, %jit3A_404 : i32
        %rem3A_409 = arith.remsi %add3A_403, %select_n3A_408 : i32
        %ne3A_410 = arith.constant 0 : i32
        %ne3A_411 = arith.cmpi ne, %rem3A_409, %ne3A_410 : i32
        %lt3A_412 = arith.constant 0 : i32
        %lt3A_413 = arith.cmpi slt, %rem3A_409, %lt3A_412 : i32
        %lt3A_414 = arith.constant 0 : i32
        %lt3A_415 = arith.cmpi slt, %select_n3A_408, %lt3A_414 : i32
        %ne3A_416 = arith.xori %lt3A_413, %lt3A_415 : i1
        %and3A_417 = arith.andi %ne3A_416, %ne3A_411 : i1
        %add3A_418 = arith.addi %rem3A_409, %select_n3A_408 : i32
        %select_n3A_419 = arith.select %and3A_417, %add3A_418, %rem3A_409 : i32
        %add3A_420 = arith.addi %mul3A_175, %add3A_403 : i32
        %add3A_421 = arith.addi %mul3A_175, %add3A_403 : i32
        %add3A_422 = arith.addi %mul3A_175, %add3A_403 : i32
        %dma_start3A_423 = arith.constant 0 : i32
        %dma_start3A_424 = tpu.memref_slice %arg7[%select_n3A_419, %dma_start3A_423] : memref<3x128xi32, #tpu.memory_space<vmem>> -> memref<1x128xi32, #tpu.memory_space<vmem>>
        %dma_start3A_425 = tpu.memref_squeeze %dma_start3A_424 : memref<1x128xi32, #tpu.memory_space<vmem>> -> memref<128xi32, #tpu.memory_space<vmem>>
        %dma_start3A_426 = arith.constant 0 : i32
        %dma_start3A_427 = tpu.memref_slice %arg3[%add3A_420, %dma_start3A_426] : memref<2560x128xi32, #tpu.memory_space<hbm>> -> memref<1x128xi32, #tpu.memory_space<hbm>>
        %dma_start3A_428 = tpu.memref_squeeze %dma_start3A_427 : memref<1x128xi32, #tpu.memory_space<hbm>> -> memref<128xi32, #tpu.memory_space<hbm>>
        %dma_start3A_429 = arith.constant 0 : i32
        %dma_start3A_430 = tpu.memref_slice %arg7[%select_n3A_419, %dma_start3A_429] : memref<3x128xi32, #tpu.memory_space<vmem>> -> memref<1x128xi32, #tpu.memory_space<vmem>>
        %dma_start3A_431 = tpu.memref_squeeze %dma_start3A_430 : memref<1x128xi32, #tpu.memory_space<vmem>> -> memref<128xi32, #tpu.memory_space<vmem>>
        %dma_start3A_432 = arith.constant 0 : i32
        %dma_start3A_433 = tpu.memref_slice %arg3[%add3A_420, %dma_start3A_432] : memref<2560x128xi32, #tpu.memory_space<hbm>> -> memref<1x128xi32, #tpu.memory_space<hbm>>
        %dma_start3A_434 = tpu.memref_squeeze %dma_start3A_433 : memref<1x128xi32, #tpu.memory_space<hbm>> -> memref<128xi32, #tpu.memory_space<hbm>>
        tpu.enqueue_dma source(%dma_start3A_434 : memref<128xi32, #tpu.memory_space<hbm>>) target(%dma_start3A_431 : memref<128xi32, #tpu.memory_space<vmem>>) target_semaphore(%arg14 : memref<!tpu.dma_semaphore, #tpu.memory_space<semaphore_mem>>)
        %dma_start3A_435 = arith.constant 0 : i32
        %dma_start3A_436 = tpu.memref_slice %arg8[%select_n3A_419, %dma_start3A_435] : memref<3x128xi32, #tpu.memory_space<vmem>> -> memref<1x128xi32, #tpu.memory_space<vmem>>
        %dma_start3A_437 = tpu.memref_squeeze %dma_start3A_436 : memref<1x128xi32, #tpu.memory_space<vmem>> -> memref<128xi32, #tpu.memory_space<vmem>>
        %dma_start3A_438 = arith.constant 0 : i32
        %dma_start3A_439 = tpu.memref_slice %arg4[%add3A_421, %dma_start3A_438] : memref<2560x128xi32, #tpu.memory_space<hbm>> -> memref<1x128xi32, #tpu.memory_space<hbm>>
        %dma_start3A_440 = tpu.memref_squeeze %dma_start3A_439 : memref<1x128xi32, #tpu.memory_space<hbm>> -> memref<128xi32, #tpu.memory_space<hbm>>
        %dma_start3A_441 = arith.constant 0 : i32
        %dma_start3A_442 = tpu.memref_slice %arg8[%select_n3A_419, %dma_start3A_441] : memref<3x128xi32, #tpu.memory_space<vmem>> -> memref<1x128xi32, #tpu.memory_space<vmem>>
        %dma_start3A_443 = tpu.memref_squeeze %dma_start3A_442 : memref<1x128xi32, #tpu.memory_space<vmem>> -> memref<128xi32, #tpu.memory_space<vmem>>
        %dma_start3A_444 = arith.constant 0 : i32
        %dma_start3A_445 = tpu.memref_slice %arg4[%add3A_421, %dma_start3A_444] : memref<2560x128xi32, #tpu.memory_space<hbm>> -> memref<1x128xi32, #tpu.memory_space<hbm>>
        %dma_start3A_446 = tpu.memref_squeeze %dma_start3A_445 : memref<1x128xi32, #tpu.memory_space<hbm>> -> memref<128xi32, #tpu.memory_space<hbm>>
        tpu.enqueue_dma source(%dma_start3A_446 : memref<128xi32, #tpu.memory_space<hbm>>) target(%dma_start3A_443 : memref<128xi32, #tpu.memory_space<vmem>>) target_semaphore(%arg14 : memref<!tpu.dma_semaphore, #tpu.memory_space<semaphore_mem>>)
        %dma_start3A_447 = arith.constant 0 : i32
        %dma_start3A_448 = tpu.memref_slice %arg9[%select_n3A_419, %dma_start3A_447] : memref<3x128xf32, #tpu.memory_space<vmem>> -> memref<1x128xf32, #tpu.memory_space<vmem>>
        %dma_start3A_449 = tpu.memref_squeeze %dma_start3A_448 : memref<1x128xf32, #tpu.memory_space<vmem>> -> memref<128xf32, #tpu.memory_space<vmem>>
        %dma_start3A_450 = arith.constant 0 : i32
        %dma_start3A_451 = tpu.memref_slice %arg5[%add3A_422, %dma_start3A_450] : memref<2560x128xf32, #tpu.memory_space<hbm>> -> memref<1x128xf32, #tpu.memory_space<hbm>>
        %dma_start3A_452 = tpu.memref_squeeze %dma_start3A_451 : memref<1x128xf32, #tpu.memory_space<hbm>> -> memref<128xf32, #tpu.memory_space<hbm>>
        %dma_start3A_453 = arith.constant 0 : i32
        %dma_start3A_454 = tpu.memref_slice %arg9[%select_n3A_419, %dma_start3A_453] : memref<3x128xf32, #tpu.memory_space<vmem>> -> memref<1x128xf32, #tpu.memory_space<vmem>>
        %dma_start3A_455 = tpu.memref_squeeze %dma_start3A_454 : memref<1x128xf32, #tpu.memory_space<vmem>> -> memref<128xf32, #tpu.memory_space<vmem>>
        %dma_start3A_456 = arith.constant 0 : i32
        %dma_start3A_457 = tpu.memref_slice %arg5[%add3A_422, %dma_start3A_456] : memref<2560x128xf32, #tpu.memory_space<hbm>> -> memref<1x128xf32, #tpu.memory_space<hbm>>
        %dma_start3A_458 = tpu.memref_squeeze %dma_start3A_457 : memref<1x128xf32, #tpu.memory_space<hbm>> -> memref<128xf32, #tpu.memory_space<hbm>>
        tpu.enqueue_dma source(%dma_start3A_458 : memref<128xf32, #tpu.memory_space<hbm>>) target(%dma_start3A_455 : memref<128xf32, #tpu.memory_space<vmem>>) target_semaphore(%arg14 : memref<!tpu.dma_semaphore, #tpu.memory_space<semaphore_mem>>)
      } else {
      }
    }
    %scan3A_328 = arith.constant 80 : i32
    %dma_start3A_329 = arith.constant 1 : i32
    %dma_start3A_330 = arith.constant 1 : i32
    %dma_start3A_331 = arith.constant 0 : i32
    %dma_start3A_332 = arith.constant 0 : i32
    %dma_start3A_333 = tpu.memref_slice %arg10[%dma_start3A_329, %dma_start3A_331, %dma_start3A_332] : memref<2x128x128xf32, #tpu.memory_space<vmem>> -> memref<1x128x128xf32, #tpu.memory_space<vmem>>
    %dma_start3A_334 = tpu.memref_squeeze %dma_start3A_333 : memref<1x128x128xf32, #tpu.memory_space<vmem>> -> memref<128x128xf32, #tpu.memory_space<vmem>>
    %dma_start3A_335 = arith.constant 0 : i32
    %dma_start3A_336 = tpu.memref_slice %arg8[%dma_start3A_330, %dma_start3A_335] : memref<3x128xi32, #tpu.memory_space<vmem>> -> memref<1x128xi32, #tpu.memory_space<vmem>>
    %dma_start3A_337 = tpu.memref_squeeze %dma_start3A_336 : memref<1x128xi32, #tpu.memory_space<vmem>> -> memref<128xi32, #tpu.memory_space<vmem>>
    %dma_start3A_338 = arith.constant 0 : i32
    %dma_start3A_339 = arith.constant 0 : i32
    %dma_start3A_340 = tpu.memref_slice %arg11[%dma_start3A_338, %dma_start3A_339] : memref<10240x128xf32, #tpu.memory_space<vmem_shared>> -> memref<10240x128xf32, #tpu.memory_space<vmem_shared>>
    tpu.enqueue_indirect_dma source(%dma_start3A_334 : memref<128x128xf32, #tpu.memory_space<vmem>>) target(%dma_start3A_340 : memref<10240x128xf32, #tpu.memory_space<vmem_shared>>) offsets(%dma_start3A_337 : memref<128xi32, #tpu.memory_space<vmem>>) semaphore(%arg13 : memref<!tpu.dma_semaphore, #tpu.memory_space<semaphore_mem>>) {add = true}
    %dma_wait3A_341 = arith.constant 1 : i32
    %dma_wait3A_342 = arith.constant 1 : i32
    %dma_wait3A_343 = arith.constant 0 : i32
    %dma_wait3A_344 = arith.constant 0 : i32
    %dma_wait3A_345 = tpu.memref_slice %arg10[%dma_wait3A_341, %dma_wait3A_343, %dma_wait3A_344] : memref<2x128x128xf32, #tpu.memory_space<vmem>> -> memref<1x128x128xf32, #tpu.memory_space<vmem>>
    %dma_wait3A_346 = tpu.memref_squeeze %dma_wait3A_345 : memref<1x128x128xf32, #tpu.memory_space<vmem>> -> memref<128x128xf32, #tpu.memory_space<vmem>>
    %dma_wait3A_347 = arith.constant 0 : i32
    %dma_wait3A_348 = tpu.memref_slice %arg8[%dma_wait3A_342, %dma_wait3A_347] : memref<3x128xi32, #tpu.memory_space<vmem>> -> memref<1x128xi32, #tpu.memory_space<vmem>>
    %dma_wait3A_349 = tpu.memref_squeeze %dma_wait3A_348 : memref<1x128xi32, #tpu.memory_space<vmem>> -> memref<128xi32, #tpu.memory_space<vmem>>
    %dma_wait3A_350 = arith.constant 0 : i32
    %dma_wait3A_351 = arith.constant 0 : i32
    %dma_wait3A_352 = tpu.memref_slice %arg11[%dma_wait3A_350, %dma_wait3A_351] : memref<10240x128xf32, #tpu.memory_space<vmem_shared>> -> memref<10240x128xf32, #tpu.memory_space<vmem_shared>>
    tpu.wait_indirect_dma semaphore(%arg13 : memref<!tpu.dma_semaphore, #tpu.memory_space<semaphore_mem>>) src(%dma_wait3A_346 : memref<128x128xf32, #tpu.memory_space<vmem>>) dst(%dma_wait3A_352 : memref<10240x128xf32, #tpu.memory_space<vmem_shared>>)
    %barrier3A_353 = arith.constant 0 : index
    tpu.barrier barrier_id(%barrier3A_353)
    %mul3A_354 = arith.constant 640 : i32
    %mul3A_355 = arith.muli %arg1, %mul3A_354 : i32
    %mul3A_356 = arith.constant 640 : i32
    %mul3A_357 = arith.muli %arg1, %mul3A_356 : i32
    "tpu.region"() ({
      %run_scoped3A = tpu.sem_alloc : memref<!tpu.dma_semaphore, #tpu.memory_space<semaphore_mem>>
      %dma_start3A_358 = arith.constant 0 : i32
      %dma_start3A_359 = tpu.memref_slice %arg6[%arg0, %mul3A_357, %dma_start3A_358] : memref<2x10240x128xf32, #tpu.memory_space<hbm>> -> memref<1x640x128xf32, #tpu.memory_space<hbm>>
      %dma_start3A_360 = tpu.memref_squeeze %dma_start3A_359 : memref<1x640x128xf32, #tpu.memory_space<hbm>> -> memref<640x128xf32, #tpu.memory_space<hbm>>
      %dma_start3A_361 = arith.constant 0 : i32
      %dma_start3A_362 = tpu.memref_slice %arg11[%mul3A_355, %dma_start3A_361] : memref<10240x128xf32, #tpu.memory_space<vmem_shared>> -> memref<640x128xf32, #tpu.memory_space<vmem_shared>>
      tpu.enqueue_dma source(%dma_start3A_362 : memref<640x128xf32, #tpu.memory_space<vmem_shared>>) target(%dma_start3A_360 : memref<640x128xf32, #tpu.memory_space<hbm>>) target_semaphore(%run_scoped3A : memref<!tpu.dma_semaphore, #tpu.memory_space<semaphore_mem>>)
      %dma_wait3A_363 = arith.constant 0 : i32
      %dma_wait3A_364 = tpu.memref_slice %arg6[%arg0, %mul3A_357, %dma_wait3A_363] : memref<2x10240x128xf32, #tpu.memory_space<hbm>> -> memref<1x640x128xf32, #tpu.memory_space<hbm>>
      %dma_wait3A_365 = tpu.memref_squeeze %dma_wait3A_364 : memref<1x640x128xf32, #tpu.memory_space<hbm>> -> memref<640x128xf32, #tpu.memory_space<hbm>>
      %dma_wait3A_366 = arith.constant 0 : i32
      %dma_wait3A_367 = tpu.memref_slice %arg11[%mul3A_355, %dma_wait3A_366] : memref<10240x128xf32, #tpu.memory_space<vmem_shared>> -> memref<640x128xf32, #tpu.memory_space<vmem_shared>>
      tpu.wait_dma2 semaphore(%run_scoped3A : memref<!tpu.dma_semaphore, #tpu.memory_space<semaphore_mem>>) src(%dma_wait3A_367 : memref<640x128xf32, #tpu.memory_space<vmem_shared>>) dst(%dma_wait3A_365 : memref<640x128xf32, #tpu.memory_space<hbm>>)
      tpu.yield
    }) : () -> ()
    return
  }
}

#map = affine_map<(d0, d1) -> (0, 0)>
#map1 = affine_map<(d0, d1) -> (0, 0, 0)>
module attributes {stable_mosaic.version = 14 : i64} {
  func.func @_aggregate_body(%arg0: i32, %arg1: i32, %arg2: memref<10000x128xf32, #tpu.memory_space<hbm>>, %arg3: memref<2560x128xi32, #tpu.memory_space<hbm>>, %arg4: memref<2560x128xi32, #tpu.memory_space<hbm>>, %arg5: memref<2560x128xf32, #tpu.memory_space<hbm>>, %arg6: memref<2x10240x128xf32, #tpu.memory_space<hbm>>, %arg7: memref<3x128xi32, #tpu.memory_space<vmem>>, %arg8: memref<3x128xi32, #tpu.memory_space<vmem>>, %arg9: memref<3x128xf32, #tpu.memory_space<vmem>>, %arg10: memref<2x128x128xf32, #tpu.memory_space<vmem>>, %arg11: memref<10240x128xf32, #tpu.memory_space<vmem_shared>>, %arg12: memref<!tpu.dma_semaphore, #tpu.memory_space<semaphore_mem>>, %arg13: memref<!tpu.dma_semaphore, #tpu.memory_space<semaphore_mem>>, %arg14: memref<!tpu.dma_semaphore, #tpu.memory_space<semaphore_mem>>) attributes {dimension_semantics = [#tpu.dimension_semantics<core_parallel>, #tpu.dimension_semantics<subcore_parallel>], iteration_bounds = array<i64: 2, 16>, scalar_prefetch = 0 : i64, scratch_operands = 8 : i64, tpu.core_type = #tpu.core_type<sc_vector_subcore>, window_params = [{transform_indices = #map}, {transform_indices = #map}, {transform_indices = #map}, {transform_indices = #map}, {transform_indices = #map1}]} {
    %scan3A = arith.constant 0 : i32
    %scan3A_0 = arith.constant 0 : i32
    %scan3A_1 = arith.constant 128 : i32
    %scan3A_2 = arith.addi %scan3A_0, %scan3A_1 : i32
    %scan3A_3 = arith.constant 1 : i32
    scf.for %scan3A_358 = %scan3A_0 to %scan3A_2 step %scan3A_3  : i32 {
      %broadcast_in_dim3A = arith.constant 0.000000e+00 : f32
      %broadcast_in_dim3A_359 = vector.broadcast %broadcast_in_dim3A : f32 to vector<16xf32>
      %swap3A = arith.constant 0 : i32
      %swap3A_360 = arith.index_cast %swap3A : i32 to index
      %swap3A_361 = arith.index_cast %scan3A_358 : i32 to index
      %swap3A_362 = arith.constant 0 : index
      %swap3A_363 = tpu.vector_load %arg10[%swap3A_360, %swap3A_361, %swap3A_362] {strides = array<i32>} : memref<2x128x128xf32, #tpu.memory_space<vmem>>, vector<16xf32>,
      tpu.vector_store %arg10[%swap3A_360, %swap3A_361, %swap3A_362], %broadcast_in_dim3A_359 {strides = array<i32>} : memref<2x128x128xf32, #tpu.memory_space<vmem>>, vector<16xf32>,
      %broadcast_in_dim3A_364 = arith.constant 0.000000e+00 : f32
      %broadcast_in_dim3A_365 = vector.broadcast %broadcast_in_dim3A_364 : f32 to vector<16xf32>
      %swap3A_366 = arith.constant 0 : i32
      %swap3A_367 = arith.index_cast %swap3A_366 : i32 to index
      %swap3A_368 = arith.index_cast %scan3A_358 : i32 to index
      %swap3A_369 = arith.constant 16 : index
      %swap3A_370 = tpu.vector_load %arg10[%swap3A_367, %swap3A_368, %swap3A_369] {strides = array<i32>} : memref<2x128x128xf32, #tpu.memory_space<vmem>>, vector<16xf32>,
      tpu.vector_store %arg10[%swap3A_367, %swap3A_368, %swap3A_369], %broadcast_in_dim3A_365 {strides = array<i32>} : memref<2x128x128xf32, #tpu.memory_space<vmem>>, vector<16xf32>,
      %broadcast_in_dim3A_371 = arith.constant 0.000000e+00 : f32
      %broadcast_in_dim3A_372 = vector.broadcast %broadcast_in_dim3A_371 : f32 to vector<16xf32>
      %swap3A_373 = arith.constant 0 : i32
      %swap3A_374 = arith.index_cast %swap3A_373 : i32 to index
      %swap3A_375 = arith.index_cast %scan3A_358 : i32 to index
      %swap3A_376 = arith.constant 32 : index
      %swap3A_377 = tpu.vector_load %arg10[%swap3A_374, %swap3A_375, %swap3A_376] {strides = array<i32>} : memref<2x128x128xf32, #tpu.memory_space<vmem>>, vector<16xf32>,
      tpu.vector_store %arg10[%swap3A_374, %swap3A_375, %swap3A_376], %broadcast_in_dim3A_372 {strides = array<i32>} : memref<2x128x128xf32, #tpu.memory_space<vmem>>, vector<16xf32>,
      %broadcast_in_dim3A_378 = arith.constant 0.000000e+00 : f32
      %broadcast_in_dim3A_379 = vector.broadcast %broadcast_in_dim3A_378 : f32 to vector<16xf32>
      %swap3A_380 = arith.constant 0 : i32
      %swap3A_381 = arith.index_cast %swap3A_380 : i32 to index
      %swap3A_382 = arith.index_cast %scan3A_358 : i32 to index
      %swap3A_383 = arith.constant 48 : index
      %swap3A_384 = tpu.vector_load %arg10[%swap3A_381, %swap3A_382, %swap3A_383] {strides = array<i32>} : memref<2x128x128xf32, #tpu.memory_space<vmem>>, vector<16xf32>,
      tpu.vector_store %arg10[%swap3A_381, %swap3A_382, %swap3A_383], %broadcast_in_dim3A_379 {strides = array<i32>} : memref<2x128x128xf32, #tpu.memory_space<vmem>>, vector<16xf32>,
      %broadcast_in_dim3A_385 = arith.constant 0.000000e+00 : f32
      %broadcast_in_dim3A_386 = vector.broadcast %broadcast_in_dim3A_385 : f32 to vector<16xf32>
      %swap3A_387 = arith.constant 0 : i32
      %swap3A_388 = arith.index_cast %swap3A_387 : i32 to index
      %swap3A_389 = arith.index_cast %scan3A_358 : i32 to index
      %swap3A_390 = arith.constant 64 : index
      %swap3A_391 = tpu.vector_load %arg10[%swap3A_388, %swap3A_389, %swap3A_390] {strides = array<i32>} : memref<2x128x128xf32, #tpu.memory_space<vmem>>, vector<16xf32>,
      tpu.vector_store %arg10[%swap3A_388, %swap3A_389, %swap3A_390], %broadcast_in_dim3A_386 {strides = array<i32>} : memref<2x128x128xf32, #tpu.memory_space<vmem>>, vector<16xf32>,
      %broadcast_in_dim3A_392 = arith.constant 0.000000e+00 : f32
      %broadcast_in_dim3A_393 = vector.broadcast %broadcast_in_dim3A_392 : f32 to vector<16xf32>
      %swap3A_394 = arith.constant 0 : i32
      %swap3A_395 = arith.index_cast %swap3A_394 : i32 to index
      %swap3A_396 = arith.index_cast %scan3A_358 : i32 to index
      %swap3A_397 = arith.constant 80 : index
      %swap3A_398 = tpu.vector_load %arg10[%swap3A_395, %swap3A_396, %swap3A_397] {strides = array<i32>} : memref<2x128x128xf32, #tpu.memory_space<vmem>>, vector<16xf32>,
      tpu.vector_store %arg10[%swap3A_395, %swap3A_396, %swap3A_397], %broadcast_in_dim3A_393 {strides = array<i32>} : memref<2x128x128xf32, #tpu.memory_space<vmem>>, vector<16xf32>,
      %broadcast_in_dim3A_399 = arith.constant 0.000000e+00 : f32
      %broadcast_in_dim3A_400 = vector.broadcast %broadcast_in_dim3A_399 : f32 to vector<16xf32>
      %swap3A_401 = arith.constant 0 : i32
      %swap3A_402 = arith.index_cast %swap3A_401 : i32 to index
      %swap3A_403 = arith.index_cast %scan3A_358 : i32 to index
      %swap3A_404 = arith.constant 96 : index
      %swap3A_405 = tpu.vector_load %arg10[%swap3A_402, %swap3A_403, %swap3A_404] {strides = array<i32>} : memref<2x128x128xf32, #tpu.memory_space<vmem>>, vector<16xf32>,
      tpu.vector_store %arg10[%swap3A_402, %swap3A_403, %swap3A_404], %broadcast_in_dim3A_400 {strides = array<i32>} : memref<2x128x128xf32, #tpu.memory_space<vmem>>, vector<16xf32>,
      %broadcast_in_dim3A_406 = arith.constant 0.000000e+00 : f32
      %broadcast_in_dim3A_407 = vector.broadcast %broadcast_in_dim3A_406 : f32 to vector<16xf32>
      %swap3A_408 = arith.constant 0 : i32
      %swap3A_409 = arith.index_cast %swap3A_408 : i32 to index
      %swap3A_410 = arith.index_cast %scan3A_358 : i32 to index
      %swap3A_411 = arith.constant 112 : index
      %swap3A_412 = tpu.vector_load %arg10[%swap3A_409, %swap3A_410, %swap3A_411] {strides = array<i32>} : memref<2x128x128xf32, #tpu.memory_space<vmem>>, vector<16xf32>,
      tpu.vector_store %arg10[%swap3A_409, %swap3A_410, %swap3A_411], %broadcast_in_dim3A_407 {strides = array<i32>} : memref<2x128x128xf32, #tpu.memory_space<vmem>>, vector<16xf32>,
    }
    %scan3A_4 = arith.constant 128 : i32
    %mul3A = arith.constant 640 : i32
    %mul3A_5 = arith.muli %arg1, %mul3A : i32
    %add3A = arith.constant 0 : i32
    %add3A_6 = arith.addi %mul3A_5, %add3A : i32
    %dma_start3A = arith.constant 0 : i32
    %dma_start3A_7 = arith.constant 0 : i32
    %dma_start3A_8 = arith.constant 0 : i32
    %dma_start3A_9 = tpu.memref_slice %arg10[%dma_start3A, %dma_start3A_7, %dma_start3A_8] : memref<2x128x128xf32, #tpu.memory_space<vmem>> -> memref<1x128x128xf32, #tpu.memory_space<vmem>>
    %dma_start3A_10 = tpu.memref_squeeze %dma_start3A_9 : memref<1x128x128xf32, #tpu.memory_space<vmem>> -> memref<128x128xf32, #tpu.memory_space<vmem>>
    %dma_start3A_11 = arith.constant 0 : i32
    %dma_start3A_12 = tpu.memref_slice %arg11[%add3A_6, %dma_start3A_11] : memref<10240x128xf32, #tpu.memory_space<vmem_shared>> -> memref<128x128xf32, #tpu.memory_space<vmem_shared>>
    %dma_start3A_13 = arith.constant 0 : i32
    %dma_start3A_14 = tpu.memref_slice %arg11[%add3A_6, %dma_start3A_13] : memref<10240x128xf32, #tpu.memory_space<vmem_shared>> -> memref<128x128xf32, #tpu.memory_space<vmem_shared>>
    %dma_start3A_15 = arith.constant 0 : i32
    %dma_start3A_16 = arith.constant 0 : i32
    %dma_start3A_17 = tpu.memref_slice %arg10[%dma_start3A, %dma_start3A_15, %dma_start3A_16] : memref<2x128x128xf32, #tpu.memory_space<vmem>> -> memref<1x128x128xf32, #tpu.memory_space<vmem>>
    %dma_start3A_18 = tpu.memref_squeeze %dma_start3A_17 : memref<1x128x128xf32, #tpu.memory_space<vmem>> -> memref<128x128xf32, #tpu.memory_space<vmem>>
    tpu.enqueue_dma source(%dma_start3A_18 : memref<128x128xf32, #tpu.memory_space<vmem>>) target(%dma_start3A_14 : memref<128x128xf32, #tpu.memory_space<vmem_shared>>) target_semaphore(%arg12 : memref<!tpu.dma_semaphore, #tpu.memory_space<semaphore_mem>>)
    %mul3A_19 = arith.constant 640 : i32
    %mul3A_20 = arith.muli %arg1, %mul3A_19 : i32
    %add3A_21 = arith.constant 128 : i32
    %add3A_22 = arith.addi %mul3A_20, %add3A_21 : i32
    %dma_start3A_23 = arith.constant 0 : i32
    %dma_start3A_24 = arith.constant 0 : i32
    %dma_start3A_25 = arith.constant 0 : i32
    %dma_start3A_26 = tpu.memref_slice %arg10[%dma_start3A_23, %dma_start3A_24, %dma_start3A_25] : memref<2x128x128xf32, #tpu.memory_space<vmem>> -> memref<1x128x128xf32, #tpu.memory_space<vmem>>
    %dma_start3A_27 = tpu.memref_squeeze %dma_start3A_26 : memref<1x128x128xf32, #tpu.memory_space<vmem>> -> memref<128x128xf32, #tpu.memory_space<vmem>>
    %dma_start3A_28 = arith.constant 0 : i32
    %dma_start3A_29 = tpu.memref_slice %arg11[%add3A_22, %dma_start3A_28] : memref<10240x128xf32, #tpu.memory_space<vmem_shared>> -> memref<128x128xf32, #tpu.memory_space<vmem_shared>>
    %dma_start3A_30 = arith.constant 0 : i32
    %dma_start3A_31 = tpu.memref_slice %arg11[%add3A_22, %dma_start3A_30] : memref<10240x128xf32, #tpu.memory_space<vmem_shared>> -> memref<128x128xf32, #tpu.memory_space<vmem_shared>>
    %dma_start3A_32 = arith.constant 0 : i32
    %dma_start3A_33 = arith.constant 0 : i32
    %dma_start3A_34 = tpu.memref_slice %arg10[%dma_start3A_23, %dma_start3A_32, %dma_start3A_33] : memref<2x128x128xf32, #tpu.memory_space<vmem>> -> memref<1x128x128xf32, #tpu.memory_space<vmem>>
    %dma_start3A_35 = tpu.memref_squeeze %dma_start3A_34 : memref<1x128x128xf32, #tpu.memory_space<vmem>> -> memref<128x128xf32, #tpu.memory_space<vmem>>
    tpu.enqueue_dma source(%dma_start3A_35 : memref<128x128xf32, #tpu.memory_space<vmem>>) target(%dma_start3A_31 : memref<128x128xf32, #tpu.memory_space<vmem_shared>>) target_semaphore(%arg12 : memref<!tpu.dma_semaphore, #tpu.memory_space<semaphore_mem>>)
    %mul3A_36 = arith.constant 640 : i32
    %mul3A_37 = arith.muli %arg1, %mul3A_36 : i32
    %add3A_38 = arith.constant 256 : i32
    %add3A_39 = arith.addi %mul3A_37, %add3A_38 : i32
    %dma_start3A_40 = arith.constant 0 : i32
    %dma_start3A_41 = arith.constant 0 : i32
    %dma_start3A_42 = arith.constant 0 : i32
    %dma_start3A_43 = tpu.memref_slice %arg10[%dma_start3A_40, %dma_start3A_41, %dma_start3A_42] : memref<2x128x128xf32, #tpu.memory_space<vmem>> -> memref<1x128x128xf32, #tpu.memory_space<vmem>>
    %dma_start3A_44 = tpu.memref_squeeze %dma_start3A_43 : memref<1x128x128xf32, #tpu.memory_space<vmem>> -> memref<128x128xf32, #tpu.memory_space<vmem>>
    %dma_start3A_45 = arith.constant 0 : i32
    %dma_start3A_46 = tpu.memref_slice %arg11[%add3A_39, %dma_start3A_45] : memref<10240x128xf32, #tpu.memory_space<vmem_shared>> -> memref<128x128xf32, #tpu.memory_space<vmem_shared>>
    %dma_start3A_47 = arith.constant 0 : i32
    %dma_start3A_48 = tpu.memref_slice %arg11[%add3A_39, %dma_start3A_47] : memref<10240x128xf32, #tpu.memory_space<vmem_shared>> -> memref<128x128xf32, #tpu.memory_space<vmem_shared>>
    %dma_start3A_49 = arith.constant 0 : i32
    %dma_start3A_50 = arith.constant 0 : i32
    %dma_start3A_51 = tpu.memref_slice %arg10[%dma_start3A_40, %dma_start3A_49, %dma_start3A_50] : memref<2x128x128xf32, #tpu.memory_space<vmem>> -> memref<1x128x128xf32, #tpu.memory_space<vmem>>
    %dma_start3A_52 = tpu.memref_squeeze %dma_start3A_51 : memref<1x128x128xf32, #tpu.memory_space<vmem>> -> memref<128x128xf32, #tpu.memory_space<vmem>>
    tpu.enqueue_dma source(%dma_start3A_52 : memref<128x128xf32, #tpu.memory_space<vmem>>) target(%dma_start3A_48 : memref<128x128xf32, #tpu.memory_space<vmem_shared>>) target_semaphore(%arg12 : memref<!tpu.dma_semaphore, #tpu.memory_space<semaphore_mem>>)
    %mul3A_53 = arith.constant 640 : i32
    %mul3A_54 = arith.muli %arg1, %mul3A_53 : i32
    %add3A_55 = arith.constant 384 : i32
    %add3A_56 = arith.addi %mul3A_54, %add3A_55 : i32
    %dma_start3A_57 = arith.constant 0 : i32
    %dma_start3A_58 = arith.constant 0 : i32
    %dma_start3A_59 = arith.constant 0 : i32
    %dma_start3A_60 = tpu.memref_slice %arg10[%dma_start3A_57, %dma_start3A_58, %dma_start3A_59] : memref<2x128x128xf32, #tpu.memory_space<vmem>> -> memref<1x128x128xf32, #tpu.memory_space<vmem>>
    %dma_start3A_61 = tpu.memref_squeeze %dma_start3A_60 : memref<1x128x128xf32, #tpu.memory_space<vmem>> -> memref<128x128xf32, #tpu.memory_space<vmem>>
    %dma_start3A_62 = arith.constant 0 : i32
    %dma_start3A_63 = tpu.memref_slice %arg11[%add3A_56, %dma_start3A_62] : memref<10240x128xf32, #tpu.memory_space<vmem_shared>> -> memref<128x128xf32, #tpu.memory_space<vmem_shared>>
    %dma_start3A_64 = arith.constant 0 : i32
    %dma_start3A_65 = tpu.memref_slice %arg11[%add3A_56, %dma_start3A_64] : memref<10240x128xf32, #tpu.memory_space<vmem_shared>> -> memref<128x128xf32, #tpu.memory_space<vmem_shared>>
    %dma_start3A_66 = arith.constant 0 : i32
    %dma_start3A_67 = arith.constant 0 : i32
    %dma_start3A_68 = tpu.memref_slice %arg10[%dma_start3A_57, %dma_start3A_66, %dma_start3A_67] : memref<2x128x128xf32, #tpu.memory_space<vmem>> -> memref<1x128x128xf32, #tpu.memory_space<vmem>>
    %dma_start3A_69 = tpu.memref_squeeze %dma_start3A_68 : memref<1x128x128xf32, #tpu.memory_space<vmem>> -> memref<128x128xf32, #tpu.memory_space<vmem>>
    tpu.enqueue_dma source(%dma_start3A_69 : memref<128x128xf32, #tpu.memory_space<vmem>>) target(%dma_start3A_65 : memref<128x128xf32, #tpu.memory_space<vmem_shared>>) target_semaphore(%arg12 : memref<!tpu.dma_semaphore, #tpu.memory_space<semaphore_mem>>)
    %mul3A_70 = arith.constant 640 : i32
    %mul3A_71 = arith.muli %arg1, %mul3A_70 : i32
    %add3A_72 = arith.constant 512 : i32
    %add3A_73 = arith.addi %mul3A_71, %add3A_72 : i32
    %dma_start3A_74 = arith.constant 0 : i32
    %dma_start3A_75 = arith.constant 0 : i32
    %dma_start3A_76 = arith.constant 0 : i32
    %dma_start3A_77 = tpu.memref_slice %arg10[%dma_start3A_74, %dma_start3A_75, %dma_start3A_76] : memref<2x128x128xf32, #tpu.memory_space<vmem>> -> memref<1x128x128xf32, #tpu.memory_space<vmem>>
    %dma_start3A_78 = tpu.memref_squeeze %dma_start3A_77 : memref<1x128x128xf32, #tpu.memory_space<vmem>> -> memref<128x128xf32, #tpu.memory_space<vmem>>
    %dma_start3A_79 = arith.constant 0 : i32
    %dma_start3A_80 = tpu.memref_slice %arg11[%add3A_73, %dma_start3A_79] : memref<10240x128xf32, #tpu.memory_space<vmem_shared>> -> memref<128x128xf32, #tpu.memory_space<vmem_shared>>
    %dma_start3A_81 = arith.constant 0 : i32
    %dma_start3A_82 = tpu.memref_slice %arg11[%add3A_73, %dma_start3A_81] : memref<10240x128xf32, #tpu.memory_space<vmem_shared>> -> memref<128x128xf32, #tpu.memory_space<vmem_shared>>
    %dma_start3A_83 = arith.constant 0 : i32
    %dma_start3A_84 = arith.constant 0 : i32
    %dma_start3A_85 = tpu.memref_slice %arg10[%dma_start3A_74, %dma_start3A_83, %dma_start3A_84] : memref<2x128x128xf32, #tpu.memory_space<vmem>> -> memref<1x128x128xf32, #tpu.memory_space<vmem>>
    %dma_start3A_86 = tpu.memref_squeeze %dma_start3A_85 : memref<1x128x128xf32, #tpu.memory_space<vmem>> -> memref<128x128xf32, #tpu.memory_space<vmem>>
    tpu.enqueue_dma source(%dma_start3A_86 : memref<128x128xf32, #tpu.memory_space<vmem>>) target(%dma_start3A_82 : memref<128x128xf32, #tpu.memory_space<vmem_shared>>) target_semaphore(%arg12 : memref<!tpu.dma_semaphore, #tpu.memory_space<semaphore_mem>>)
    %mul3A_87 = arith.constant 640 : i32
    %mul3A_88 = arith.muli %arg1, %mul3A_87 : i32
    %add3A_89 = arith.constant 0 : i32
    %add3A_90 = arith.addi %mul3A_88, %add3A_89 : i32
    %dma_wait3A = arith.constant 0 : i32
    %dma_wait3A_91 = arith.constant 0 : i32
    %dma_wait3A_92 = arith.constant 0 : i32
    %dma_wait3A_93 = tpu.memref_slice %arg10[%dma_wait3A, %dma_wait3A_91, %dma_wait3A_92] : memref<2x128x128xf32, #tpu.memory_space<vmem>> -> memref<1x128x128xf32, #tpu.memory_space<vmem>>
    %dma_wait3A_94 = tpu.memref_squeeze %dma_wait3A_93 : memref<1x128x128xf32, #tpu.memory_space<vmem>> -> memref<128x128xf32, #tpu.memory_space<vmem>>
    %dma_wait3A_95 = arith.constant 0 : i32
    %dma_wait3A_96 = tpu.memref_slice %arg11[%add3A_90, %dma_wait3A_95] : memref<10240x128xf32, #tpu.memory_space<vmem_shared>> -> memref<128x128xf32, #tpu.memory_space<vmem_shared>>
    %dma_wait3A_97 = arith.constant 0 : i32
    %dma_wait3A_98 = tpu.memref_slice %arg11[%add3A_90, %dma_wait3A_97] : memref<10240x128xf32, #tpu.memory_space<vmem_shared>> -> memref<128x128xf32, #tpu.memory_space<vmem_shared>>
    %dma_wait3A_99 = arith.constant 0 : i32
    %dma_wait3A_100 = arith.constant 0 : i32
    %dma_wait3A_101 = tpu.memref_slice %arg10[%dma_wait3A, %dma_wait3A_99, %dma_wait3A_100] : memref<2x128x128xf32, #tpu.memory_space<vmem>> -> memref<1x128x128xf32, #tpu.memory_space<vmem>>
    %dma_wait3A_102 = tpu.memref_squeeze %dma_wait3A_101 : memref<1x128x128xf32, #tpu.memory_space<vmem>> -> memref<128x128xf32, #tpu.memory_space<vmem>>
    tpu.wait_dma2 semaphore(%arg12 : memref<!tpu.dma_semaphore, #tpu.memory_space<semaphore_mem>>) src(%dma_wait3A_102 : memref<128x128xf32, #tpu.memory_space<vmem>>) dst(%dma_wait3A_98 : memref<128x128xf32, #tpu.memory_space<vmem_shared>>)
    %mul3A_103 = arith.constant 640 : i32
    %mul3A_104 = arith.muli %arg1, %mul3A_103 : i32
    %add3A_105 = arith.constant 128 : i32
    %add3A_106 = arith.addi %mul3A_104, %add3A_105 : i32
    %dma_wait3A_107 = arith.constant 0 : i32
    %dma_wait3A_108 = arith.constant 0 : i32
    %dma_wait3A_109 = arith.constant 0 : i32
    %dma_wait3A_110 = tpu.memref_slice %arg10[%dma_wait3A_107, %dma_wait3A_108, %dma_wait3A_109] : memref<2x128x128xf32, #tpu.memory_space<vmem>> -> memref<1x128x128xf32, #tpu.memory_space<vmem>>
    %dma_wait3A_111 = tpu.memref_squeeze %dma_wait3A_110 : memref<1x128x128xf32, #tpu.memory_space<vmem>> -> memref<128x128xf32, #tpu.memory_space<vmem>>
    %dma_wait3A_112 = arith.constant 0 : i32
    %dma_wait3A_113 = tpu.memref_slice %arg11[%add3A_106, %dma_wait3A_112] : memref<10240x128xf32, #tpu.memory_space<vmem_shared>> -> memref<128x128xf32, #tpu.memory_space<vmem_shared>>
    %dma_wait3A_114 = arith.constant 0 : i32
    %dma_wait3A_115 = tpu.memref_slice %arg11[%add3A_106, %dma_wait3A_114] : memref<10240x128xf32, #tpu.memory_space<vmem_shared>> -> memref<128x128xf32, #tpu.memory_space<vmem_shared>>
    %dma_wait3A_116 = arith.constant 0 : i32
    %dma_wait3A_117 = arith.constant 0 : i32
    %dma_wait3A_118 = tpu.memref_slice %arg10[%dma_wait3A_107, %dma_wait3A_116, %dma_wait3A_117] : memref<2x128x128xf32, #tpu.memory_space<vmem>> -> memref<1x128x128xf32, #tpu.memory_space<vmem>>
    %dma_wait3A_119 = tpu.memref_squeeze %dma_wait3A_118 : memref<1x128x128xf32, #tpu.memory_space<vmem>> -> memref<128x128xf32, #tpu.memory_space<vmem>>
    tpu.wait_dma2 semaphore(%arg12 : memref<!tpu.dma_semaphore, #tpu.memory_space<semaphore_mem>>) src(%dma_wait3A_119 : memref<128x128xf32, #tpu.memory_space<vmem>>) dst(%dma_wait3A_115 : memref<128x128xf32, #tpu.memory_space<vmem_shared>>)
    %mul3A_120 = arith.constant 640 : i32
    %mul3A_121 = arith.muli %arg1, %mul3A_120 : i32
    %add3A_122 = arith.constant 256 : i32
    %add3A_123 = arith.addi %mul3A_121, %add3A_122 : i32
    %dma_wait3A_124 = arith.constant 0 : i32
    %dma_wait3A_125 = arith.constant 0 : i32
    %dma_wait3A_126 = arith.constant 0 : i32
    %dma_wait3A_127 = tpu.memref_slice %arg10[%dma_wait3A_124, %dma_wait3A_125, %dma_wait3A_126] : memref<2x128x128xf32, #tpu.memory_space<vmem>> -> memref<1x128x128xf32, #tpu.memory_space<vmem>>
    %dma_wait3A_128 = tpu.memref_squeeze %dma_wait3A_127 : memref<1x128x128xf32, #tpu.memory_space<vmem>> -> memref<128x128xf32, #tpu.memory_space<vmem>>
    %dma_wait3A_129 = arith.constant 0 : i32
    %dma_wait3A_130 = tpu.memref_slice %arg11[%add3A_123, %dma_wait3A_129] : memref<10240x128xf32, #tpu.memory_space<vmem_shared>> -> memref<128x128xf32, #tpu.memory_space<vmem_shared>>
    %dma_wait3A_131 = arith.constant 0 : i32
    %dma_wait3A_132 = tpu.memref_slice %arg11[%add3A_123, %dma_wait3A_131] : memref<10240x128xf32, #tpu.memory_space<vmem_shared>> -> memref<128x128xf32, #tpu.memory_space<vmem_shared>>
    %dma_wait3A_133 = arith.constant 0 : i32
    %dma_wait3A_134 = arith.constant 0 : i32
    %dma_wait3A_135 = tpu.memref_slice %arg10[%dma_wait3A_124, %dma_wait3A_133, %dma_wait3A_134] : memref<2x128x128xf32, #tpu.memory_space<vmem>> -> memref<1x128x128xf32, #tpu.memory_space<vmem>>
    %dma_wait3A_136 = tpu.memref_squeeze %dma_wait3A_135 : memref<1x128x128xf32, #tpu.memory_space<vmem>> -> memref<128x128xf32, #tpu.memory_space<vmem>>
    tpu.wait_dma2 semaphore(%arg12 : memref<!tpu.dma_semaphore, #tpu.memory_space<semaphore_mem>>) src(%dma_wait3A_136 : memref<128x128xf32, #tpu.memory_space<vmem>>) dst(%dma_wait3A_132 : memref<128x128xf32, #tpu.memory_space<vmem_shared>>)
    %mul3A_137 = arith.constant 640 : i32
    %mul3A_138 = arith.muli %arg1, %mul3A_137 : i32
    %add3A_139 = arith.constant 384 : i32
    %add3A_140 = arith.addi %mul3A_138, %add3A_139 : i32
    %dma_wait3A_141 = arith.constant 0 : i32
    %dma_wait3A_142 = arith.constant 0 : i32
    %dma_wait3A_143 = arith.constant 0 : i32
    %dma_wait3A_144 = tpu.memref_slice %arg10[%dma_wait3A_141, %dma_wait3A_142, %dma_wait3A_143] : memref<2x128x128xf32, #tpu.memory_space<vmem>> -> memref<1x128x128xf32, #tpu.memory_space<vmem>>
    %dma_wait3A_145 = tpu.memref_squeeze %dma_wait3A_144 : memref<1x128x128xf32, #tpu.memory_space<vmem>> -> memref<128x128xf32, #tpu.memory_space<vmem>>
    %dma_wait3A_146 = arith.constant 0 : i32
    %dma_wait3A_147 = tpu.memref_slice %arg11[%add3A_140, %dma_wait3A_146] : memref<10240x128xf32, #tpu.memory_space<vmem_shared>> -> memref<128x128xf32, #tpu.memory_space<vmem_shared>>
    %dma_wait3A_148 = arith.constant 0 : i32
    %dma_wait3A_149 = tpu.memref_slice %arg11[%add3A_140, %dma_wait3A_148] : memref<10240x128xf32, #tpu.memory_space<vmem_shared>> -> memref<128x128xf32, #tpu.memory_space<vmem_shared>>
    %dma_wait3A_150 = arith.constant 0 : i32
    %dma_wait3A_151 = arith.constant 0 : i32
    %dma_wait3A_152 = tpu.memref_slice %arg10[%dma_wait3A_141, %dma_wait3A_150, %dma_wait3A_151] : memref<2x128x128xf32, #tpu.memory_space<vmem>> -> memref<1x128x128xf32, #tpu.memory_space<vmem>>
    %dma_wait3A_153 = tpu.memref_squeeze %dma_wait3A_152 : memref<1x128x128xf32, #tpu.memory_space<vmem>> -> memref<128x128xf32, #tpu.memory_space<vmem>>
    tpu.wait_dma2 semaphore(%arg12 : memref<!tpu.dma_semaphore, #tpu.memory_space<semaphore_mem>>) src(%dma_wait3A_153 : memref<128x128xf32, #tpu.memory_space<vmem>>) dst(%dma_wait3A_149 : memref<128x128xf32, #tpu.memory_space<vmem_shared>>)
    %mul3A_154 = arith.constant 640 : i32
    %mul3A_155 = arith.muli %arg1, %mul3A_154 : i32
    %add3A_156 = arith.constant 512 : i32
    %add3A_157 = arith.addi %mul3A_155, %add3A_156 : i32
    %dma_wait3A_158 = arith.constant 0 : i32
    %dma_wait3A_159 = arith.constant 0 : i32
    %dma_wait3A_160 = arith.constant 0 : i32
    %dma_wait3A_161 = tpu.memref_slice %arg10[%dma_wait3A_158, %dma_wait3A_159, %dma_wait3A_160] : memref<2x128x128xf32, #tpu.memory_space<vmem>> -> memref<1x128x128xf32, #tpu.memory_space<vmem>>
    %dma_wait3A_162 = tpu.memref_squeeze %dma_wait3A_161 : memref<1x128x128xf32, #tpu.memory_space<vmem>> -> memref<128x128xf32, #tpu.memory_space<vmem>>
    %dma_wait3A_163 = arith.constant 0 : i32
    %dma_wait3A_164 = tpu.memref_slice %arg11[%add3A_157, %dma_wait3A_163] : memref<10240x128xf32, #tpu.memory_space<vmem_shared>> -> memref<128x128xf32, #tpu.memory_space<vmem_shared>>
    %dma_wait3A_165 = arith.constant 0 : i32
    %dma_wait3A_166 = tpu.memref_slice %arg11[%add3A_157, %dma_wait3A_165] : memref<10240x128xf32, #tpu.memory_space<vmem_shared>> -> memref<128x128xf32, #tpu.memory_space<vmem_shared>>
    %dma_wait3A_167 = arith.constant 0 : i32
    %dma_wait3A_168 = arith.constant 0 : i32
    %dma_wait3A_169 = tpu.memref_slice %arg10[%dma_wait3A_158, %dma_wait3A_167, %dma_wait3A_168] : memref<2x128x128xf32, #tpu.memory_space<vmem>> -> memref<1x128x128xf32, #tpu.memory_space<vmem>>
    %dma_wait3A_170 = tpu.memref_squeeze %dma_wait3A_169 : memref<1x128x128xf32, #tpu.memory_space<vmem>> -> memref<128x128xf32, #tpu.memory_space<vmem>>
    tpu.wait_dma2 semaphore(%arg12 : memref<!tpu.dma_semaphore, #tpu.memory_space<semaphore_mem>>) src(%dma_wait3A_170 : memref<128x128xf32, #tpu.memory_space<vmem>>) dst(%dma_wait3A_166 : memref<128x128xf32, #tpu.memory_space<vmem_shared>>)
    %barrier3A = arith.constant 0 : index
    tpu.barrier barrier_id(%barrier3A)
    %mul3A_171 = arith.constant 16 : i32
    %mul3A_172 = arith.muli %arg0, %mul3A_171 : i32
    %add3A_173 = arith.addi %mul3A_172, %arg1 : i32
    %mul3A_174 = arith.constant 80 : i32
    %mul3A_175 = arith.muli %add3A_173, %mul3A_174 : i32
    %add3A_176 = arith.constant 0 : i32
    %add3A_177 = arith.addi %mul3A_175, %add3A_176 : i32
    %add3A_178 = arith.constant 0 : i32
    %add3A_179 = arith.addi %mul3A_175, %add3A_178 : i32
    %add3A_180 = arith.constant 0 : i32
    %add3A_181 = arith.addi %mul3A_175, %add3A_180 : i32
    %dma_start3A_182 = arith.constant 0 : i32
    %dma_start3A_183 = arith.constant 0 : i32
    %dma_start3A_184 = tpu.memref_slice %arg7[%dma_start3A_182, %dma_start3A_183] : memref<3x128xi32, #tpu.memory_space<vmem>> -> memref<1x128xi32, #tpu.memory_space<vmem>>
    %dma_start3A_185 = tpu.memref_squeeze %dma_start3A_184 : memref<1x128xi32, #tpu.memory_space<vmem>> -> memref<128xi32, #tpu.memory_space<vmem>>
    %dma_start3A_186 = arith.constant 0 : i32
    %dma_start3A_187 = tpu.memref_slice %arg3[%add3A_177, %dma_start3A_186] : memref<2560x128xi32, #tpu.memory_space<hbm>> -> memref<1x128xi32, #tpu.memory_space<hbm>>
    %dma_start3A_188 = tpu.memref_squeeze %dma_start3A_187 : memref<1x128xi32, #tpu.memory_space<hbm>> -> memref<128xi32, #tpu.memory_space<hbm>>
    %dma_start3A_189 = arith.constant 0 : i32
    %dma_start3A_190 = tpu.memref_slice %arg7[%dma_start3A_182, %dma_start3A_189] : memref<3x128xi32, #tpu.memory_space<vmem>> -> memref<1x128xi32, #tpu.memory_space<vmem>>
    %dma_start3A_191 = tpu.memref_squeeze %dma_start3A_190 : memref<1x128xi32, #tpu.memory_space<vmem>> -> memref<128xi32, #tpu.memory_space<vmem>>
    %dma_start3A_192 = arith.constant 0 : i32
    %dma_start3A_193 = tpu.memref_slice %arg3[%add3A_177, %dma_start3A_192] : memref<2560x128xi32, #tpu.memory_space<hbm>> -> memref<1x128xi32, #tpu.memory_space<hbm>>
    %dma_start3A_194 = tpu.memref_squeeze %dma_start3A_193 : memref<1x128xi32, #tpu.memory_space<hbm>> -> memref<128xi32, #tpu.memory_space<hbm>>
    tpu.enqueue_dma source(%dma_start3A_194 : memref<128xi32, #tpu.memory_space<hbm>>) target(%dma_start3A_191 : memref<128xi32, #tpu.memory_space<vmem>>) target_semaphore(%arg14 : memref<!tpu.dma_semaphore, #tpu.memory_space<semaphore_mem>>)
    %dma_start3A_195 = arith.constant 0 : i32
    %dma_start3A_196 = arith.constant 0 : i32
    %dma_start3A_197 = tpu.memref_slice %arg8[%dma_start3A_195, %dma_start3A_196] : memref<3x128xi32, #tpu.memory_space<vmem>> -> memref<1x128xi32, #tpu.memory_space<vmem>>
    %dma_start3A_198 = tpu.memref_squeeze %dma_start3A_197 : memref<1x128xi32, #tpu.memory_space<vmem>> -> memref<128xi32, #tpu.memory_space<vmem>>
    %dma_start3A_199 = arith.constant 0 : i32
    %dma_start3A_200 = tpu.memref_slice %arg4[%add3A_179, %dma_start3A_199] : memref<2560x128xi32, #tpu.memory_space<hbm>> -> memref<1x128xi32, #tpu.memory_space<hbm>>
    %dma_start3A_201 = tpu.memref_squeeze %dma_start3A_200 : memref<1x128xi32, #tpu.memory_space<hbm>> -> memref<128xi32, #tpu.memory_space<hbm>>
    %dma_start3A_202 = arith.constant 0 : i32
    %dma_start3A_203 = tpu.memref_slice %arg8[%dma_start3A_195, %dma_start3A_202] : memref<3x128xi32, #tpu.memory_space<vmem>> -> memref<1x128xi32, #tpu.memory_space<vmem>>
    %dma_start3A_204 = tpu.memref_squeeze %dma_start3A_203 : memref<1x128xi32, #tpu.memory_space<vmem>> -> memref<128xi32, #tpu.memory_space<vmem>>
    %dma_start3A_205 = arith.constant 0 : i32
    %dma_start3A_206 = tpu.memref_slice %arg4[%add3A_179, %dma_start3A_205] : memref<2560x128xi32, #tpu.memory_space<hbm>> -> memref<1x128xi32, #tpu.memory_space<hbm>>
    %dma_start3A_207 = tpu.memref_squeeze %dma_start3A_206 : memref<1x128xi32, #tpu.memory_space<hbm>> -> memref<128xi32, #tpu.memory_space<hbm>>
    tpu.enqueue_dma source(%dma_start3A_207 : memref<128xi32, #tpu.memory_space<hbm>>) target(%dma_start3A_204 : memref<128xi32, #tpu.memory_space<vmem>>) target_semaphore(%arg14 : memref<!tpu.dma_semaphore, #tpu.memory_space<semaphore_mem>>)
    %dma_start3A_208 = arith.constant 0 : i32
    %dma_start3A_209 = arith.constant 0 : i32
    %dma_start3A_210 = tpu.memref_slice %arg9[%dma_start3A_208, %dma_start3A_209] : memref<3x128xf32, #tpu.memory_space<vmem>> -> memref<1x128xf32, #tpu.memory_space<vmem>>
    %dma_start3A_211 = tpu.memref_squeeze %dma_start3A_210 : memref<1x128xf32, #tpu.memory_space<vmem>> -> memref<128xf32, #tpu.memory_space<vmem>>
    %dma_start3A_212 = arith.constant 0 : i32
    %dma_start3A_213 = tpu.memref_slice %arg5[%add3A_181, %dma_start3A_212] : memref<2560x128xf32, #tpu.memory_space<hbm>> -> memref<1x128xf32, #tpu.memory_space<hbm>>
    %dma_start3A_214 = tpu.memref_squeeze %dma_start3A_213 : memref<1x128xf32, #tpu.memory_space<hbm>> -> memref<128xf32, #tpu.memory_space<hbm>>
    %dma_start3A_215 = arith.constant 0 : i32
    %dma_start3A_216 = tpu.memref_slice %arg9[%dma_start3A_208, %dma_start3A_215] : memref<3x128xf32, #tpu.memory_space<vmem>> -> memref<1x128xf32, #tpu.memory_space<vmem>>
    %dma_start3A_217 = tpu.memref_squeeze %dma_start3A_216 : memref<1x128xf32, #tpu.memory_space<vmem>> -> memref<128xf32, #tpu.memory_space<vmem>>
    %dma_start3A_218 = arith.constant 0 : i32
    %dma_start3A_219 = tpu.memref_slice %arg5[%add3A_181, %dma_start3A_218] : memref<2560x128xf32, #tpu.memory_space<hbm>> -> memref<1x128xf32, #tpu.memory_space<hbm>>
    %dma_start3A_220 = tpu.memref_squeeze %dma_start3A_219 : memref<1x128xf32, #tpu.memory_space<hbm>> -> memref<128xf32, #tpu.memory_space<hbm>>
    tpu.enqueue_dma source(%dma_start3A_220 : memref<128xf32, #tpu.memory_space<hbm>>) target(%dma_start3A_217 : memref<128xf32, #tpu.memory_space<vmem>>) target_semaphore(%arg14 : memref<!tpu.dma_semaphore, #tpu.memory_space<semaphore_mem>>)
    %add3A_221 = arith.constant 0 : i32
    %add3A_222 = arith.addi %mul3A_175, %add3A_221 : i32
    %add3A_223 = arith.constant 0 : i32
    %add3A_224 = arith.addi %mul3A_175, %add3A_223 : i32
    %add3A_225 = arith.constant 0 : i32
    %add3A_226 = arith.addi %mul3A_175, %add3A_225 : i32
    %dma_wait3A_227 = arith.constant 0 : i32
    %dma_wait3A_228 = arith.constant 0 : i32
    %dma_wait3A_229 = tpu.memref_slice %arg7[%dma_wait3A_227, %dma_wait3A_228] : memref<3x128xi32, #tpu.memory_space<vmem>> -> memref<1x128xi32, #tpu.memory_space<vmem>>
    %dma_wait3A_230 = tpu.memref_squeeze %dma_wait3A_229 : memref<1x128xi32, #tpu.memory_space<vmem>> -> memref<128xi32, #tpu.memory_space<vmem>>
    %dma_wait3A_231 = arith.constant 0 : i32
    %dma_wait3A_232 = tpu.memref_slice %arg3[%add3A_222, %dma_wait3A_231] : memref<2560x128xi32, #tpu.memory_space<hbm>> -> memref<1x128xi32, #tpu.memory_space<hbm>>
    %dma_wait3A_233 = tpu.memref_squeeze %dma_wait3A_232 : memref<1x128xi32, #tpu.memory_space<hbm>> -> memref<128xi32, #tpu.memory_space<hbm>>
    %dma_wait3A_234 = arith.constant 0 : i32
    %dma_wait3A_235 = tpu.memref_slice %arg7[%dma_wait3A_227, %dma_wait3A_234] : memref<3x128xi32, #tpu.memory_space<vmem>> -> memref<1x128xi32, #tpu.memory_space<vmem>>
    %dma_wait3A_236 = tpu.memref_squeeze %dma_wait3A_235 : memref<1x128xi32, #tpu.memory_space<vmem>> -> memref<128xi32, #tpu.memory_space<vmem>>
    %dma_wait3A_237 = arith.constant 0 : i32
    %dma_wait3A_238 = tpu.memref_slice %arg3[%add3A_222, %dma_wait3A_237] : memref<2560x128xi32, #tpu.memory_space<hbm>> -> memref<1x128xi32, #tpu.memory_space<hbm>>
    %dma_wait3A_239 = tpu.memref_squeeze %dma_wait3A_238 : memref<1x128xi32, #tpu.memory_space<hbm>> -> memref<128xi32, #tpu.memory_space<hbm>>
    tpu.wait_dma2 semaphore(%arg14 : memref<!tpu.dma_semaphore, #tpu.memory_space<semaphore_mem>>) src(%dma_wait3A_239 : memref<128xi32, #tpu.memory_space<hbm>>) dst(%dma_wait3A_236 : memref<128xi32, #tpu.memory_space<vmem>>)
    %dma_wait3A_240 = arith.constant 0 : i32
    %dma_wait3A_241 = arith.constant 0 : i32
    %dma_wait3A_242 = tpu.memref_slice %arg8[%dma_wait3A_240, %dma_wait3A_241] : memref<3x128xi32, #tpu.memory_space<vmem>> -> memref<1x128xi32, #tpu.memory_space<vmem>>
    %dma_wait3A_243 = tpu.memref_squeeze %dma_wait3A_242 : memref<1x128xi32, #tpu.memory_space<vmem>> -> memref<128xi32, #tpu.memory_space<vmem>>
    %dma_wait3A_244 = arith.constant 0 : i32
    %dma_wait3A_245 = tpu.memref_slice %arg4[%add3A_224, %dma_wait3A_244] : memref<2560x128xi32, #tpu.memory_space<hbm>> -> memref<1x128xi32, #tpu.memory_space<hbm>>
    %dma_wait3A_246 = tpu.memref_squeeze %dma_wait3A_245 : memref<1x128xi32, #tpu.memory_space<hbm>> -> memref<128xi32, #tpu.memory_space<hbm>>
    %dma_wait3A_247 = arith.constant 0 : i32
    %dma_wait3A_248 = tpu.memref_slice %arg8[%dma_wait3A_240, %dma_wait3A_247] : memref<3x128xi32, #tpu.memory_space<vmem>> -> memref<1x128xi32, #tpu.memory_space<vmem>>
    %dma_wait3A_249 = tpu.memref_squeeze %dma_wait3A_248 : memref<1x128xi32, #tpu.memory_space<vmem>> -> memref<128xi32, #tpu.memory_space<vmem>>
    %dma_wait3A_250 = arith.constant 0 : i32
    %dma_wait3A_251 = tpu.memref_slice %arg4[%add3A_224, %dma_wait3A_250] : memref<2560x128xi32, #tpu.memory_space<hbm>> -> memref<1x128xi32, #tpu.memory_space<hbm>>
    %dma_wait3A_252 = tpu.memref_squeeze %dma_wait3A_251 : memref<1x128xi32, #tpu.memory_space<hbm>> -> memref<128xi32, #tpu.memory_space<hbm>>
    tpu.wait_dma2 semaphore(%arg14 : memref<!tpu.dma_semaphore, #tpu.memory_space<semaphore_mem>>) src(%dma_wait3A_252 : memref<128xi32, #tpu.memory_space<hbm>>) dst(%dma_wait3A_249 : memref<128xi32, #tpu.memory_space<vmem>>)
    %dma_wait3A_253 = arith.constant 0 : i32
    %dma_wait3A_254 = arith.constant 0 : i32
    %dma_wait3A_255 = tpu.memref_slice %arg9[%dma_wait3A_253, %dma_wait3A_254] : memref<3x128xf32, #tpu.memory_space<vmem>> -> memref<1x128xf32, #tpu.memory_space<vmem>>
    %dma_wait3A_256 = tpu.memref_squeeze %dma_wait3A_255 : memref<1x128xf32, #tpu.memory_space<vmem>> -> memref<128xf32, #tpu.memory_space<vmem>>
    %dma_wait3A_257 = arith.constant 0 : i32
    %dma_wait3A_258 = tpu.memref_slice %arg5[%add3A_226, %dma_wait3A_257] : memref<2560x128xf32, #tpu.memory_space<hbm>> -> memref<1x128xf32, #tpu.memory_space<hbm>>
    %dma_wait3A_259 = tpu.memref_squeeze %dma_wait3A_258 : memref<1x128xf32, #tpu.memory_space<hbm>> -> memref<128xf32, #tpu.memory_space<hbm>>
    %dma_wait3A_260 = arith.constant 0 : i32
    %dma_wait3A_261 = tpu.memref_slice %arg9[%dma_wait3A_253, %dma_wait3A_260] : memref<3x128xf32, #tpu.memory_space<vmem>> -> memref<1x128xf32, #tpu.memory_space<vmem>>
    %dma_wait3A_262 = tpu.memref_squeeze %dma_wait3A_261 : memref<1x128xf32, #tpu.memory_space<vmem>> -> memref<128xf32, #tpu.memory_space<vmem>>
    %dma_wait3A_263 = arith.constant 0 : i32
    %dma_wait3A_264 = tpu.memref_slice %arg5[%add3A_226, %dma_wait3A_263] : memref<2560x128xf32, #tpu.memory_space<hbm>> -> memref<1x128xf32, #tpu.memory_space<hbm>>
    %dma_wait3A_265 = tpu.memref_squeeze %dma_wait3A_264 : memref<1x128xf32, #tpu.memory_space<hbm>> -> memref<128xf32, #tpu.memory_space<hbm>>
    tpu.wait_dma2 semaphore(%arg14 : memref<!tpu.dma_semaphore, #tpu.memory_space<semaphore_mem>>) src(%dma_wait3A_265 : memref<128xf32, #tpu.memory_space<hbm>>) dst(%dma_wait3A_262 : memref<128xf32, #tpu.memory_space<vmem>>)
    %add3A_266 = arith.constant 1 : i32
    %add3A_267 = arith.addi %mul3A_175, %add3A_266 : i32
    %add3A_268 = arith.constant 1 : i32
    %add3A_269 = arith.addi %mul3A_175, %add3A_268 : i32
    %add3A_270 = arith.constant 1 : i32
    %add3A_271 = arith.addi %mul3A_175, %add3A_270 : i32
    %dma_start3A_272 = arith.constant 1 : i32
    %dma_start3A_273 = arith.constant 0 : i32
    %dma_start3A_274 = tpu.memref_slice %arg7[%dma_start3A_272, %dma_start3A_273] : memref<3x128xi32, #tpu.memory_space<vmem>> -> memref<1x128xi32, #tpu.memory_space<vmem>>
    %dma_start3A_275 = tpu.memref_squeeze %dma_start3A_274 : memref<1x128xi32, #tpu.memory_space<vmem>> -> memref<128xi32, #tpu.memory_space<vmem>>
    %dma_start3A_276 = arith.constant 0 : i32
    %dma_start3A_277 = tpu.memref_slice %arg3[%add3A_267, %dma_start3A_276] : memref<2560x128xi32, #tpu.memory_space<hbm>> -> memref<1x128xi32, #tpu.memory_space<hbm>>
    %dma_start3A_278 = tpu.memref_squeeze %dma_start3A_277 : memref<1x128xi32, #tpu.memory_space<hbm>> -> memref<128xi32, #tpu.memory_space<hbm>>
    %dma_start3A_279 = arith.constant 0 : i32
    %dma_start3A_280 = tpu.memref_slice %arg7[%dma_start3A_272, %dma_start3A_279] : memref<3x128xi32, #tpu.memory_space<vmem>> -> memref<1x128xi32, #tpu.memory_space<vmem>>
    %dma_start3A_281 = tpu.memref_squeeze %dma_start3A_280 : memref<1x128xi32, #tpu.memory_space<vmem>> -> memref<128xi32, #tpu.memory_space<vmem>>
    %dma_start3A_282 = arith.constant 0 : i32
    %dma_start3A_283 = tpu.memref_slice %arg3[%add3A_267, %dma_start3A_282] : memref<2560x128xi32, #tpu.memory_space<hbm>> -> memref<1x128xi32, #tpu.memory_space<hbm>>
    %dma_start3A_284 = tpu.memref_squeeze %dma_start3A_283 : memref<1x128xi32, #tpu.memory_space<hbm>> -> memref<128xi32, #tpu.memory_space<hbm>>
    tpu.enqueue_dma source(%dma_start3A_284 : memref<128xi32, #tpu.memory_space<hbm>>) target(%dma_start3A_281 : memref<128xi32, #tpu.memory_space<vmem>>) target_semaphore(%arg14 : memref<!tpu.dma_semaphore, #tpu.memory_space<semaphore_mem>>)
    %dma_start3A_285 = arith.constant 1 : i32
    %dma_start3A_286 = arith.constant 0 : i32
    %dma_start3A_287 = tpu.memref_slice %arg8[%dma_start3A_285, %dma_start3A_286] : memref<3x128xi32, #tpu.memory_space<vmem>> -> memref<1x128xi32, #tpu.memory_space<vmem>>
    %dma_start3A_288 = tpu.memref_squeeze %dma_start3A_287 : memref<1x128xi32, #tpu.memory_space<vmem>> -> memref<128xi32, #tpu.memory_space<vmem>>
    %dma_start3A_289 = arith.constant 0 : i32
    %dma_start3A_290 = tpu.memref_slice %arg4[%add3A_269, %dma_start3A_289] : memref<2560x128xi32, #tpu.memory_space<hbm>> -> memref<1x128xi32, #tpu.memory_space<hbm>>
    %dma_start3A_291 = tpu.memref_squeeze %dma_start3A_290 : memref<1x128xi32, #tpu.memory_space<hbm>> -> memref<128xi32, #tpu.memory_space<hbm>>
    %dma_start3A_292 = arith.constant 0 : i32
    %dma_start3A_293 = tpu.memref_slice %arg8[%dma_start3A_285, %dma_start3A_292] : memref<3x128xi32, #tpu.memory_space<vmem>> -> memref<1x128xi32, #tpu.memory_space<vmem>>
    %dma_start3A_294 = tpu.memref_squeeze %dma_start3A_293 : memref<1x128xi32, #tpu.memory_space<vmem>> -> memref<128xi32, #tpu.memory_space<vmem>>
    %dma_start3A_295 = arith.constant 0 : i32
    %dma_start3A_296 = tpu.memref_slice %arg4[%add3A_269, %dma_start3A_295] : memref<2560x128xi32, #tpu.memory_space<hbm>> -> memref<1x128xi32, #tpu.memory_space<hbm>>
    %dma_start3A_297 = tpu.memref_squeeze %dma_start3A_296 : memref<1x128xi32, #tpu.memory_space<hbm>> -> memref<128xi32, #tpu.memory_space<hbm>>
    tpu.enqueue_dma source(%dma_start3A_297 : memref<128xi32, #tpu.memory_space<hbm>>) target(%dma_start3A_294 : memref<128xi32, #tpu.memory_space<vmem>>) target_semaphore(%arg14 : memref<!tpu.dma_semaphore, #tpu.memory_space<semaphore_mem>>)
    %dma_start3A_298 = arith.constant 1 : i32
    %dma_start3A_299 = arith.constant 0 : i32
    %dma_start3A_300 = tpu.memref_slice %arg9[%dma_start3A_298, %dma_start3A_299] : memref<3x128xf32, #tpu.memory_space<vmem>> -> memref<1x128xf32, #tpu.memory_space<vmem>>
    %dma_start3A_301 = tpu.memref_squeeze %dma_start3A_300 : memref<1x128xf32, #tpu.memory_space<vmem>> -> memref<128xf32, #tpu.memory_space<vmem>>
    %dma_start3A_302 = arith.constant 0 : i32
    %dma_start3A_303 = tpu.memref_slice %arg5[%add3A_271, %dma_start3A_302] : memref<2560x128xf32, #tpu.memory_space<hbm>> -> memref<1x128xf32, #tpu.memory_space<hbm>>
    %dma_start3A_304 = tpu.memref_squeeze %dma_start3A_303 : memref<1x128xf32, #tpu.memory_space<hbm>> -> memref<128xf32, #tpu.memory_space<hbm>>
    %dma_start3A_305 = arith.constant 0 : i32
    %dma_start3A_306 = tpu.memref_slice %arg9[%dma_start3A_298, %dma_start3A_305] : memref<3x128xf32, #tpu.memory_space<vmem>> -> memref<1x128xf32, #tpu.memory_space<vmem>>
    %dma_start3A_307 = tpu.memref_squeeze %dma_start3A_306 : memref<1x128xf32, #tpu.memory_space<vmem>> -> memref<128xf32, #tpu.memory_space<vmem>>
    %dma_start3A_308 = arith.constant 0 : i32
    %dma_start3A_309 = tpu.memref_slice %arg5[%add3A_271, %dma_start3A_308] : memref<2560x128xf32, #tpu.memory_space<hbm>> -> memref<1x128xf32, #tpu.memory_space<hbm>>
    %dma_start3A_310 = tpu.memref_squeeze %dma_start3A_309 : memref<1x128xf32, #tpu.memory_space<hbm>> -> memref<128xf32, #tpu.memory_space<hbm>>
    tpu.enqueue_dma source(%dma_start3A_310 : memref<128xf32, #tpu.memory_space<hbm>>) target(%dma_start3A_307 : memref<128xf32, #tpu.memory_space<vmem>>) target_semaphore(%arg14 : memref<!tpu.dma_semaphore, #tpu.memory_space<semaphore_mem>>)
    %dma_start3A_311 = arith.constant 0 : i32
    %dma_start3A_312 = arith.constant 0 : i32
    %dma_start3A_313 = arith.constant 0 : i32
    %dma_start3A_314 = arith.constant 0 : i32
    %dma_start3A_315 = tpu.memref_slice %arg10[%dma_start3A_312, %dma_start3A_313, %dma_start3A_314] : memref<2x128x128xf32, #tpu.memory_space<vmem>> -> memref<1x128x128xf32, #tpu.memory_space<vmem>>
    %dma_start3A_316 = tpu.memref_squeeze %dma_start3A_315 : memref<1x128x128xf32, #tpu.memory_space<vmem>> -> memref<128x128xf32, #tpu.memory_space<vmem>>
    %dma_start3A_317 = arith.constant 0 : i32
    %dma_start3A_318 = tpu.memref_slice %arg7[%dma_start3A_311, %dma_start3A_317] : memref<3x128xi32, #tpu.memory_space<vmem>> -> memref<1x128xi32, #tpu.memory_space<vmem>>
    %dma_start3A_319 = tpu.memref_squeeze %dma_start3A_318 : memref<1x128xi32, #tpu.memory_space<vmem>> -> memref<128xi32, #tpu.memory_space<vmem>>
    %dma_start3A_320 = arith.constant 0 : i32
    %dma_start3A_321 = arith.constant 0 : i32
    %dma_start3A_322 = tpu.memref_slice %arg2[%dma_start3A_320, %dma_start3A_321] : memref<10000x128xf32, #tpu.memory_space<hbm>> -> memref<10000x128xf32, #tpu.memory_space<hbm>>
    tpu.enqueue_indirect_dma source(%dma_start3A_322 : memref<10000x128xf32, #tpu.memory_space<hbm>>) target(%dma_start3A_316 : memref<128x128xf32, #tpu.memory_space<vmem>>) offsets(%dma_start3A_319 : memref<128xi32, #tpu.memory_space<vmem>>) semaphore(%arg12 : memref<!tpu.dma_semaphore, #tpu.memory_space<semaphore_mem>>)
    %scan3A_323 = arith.constant 0 : i32
    %scan3A_324 = arith.constant 0 : i32
    %scan3A_325 = arith.constant 80 : i32
    %scan3A_326 = arith.addi %scan3A_324, %scan3A_325 : i32
    %scan3A_327 = arith.constant 1 : i32
    scf.for %scan3A_358 = %scan3A_324 to %scan3A_326 step %scan3A_327  : i32 {
      %and3A = arith.constant 1 : i32
      %and3A_359 = arith.andi %scan3A_358, %and3A : i32
      %jit3A = arith.constant 3 : i32
      %eq3A = arith.constant 0 : i32
      %eq3A_360 = arith.cmpi eq, %jit3A, %eq3A : i32
      %jit3A_361 = arith.constant 1 : i32
      %select_n3A = arith.select %eq3A_360, %jit3A_361, %jit3A : i32
      %rem3A = arith.remsi %scan3A_358, %select_n3A : i32
      %ne3A = arith.constant 0 : i32
      %ne3A_362 = arith.cmpi ne, %rem3A, %ne3A : i32
      %lt3A = arith.constant 0 : i32
      %lt3A_363 = arith.cmpi slt, %rem3A, %lt3A : i32
      %lt3A_364 = arith.constant 0 : i32
      %lt3A_365 = arith.cmpi slt, %select_n3A, %lt3A_364 : i32
      %ne3A_366 = arith.xori %lt3A_363, %lt3A_365 : i1
      %and3A_367 = arith.andi %ne3A_366, %ne3A_362 : i1
      %add3A_368 = arith.addi %rem3A, %select_n3A : i32
      %select_n3A_369 = arith.select %and3A_367, %add3A_368, %rem3A : i32
      %dma_wait3A_370 = arith.constant 0 : i32
      %dma_wait3A_371 = arith.constant 0 : i32
      %dma_wait3A_372 = tpu.memref_slice %arg10[%and3A_359, %dma_wait3A_370, %dma_wait3A_371] : memref<2x128x128xf32, #tpu.memory_space<vmem>> -> memref<1x128x128xf32, #tpu.memory_space<vmem>>
      %dma_wait3A_373 = tpu.memref_squeeze %dma_wait3A_372 : memref<1x128x128xf32, #tpu.memory_space<vmem>> -> memref<128x128xf32, #tpu.memory_space<vmem>>
      %dma_wait3A_374 = arith.constant 0 : i32
      %dma_wait3A_375 = tpu.memref_slice %arg7[%select_n3A_369, %dma_wait3A_374] : memref<3x128xi32, #tpu.memory_space<vmem>> -> memref<1x128xi32, #tpu.memory_space<vmem>>
      %dma_wait3A_376 = tpu.memref_squeeze %dma_wait3A_375 : memref<1x128xi32, #tpu.memory_space<vmem>> -> memref<128xi32, #tpu.memory_space<vmem>>
      %dma_wait3A_377 = arith.constant 0 : i32
      %dma_wait3A_378 = arith.constant 0 : i32
      %dma_wait3A_379 = tpu.memref_slice %arg2[%dma_wait3A_377, %dma_wait3A_378] : memref<10000x128xf32, #tpu.memory_space<hbm>> -> memref<10000x128xf32, #tpu.memory_space<hbm>>
      tpu.wait_indirect_dma semaphore(%arg12 : memref<!tpu.dma_semaphore, #tpu.memory_space<semaphore_mem>>) src(%dma_wait3A_379 : memref<10000x128xf32, #tpu.memory_space<hbm>>) dst(%dma_wait3A_373 : memref<128x128xf32, #tpu.memory_space<vmem>>)
      %gt3A = arith.constant 0 : i32
      %gt3A_380 = arith.cmpi sgt, %scan3A_358, %gt3A : i32
      %convert_element_type3A = arith.extui %gt3A_380 : i1 to i32
      %cond3A = arith.constant 0 : i32
      %cond3A_381 = arith.cmpi ne, %convert_element_type3A, %cond3A : i32
      scf.if %cond3A_381 {
        %sub3A = arith.constant 1 : i32
        %sub3A_402 = arith.subi %scan3A_358, %sub3A : i32
        %sub3A_403 = arith.constant 1 : i32
        %sub3A_404 = arith.subi %sub3A_403, %and3A_359 : i32
        %jit3A_405 = arith.constant 3 : i32
        %eq3A_406 = arith.constant 0 : i32
        %eq3A_407 = arith.cmpi eq, %jit3A_405, %eq3A_406 : i32
        %jit3A_408 = arith.constant 1 : i32
        %select_n3A_409 = arith.select %eq3A_407, %jit3A_408, %jit3A_405 : i32
        %rem3A_410 = arith.remsi %sub3A_402, %select_n3A_409 : i32
        %ne3A_411 = arith.constant 0 : i32
        %ne3A_412 = arith.cmpi ne, %rem3A_410, %ne3A_411 : i32
        %lt3A_413 = arith.constant 0 : i32
        %lt3A_414 = arith.cmpi slt, %rem3A_410, %lt3A_413 : i32
        %lt3A_415 = arith.constant 0 : i32
        %lt3A_416 = arith.cmpi slt, %select_n3A_409, %lt3A_415 : i32
        %ne3A_417 = arith.xori %lt3A_414, %lt3A_416 : i1
        %and3A_418 = arith.andi %ne3A_417, %ne3A_412 : i1
        %add3A_419 = arith.addi %rem3A_410, %select_n3A_409 : i32
        %select_n3A_420 = arith.select %and3A_418, %add3A_419, %rem3A_410 : i32
        %dma_start3A_421 = arith.constant 0 : i32
        %dma_start3A_422 = arith.constant 0 : i32
        %dma_start3A_423 = tpu.memref_slice %arg10[%sub3A_404, %dma_start3A_421, %dma_start3A_422] : memref<2x128x128xf32, #tpu.memory_space<vmem>> -> memref<1x128x128xf32, #tpu.memory_space<vmem>>
        %dma_start3A_424 = tpu.memref_squeeze %dma_start3A_423 : memref<1x128x128xf32, #tpu.memory_space<vmem>> -> memref<128x128xf32, #tpu.memory_space<vmem>>
        %dma_start3A_425 = arith.constant 0 : i32
        %dma_start3A_426 = tpu.memref_slice %arg8[%select_n3A_420, %dma_start3A_425] : memref<3x128xi32, #tpu.memory_space<vmem>> -> memref<1x128xi32, #tpu.memory_space<vmem>>
        %dma_start3A_427 = tpu.memref_squeeze %dma_start3A_426 : memref<1x128xi32, #tpu.memory_space<vmem>> -> memref<128xi32, #tpu.memory_space<vmem>>
        %dma_start3A_428 = arith.constant 0 : i32
        %dma_start3A_429 = arith.constant 0 : i32
        %dma_start3A_430 = tpu.memref_slice %arg11[%dma_start3A_428, %dma_start3A_429] : memref<10240x128xf32, #tpu.memory_space<vmem_shared>> -> memref<10240x128xf32, #tpu.memory_space<vmem_shared>>
        tpu.enqueue_indirect_dma source(%dma_start3A_424 : memref<128x128xf32, #tpu.memory_space<vmem>>) target(%dma_start3A_430 : memref<10240x128xf32, #tpu.memory_space<vmem_shared>>) offsets(%dma_start3A_427 : memref<128xi32, #tpu.memory_space<vmem>>) semaphore(%arg13 : memref<!tpu.dma_semaphore, #tpu.memory_space<semaphore_mem>>) {add = true}
      } else {
      }
      %parallel_loop3A = arith.constant 0 : i32
      %parallel_loop3A_382 = arith.constant 64 : i32
      %parallel_loop3A_383 = arith.constant 1 : i32
      scf.for %parallel_loop3A_402 = %parallel_loop3A to %parallel_loop3A_382 step %parallel_loop3A_383  : i32 {
        %parallel_loop3A_403 = arith.constant 3 : i32
        %parallel_loop3A_404 = arith.constant 0 : i32
        %parallel_loop3A_405 = arith.cmpi eq, %parallel_loop3A_403, %parallel_loop3A_404 : i32
        %parallel_loop3A_406 = arith.constant 1 : i32
        %parallel_loop3A_407 = arith.select %parallel_loop3A_405, %parallel_loop3A_406, %parallel_loop3A_403 : i32
        %parallel_loop3A_408 = arith.remsi %scan3A_358, %parallel_loop3A_407 : i32
        %parallel_loop3A_409 = arith.constant 0 : i32
        %parallel_loop3A_410 = arith.cmpi ne, %parallel_loop3A_408, %parallel_loop3A_409 : i32
        %parallel_loop3A_411 = arith.constant 0 : i32
        %parallel_loop3A_412 = arith.cmpi slt, %parallel_loop3A_408, %parallel_loop3A_411 : i32
        %parallel_loop3A_413 = arith.constant 0 : i32
        %parallel_loop3A_414 = arith.cmpi slt, %parallel_loop3A_407, %parallel_loop3A_413 : i32
        %parallel_loop3A_415 = arith.xori %parallel_loop3A_412, %parallel_loop3A_414 : i1
        %parallel_loop3A_416 = arith.andi %parallel_loop3A_415, %parallel_loop3A_410 : i1
        %parallel_loop3A_417 = arith.addi %parallel_loop3A_408, %parallel_loop3A_407 : i32
        %parallel_loop3A_418 = arith.select %parallel_loop3A_416, %parallel_loop3A_417, %parallel_loop3A_408 : i32
        %parallel_loop3A_419 = arith.constant 0 : i32
        %parallel_loop3A_420 = vector.broadcast %parallel_loop3A_419 : i32 to vector<16xi32>
        %parallel_loop3A_421 = vector.broadcast %parallel_loop3A_402 : i32 to vector<16xi32>
        %parallel_loop3A_422 = arith.addi %parallel_loop3A_420, %parallel_loop3A_421 : vector<16xi32>
        %parallel_loop3A_423 = arith.constant 0 : i32
        %parallel_loop3A_424 = tpu.memref_slice %arg9[%parallel_loop3A_418, %parallel_loop3A_423] : memref<3x128xf32, #tpu.memory_space<vmem>> -> memref<1x128xf32, #tpu.memory_space<vmem>>
        %parallel_loop3A_425 = tpu.memref_squeeze %parallel_loop3A_424 : memref<1x128xf32, #tpu.memory_space<vmem>> -> memref<128xf32, #tpu.memory_space<vmem>>
        %parallel_loop3A_426 = tpu.vector_load_idx %parallel_loop3A_425[%parallel_loop3A_422] : memref<128xf32, #tpu.memory_space<vmem>>[vector<16xi32>], vector<16xf32>,
        %parallel_loop3A_427 = arith.index_cast %and3A_359 : i32 to index
        %parallel_loop3A_428 = arith.index_cast %parallel_loop3A_402 : i32 to index
        %parallel_loop3A_429 = arith.constant 0 : index
        %parallel_loop3A_430 = tpu.vector_load %arg10[%parallel_loop3A_427, %parallel_loop3A_428, %parallel_loop3A_429] {strides = array<i32>} : memref<2x128x128xf32, #tpu.memory_space<vmem>>, vector<16xf32>,
        %parallel_loop3A_431 = arith.mulf %parallel_loop3A_430, %parallel_loop3A_426 : vector<16xf32>
        %parallel_loop3A_432 = arith.index_cast %and3A_359 : i32 to index
        %parallel_loop3A_433 = arith.index_cast %parallel_loop3A_402 : i32 to index
        %parallel_loop3A_434 = arith.constant 0 : index
        %parallel_loop3A_435 = tpu.vector_load %arg10[%parallel_loop3A_432, %parallel_loop3A_433, %parallel_loop3A_434] {strides = array<i32>} : memref<2x128x128xf32, #tpu.memory_space<vmem>>, vector<16xf32>,
        tpu.vector_store %arg10[%parallel_loop3A_432, %parallel_loop3A_433, %parallel_loop3A_434], %parallel_loop3A_431 {strides = array<i32>} : memref<2x128x128xf32, #tpu.memory_space<vmem>>, vector<16xf32>,
        %parallel_loop3A_436 = arith.index_cast %and3A_359 : i32 to index
        %parallel_loop3A_437 = arith.index_cast %parallel_loop3A_402 : i32 to index
        %parallel_loop3A_438 = arith.constant 16 : index
        %parallel_loop3A_439 = tpu.vector_load %arg10[%parallel_loop3A_436, %parallel_loop3A_437, %parallel_loop3A_438] {strides = array<i32>} : memref<2x128x128xf32, #tpu.memory_space<vmem>>, vector<16xf32>,
        %parallel_loop3A_440 = arith.mulf %parallel_loop3A_439, %parallel_loop3A_426 : vector<16xf32>
        %parallel_loop3A_441 = arith.index_cast %and3A_359 : i32 to index
        %parallel_loop3A_442 = arith.index_cast %parallel_loop3A_402 : i32 to index
        %parallel_loop3A_443 = arith.constant 16 : index
        %parallel_loop3A_444 = tpu.vector_load %arg10[%parallel_loop3A_441, %parallel_loop3A_442, %parallel_loop3A_443] {strides = array<i32>} : memref<2x128x128xf32, #tpu.memory_space<vmem>>, vector<16xf32>,
        tpu.vector_store %arg10[%parallel_loop3A_441, %parallel_loop3A_442, %parallel_loop3A_443], %parallel_loop3A_440 {strides = array<i32>} : memref<2x128x128xf32, #tpu.memory_space<vmem>>, vector<16xf32>,
        %parallel_loop3A_445 = arith.index_cast %and3A_359 : i32 to index
        %parallel_loop3A_446 = arith.index_cast %parallel_loop3A_402 : i32 to index
        %parallel_loop3A_447 = arith.constant 32 : index
        %parallel_loop3A_448 = tpu.vector_load %arg10[%parallel_loop3A_445, %parallel_loop3A_446, %parallel_loop3A_447] {strides = array<i32>} : memref<2x128x128xf32, #tpu.memory_space<vmem>>, vector<16xf32>,
        %parallel_loop3A_449 = arith.mulf %parallel_loop3A_448, %parallel_loop3A_426 : vector<16xf32>
        %parallel_loop3A_450 = arith.index_cast %and3A_359 : i32 to index
        %parallel_loop3A_451 = arith.index_cast %parallel_loop3A_402 : i32 to index
        %parallel_loop3A_452 = arith.constant 32 : index
        %parallel_loop3A_453 = tpu.vector_load %arg10[%parallel_loop3A_450, %parallel_loop3A_451, %parallel_loop3A_452] {strides = array<i32>} : memref<2x128x128xf32, #tpu.memory_space<vmem>>, vector<16xf32>,
        tpu.vector_store %arg10[%parallel_loop3A_450, %parallel_loop3A_451, %parallel_loop3A_452], %parallel_loop3A_449 {strides = array<i32>} : memref<2x128x128xf32, #tpu.memory_space<vmem>>, vector<16xf32>,
        %parallel_loop3A_454 = arith.index_cast %and3A_359 : i32 to index
        %parallel_loop3A_455 = arith.index_cast %parallel_loop3A_402 : i32 to index
        %parallel_loop3A_456 = arith.constant 48 : index
        %parallel_loop3A_457 = tpu.vector_load %arg10[%parallel_loop3A_454, %parallel_loop3A_455, %parallel_loop3A_456] {strides = array<i32>} : memref<2x128x128xf32, #tpu.memory_space<vmem>>, vector<16xf32>,
        %parallel_loop3A_458 = arith.mulf %parallel_loop3A_457, %parallel_loop3A_426 : vector<16xf32>
        %parallel_loop3A_459 = arith.index_cast %and3A_359 : i32 to index
        %parallel_loop3A_460 = arith.index_cast %parallel_loop3A_402 : i32 to index
        %parallel_loop3A_461 = arith.constant 48 : index
        %parallel_loop3A_462 = tpu.vector_load %arg10[%parallel_loop3A_459, %parallel_loop3A_460, %parallel_loop3A_461] {strides = array<i32>} : memref<2x128x128xf32, #tpu.memory_space<vmem>>, vector<16xf32>,
        tpu.vector_store %arg10[%parallel_loop3A_459, %parallel_loop3A_460, %parallel_loop3A_461], %parallel_loop3A_458 {strides = array<i32>} : memref<2x128x128xf32, #tpu.memory_space<vmem>>, vector<16xf32>,
        %parallel_loop3A_463 = arith.index_cast %and3A_359 : i32 to index
        %parallel_loop3A_464 = arith.index_cast %parallel_loop3A_402 : i32 to index
        %parallel_loop3A_465 = arith.constant 64 : index
        %parallel_loop3A_466 = tpu.vector_load %arg10[%parallel_loop3A_463, %parallel_loop3A_464, %parallel_loop3A_465] {strides = array<i32>} : memref<2x128x128xf32, #tpu.memory_space<vmem>>, vector<16xf32>,
        %parallel_loop3A_467 = arith.mulf %parallel_loop3A_466, %parallel_loop3A_426 : vector<16xf32>
        %parallel_loop3A_468 = arith.index_cast %and3A_359 : i32 to index
        %parallel_loop3A_469 = arith.index_cast %parallel_loop3A_402 : i32 to index
        %parallel_loop3A_470 = arith.constant 64 : index
        %parallel_loop3A_471 = tpu.vector_load %arg10[%parallel_loop3A_468, %parallel_loop3A_469, %parallel_loop3A_470] {strides = array<i32>} : memref<2x128x128xf32, #tpu.memory_space<vmem>>, vector<16xf32>,
        tpu.vector_store %arg10[%parallel_loop3A_468, %parallel_loop3A_469, %parallel_loop3A_470], %parallel_loop3A_467 {strides = array<i32>} : memref<2x128x128xf32, #tpu.memory_space<vmem>>, vector<16xf32>,
        %parallel_loop3A_472 = arith.index_cast %and3A_359 : i32 to index
        %parallel_loop3A_473 = arith.index_cast %parallel_loop3A_402 : i32 to index
        %parallel_loop3A_474 = arith.constant 80 : index
        %parallel_loop3A_475 = tpu.vector_load %arg10[%parallel_loop3A_472, %parallel_loop3A_473, %parallel_loop3A_474] {strides = array<i32>} : memref<2x128x128xf32, #tpu.memory_space<vmem>>, vector<16xf32>,
        %parallel_loop3A_476 = arith.mulf %parallel_loop3A_475, %parallel_loop3A_426 : vector<16xf32>
        %parallel_loop3A_477 = arith.index_cast %and3A_359 : i32 to index
        %parallel_loop3A_478 = arith.index_cast %parallel_loop3A_402 : i32 to index
        %parallel_loop3A_479 = arith.constant 80 : index
        %parallel_loop3A_480 = tpu.vector_load %arg10[%parallel_loop3A_477, %parallel_loop3A_478, %parallel_loop3A_479] {strides = array<i32>} : memref<2x128x128xf32, #tpu.memory_space<vmem>>, vector<16xf32>,
        tpu.vector_store %arg10[%parallel_loop3A_477, %parallel_loop3A_478, %parallel_loop3A_479], %parallel_loop3A_476 {strides = array<i32>} : memref<2x128x128xf32, #tpu.memory_space<vmem>>, vector<16xf32>,
        %parallel_loop3A_481 = arith.index_cast %and3A_359 : i32 to index
        %parallel_loop3A_482 = arith.index_cast %parallel_loop3A_402 : i32 to index
        %parallel_loop3A_483 = arith.constant 96 : index
        %parallel_loop3A_484 = tpu.vector_load %arg10[%parallel_loop3A_481, %parallel_loop3A_482, %parallel_loop3A_483] {strides = array<i32>} : memref<2x128x128xf32, #tpu.memory_space<vmem>>, vector<16xf32>,
        %parallel_loop3A_485 = arith.mulf %parallel_loop3A_484, %parallel_loop3A_426 : vector<16xf32>
        %parallel_loop3A_486 = arith.index_cast %and3A_359 : i32 to index
        %parallel_loop3A_487 = arith.index_cast %parallel_loop3A_402 : i32 to index
        %parallel_loop3A_488 = arith.constant 96 : index
        %parallel_loop3A_489 = tpu.vector_load %arg10[%parallel_loop3A_486, %parallel_loop3A_487, %parallel_loop3A_488] {strides = array<i32>} : memref<2x128x128xf32, #tpu.memory_space<vmem>>, vector<16xf32>,
        tpu.vector_store %arg10[%parallel_loop3A_486, %parallel_loop3A_487, %parallel_loop3A_488], %parallel_loop3A_485 {strides = array<i32>} : memref<2x128x128xf32, #tpu.memory_space<vmem>>, vector<16xf32>,
        %parallel_loop3A_490 = arith.index_cast %and3A_359 : i32 to index
        %parallel_loop3A_491 = arith.index_cast %parallel_loop3A_402 : i32 to index
        %parallel_loop3A_492 = arith.constant 112 : index
        %parallel_loop3A_493 = tpu.vector_load %arg10[%parallel_loop3A_490, %parallel_loop3A_491, %parallel_loop3A_492] {strides = array<i32>} : memref<2x128x128xf32, #tpu.memory_space<vmem>>, vector<16xf32>,
        %parallel_loop3A_494 = arith.mulf %parallel_loop3A_493, %parallel_loop3A_426 : vector<16xf32>
        %parallel_loop3A_495 = arith.index_cast %and3A_359 : i32 to index
        %parallel_loop3A_496 = arith.index_cast %parallel_loop3A_402 : i32 to index
        %parallel_loop3A_497 = arith.constant 112 : index
        %parallel_loop3A_498 = tpu.vector_load %arg10[%parallel_loop3A_495, %parallel_loop3A_496, %parallel_loop3A_497] {strides = array<i32>} : memref<2x128x128xf32, #tpu.memory_space<vmem>>, vector<16xf32>,
        tpu.vector_store %arg10[%parallel_loop3A_495, %parallel_loop3A_496, %parallel_loop3A_497], %parallel_loop3A_494 {strides = array<i32>} : memref<2x128x128xf32, #tpu.memory_space<vmem>>, vector<16xf32>,
      } {sc.loop_unroll_factor = 4 : i64, sc.parallel_access}
      %gt3A_384 = arith.constant 0 : i32
      %gt3A_385 = arith.cmpi sgt, %scan3A_358, %gt3A_384 : i32
      %convert_element_type3A_386 = arith.extui %gt3A_385 : i1 to i32
      %cond3A_387 = arith.constant 0 : i32
      %cond3A_388 = arith.cmpi ne, %convert_element_type3A_386, %cond3A_387 : i32
      scf.if %cond3A_388 {
        %sub3A = arith.constant 1 : i32
        %sub3A_402 = arith.subi %scan3A_358, %sub3A : i32
        %sub3A_403 = arith.constant 1 : i32
        %sub3A_404 = arith.subi %sub3A_403, %and3A_359 : i32
        %jit3A_405 = arith.constant 3 : i32
        %eq3A_406 = arith.constant 0 : i32
        %eq3A_407 = arith.cmpi eq, %jit3A_405, %eq3A_406 : i32
        %jit3A_408 = arith.constant 1 : i32
        %select_n3A_409 = arith.select %eq3A_407, %jit3A_408, %jit3A_405 : i32
        %rem3A_410 = arith.remsi %sub3A_402, %select_n3A_409 : i32
        %ne3A_411 = arith.constant 0 : i32
        %ne3A_412 = arith.cmpi ne, %rem3A_410, %ne3A_411 : i32
        %lt3A_413 = arith.constant 0 : i32
        %lt3A_414 = arith.cmpi slt, %rem3A_410, %lt3A_413 : i32
        %lt3A_415 = arith.constant 0 : i32
        %lt3A_416 = arith.cmpi slt, %select_n3A_409, %lt3A_415 : i32
        %ne3A_417 = arith.xori %lt3A_414, %lt3A_416 : i1
        %and3A_418 = arith.andi %ne3A_417, %ne3A_412 : i1
        %add3A_419 = arith.addi %rem3A_410, %select_n3A_409 : i32
        %select_n3A_420 = arith.select %and3A_418, %add3A_419, %rem3A_410 : i32
        %dma_wait3A_421 = arith.constant 0 : i32
        %dma_wait3A_422 = arith.constant 0 : i32
        %dma_wait3A_423 = tpu.memref_slice %arg10[%sub3A_404, %dma_wait3A_421, %dma_wait3A_422] : memref<2x128x128xf32, #tpu.memory_space<vmem>> -> memref<1x128x128xf32, #tpu.memory_space<vmem>>
        %dma_wait3A_424 = tpu.memref_squeeze %dma_wait3A_423 : memref<1x128x128xf32, #tpu.memory_space<vmem>> -> memref<128x128xf32, #tpu.memory_space<vmem>>
        %dma_wait3A_425 = arith.constant 0 : i32
        %dma_wait3A_426 = tpu.memref_slice %arg8[%select_n3A_420, %dma_wait3A_425] : memref<3x128xi32, #tpu.memory_space<vmem>> -> memref<1x128xi32, #tpu.memory_space<vmem>>
        %dma_wait3A_427 = tpu.memref_squeeze %dma_wait3A_426 : memref<1x128xi32, #tpu.memory_space<vmem>> -> memref<128xi32, #tpu.memory_space<vmem>>
        %dma_wait3A_428 = arith.constant 0 : i32
        %dma_wait3A_429 = arith.constant 0 : i32
        %dma_wait3A_430 = tpu.memref_slice %arg11[%dma_wait3A_428, %dma_wait3A_429] : memref<10240x128xf32, #tpu.memory_space<vmem_shared>> -> memref<10240x128xf32, #tpu.memory_space<vmem_shared>>
        tpu.wait_indirect_dma semaphore(%arg13 : memref<!tpu.dma_semaphore, #tpu.memory_space<semaphore_mem>>) src(%dma_wait3A_424 : memref<128x128xf32, #tpu.memory_space<vmem>>) dst(%dma_wait3A_430 : memref<10240x128xf32, #tpu.memory_space<vmem_shared>>)
      } else {
      }
      %lt3A_389 = arith.constant 79 : i32
      %lt3A_390 = arith.cmpi slt, %scan3A_358, %lt3A_389 : i32
      %convert_element_type3A_391 = arith.extui %lt3A_390 : i1 to i32
      %cond3A_392 = arith.constant 0 : i32
      %cond3A_393 = arith.cmpi ne, %convert_element_type3A_391, %cond3A_392 : i32
      scf.if %cond3A_393 {
        %add3A_402 = arith.constant 1 : i32
        %add3A_403 = arith.addi %scan3A_358, %add3A_402 : i32
        %jit3A_404 = arith.constant 3 : i32
        %eq3A_405 = arith.constant 0 : i32
        %eq3A_406 = arith.cmpi eq, %jit3A_404, %eq3A_405 : i32
        %jit3A_407 = arith.constant 1 : i32
        %select_n3A_408 = arith.select %eq3A_406, %jit3A_407, %jit3A_404 : i32
        %rem3A_409 = arith.remsi %add3A_403, %select_n3A_408 : i32
        %ne3A_410 = arith.constant 0 : i32
        %ne3A_411 = arith.cmpi ne, %rem3A_409, %ne3A_410 : i32
        %lt3A_412 = arith.constant 0 : i32
        %lt3A_413 = arith.cmpi slt, %rem3A_409, %lt3A_412 : i32
        %lt3A_414 = arith.constant 0 : i32
        %lt3A_415 = arith.cmpi slt, %select_n3A_408, %lt3A_414 : i32
        %ne3A_416 = arith.xori %lt3A_413, %lt3A_415 : i1
        %and3A_417 = arith.andi %ne3A_416, %ne3A_411 : i1
        %add3A_418 = arith.addi %rem3A_409, %select_n3A_408 : i32
        %select_n3A_419 = arith.select %and3A_417, %add3A_418, %rem3A_409 : i32
        %add3A_420 = arith.addi %mul3A_175, %add3A_403 : i32
        %add3A_421 = arith.addi %mul3A_175, %add3A_403 : i32
        %add3A_422 = arith.addi %mul3A_175, %add3A_403 : i32
        %dma_wait3A_423 = arith.constant 0 : i32
        %dma_wait3A_424 = tpu.memref_slice %arg7[%select_n3A_419, %dma_wait3A_423] : memref<3x128xi32, #tpu.memory_space<vmem>> -> memref<1x128xi32, #tpu.memory_space<vmem>>
        %dma_wait3A_425 = tpu.memref_squeeze %dma_wait3A_424 : memref<1x128xi32, #tpu.memory_space<vmem>> -> memref<128xi32, #tpu.memory_space<vmem>>
        %dma_wait3A_426 = arith.constant 0 : i32
        %dma_wait3A_427 = tpu.memref_slice %arg3[%add3A_420, %dma_wait3A_426] : memref<2560x128xi32, #tpu.memory_space<hbm>> -> memref<1x128xi32, #tpu.memory_space<hbm>>
        %dma_wait3A_428 = tpu.memref_squeeze %dma_wait3A_427 : memref<1x128xi32, #tpu.memory_space<hbm>> -> memref<128xi32, #tpu.memory_space<hbm>>
        %dma_wait3A_429 = arith.constant 0 : i32
        %dma_wait3A_430 = tpu.memref_slice %arg7[%select_n3A_419, %dma_wait3A_429] : memref<3x128xi32, #tpu.memory_space<vmem>> -> memref<1x128xi32, #tpu.memory_space<vmem>>
        %dma_wait3A_431 = tpu.memref_squeeze %dma_wait3A_430 : memref<1x128xi32, #tpu.memory_space<vmem>> -> memref<128xi32, #tpu.memory_space<vmem>>
        %dma_wait3A_432 = arith.constant 0 : i32
        %dma_wait3A_433 = tpu.memref_slice %arg3[%add3A_420, %dma_wait3A_432] : memref<2560x128xi32, #tpu.memory_space<hbm>> -> memref<1x128xi32, #tpu.memory_space<hbm>>
        %dma_wait3A_434 = tpu.memref_squeeze %dma_wait3A_433 : memref<1x128xi32, #tpu.memory_space<hbm>> -> memref<128xi32, #tpu.memory_space<hbm>>
        tpu.wait_dma2 semaphore(%arg14 : memref<!tpu.dma_semaphore, #tpu.memory_space<semaphore_mem>>) src(%dma_wait3A_434 : memref<128xi32, #tpu.memory_space<hbm>>) dst(%dma_wait3A_431 : memref<128xi32, #tpu.memory_space<vmem>>)
        %dma_wait3A_435 = arith.constant 0 : i32
        %dma_wait3A_436 = tpu.memref_slice %arg8[%select_n3A_419, %dma_wait3A_435] : memref<3x128xi32, #tpu.memory_space<vmem>> -> memref<1x128xi32, #tpu.memory_space<vmem>>
        %dma_wait3A_437 = tpu.memref_squeeze %dma_wait3A_436 : memref<1x128xi32, #tpu.memory_space<vmem>> -> memref<128xi32, #tpu.memory_space<vmem>>
        %dma_wait3A_438 = arith.constant 0 : i32
        %dma_wait3A_439 = tpu.memref_slice %arg4[%add3A_421, %dma_wait3A_438] : memref<2560x128xi32, #tpu.memory_space<hbm>> -> memref<1x128xi32, #tpu.memory_space<hbm>>
        %dma_wait3A_440 = tpu.memref_squeeze %dma_wait3A_439 : memref<1x128xi32, #tpu.memory_space<hbm>> -> memref<128xi32, #tpu.memory_space<hbm>>
        %dma_wait3A_441 = arith.constant 0 : i32
        %dma_wait3A_442 = tpu.memref_slice %arg8[%select_n3A_419, %dma_wait3A_441] : memref<3x128xi32, #tpu.memory_space<vmem>> -> memref<1x128xi32, #tpu.memory_space<vmem>>
        %dma_wait3A_443 = tpu.memref_squeeze %dma_wait3A_442 : memref<1x128xi32, #tpu.memory_space<vmem>> -> memref<128xi32, #tpu.memory_space<vmem>>
        %dma_wait3A_444 = arith.constant 0 : i32
        %dma_wait3A_445 = tpu.memref_slice %arg4[%add3A_421, %dma_wait3A_444] : memref<2560x128xi32, #tpu.memory_space<hbm>> -> memref<1x128xi32, #tpu.memory_space<hbm>>
        %dma_wait3A_446 = tpu.memref_squeeze %dma_wait3A_445 : memref<1x128xi32, #tpu.memory_space<hbm>> -> memref<128xi32, #tpu.memory_space<hbm>>
        tpu.wait_dma2 semaphore(%arg14 : memref<!tpu.dma_semaphore, #tpu.memory_space<semaphore_mem>>) src(%dma_wait3A_446 : memref<128xi32, #tpu.memory_space<hbm>>) dst(%dma_wait3A_443 : memref<128xi32, #tpu.memory_space<vmem>>)
        %dma_wait3A_447 = arith.constant 0 : i32
        %dma_wait3A_448 = tpu.memref_slice %arg9[%select_n3A_419, %dma_wait3A_447] : memref<3x128xf32, #tpu.memory_space<vmem>> -> memref<1x128xf32, #tpu.memory_space<vmem>>
        %dma_wait3A_449 = tpu.memref_squeeze %dma_wait3A_448 : memref<1x128xf32, #tpu.memory_space<vmem>> -> memref<128xf32, #tpu.memory_space<vmem>>
        %dma_wait3A_450 = arith.constant 0 : i32
        %dma_wait3A_451 = tpu.memref_slice %arg5[%add3A_422, %dma_wait3A_450] : memref<2560x128xf32, #tpu.memory_space<hbm>> -> memref<1x128xf32, #tpu.memory_space<hbm>>
        %dma_wait3A_452 = tpu.memref_squeeze %dma_wait3A_451 : memref<1x128xf32, #tpu.memory_space<hbm>> -> memref<128xf32, #tpu.memory_space<hbm>>
        %dma_wait3A_453 = arith.constant 0 : i32
        %dma_wait3A_454 = tpu.memref_slice %arg9[%select_n3A_419, %dma_wait3A_453] : memref<3x128xf32, #tpu.memory_space<vmem>> -> memref<1x128xf32, #tpu.memory_space<vmem>>
        %dma_wait3A_455 = tpu.memref_squeeze %dma_wait3A_454 : memref<1x128xf32, #tpu.memory_space<vmem>> -> memref<128xf32, #tpu.memory_space<vmem>>
        %dma_wait3A_456 = arith.constant 0 : i32
        %dma_wait3A_457 = tpu.memref_slice %arg5[%add3A_422, %dma_wait3A_456] : memref<2560x128xf32, #tpu.memory_space<hbm>> -> memref<1x128xf32, #tpu.memory_space<hbm>>
        %dma_wait3A_458 = tpu.memref_squeeze %dma_wait3A_457 : memref<1x128xf32, #tpu.memory_space<hbm>> -> memref<128xf32, #tpu.memory_space<hbm>>
        tpu.wait_dma2 semaphore(%arg14 : memref<!tpu.dma_semaphore, #tpu.memory_space<semaphore_mem>>) src(%dma_wait3A_458 : memref<128xf32, #tpu.memory_space<hbm>>) dst(%dma_wait3A_455 : memref<128xf32, #tpu.memory_space<vmem>>)
        %add3A_459 = arith.constant 1 : i32
        %add3A_460 = arith.addi %scan3A_358, %add3A_459 : i32
        %sub3A = arith.constant 1 : i32
        %sub3A_461 = arith.subi %sub3A, %and3A_359 : i32
        %jit3A_462 = arith.constant 3 : i32
        %eq3A_463 = arith.constant 0 : i32
        %eq3A_464 = arith.cmpi eq, %jit3A_462, %eq3A_463 : i32
        %jit3A_465 = arith.constant 1 : i32
        %select_n3A_466 = arith.select %eq3A_464, %jit3A_465, %jit3A_462 : i32
        %rem3A_467 = arith.remsi %add3A_460, %select_n3A_466 : i32
        %ne3A_468 = arith.constant 0 : i32
        %ne3A_469 = arith.cmpi ne, %rem3A_467, %ne3A_468 : i32
        %lt3A_470 = arith.constant 0 : i32
        %lt3A_471 = arith.cmpi slt, %rem3A_467, %lt3A_470 : i32
        %lt3A_472 = arith.constant 0 : i32
        %lt3A_473 = arith.cmpi slt, %select_n3A_466, %lt3A_472 : i32
        %ne3A_474 = arith.xori %lt3A_471, %lt3A_473 : i1
        %and3A_475 = arith.andi %ne3A_474, %ne3A_469 : i1
        %add3A_476 = arith.addi %rem3A_467, %select_n3A_466 : i32
        %select_n3A_477 = arith.select %and3A_475, %add3A_476, %rem3A_467 : i32
        %dma_start3A_478 = arith.constant 0 : i32
        %dma_start3A_479 = arith.constant 0 : i32
        %dma_start3A_480 = tpu.memref_slice %arg10[%sub3A_461, %dma_start3A_478, %dma_start3A_479] : memref<2x128x128xf32, #tpu.memory_space<vmem>> -> memref<1x128x128xf32, #tpu.memory_space<vmem>>
        %dma_start3A_481 = tpu.memref_squeeze %dma_start3A_480 : memref<1x128x128xf32, #tpu.memory_space<vmem>> -> memref<128x128xf32, #tpu.memory_space<vmem>>
        %dma_start3A_482 = arith.constant 0 : i32
        %dma_start3A_483 = tpu.memref_slice %arg7[%select_n3A_477, %dma_start3A_482] : memref<3x128xi32, #tpu.memory_space<vmem>> -> memref<1x128xi32, #tpu.memory_space<vmem>>
        %dma_start3A_484 = tpu.memref_squeeze %dma_start3A_483 : memref<1x128xi32, #tpu.memory_space<vmem>> -> memref<128xi32, #tpu.memory_space<vmem>>
        %dma_start3A_485 = arith.constant 0 : i32
        %dma_start3A_486 = arith.constant 0 : i32
        %dma_start3A_487 = tpu.memref_slice %arg2[%dma_start3A_485, %dma_start3A_486] : memref<10000x128xf32, #tpu.memory_space<hbm>> -> memref<10000x128xf32, #tpu.memory_space<hbm>>
        tpu.enqueue_indirect_dma source(%dma_start3A_487 : memref<10000x128xf32, #tpu.memory_space<hbm>>) target(%dma_start3A_481 : memref<128x128xf32, #tpu.memory_space<vmem>>) offsets(%dma_start3A_484 : memref<128xi32, #tpu.memory_space<vmem>>) semaphore(%arg12 : memref<!tpu.dma_semaphore, #tpu.memory_space<semaphore_mem>>)
      } else {
      }
      %parallel_loop3A_394 = arith.constant 64 : i32
      %parallel_loop3A_395 = arith.constant 128 : i32
      %parallel_loop3A_396 = arith.constant 1 : i32
      scf.for %parallel_loop3A_402 = %parallel_loop3A_394 to %parallel_loop3A_395 step %parallel_loop3A_396  : i32 {
        %parallel_loop3A_403 = arith.constant 3 : i32
        %parallel_loop3A_404 = arith.constant 0 : i32
        %parallel_loop3A_405 = arith.cmpi eq, %parallel_loop3A_403, %parallel_loop3A_404 : i32
        %parallel_loop3A_406 = arith.constant 1 : i32
        %parallel_loop3A_407 = arith.select %parallel_loop3A_405, %parallel_loop3A_406, %parallel_loop3A_403 : i32
        %parallel_loop3A_408 = arith.remsi %scan3A_358, %parallel_loop3A_407 : i32
        %parallel_loop3A_409 = arith.constant 0 : i32
        %parallel_loop3A_410 = arith.cmpi ne, %parallel_loop3A_408, %parallel_loop3A_409 : i32
        %parallel_loop3A_411 = arith.constant 0 : i32
        %parallel_loop3A_412 = arith.cmpi slt, %parallel_loop3A_408, %parallel_loop3A_411 : i32
        %parallel_loop3A_413 = arith.constant 0 : i32
        %parallel_loop3A_414 = arith.cmpi slt, %parallel_loop3A_407, %parallel_loop3A_413 : i32
        %parallel_loop3A_415 = arith.xori %parallel_loop3A_412, %parallel_loop3A_414 : i1
        %parallel_loop3A_416 = arith.andi %parallel_loop3A_415, %parallel_loop3A_410 : i1
        %parallel_loop3A_417 = arith.addi %parallel_loop3A_408, %parallel_loop3A_407 : i32
        %parallel_loop3A_418 = arith.select %parallel_loop3A_416, %parallel_loop3A_417, %parallel_loop3A_408 : i32
        %parallel_loop3A_419 = arith.constant 0 : i32
        %parallel_loop3A_420 = vector.broadcast %parallel_loop3A_419 : i32 to vector<16xi32>
        %parallel_loop3A_421 = vector.broadcast %parallel_loop3A_402 : i32 to vector<16xi32>
        %parallel_loop3A_422 = arith.addi %parallel_loop3A_420, %parallel_loop3A_421 : vector<16xi32>
        %parallel_loop3A_423 = arith.constant 0 : i32
        %parallel_loop3A_424 = tpu.memref_slice %arg9[%parallel_loop3A_418, %parallel_loop3A_423] : memref<3x128xf32, #tpu.memory_space<vmem>> -> memref<1x128xf32, #tpu.memory_space<vmem>>
        %parallel_loop3A_425 = tpu.memref_squeeze %parallel_loop3A_424 : memref<1x128xf32, #tpu.memory_space<vmem>> -> memref<128xf32, #tpu.memory_space<vmem>>
        %parallel_loop3A_426 = tpu.vector_load_idx %parallel_loop3A_425[%parallel_loop3A_422] : memref<128xf32, #tpu.memory_space<vmem>>[vector<16xi32>], vector<16xf32>,
        %parallel_loop3A_427 = arith.index_cast %and3A_359 : i32 to index
        %parallel_loop3A_428 = arith.index_cast %parallel_loop3A_402 : i32 to index
        %parallel_loop3A_429 = arith.constant 0 : index
        %parallel_loop3A_430 = tpu.vector_load %arg10[%parallel_loop3A_427, %parallel_loop3A_428, %parallel_loop3A_429] {strides = array<i32>} : memref<2x128x128xf32, #tpu.memory_space<vmem>>, vector<16xf32>,
        %parallel_loop3A_431 = arith.mulf %parallel_loop3A_430, %parallel_loop3A_426 : vector<16xf32>
        %parallel_loop3A_432 = arith.index_cast %and3A_359 : i32 to index
        %parallel_loop3A_433 = arith.index_cast %parallel_loop3A_402 : i32 to index
        %parallel_loop3A_434 = arith.constant 0 : index
        %parallel_loop3A_435 = tpu.vector_load %arg10[%parallel_loop3A_432, %parallel_loop3A_433, %parallel_loop3A_434] {strides = array<i32>} : memref<2x128x128xf32, #tpu.memory_space<vmem>>, vector<16xf32>,
        tpu.vector_store %arg10[%parallel_loop3A_432, %parallel_loop3A_433, %parallel_loop3A_434], %parallel_loop3A_431 {strides = array<i32>} : memref<2x128x128xf32, #tpu.memory_space<vmem>>, vector<16xf32>,
        %parallel_loop3A_436 = arith.index_cast %and3A_359 : i32 to index
        %parallel_loop3A_437 = arith.index_cast %parallel_loop3A_402 : i32 to index
        %parallel_loop3A_438 = arith.constant 16 : index
        %parallel_loop3A_439 = tpu.vector_load %arg10[%parallel_loop3A_436, %parallel_loop3A_437, %parallel_loop3A_438] {strides = array<i32>} : memref<2x128x128xf32, #tpu.memory_space<vmem>>, vector<16xf32>,
        %parallel_loop3A_440 = arith.mulf %parallel_loop3A_439, %parallel_loop3A_426 : vector<16xf32>
        %parallel_loop3A_441 = arith.index_cast %and3A_359 : i32 to index
        %parallel_loop3A_442 = arith.index_cast %parallel_loop3A_402 : i32 to index
        %parallel_loop3A_443 = arith.constant 16 : index
        %parallel_loop3A_444 = tpu.vector_load %arg10[%parallel_loop3A_441, %parallel_loop3A_442, %parallel_loop3A_443] {strides = array<i32>} : memref<2x128x128xf32, #tpu.memory_space<vmem>>, vector<16xf32>,
        tpu.vector_store %arg10[%parallel_loop3A_441, %parallel_loop3A_442, %parallel_loop3A_443], %parallel_loop3A_440 {strides = array<i32>} : memref<2x128x128xf32, #tpu.memory_space<vmem>>, vector<16xf32>,
        %parallel_loop3A_445 = arith.index_cast %and3A_359 : i32 to index
        %parallel_loop3A_446 = arith.index_cast %parallel_loop3A_402 : i32 to index
        %parallel_loop3A_447 = arith.constant 32 : index
        %parallel_loop3A_448 = tpu.vector_load %arg10[%parallel_loop3A_445, %parallel_loop3A_446, %parallel_loop3A_447] {strides = array<i32>} : memref<2x128x128xf32, #tpu.memory_space<vmem>>, vector<16xf32>,
        %parallel_loop3A_449 = arith.mulf %parallel_loop3A_448, %parallel_loop3A_426 : vector<16xf32>
        %parallel_loop3A_450 = arith.index_cast %and3A_359 : i32 to index
        %parallel_loop3A_451 = arith.index_cast %parallel_loop3A_402 : i32 to index
        %parallel_loop3A_452 = arith.constant 32 : index
        %parallel_loop3A_453 = tpu.vector_load %arg10[%parallel_loop3A_450, %parallel_loop3A_451, %parallel_loop3A_452] {strides = array<i32>} : memref<2x128x128xf32, #tpu.memory_space<vmem>>, vector<16xf32>,
        tpu.vector_store %arg10[%parallel_loop3A_450, %parallel_loop3A_451, %parallel_loop3A_452], %parallel_loop3A_449 {strides = array<i32>} : memref<2x128x128xf32, #tpu.memory_space<vmem>>, vector<16xf32>,
        %parallel_loop3A_454 = arith.index_cast %and3A_359 : i32 to index
        %parallel_loop3A_455 = arith.index_cast %parallel_loop3A_402 : i32 to index
        %parallel_loop3A_456 = arith.constant 48 : index
        %parallel_loop3A_457 = tpu.vector_load %arg10[%parallel_loop3A_454, %parallel_loop3A_455, %parallel_loop3A_456] {strides = array<i32>} : memref<2x128x128xf32, #tpu.memory_space<vmem>>, vector<16xf32>,
        %parallel_loop3A_458 = arith.mulf %parallel_loop3A_457, %parallel_loop3A_426 : vector<16xf32>
        %parallel_loop3A_459 = arith.index_cast %and3A_359 : i32 to index
        %parallel_loop3A_460 = arith.index_cast %parallel_loop3A_402 : i32 to index
        %parallel_loop3A_461 = arith.constant 48 : index
        %parallel_loop3A_462 = tpu.vector_load %arg10[%parallel_loop3A_459, %parallel_loop3A_460, %parallel_loop3A_461] {strides = array<i32>} : memref<2x128x128xf32, #tpu.memory_space<vmem>>, vector<16xf32>,
        tpu.vector_store %arg10[%parallel_loop3A_459, %parallel_loop3A_460, %parallel_loop3A_461], %parallel_loop3A_458 {strides = array<i32>} : memref<2x128x128xf32, #tpu.memory_space<vmem>>, vector<16xf32>,
        %parallel_loop3A_463 = arith.index_cast %and3A_359 : i32 to index
        %parallel_loop3A_464 = arith.index_cast %parallel_loop3A_402 : i32 to index
        %parallel_loop3A_465 = arith.constant 64 : index
        %parallel_loop3A_466 = tpu.vector_load %arg10[%parallel_loop3A_463, %parallel_loop3A_464, %parallel_loop3A_465] {strides = array<i32>} : memref<2x128x128xf32, #tpu.memory_space<vmem>>, vector<16xf32>,
        %parallel_loop3A_467 = arith.mulf %parallel_loop3A_466, %parallel_loop3A_426 : vector<16xf32>
        %parallel_loop3A_468 = arith.index_cast %and3A_359 : i32 to index
        %parallel_loop3A_469 = arith.index_cast %parallel_loop3A_402 : i32 to index
        %parallel_loop3A_470 = arith.constant 64 : index
        %parallel_loop3A_471 = tpu.vector_load %arg10[%parallel_loop3A_468, %parallel_loop3A_469, %parallel_loop3A_470] {strides = array<i32>} : memref<2x128x128xf32, #tpu.memory_space<vmem>>, vector<16xf32>,
        tpu.vector_store %arg10[%parallel_loop3A_468, %parallel_loop3A_469, %parallel_loop3A_470], %parallel_loop3A_467 {strides = array<i32>} : memref<2x128x128xf32, #tpu.memory_space<vmem>>, vector<16xf32>,
        %parallel_loop3A_472 = arith.index_cast %and3A_359 : i32 to index
        %parallel_loop3A_473 = arith.index_cast %parallel_loop3A_402 : i32 to index
        %parallel_loop3A_474 = arith.constant 80 : index
        %parallel_loop3A_475 = tpu.vector_load %arg10[%parallel_loop3A_472, %parallel_loop3A_473, %parallel_loop3A_474] {strides = array<i32>} : memref<2x128x128xf32, #tpu.memory_space<vmem>>, vector<16xf32>,
        %parallel_loop3A_476 = arith.mulf %parallel_loop3A_475, %parallel_loop3A_426 : vector<16xf32>
        %parallel_loop3A_477 = arith.index_cast %and3A_359 : i32 to index
        %parallel_loop3A_478 = arith.index_cast %parallel_loop3A_402 : i32 to index
        %parallel_loop3A_479 = arith.constant 80 : index
        %parallel_loop3A_480 = tpu.vector_load %arg10[%parallel_loop3A_477, %parallel_loop3A_478, %parallel_loop3A_479] {strides = array<i32>} : memref<2x128x128xf32, #tpu.memory_space<vmem>>, vector<16xf32>,
        tpu.vector_store %arg10[%parallel_loop3A_477, %parallel_loop3A_478, %parallel_loop3A_479], %parallel_loop3A_476 {strides = array<i32>} : memref<2x128x128xf32, #tpu.memory_space<vmem>>, vector<16xf32>,
        %parallel_loop3A_481 = arith.index_cast %and3A_359 : i32 to index
        %parallel_loop3A_482 = arith.index_cast %parallel_loop3A_402 : i32 to index
        %parallel_loop3A_483 = arith.constant 96 : index
        %parallel_loop3A_484 = tpu.vector_load %arg10[%parallel_loop3A_481, %parallel_loop3A_482, %parallel_loop3A_483] {strides = array<i32>} : memref<2x128x128xf32, #tpu.memory_space<vmem>>, vector<16xf32>,
        %parallel_loop3A_485 = arith.mulf %parallel_loop3A_484, %parallel_loop3A_426 : vector<16xf32>
        %parallel_loop3A_486 = arith.index_cast %and3A_359 : i32 to index
        %parallel_loop3A_487 = arith.index_cast %parallel_loop3A_402 : i32 to index
        %parallel_loop3A_488 = arith.constant 96 : index
        %parallel_loop3A_489 = tpu.vector_load %arg10[%parallel_loop3A_486, %parallel_loop3A_487, %parallel_loop3A_488] {strides = array<i32>} : memref<2x128x128xf32, #tpu.memory_space<vmem>>, vector<16xf32>,
        tpu.vector_store %arg10[%parallel_loop3A_486, %parallel_loop3A_487, %parallel_loop3A_488], %parallel_loop3A_485 {strides = array<i32>} : memref<2x128x128xf32, #tpu.memory_space<vmem>>, vector<16xf32>,
        %parallel_loop3A_490 = arith.index_cast %and3A_359 : i32 to index
        %parallel_loop3A_491 = arith.index_cast %parallel_loop3A_402 : i32 to index
        %parallel_loop3A_492 = arith.constant 112 : index
        %parallel_loop3A_493 = tpu.vector_load %arg10[%parallel_loop3A_490, %parallel_loop3A_491, %parallel_loop3A_492] {strides = array<i32>} : memref<2x128x128xf32, #tpu.memory_space<vmem>>, vector<16xf32>,
        %parallel_loop3A_494 = arith.mulf %parallel_loop3A_493, %parallel_loop3A_426 : vector<16xf32>
        %parallel_loop3A_495 = arith.index_cast %and3A_359 : i32 to index
        %parallel_loop3A_496 = arith.index_cast %parallel_loop3A_402 : i32 to index
        %parallel_loop3A_497 = arith.constant 112 : index
        %parallel_loop3A_498 = tpu.vector_load %arg10[%parallel_loop3A_495, %parallel_loop3A_496, %parallel_loop3A_497] {strides = array<i32>} : memref<2x128x128xf32, #tpu.memory_space<vmem>>, vector<16xf32>,
        tpu.vector_store %arg10[%parallel_loop3A_495, %parallel_loop3A_496, %parallel_loop3A_497], %parallel_loop3A_494 {strides = array<i32>} : memref<2x128x128xf32, #tpu.memory_space<vmem>>, vector<16xf32>,
      } {sc.loop_unroll_factor = 4 : i64, sc.parallel_access}
      %lt3A_397 = arith.constant 78 : i32
      %lt3A_398 = arith.cmpi slt, %scan3A_358, %lt3A_397 : i32
      %convert_element_type3A_399 = arith.extui %lt3A_398 : i1 to i32
      %cond3A_400 = arith.constant 0 : i32
      %cond3A_401 = arith.cmpi ne, %convert_element_type3A_399, %cond3A_400 : i32
      scf.if %cond3A_401 {
        %add3A_402 = arith.constant 2 : i32
        %add3A_403 = arith.addi %scan3A_358, %add3A_402 : i32
        %jit3A_404 = arith.constant 3 : i32
        %eq3A_405 = arith.constant 0 : i32
        %eq3A_406 = arith.cmpi eq, %jit3A_404, %eq3A_405 : i32
        %jit3A_407 = arith.constant 1 : i32
        %select_n3A_408 = arith.select %eq3A_406, %jit3A_407, %jit3A_404 : i32
        %rem3A_409 = arith.remsi %add3A_403, %select_n3A_408 : i32
        %ne3A_410 = arith.constant 0 : i32
        %ne3A_411 = arith.cmpi ne, %rem3A_409, %ne3A_410 : i32
        %lt3A_412 = arith.constant 0 : i32
        %lt3A_413 = arith.cmpi slt, %rem3A_409, %lt3A_412 : i32
        %lt3A_414 = arith.constant 0 : i32
        %lt3A_415 = arith.cmpi slt, %select_n3A_408, %lt3A_414 : i32
        %ne3A_416 = arith.xori %lt3A_413, %lt3A_415 : i1
        %and3A_417 = arith.andi %ne3A_416, %ne3A_411 : i1
        %add3A_418 = arith.addi %rem3A_409, %select_n3A_408 : i32
        %select_n3A_419 = arith.select %and3A_417, %add3A_418, %rem3A_409 : i32
        %add3A_420 = arith.addi %mul3A_175, %add3A_403 : i32
        %add3A_421 = arith.addi %mul3A_175, %add3A_403 : i32
        %add3A_422 = arith.addi %mul3A_175, %add3A_403 : i32
        %dma_start3A_423 = arith.constant 0 : i32
        %dma_start3A_424 = tpu.memref_slice %arg7[%select_n3A_419, %dma_start3A_423] : memref<3x128xi32, #tpu.memory_space<vmem>> -> memref<1x128xi32, #tpu.memory_space<vmem>>
        %dma_start3A_425 = tpu.memref_squeeze %dma_start3A_424 : memref<1x128xi32, #tpu.memory_space<vmem>> -> memref<128xi32, #tpu.memory_space<vmem>>
        %dma_start3A_426 = arith.constant 0 : i32
        %dma_start3A_427 = tpu.memref_slice %arg3[%add3A_420, %dma_start3A_426] : memref<2560x128xi32, #tpu.memory_space<hbm>> -> memref<1x128xi32, #tpu.memory_space<hbm>>
        %dma_start3A_428 = tpu.memref_squeeze %dma_start3A_427 : memref<1x128xi32, #tpu.memory_space<hbm>> -> memref<128xi32, #tpu.memory_space<hbm>>
        %dma_start3A_429 = arith.constant 0 : i32
        %dma_start3A_430 = tpu.memref_slice %arg7[%select_n3A_419, %dma_start3A_429] : memref<3x128xi32, #tpu.memory_space<vmem>> -> memref<1x128xi32, #tpu.memory_space<vmem>>
        %dma_start3A_431 = tpu.memref_squeeze %dma_start3A_430 : memref<1x128xi32, #tpu.memory_space<vmem>> -> memref<128xi32, #tpu.memory_space<vmem>>
        %dma_start3A_432 = arith.constant 0 : i32
        %dma_start3A_433 = tpu.memref_slice %arg3[%add3A_420, %dma_start3A_432] : memref<2560x128xi32, #tpu.memory_space<hbm>> -> memref<1x128xi32, #tpu.memory_space<hbm>>
        %dma_start3A_434 = tpu.memref_squeeze %dma_start3A_433 : memref<1x128xi32, #tpu.memory_space<hbm>> -> memref<128xi32, #tpu.memory_space<hbm>>
        tpu.enqueue_dma source(%dma_start3A_434 : memref<128xi32, #tpu.memory_space<hbm>>) target(%dma_start3A_431 : memref<128xi32, #tpu.memory_space<vmem>>) target_semaphore(%arg14 : memref<!tpu.dma_semaphore, #tpu.memory_space<semaphore_mem>>)
        %dma_start3A_435 = arith.constant 0 : i32
        %dma_start3A_436 = tpu.memref_slice %arg8[%select_n3A_419, %dma_start3A_435] : memref<3x128xi32, #tpu.memory_space<vmem>> -> memref<1x128xi32, #tpu.memory_space<vmem>>
        %dma_start3A_437 = tpu.memref_squeeze %dma_start3A_436 : memref<1x128xi32, #tpu.memory_space<vmem>> -> memref<128xi32, #tpu.memory_space<vmem>>
        %dma_start3A_438 = arith.constant 0 : i32
        %dma_start3A_439 = tpu.memref_slice %arg4[%add3A_421, %dma_start3A_438] : memref<2560x128xi32, #tpu.memory_space<hbm>> -> memref<1x128xi32, #tpu.memory_space<hbm>>
        %dma_start3A_440 = tpu.memref_squeeze %dma_start3A_439 : memref<1x128xi32, #tpu.memory_space<hbm>> -> memref<128xi32, #tpu.memory_space<hbm>>
        %dma_start3A_441 = arith.constant 0 : i32
        %dma_start3A_442 = tpu.memref_slice %arg8[%select_n3A_419, %dma_start3A_441] : memref<3x128xi32, #tpu.memory_space<vmem>> -> memref<1x128xi32, #tpu.memory_space<vmem>>
        %dma_start3A_443 = tpu.memref_squeeze %dma_start3A_442 : memref<1x128xi32, #tpu.memory_space<vmem>> -> memref<128xi32, #tpu.memory_space<vmem>>
        %dma_start3A_444 = arith.constant 0 : i32
        %dma_start3A_445 = tpu.memref_slice %arg4[%add3A_421, %dma_start3A_444] : memref<2560x128xi32, #tpu.memory_space<hbm>> -> memref<1x128xi32, #tpu.memory_space<hbm>>
        %dma_start3A_446 = tpu.memref_squeeze %dma_start3A_445 : memref<1x128xi32, #tpu.memory_space<hbm>> -> memref<128xi32, #tpu.memory_space<hbm>>
        tpu.enqueue_dma source(%dma_start3A_446 : memref<128xi32, #tpu.memory_space<hbm>>) target(%dma_start3A_443 : memref<128xi32, #tpu.memory_space<vmem>>) target_semaphore(%arg14 : memref<!tpu.dma_semaphore, #tpu.memory_space<semaphore_mem>>)
        %dma_start3A_447 = arith.constant 0 : i32
        %dma_start3A_448 = tpu.memref_slice %arg9[%select_n3A_419, %dma_start3A_447] : memref<3x128xf32, #tpu.memory_space<vmem>> -> memref<1x128xf32, #tpu.memory_space<vmem>>
        %dma_start3A_449 = tpu.memref_squeeze %dma_start3A_448 : memref<1x128xf32, #tpu.memory_space<vmem>> -> memref<128xf32, #tpu.memory_space<vmem>>
        %dma_start3A_450 = arith.constant 0 : i32
        %dma_start3A_451 = tpu.memref_slice %arg5[%add3A_422, %dma_start3A_450] : memref<2560x128xf32, #tpu.memory_space<hbm>> -> memref<1x128xf32, #tpu.memory_space<hbm>>
        %dma_start3A_452 = tpu.memref_squeeze %dma_start3A_451 : memref<1x128xf32, #tpu.memory_space<hbm>> -> memref<128xf32, #tpu.memory_space<hbm>>
        %dma_start3A_453 = arith.constant 0 : i32
        %dma_start3A_454 = tpu.memref_slice %arg9[%select_n3A_419, %dma_start3A_453] : memref<3x128xf32, #tpu.memory_space<vmem>> -> memref<1x128xf32, #tpu.memory_space<vmem>>
        %dma_start3A_455 = tpu.memref_squeeze %dma_start3A_454 : memref<1x128xf32, #tpu.memory_space<vmem>> -> memref<128xf32, #tpu.memory_space<vmem>>
        %dma_start3A_456 = arith.constant 0 : i32
        %dma_start3A_457 = tpu.memref_slice %arg5[%add3A_422, %dma_start3A_456] : memref<2560x128xf32, #tpu.memory_space<hbm>> -> memref<1x128xf32, #tpu.memory_space<hbm>>
        %dma_start3A_458 = tpu.memref_squeeze %dma_start3A_457 : memref<1x128xf32, #tpu.memory_space<hbm>> -> memref<128xf32, #tpu.memory_space<hbm>>
        tpu.enqueue_dma source(%dma_start3A_458 : memref<128xf32, #tpu.memory_space<hbm>>) target(%dma_start3A_455 : memref<128xf32, #tpu.memory_space<vmem>>) target_semaphore(%arg14 : memref<!tpu.dma_semaphore, #tpu.memory_space<semaphore_mem>>)
      } else {
      }
    }
    %scan3A_328 = arith.constant 80 : i32
    %dma_start3A_329 = arith.constant 1 : i32
    %dma_start3A_330 = arith.constant 1 : i32
    %dma_start3A_331 = arith.constant 0 : i32
    %dma_start3A_332 = arith.constant 0 : i32
    %dma_start3A_333 = tpu.memref_slice %arg10[%dma_start3A_329, %dma_start3A_331, %dma_start3A_332] : memref<2x128x128xf32, #tpu.memory_space<vmem>> -> memref<1x128x128xf32, #tpu.memory_space<vmem>>
    %dma_start3A_334 = tpu.memref_squeeze %dma_start3A_333 : memref<1x128x128xf32, #tpu.memory_space<vmem>> -> memref<128x128xf32, #tpu.memory_space<vmem>>
    %dma_start3A_335 = arith.constant 0 : i32
    %dma_start3A_336 = tpu.memref_slice %arg8[%dma_start3A_330, %dma_start3A_335] : memref<3x128xi32, #tpu.memory_space<vmem>> -> memref<1x128xi32, #tpu.memory_space<vmem>>
    %dma_start3A_337 = tpu.memref_squeeze %dma_start3A_336 : memref<1x128xi32, #tpu.memory_space<vmem>> -> memref<128xi32, #tpu.memory_space<vmem>>
    %dma_start3A_338 = arith.constant 0 : i32
    %dma_start3A_339 = arith.constant 0 : i32
    %dma_start3A_340 = tpu.memref_slice %arg11[%dma_start3A_338, %dma_start3A_339] : memref<10240x128xf32, #tpu.memory_space<vmem_shared>> -> memref<10240x128xf32, #tpu.memory_space<vmem_shared>>
    tpu.enqueue_indirect_dma source(%dma_start3A_334 : memref<128x128xf32, #tpu.memory_space<vmem>>) target(%dma_start3A_340 : memref<10240x128xf32, #tpu.memory_space<vmem_shared>>) offsets(%dma_start3A_337 : memref<128xi32, #tpu.memory_space<vmem>>) semaphore(%arg13 : memref<!tpu.dma_semaphore, #tpu.memory_space<semaphore_mem>>) {add = true}
    %dma_wait3A_341 = arith.constant 1 : i32
    %dma_wait3A_342 = arith.constant 1 : i32
    %dma_wait3A_343 = arith.constant 0 : i32
    %dma_wait3A_344 = arith.constant 0 : i32
    %dma_wait3A_345 = tpu.memref_slice %arg10[%dma_wait3A_341, %dma_wait3A_343, %dma_wait3A_344] : memref<2x128x128xf32, #tpu.memory_space<vmem>> -> memref<1x128x128xf32, #tpu.memory_space<vmem>>
    %dma_wait3A_346 = tpu.memref_squeeze %dma_wait3A_345 : memref<1x128x128xf32, #tpu.memory_space<vmem>> -> memref<128x128xf32, #tpu.memory_space<vmem>>
    %dma_wait3A_347 = arith.constant 0 : i32
    %dma_wait3A_348 = tpu.memref_slice %arg8[%dma_wait3A_342, %dma_wait3A_347] : memref<3x128xi32, #tpu.memory_space<vmem>> -> memref<1x128xi32, #tpu.memory_space<vmem>>
    %dma_wait3A_349 = tpu.memref_squeeze %dma_wait3A_348 : memref<1x128xi32, #tpu.memory_space<vmem>> -> memref<128xi32, #tpu.memory_space<vmem>>
    %dma_wait3A_350 = arith.constant 0 : i32
    %dma_wait3A_351 = arith.constant 0 : i32
    %dma_wait3A_352 = tpu.memref_slice %arg11[%dma_wait3A_350, %dma_wait3A_351] : memref<10240x128xf32, #tpu.memory_space<vmem_shared>> -> memref<10240x128xf32, #tpu.memory_space<vmem_shared>>
    tpu.wait_indirect_dma semaphore(%arg13 : memref<!tpu.dma_semaphore, #tpu.memory_space<semaphore_mem>>) src(%dma_wait3A_346 : memref<128x128xf32, #tpu.memory_space<vmem>>) dst(%dma_wait3A_352 : memref<10240x128xf32, #tpu.memory_space<vmem_shared>>)
    %barrier3A_353 = arith.constant 0 : index
    tpu.barrier barrier_id(%barrier3A_353)
    %mul3A_354 = arith.constant 640 : i32
    %mul3A_355 = arith.muli %arg1, %mul3A_354 : i32
    %mul3A_356 = arith.constant 640 : i32
    %mul3A_357 = arith.muli %arg1, %mul3A_356 : i32
    "tpu.region"() ({
      %run_scoped3A = tpu.sem_alloc : memref<!tpu.dma_semaphore, #tpu.memory_space<semaphore_mem>>
      %dma_start3A_358 = arith.constant 0 : i32
      %dma_start3A_359 = tpu.memref_slice %arg6[%arg0, %mul3A_357, %dma_start3A_358] : memref<2x10240x128xf32, #tpu.memory_space<hbm>> -> memref<1x640x128xf32, #tpu.memory_space<hbm>>
      %dma_start3A_360 = tpu.memref_squeeze %dma_start3A_359 : memref<1x640x128xf32, #tpu.memory_space<hbm>> -> memref<640x128xf32, #tpu.memory_space<hbm>>
      %dma_start3A_361 = arith.constant 0 : i32
      %dma_start3A_362 = tpu.memref_slice %arg11[%mul3A_355, %dma_start3A_361] : memref<10240x128xf32, #tpu.memory_space<vmem_shared>> -> memref<640x128xf32, #tpu.memory_space<vmem_shared>>
      tpu.enqueue_dma source(%dma_start3A_362 : memref<640x128xf32, #tpu.memory_space<vmem_shared>>) target(%dma_start3A_360 : memref<640x128xf32, #tpu.memory_space<hbm>>) target_semaphore(%run_scoped3A : memref<!tpu.dma_semaphore, #tpu.memory_space<semaphore_mem>>)
      %dma_wait3A_363 = arith.constant 0 : i32
      %dma_wait3A_364 = tpu.memref_slice %arg6[%arg0, %mul3A_357, %dma_wait3A_363] : memref<2x10240x128xf32, #tpu.memory_space<hbm>> -> memref<1x640x128xf32, #tpu.memory_space<hbm>>
      %dma_wait3A_365 = tpu.memref_squeeze %dma_wait3A_364 : memref<1x640x128xf32, #tpu.memory_space<hbm>> -> memref<640x128xf32, #tpu.memory_space<hbm>>
      %dma_wait3A_366 = arith.constant 0 : i32
      %dma_wait3A_367 = tpu.memref_slice %arg11[%mul3A_355, %dma_wait3A_366] : memref<10240x128xf32, #tpu.memory_space<vmem_shared>> -> memref<640x128xf32, #tpu.memory_space<vmem_shared>>
      tpu.wait_dma2 semaphore(%run_scoped3A : memref<!tpu.dma_semaphore, #tpu.memory_space<semaphore_mem>>) src(%dma_wait3A_367 : memref<640x128xf32, #tpu.memory_space<vmem_shared>>) dst(%dma_wait3A_365 : memref<640x128xf32, #tpu.memory_space<hbm>>)
      tpu.yield
    }) : () -> ()
    return
  }
}

module attributes {stable_mosaic.version = 14 : i64} {
  func.func @_mlp_body(%arg0: i32, %arg1: memref<2x1000x128xf32, #tpu.memory_space<vmem>>, %arg2: memref<128x256xf32, #tpu.memory_space<vmem>>, %arg3: memref<1x256xf32, #tpu.memory_space<vmem>>, %arg4: memref<256x128xf32, #tpu.memory_space<vmem>>, %arg5: memref<1000x128xf32, #tpu.memory_space<vmem>>) attributes {dimension_semantics = [#tpu.dimension_semantics<arbitrary>], iteration_bounds = array<i64: 10>, scalar_prefetch = 0 : i64, scratch_operands = 0 : i64, tpu.core_type = #tpu.core_type<tc>, window_params = [{transform_indices = @transform_0, window_bounds = array<i64: 2, 1000, 128>}, {pipeline_mode = #tpu.pipeline_mode<synchronous>, transform_indices = @transform_1, window_bounds = array<i64: 128, 256>}, {pipeline_mode = #tpu.pipeline_mode<synchronous>, transform_indices = @transform_2, window_bounds = array<i64: 1, 256>}, {pipeline_mode = #tpu.pipeline_mode<synchronous>, transform_indices = @transform_3, window_bounds = array<i64: 256, 128>}, {transform_indices = @transform_4, window_bounds = array<i64: 1000, 128>}]} {
    %get3A = arith.constant 0 : index
    %get3A_0 = arith.constant 0 : index
    %get3A_1 = arith.constant 0 : index
    %get3A_2 = vector.load %arg1[%get3A, %get3A_0, %get3A_1] : memref<2x1000x128xf32, #tpu.memory_space<vmem>>, vector<1x1000x128xf32>
    %get3A_3 = vector.shape_cast %get3A_2 : vector<1x1000x128xf32> to vector<1000x128xf32>
    %get3A_4 = arith.constant 1 : index
    %get3A_5 = arith.constant 0 : index
    %get3A_6 = arith.constant 0 : index
    %get3A_7 = vector.load %arg1[%get3A_4, %get3A_5, %get3A_6] : memref<2x1000x128xf32, #tpu.memory_space<vmem>>, vector<1x1000x128xf32>
    %get3A_8 = vector.shape_cast %get3A_7 : vector<1x1000x128xf32> to vector<1000x128xf32>
    %add3A = arith.addf %get3A_3, %get3A_8 : vector<1000x128xf32>
    %get3A_9 = arith.constant 0 : index
    %get3A_10 = arith.constant 0 : index
    %get3A_11 = vector.load %arg2[%get3A_9, %get3A_10] : memref<128x256xf32, #tpu.memory_space<vmem>>, vector<128x256xf32>
    %dot_general3A = arith.constant dense<0.000000e+00> : vector<1000x256xf32>
    %dot_general3A_12 = tpu.matmul %add3A, %get3A_11, %dot_general3A {dimension_numbers = #tpu.dot_dimension_numbers<[1], [0], [0], [1], [0, 0, 1, 1], [], []>, transpose_lhs_hint = false} : vector<1000x128xf32>, vector<128x256xf32>, vector<1000x256xf32> -> vector<1000x256xf32>
    %get3A_13 = arith.constant 0 : index
    %get3A_14 = arith.constant 0 : index
    %get3A_15 = vector.load %arg3[%get3A_13, %get3A_14] : memref<1x256xf32, #tpu.memory_space<vmem>>, vector<1x256xf32>
    %add3A_16 = vector.broadcast %get3A_15 : vector<1x256xf32> to vector<1000x256xf32>
    %add3A_17 = arith.addf %dot_general3A_12, %add3A_16 : vector<1000x256xf32>
    %max3A = arith.constant 0.000000e+00 : f32
    %max3A_18 = vector.broadcast %max3A : f32 to vector<1000x256xf32>
    %max3A_19 = arith.maximumf %add3A_17, %max3A_18 : vector<1000x256xf32>
    %get3A_20 = arith.constant 0 : index
    %get3A_21 = arith.constant 0 : index
    %get3A_22 = vector.load %arg4[%get3A_20, %get3A_21] : memref<256x128xf32, #tpu.memory_space<vmem>>, vector<256x128xf32>
    %dot_general3A_23 = arith.constant dense<0.000000e+00> : vector<1000x128xf32>
    %dot_general3A_24 = tpu.matmul %max3A_19, %get3A_22, %dot_general3A_23 {dimension_numbers = #tpu.dot_dimension_numbers<[1], [0], [0], [1], [0, 0, 1, 1], [], []>, transpose_lhs_hint = false} : vector<1000x256xf32>, vector<256x128xf32>, vector<1000x128xf32> -> vector<1000x128xf32>
    %swap3A = arith.constant 0 : index
    %swap3A_25 = arith.constant 0 : index
    %swap3A_26 = vector.load %arg5[%swap3A, %swap3A_25] : memref<1000x128xf32, #tpu.memory_space<vmem>>, vector<1000x128xf32>
    tpu.vector_store %arg5[%swap3A, %swap3A_25], %dot_general3A_24 {strides = array<i32>} : memref<1000x128xf32, #tpu.memory_space<vmem>>, vector<1000x128xf32>,
    return
  }
  func.func @transform_0(%arg0: i32) -> (i32, i32, i32) {
    %c0_i32 = arith.constant 0 : i32
    %c0_i32_0 = arith.constant 0 : i32
    %c0_i32_1 = arith.constant 0 : i32
    return %c0_i32, %arg0, %c0_i32_0 : i32, i32, i32
  }
  func.func @transform_1(%arg0: i32) -> (i32, i32) {
    %c0_i32 = arith.constant 0 : i32
    %c0_i32_0 = arith.constant 0 : i32
    %c0_i32_1 = arith.constant 0 : i32
    return %c0_i32, %c0_i32_0 : i32, i32
  }
  func.func @transform_2(%arg0: i32) -> (i32, i32) {
    %c0_i32 = arith.constant 0 : i32
    %c0_i32_0 = arith.constant 0 : i32
    %c0_i32_1 = arith.constant 0 : i32
    return %c0_i32, %c0_i32_0 : i32, i32
  }
  func.func @transform_3(%arg0: i32) -> (i32, i32) {
    %c0_i32 = arith.constant 0 : i32
    %c0_i32_0 = arith.constant 0 : i32
    %c0_i32_1 = arith.constant 0 : i32
    return %c0_i32, %c0_i32_0 : i32, i32
  }
  func.func @transform_4(%arg0: i32) -> (i32, i32) {
    %c0_i32 = arith.constant 0 : i32
    %c0_i32_0 = arith.constant 0 : i32
    return %arg0, %c0_i32 : i32, i32
  }
}

module attributes {stable_mosaic.version = 14 : i64} {
  func.func @_finish_body(%arg0: i32, %arg1: memref<2x1000x128xf32, #tpu.memory_space<vmem>>, %arg2: memref<1x128xf32, #tpu.memory_space<vmem>>, %arg3: memref<1000x128xf32, #tpu.memory_space<vmem>>) attributes {dimension_semantics = [#tpu.dimension_semantics<arbitrary>], iteration_bounds = array<i64: 10>, scalar_prefetch = 0 : i64, scratch_operands = 0 : i64, tpu.core_type = #tpu.core_type<tc>, window_params = [{transform_indices = @transform_0, window_bounds = array<i64: 2, 1000, 128>}, {pipeline_mode = #tpu.pipeline_mode<synchronous>, transform_indices = @transform_1, window_bounds = array<i64: 1, 128>}, {transform_indices = @transform_2, window_bounds = array<i64: 1000, 128>}]} {
    %get3A = arith.constant 0 : index
    %get3A_0 = arith.constant 0 : index
    %get3A_1 = arith.constant 0 : index
    %get3A_2 = vector.load %arg1[%get3A, %get3A_0, %get3A_1] : memref<2x1000x128xf32, #tpu.memory_space<vmem>>, vector<1x1000x128xf32>
    %get3A_3 = vector.shape_cast %get3A_2 : vector<1x1000x128xf32> to vector<1000x128xf32>
    %get3A_4 = arith.constant 1 : index
    %get3A_5 = arith.constant 0 : index
    %get3A_6 = arith.constant 0 : index
    %get3A_7 = vector.load %arg1[%get3A_4, %get3A_5, %get3A_6] : memref<2x1000x128xf32, #tpu.memory_space<vmem>>, vector<1x1000x128xf32>
    %get3A_8 = vector.shape_cast %get3A_7 : vector<1x1000x128xf32> to vector<1000x128xf32>
    %add3A = arith.addf %get3A_3, %get3A_8 : vector<1000x128xf32>
    %get3A_9 = arith.constant 0 : index
    %get3A_10 = arith.constant 0 : index
    %get3A_11 = vector.load %arg2[%get3A_9, %get3A_10] : memref<1x128xf32, #tpu.memory_space<vmem>>, vector<1x128xf32>
    %add3A_12 = vector.broadcast %get3A_11 : vector<1x128xf32> to vector<1000x128xf32>
    %add3A_13 = arith.addf %add3A, %add3A_12 : vector<1000x128xf32>
    %swap3A = arith.constant 0 : index
    %swap3A_14 = arith.constant 0 : index
    %swap3A_15 = vector.load %arg3[%swap3A, %swap3A_14] : memref<1000x128xf32, #tpu.memory_space<vmem>>, vector<1000x128xf32>
    tpu.vector_store %arg3[%swap3A, %swap3A_14], %add3A_13 {strides = array<i32>} : memref<1000x128xf32, #tpu.memory_space<vmem>>, vector<1000x128xf32>,
    return
  }
  func.func @transform_0(%arg0: i32) -> (i32, i32, i32) {
    %c0_i32 = arith.constant 0 : i32
    %c0_i32_0 = arith.constant 0 : i32
    %c0_i32_1 = arith.constant 0 : i32
    return %c0_i32, %arg0, %c0_i32_0 : i32, i32, i32
  }
  func.func @transform_1(%arg0: i32) -> (i32, i32) {
    %c0_i32 = arith.constant 0 : i32
    %c0_i32_0 = arith.constant 0 : i32
    %c0_i32_1 = arith.constant 0 : i32
    return %c0_i32, %c0_i32_0 : i32, i32
  }
  func.func @transform_2(%arg0: i32) -> (i32, i32) {
    %c0_i32 = arith.constant 0 : i32
    %c0_i32_0 = arith.constant 0 : i32
    return %arg0, %c0_i32 : i32, i32
  }
}

</mosaic_0001>

<sc_bundles>
// kernel: kernel.10.cloned.1.call-start
scs
__scs_entry_jumppad:
0x0: {  	(pc) =	sbr.rel $0x88, $3  }
0x1: {  	(tag) =	ssettag $0x0;
	lr =	simm.s32 $0x1  }
0x2: {  	[smem:$0x3F9A] =	sst lr;
	_ =	strace $0xD0000000  }
0x3: {  	_ = 	snop  }
0x4: {  	_ = 	snop  }
0x5: {  	_ = 	snop  }
0x6: {  	_ = 	snop  }
0x7: {  	_ = 	snop  }
__scs_overlays_trampoline_lowered:
0x8: {  	[smem:$0x3FA9] =	sst s0  }
0x9: {  	[smem:$0x3FAA] =	sst s1  }
0xa: {  	[smem:$0x3FAB] =	sst s2  }
0xb: {  	[smem:$0x3FAC] =	sst s3  }
0xc: {  	[smem:$0x3FAD] =	sst s4  }
0xd: {  	[smem:$0x3FAE] =	sst s5  }
0xe: {  	[smem:$0x3FAF] =	sst s6  }
0xf: {  	[smem:$0x3FB0] =	sst s7  }
0x10: {  	[smem:$0x3FB1] =	sst s8  }
0x11: {  	[smem:$0x3FB2] =	sst s9;
	s0 =	simm.s32 @!p0 $0x0  }
0x12: {  	s1 =	sld [smem:$0x3F98];
	s0 =	simm.s32 @p0 $0x1  }
0x13: {  	[smem:$0x3FB3] =	sst s0;
	s0 =	simm.s32 @!p1 $0x0  }
0x14: {  	s2 =	sld [smem:$0x3F97];
	s0 =	simm.s32 @p1 $0x1  }
0x15: {  	[smem:$0x3FB4] =	sst s0;
	s0 =	simm.s32 @!p2 $0x0  }
0x16: {  	s3 =	sld [smem:$0x3FDB];
	s0 =	simm.s32 @p2 $0x1  }
0x17: {  	s4 =	simm.s32 $0x1BF5;
	[smem:$0x3FB6] =	sst s0  }
0x18: {  	s0 =	sld [smem:$0x3F99];
	_ =	swait.ge [sflag:s4], $0x0  }
0x19: {  	s7 =	sld [smem:$0x3F9A]  }
0x1a: {  	s8 =	sadd.s32 $0xFFFFE003, lr  }
0x1b: {  	s9 =	sadd.s32 $0xFFFFFEF7, lr;
	s5 =	simm.s32 $0xFFFFFFFF;
	p2 =	slt.u32 s8, $0xFFFFF086  }
0x1c: {  	p1 =	slt.u32 s9, $0xF7A;
	s5 =	simm.s32 @!p2 $0x0  }
0x1d: {  	s5 =	simm.s32 @p1 $0x1;
	p0 =	seq.s32 s7, s2  }
0x1e: {  	s7 =	smul.u32 @!p0 $0xF7A, s2;
	p2 =	seq.s32 @!p0 s5, $0x0  }
0x1f: {  	s9 =	smul.u32 $0xF7A, s1;
	s8 =	simm.s32 @!p0 $0x1BF5;
	p2 =	por !p2, p0  }
0x20: {  	[sflag:s8] =	ssyncset.s32 @!p0 $0xFFFFF086;
	s6 =	sadd.s32 @!p0 s3, s7;
	s7 =	simm.s32 @!p0 $0x108  }
0x21: {  	s3 =	sadd.s32 s3, s9;
	s6 =	sadd.s32 @!p0 $0x88, s6;
	s7 =	simm.s32 @p2 $0x1082  }
0x22: {  	[simem:s7], [sflag:s8] =	dma.local @!p0 [hbm:s6], $0xF7A  }
0x23: {  	s9 =	sor.u32 $0xD0000000, s2;
	s6 =	simm.s32 $0x108;
	_ =	swait.ge @!p0 [sflag:s8], $0x0  }
0x24: {  	s3 =	sadd.s32 $0x88, s3;
	s6 =	simm.s32 @!p1 $0x1082;
	[sflag:s4] =	ssyncset.s32 $0xFFFFF086  }
0x25: {  	[simem:s6], [sflag:s4] =	dma.local [hbm:s3], $0xF7A  }
0x26: {  	[smem:$0x3F9A] =	sst s1;
	(tag) =	ssettag s2;
	_ =	strace s9  }
0x27: {  	s1 =	sld [smem:$0x3FAA]  }
0x28: {  	s2 =	sld [smem:$0x3FAB]  }
0x29: {  	s4 =	sld [smem:$0x3FAD]  }
0x2a: {  	p0 =	seq.s32 s5, $0x0;
	s5 =	sld [smem:$0x3FAE]  }
0x2b: {  	s6 =	sld [smem:$0x3FAF]  }
0x2c: {  	s7 =	sld [smem:$0x3FB0]  }
0x2d: {  	s3 =	simm.s32 $0x108;
	s8 =	sld [smem:$0x3FB1]  }
0x2e: {  	s3 =	simm.s32 @!p0 $0x1082;
	s9 =	sld [smem:$0x3FB2]  }
0x2f: {  	lr =	sadd.s32 s0, s3;
	s0 =	sld [smem:$0x3FA9]  }
0x30: {  	s3 =	sld [smem:$0x3FAC]  }
0x31: {  	[smem:$0x3FB5] =	sst s10  }
0x32: {  	s10 =	sld [smem:$0x3FB3];
	_ =	sdelay $0x3  }
0x33: {  	p0 =	seq.s32 s10, $0x1;
	s10 =	sld [smem:$0x3FB5];
	_ =	sdelay $0x3  }
0x34: {  	[smem:$0x3FB5] =	sst s10  }
0x35: {  	s10 =	sld [smem:$0x3FB4];
	_ =	sdelay $0x3  }
0x36: {  	p1 =	seq.s32 s10, $0x1;
	s10 =	sld [smem:$0x3FB5];
	_ =	sdelay $0x3  }
0x37: {  	[smem:$0x3FB5] =	sst s10  }
0x38: {  	s10 =	sld [smem:$0x3FB6]  }
0x39: {  	_ = 	snop;
	(pc) =	sbr.ind lr, $3  }
0x3a: {  	_ = 	snop  }
0x3b: {  	_ = 	snop  }
0x3c: {  	p2 =	seq.s32 s10, $0x1;
	s10 =	sld [smem:$0x3FB5]  }
0x3d: {  	_ =	shalt  }
0x3e: {  	_ =	shalt  }
0x3f: {  	_ =	shalt  }
0x40: {  	_ =	shalt  }
0x41: {  	_ =	shalt  }
0x42: {  	_ =	shalt  }
0x43: {  	_ =	shalt  }
0x44: {  	_ =	shalt  }
0x45: {  	_ =	shalt  }
0x46: {  	_ =	shalt  }
0x47: {  	_ =	shalt  }
0x48: {  	_ =	shalt  }
0x49: {  	_ =	shalt  }
0x4a: {  	_ =	shalt  }
0x4b: {  	_ =	shalt  }
0x4c: {  	_ =	shalt  }
0x4d: {  	_ =	shalt  }
0x4e: {  	_ =	shalt  }
0x4f: {  	_ =	shalt  }
0x50: {  	_ =	shalt  }
0x51: {  	_ =	shalt  }
0x52: {  	_ =	shalt  }
0x53: {  	_ =	shalt  }
0x54: {  	_ =	shalt  }
0x55: {  	_ =	shalt  }
0x56: {  	_ =	shalt  }
0x57: {  	_ =	shalt  }
0x58: {  	_ =	shalt  }
0x59: {  	_ =	shalt  }
0x5a: {  	_ =	shalt  }
0x5b: {  	_ =	shalt  }
0x5c: {  	_ =	shalt  }
0x5d: {  	_ =	shalt  }
0x5e: {  	_ =	shalt  }
0x5f: {  	_ =	shalt  }
0x60: {  	_ =	shalt  }
0x61: {  	_ =	shalt  }
0x62: {  	_ =	shalt  }
0x63: {  	_ =	shalt  }
0x64: {  	_ =	shalt  }
0x65: {  	_ =	shalt  }
0x66: {  	_ =	shalt  }
0x67: {  	_ =	shalt  }
0x68: {  	_ =	shalt  }
0x69: {  	_ =	shalt  }
0x6a: {  	_ =	shalt  }
0x6b: {  	_ =	shalt  }
0x6c: {  	_ =	shalt  }
0x6d: {  	_ =	shalt  }
0x6e: {  	_ =	shalt  }
0x6f: {  	_ =	shalt  }
0x70: {  	_ =	shalt  }
0x71: {  	_ =	shalt  }
0x72: {  	_ =	shalt  }
0x73: {  	_ =	shalt  }
0x74: {  	_ =	shalt  }
0x75: {  	_ =	shalt  }
0x76: {  	_ =	shalt  }
0x77: {  	_ =	shalt  }
0x78: {  	_ =	shalt  }
0x79: {  	_ =	shalt  }
0x7a: {  	_ =	shalt  }
0x7b: {  	_ =	shalt  }
0x7c: {  	_ =	shalt  }
0x7d: {  	_ =	shalt  }
0x7e: {  	_ =	shalt  }
0x7f: {  	_ =	shalt  }
0x80: {  	_ =	shalt  }
0x81: {  	_ =	shalt  }
0x82: {  	_ =	shalt  }
0x83: {  	_ =	shalt  }
0x84: {  	_ =	shalt  }
0x85: {  	_ =	shalt  }
0x86: {  	_ =	shalt  }
0x87: {  	_ =	shalt  }
.Lfunc_end0:
.L_simem_size_0:
called_computation.1_lowered:
.L_overlay_start_0:
0x88: {  	s2 =	sld [smem:$0x3FD9]  }
0x89: {  	s3 =	sld [smem:$0x3FFE];
	_ =	sdelay $0x1  }
0x8a: {  	s1 =	srdreg.scid  }
0x8b: {  	s0 =	sand.u32 $0x1, s1  }
0x8c: {  	s17 =	sshll.u32 s0, $0xA;
	s2 =	sadd.s32 s3, s2  }
0x8d: {  	s2 =	sadd.s32 s2, s17  }
0x8e: {  	[smem:$0x3FC1] =	sst s2  }
0x8f: {  	_ = 	snop  }
0x90: {  	s2 =	sld [smem:$0x3FC9];
	(tm) =	ssettm $0x1  }
0x91: {  	s18 =	sld [smem:$0x3FFB];
	_ =	sdelay $0x3  }
0x92: {  	_ =	strace s18  }
0x93: {  	s3 =	sld [smem:$0x3FFC];
	_ =	sdelay $0x3  }
0x94: {  	_ =	strace s3  }
0x95: {  	s3 =	sld [smem:$0x3FFD];
	_ =	sdelay $0x3  }
0x96: {  	_ =	strace s3  }
0x97: {  	_ =	strace $0x8FFFFFFF  }
0x98: {  	s19 =	sld [smem:$0x3FDB];
	_ =	sdelay $0x1  }
0x99: {  	s4 =	simm.s32 $_scs_section_size  }
0x9a: {  	s5 =	simm.s32 $_size__tile_overlayer_lowered;
	s6 =	simm.s32 $_tile_overlayer_lowered  }
0x9b: {  	s22 =	simm.s32 $0x1BFF;
	s21 =	sshll.u32 s6, $0x1;
	s3 =	sadd.s32 s4, s19  }
0x9c: {  	s7 =	simm.s32 $0x0;
	s20 =	sshll.u32 s5, $0x1;
	s5 =	sadd.s32 s21, s3  }
0x9d: {  	[timem:s7], [sflag:s22] =	dma.local [hbm:s5], s20  }
0x9e: {  	_ =	swait.ge [sflag:s22], s20  }
0x9f: {  	s4 =	ssub.s32 $0x0, s20;
	[sflag:s22] =	ssyncset.done $0x0  }
0xa0: {  	[sflag:s22] =	ssyncadd.s32 s4;
	_ =	sdelay $0x1  }
0xa1: {  	s23 =	simm.s32 $0x1B8B  }
0xa2: {  	_ =	swait.ge [sflag:s23], $0x1  }
0xa3: {  	[sflag:s23] =	ssyncset.done $0x0  }
0xa4: {  	s25 =	simm.s32 $0x1B8E;
	s24 =	sld [smem:$0x3FFE];
	[sflag:s23] =	ssyncadd.s32 $0xFFFFFFFF  }
0xa5: {  	s26 =	simm.s32 $execute0_lowered;
	[smem:$0x3FD2] =	sst s25  }
0xa6: {  	s5 =	sshll.u32 s26, $0x1;
	_ =	strace $0x80000049;
	[dreg:$0x1] =	wrdreg $0xFFFFFFFF  }
0xa7: {  	s28 =	simm.s32 $_size_execute0_lowered;
	s3 =	sadd.s32 s3, s5;
	[dreg:$0x0] =	wrdreg $0x0  }
0xa8: {  	s5 =	sshll.u32 s28, $0x1;
	[dreg:$0x2] =	wrdreg s3  }
0xa9: {  	[dreg:$0x3] =	wrdreg s5  }
0xaa: {  	[dreg:$0x4] =	wrdreg $0xC0  }
0xab: {  	_ =	task [dreg:s7], $0x5FFFF  }
0xac: {  	[dreg:$0x1] =	wrdreg $0xFFFFFFFF  }
0xad: {  	[dreg:$0x0] =	wrdreg $0x60  }
0xae: {  	[dreg:$0x2] =	wrdreg s2  }
0xaf: {  	[dreg:$0x3] =	wrdreg s24  }
0xb0: {  	[dreg:$0x4] =	wrdreg $0x86000  }
0xb1: {  	[dreg:$0x5] =	wrdreg $0x9  }
0xb2: {  	_ =	task.clear_ibuf [dreg:s7], $0x6FFFF;
	_ =	strace $0x90000049  }
0xb3: {  	s29 =	simm.s32 $0x9;
	_ =	strace $0x8000004B  }
0xb4: {  	_ =	swait.ge [sflag:s29], $0x1  }
0xb5: {  	[sflag:s29] =	ssyncadd.s32 $0xFFFFFFFF  }
0xb6: {  	_ =	strace $0x9000004B  }
0xb7: {  	_ =	sfence  }
0xb8: {  	s30 =	sld [smem:$0x0];
	_ =	sdelay $0x2  }
0xb9: {  	s31 =	sshll.u32 s1, $0xD;
	s1 =	sshrl.u32 s1, $0x2  }
0xba: {  	s3 =	sand.u32 $0x4000, s31;
	s1 =	sadd.s32 s1, s30  }
0xbb: {  	s0 =	sor.u32 s3, s0;
	s1 =	sshll.u32 s1, $0x11  }
0xbc: {  	s0 =	sor.u32 s1, s0  }
0xbd: {  	s0 =	sadd.s32 $0x8F2B, s0  }
0xbe: {  	[sflag:s0] =	ssyncadd.remote.s32 $0x1  }
0xbf: {  	_ =	sfence.sel $0xFFFF  }
0xc0: {  	[dreg:$0x0] =	wrdreg $0xFFFFFFFF;
	(pc) =	sbr.abs _section_cstart, $3  }
0xc1: {  	[dreg:$0x1] =	wrdreg $0xFFFFFFFF  }
0xc2: {  	_ =	task.clear_ibuf [dreg:s7], $0x2FFFF;
	_ =	strace $0x9FFFFFFF  }
0xc3: {  	(tm) =	ssettm $0x7FFFFFFF  }
tec
execute0_lowered:
.L_overlay_start_1:
0x0: {  	(tag) =	ssettag $0x1  }
0x1: {  	s0 =	rddreg [dreg:$0x0]  }
0x2: {  	s1 =	rddreg [dreg:$0x1];
	s2 =	srdreg.scid  }
0x3: {  	s3 =	rddreg [dreg:$0x2];
	s11 =	stileid.u32  }
0x4: {  	s4 =	simm.s32 $0x0;
	s28 =	simm.s32 $0x80;
	s6 =	smul.u32 $0x14000, s11  }
0x5: {  	s2 =	sand.u32 $0x1, s2;
	[smem:$0x7FF] =	sst s4;
	s9 =	smul.u32 $0x50000, s11  }
0x6: {  	s7 =	sadd.s32 $0x15600, s1;
	s5 =	smul.u32 $0x140000, s2;
	_ =	strace $0x8000004A  }
0x7: {  	s10 =	ssub.s32 $0x2, s2;
	s2 =	sshll.u32 s2, $0x4;
	s21 =	sshrl.u32 s9, $0x2  }
0x8: {  	s22 =	sshrl.u32 s10, $0x1;
	s2 =	sor.u32 s11, s2;
	s6 =	sadd.s32 s6, s5  }
0x9: {  	s5 =	sadd.s32 $0xB600, s1;
	s9 =	ssub.s32 s10, s22;
	s24 =	smul.u32 $0x500, s2  }
0xa: {  	s13 =	smul.u32 $0x50, s2;
	s22 =	simm.s32 $0x600;
	s8 =	sshrl.u32 s6, $0x3  }
0xb: {  	s10 =	simm.s32 $0x280;
	s6 =	sadd.s32 $0x1600, s1;
	s1 =	sadd.s32 s8, s1  }
0xc: {  	s8 =	sadd.s32 s21, s3;
	s30 =	sadd.s32 s5, s24;
	s31 =	sor.u32 $0x10, s24  }
0xd: {  	s15 =	sadd.s32 s6, s24;
	s16 =	sadd.s32 s7, s24;
	s21 =	smax.u32 s9, $0x1  }
0xe: {  	s24 =	simm.s32 $0x4;
	s23 =	sadd.s32 $0x4000, s8;
	[dreg:$0x8] =	wrdreg s30  }
0xf: {  	s25 =	sadd.s32 $0x8000, s8;
	s26 =	sadd.s32 $0xC000, s8;
	[dreg:$0x4] =	wrdreg s23  }
0x10: {  	s29 =	sadd.s32 $0x10000, s8;
	s17 =	sadd.s32 s5, s31;
	[dreg:$0x5] =	wrdreg s25  }
0x11: {  	s18 =	sadd.s32 s6, s31;
	s19 =	sadd.s32 s7, s31;
	[dreg:$0x6] =	wrdreg s26  }
0x12: {  	s20 =	sadd.s32 $0x1F600, s1;
	s1 =	simm.s32 $0x2;
	[dreg:$0x7] =	wrdreg s29  }
0x13: {  	v0 =	vimm.f32 $0.0e+00;
	s23 =	simm.s32 $0x1;
	s26 =	simm.s32 $0x3;
	s25 =	simm.s32 $0x0  }
.LBB2_1:
0x14: {  	s2 =	simm.s32 $0x0;
	s9 =	simm.s32 $0x200  }
.LBB2_2:
0x15: {  	p0 =	sne.s32 s9, $0xFE00;
	[tilespmem:s2+$0x670] =	vst v0  }
0x16: {  	[tilespmem:s2+$0x600] =	vst v0  }
0x17: {  	[tilespmem:s2+$0x610] =	vst v0  }
.Ltmp0:
0x18: {  	[tilespmem:s2+$0x620] =	vst v0;
	(pc) =	sbr.rel @p0 .LBB2_2-.Ltmp0, $4  }
0x19: {  	[tilespmem:s2+$0x630] =	vst v0  }
0x1a: {  	[tilespmem:s2+$0x640] =	vst v0  }
0x1b: {  	[tilespmem:s2+$0x650] =	vst v0  }
0x1c: {  	[tilespmem:s2+$0x660] =	vst v0;
	s2 =	sshra.s32 s9, $0x2;
	s9 =	sadd.s32 $0x200, s9  }
0x1d: {  	[tilespmem:s2+$0x670] =	vst v0  }
0x1e: {  	[tilespmem:s2+$0x600] =	vst v0  }
0x1f: {  	[tilespmem:s2+$0x610] =	vst v0  }
0x20: {  	[tilespmem:s2+$0x620] =	vst v0  }
0x21: {  	[tilespmem:s2+$0x630] =	vst v0  }
0x22: {  	[tilespmem:s2+$0x640] =	vst v0  }
0x23: {  	[tilespmem:s2+$0x650] =	vst v0  }
0x24: {  	[tilespmem:s2+$0x660] =	vst v0  }
0x25: {  	[spmem:s8] =	stream.linear.scatter [tilespmem:s22], [sflag:$0x1], $0x4000, $0x38;
	[tilespmem:$0x1C600] =	vst v63  }
0x26: {  	s29 =	rddreg [dreg:$0x4]  }
0x27: {  	[spmem:s29] =	stream.linear.scatter [tilespmem:s22], [sflag:$0x1], $0x4000, $0x38;
	[tilespmem:$0x1C600] =	vst v63  }
0x28: {  	s31 =	rddreg [dreg:$0x5]  }
0x29: {  	[spmem:s31] =	stream.linear.scatter [tilespmem:s22], [sflag:$0x1], $0x4000, $0x38;
	[tilespmem:$0x1C600] =	vst v63  }
0x2a: {  	s9 =	rddreg [dreg:$0x6]  }
0x2b: {  	[spmem:s9] =	stream.linear.scatter [tilespmem:s22], [sflag:$0x1], $0x4000, $0x38;
	[tilespmem:$0x1C600] =	vst v63  }
0x2c: {  	s11 =	rddreg [dreg:$0x7]  }
0x2d: {  	[spmem:s11] =	stream.linear.scatter [tilespmem:s22], [sflag:$0x1], $0x4000, $0x38;
	[tilespmem:$0x1C600] =	vst v63  }
0x2e: {  	_ =	swait.ge [sflag:s23], $0x4000  }
0x2f: {  	[sflag:s23] =	ssyncset.done $0x0  }
0x30: {  	[sflag:s23] =	ssyncadd.s32 $0xFFFFC000  }
0x31: {  	_ =	swait.ge [sflag:s23], $0x4000  }
0x32: {  	[sflag:s23] =	ssyncset.done $0x0  }
0x33: {  	[sflag:s23] =	ssyncadd.s32 $0xFFFFC000  }
0x34: {  	_ =	swait.ge [sflag:s23], $0x4000  }
0x35: {  	[sflag:s23] =	ssyncset.done $0x0  }
0x36: {  	[sflag:s23] =	ssyncadd.s32 $0xFFFFC000  }
0x37: {  	_ =	swait.ge [sflag:s23], $0x4000  }
0x38: {  	[sflag:s23] =	ssyncset.done $0x0  }
0x39: {  	[sflag:s23] =	ssyncadd.s32 $0xFFFFC000  }
0x3a: {  	_ =	swait.ge [sflag:s23], $0x4000  }
0x3b: {  	[sflag:s23] =	ssyncset.done $0x0  }
0x3c: {  	[sflag:s23] =	ssyncadd.s32 $0xFFFFC000  }
0x3d: {  	[bflag:$0x0] =	sbarrier.arrive $0xFFFF  }
0x3e: {  	s12 =	rddreg [dreg:$0x8]  }
0x3f: {  	[tilespmem:s25], [sflag:$0x3] =	stream.linear.gather [hbm4b:s12+s25], $0x80, $0x38;
	[tilespmem:$0x1C600] =	vst v63  }
0x40: {  	s14 =	simm.s32 $0x200  }
0x41: {  	[tilespmem:s14], [sflag:$0x3] =	stream.linear.gather [hbm4b:s15+s25], $0x80, $0x38;
	[tilespmem:$0x1C600] =	vst v63  }
0x42: {  	s29 =	simm.s32 $0x400  }
0x43: {  	[tilespmem:s29], [sflag:$0x3] =	stream.linear.gather [hbm4b:s16+s25], $0x80, $0x38;
	[tilespmem:$0x1C600] =	vst v63  }
0x44: {  	_ =	swait.ge [sflag:s26], $0x80  }
0x45: {  	[sflag:s26] =	ssyncset.done $0x0  }
0x46: {  	[sflag:s26] =	ssyncadd.s32 $0xFFFFFF80  }
0x47: {  	_ =	swait.ge [sflag:s26], $0x80  }
0x48: {  	[sflag:s26] =	ssyncset.done $0x0  }
0x49: {  	[sflag:s26] =	ssyncadd.s32 $0xFFFFFF80  }
0x4a: {  	_ =	swait.ge [sflag:s26], $0x80  }
0x4b: {  	[sflag:s26] =	ssyncset.done $0x0  }
0x4c: {  	[sflag:s26] =	ssyncadd.s32 $0xFFFFFF80  }
0x4d: {  	[tilespmem:s28], [sflag:$0x3] =	stream.linear.gather [hbm4b:s17+s25], $0x80, $0x38;
	[tilespmem:$0x1C600] =	vst v63  }
0x4e: {  	_ = 	snop  }
0x4f: {  	[tilespmem:s10], [sflag:$0x3] =	stream.linear.gather [hbm4b:s18+s25], $0x80, $0x38;
	[tilespmem:$0x1C600] =	vst v63  }
0x50: {  	s31 =	simm.s32 $0x480  }
0x51: {  	[tilespmem:s31], [sflag:$0x3] =	stream.linear.gather [hbm4b:s19+s25], $0x80, $0x38;
	[tilespmem:$0x1C600] =	vst v63  }
0x52: {  	s30 =	simm.s32 $0x0  }
0x53: {  	[tilespmem:s22], [sflag:$0x1] =	stream.indirect.gather [hbm4b:s0+s28], $0x80, s25, s28, $0xb8;
	[tilespmem:$0x1C600] =	vst v63  }
.LBB2_4:
0x54: {  	p0 =	seq.s32 s30, $0x0  }
0x55: {  	s2 =	sadd.s32 @!p0 $0xFFFFFFFF, s30  }
0x56: {  	s9 =	sand.u32 @!p0 $0xFF, s2  }
0x57: {  	s9 =	smul.u32 @!p0 $0xAB, s9;
	_ =	sdelay $0x1  }
0x58: {  	_ =	swait.ge [sflag:s23], $0x4000;
	s10 =	smulhi.u32 $0xAAAAAAAB, s30;
	s9 =	sshrl.u32 @!p0 s9, $0x9  }
0x59: {  	[sflag:s23] =	ssyncset.done $0x0;
	s9 =	smul.u32 @!p0 $0x3, s9  }
0x5a: {  	s11 =	simm.s32 $0x2;
	[sflag:s23] =	ssyncadd.s32 $0xFFFFC000  }
0x5b: {  	s10 =	sshrl.u32 s10, $0x1;
	s9 =	ssub.s32 @!p0 s2, s9;
	s2 =	sshll.u32 @!p0 s30, $0xE  }
0x5c: {  	s10 =	smul.u32 $0x3, s10;
	s2 =	sand.u32 @!p0 $0x4000, s2;
	s9 =	sand.u32 @!p0 $0xFB, s9  }
0x5d: {  	v1 =	vmov s25;
	s12 =	sxor.u32 @!p0 $0x4000, s2;
	s9 =	sshll.u32 @!p0 s9, $0x7;
	s2 =	simm.s32 @p0 $0x0  }
0x5e: {  	v1 =	vand.u32 $0xFFFFFFFC, v1;
	v2 =	vmov s11;
	s11 =	sor.u32 @!p0 $0x600, s12;
	s9 =	sor.u32 @!p0 $0x200, s9;
	s12 =	simm.s32 @!p0 $0x80  }
0x5f: {  	v1 =	vbroadcast v1, $0x0;
	v2 =	vand.u32 $0xFFFFFFFE, v2;
	[spmem:s3] =	stream.indirect.scatter.add.f32 @!p0 [tilespmem:s11], [sflag:$0x2], $0x80, s9, s12, $0xb8;
	[tilespmem:$0x1C600] =	vst v63  }
0x60: {  	v2 =	vbroadcast v2, $0x0;
	s11 =	ssub.s32 s30, s10;
	s10 =	sadd.s32 $0x700, s2  }
0x61: {  	v4 =	vld [tilespmem:s10+$0x70]  }
0x62: {  	v5 =	vld [tilespmem:s10+$0xFFFFFF00]  }
0x63: {  	s12 =	simm.s32 $0x1;
	s9 =	sshll.u32 s11, $0x7;
	v6 =	vld [tilespmem:s10+$0xFFFFFF10]  }
0x64: {  	v3 =	vmov s12;
	v7 =	vld [tilespmem:s10+$0xFFFFFF20];
	s31 =	sor.u32 $0x400, s9  }
0x65: {  	v3 =	vand.u32 $0xFFFFFFFD, v3;
	v1 =	vld.idx.msk [tilespmem:v1+s31+$0x0], $0xffff  }
0x66: {  	v2 =	vld.idx.msk [tilespmem:v2+s31+$0x0], $0xffff;
	v3 =	vbroadcast v3, $0x0  }
0x67: {  	v8 =	vld [tilespmem:s10+$0xFFFFFF30]  }
0x68: {  	v9 =	vld [tilespmem:s10+$0xFFFFFF40]  }
0x69: {  	v10 =	vld [tilespmem:s10+$0xFFFFFF50]  }
0x6a: {  	v11 =	vld [tilespmem:s10+$0xFFFFFF60];
	v5 =	vmul.f32 v5, v1  }
0x6b: {  	v13 =	vld [tilespmem:s10+$0x40];
	v4 =	vmul.f32 v4, v2  }
0x6c: {  	v3 =	vld.idx.msk [tilespmem:v3+s31+$0x0], $0xffff;
	[tilespmem:s10+$0xFFFFFF00] =	vst v5;
	v5 =	vmul.f32 v6, v1  }
0x6d: {  	v6 =	vld [tilespmem:s10+$0xFFFFFF70];
	[tilespmem:s10+$0x70] =	vst v4;
	v4 =	vmul.f32 v7, v1  }
0x6e: {  	v7 =	vld [tilespmem:s10+$0xFFFFFF80];
	[tilespmem:s10+$0xFFFFFF10] =	vst v5;
	v5 =	vmul.f32 v8, v1  }
0x6f: {  	v8 =	vld [tilespmem:s10+$0xFFFFFF90];
	[tilespmem:s10+$0xFFFFFF20] =	vst v4;
	v4 =	vmul.f32 v9, v1  }
0x70: {  	v9 =	vld [tilespmem:s10+$0xFFFFFFA0];
	[tilespmem:s10+$0xFFFFFF30] =	vst v5;
	v5 =	vmul.f32 v10, v1  }
0x71: {  	v10 =	vld [tilespmem:s10+$0xFFFFFFB0];
	[tilespmem:s10+$0xFFFFFF40] =	vst v4;
	v4 =	vmul.f32 v11, v1  }
0x72: {  	v11 =	vld [tilespmem:s10+$0xFFFFFFC0];
	v6 =	vmul.f32 v6, v1;
	[tilespmem:s10+$0xFFFFFF50] =	vst v5  }
0x73: {  	v5 =	vmul.f32 v7, v3;
	v7 =	vld [tilespmem:s10+$0xFFFFFFD0];
	[tilespmem:s10+$0xFFFFFF60] =	vst v4  }
0x74: {  	s14 =	simm.s32 $0x3;
	v4 =	vld [tilespmem:s10+$0xFFFFFFE0];
	v8 =	vmul.f32 v8, v3;
	[tilespmem:s10+$0xFFFFFF70] =	vst v6  }
0x75: {  	v12 =	vmov s14;
	v6 =	vld [tilespmem:s10+$0xFFFFFFF0];
	[tilespmem:s10+$0xFFFFFF80] =	vst v5;
	v5 =	vmul.f32 v9, v3  }
0x76: {  	v9 =	vld [tilespmem:s10+$0x0];
	[tilespmem:s10+$0xFFFFFF90] =	vst v8;
	v8 =	vmul.f32 v10, v3  }
0x77: {  	v10 =	vld [tilespmem:s10+$0x10];
	[tilespmem:s10+$0xFFFFFFA0] =	vst v5;
	v5 =	vmul.f32 v11, v3  }
0x78: {  	[tilespmem:s10+$0xFFFFFFB0] =	vst v8;
	v7 =	vmul.f32 v7, v3;
	v8 =	vld [tilespmem:s10+$0x20]  }
0x79: {  	v11 =	vld [tilespmem:s10+$0x30];
	v4 =	vmul.f32 v4, v3;
	[tilespmem:s10+$0xFFFFFFC0] =	vst v5  }
0x7a: {  	v1 =	vld.idx.msk [tilespmem:v12+s31+$0x0], $0xffff;
	v3 =	vmul.f32 v6, v3;
	[tilespmem:s10+$0xFFFFFFD0] =	vst v7  }
0x7b: {  	[tilespmem:s10+$0xFFFFFFE0] =	vst v4;
	v5 =	vmul.f32 v9, v2;
	v4 =	vld [tilespmem:s10+$0x50]  }
0x7c: {  	s11 =	simm.s32 $0x4;
	[tilespmem:s10+$0xFFFFFFF0] =	vst v3;
	v6 =	vmul.f32 v10, v2;
	v3 =	vld [tilespmem:s10+$0x60]  }
0x7d: {  	s12 =	simm.s32 $0x7;
	v7 =	vmov s11;
	[tilespmem:s10+$0x0] =	vst v5;
	v9 =	vmul.f32 v8, v2;
	v8 =	vld [tilespmem:s10+$0x80]  }
0x7e: {  	s29 =	simm.s32 $0x6;
	s14 =	simm.s32 $0x5;
	v12 =	vand.u32 $0xFFFFFFFC, v7;
	v7 =	vld [tilespmem:s10+$0x90];
	v5 =	vmov s12;
	v10 =	vmul.f32 v11, v2;
	[tilespmem:s10+$0x10] =	vst v6  }
0x7f: {  	s9 =	sshll.u32 s2, $0x2;
	s11 =	smov.u32 s10;
	s12 =	simm.s32 $0x8;
	v11 =	vmul.f32 v13, v2;
	v6 =	vbroadcast v12, $0x0;
	v12 =	vmov s14;
	[tilespmem:s10+$0x20] =	vst v9;
	v9 =	vld [tilespmem:s10+$0xA0]  }
.LBB2_5:
0x80: {  	p1 =	slt.u32 s12, $0x3C;
	v12 =	vand.u32 $0xFFFFFFFD, v12;
	v13 =	vmov s29;
	[tilespmem:s10+$0x30] =	vst v10;
	v4 =	vmul.f32 v4, v2;
	v10 =	vld [tilespmem:s10+$0xB0]  }
0x81: {  	v12 =	vbroadcast v12, $0x0;
	v13 =	vand.u32 $0xFFFFFFFE, v13;
	[tilespmem:s10+$0x40] =	vst v11;
	v2 =	vmul.f32 v3, v2;
	v3 =	vld [tilespmem:s10+$0xC0]  }
0x82: {  	v11 =	vbroadcast v13, $0x0;
	[tilespmem:s10+$0x50] =	vst v4;
	v4 =	vmul.f32 v8, v1;
	v8 =	vld [tilespmem:s10+$0xD0]  }
0x83: {  	[tilespmem:s10+$0x60] =	vst v2;
	v2 =	vmul.f32 v7, v1;
	v7 =	vld [tilespmem:s10+$0xE0]  }
0x84: {  	[tilespmem:s10+$0x80] =	vst v4;
	v4 =	vmul.f32 v9, v1;
	v9 =	vld [tilespmem:s10+$0xF0]  }
0x85: {  	v5 =	vld.idx.msk [tilespmem:v5+s31+$0x0], $0xffff;
	[tilespmem:s10+$0x90] =	vst v2;
	v2 =	vmul.f32 v10, v1  }
0x86: {  	v6 =	vld.idx.msk [tilespmem:v6+s31+$0x0], $0xffff;
	[tilespmem:s10+$0xA0] =	vst v4;
	v3 =	vmul.f32 v3, v1  }
0x87: {  	v4 =	vld.idx.msk [tilespmem:v12+s31+$0x0], $0xffff;
	[tilespmem:s10+$0xB0] =	vst v2;
	v8 =	vmul.f32 v8, v1  }
0x88: {  	s10 =	sadd.s32 $0x200, s10;
	v2 =	vld.idx.msk [tilespmem:v11+s31+$0x0], $0xffff;
	[tilespmem:s11+$0xC0] =	vst v3;
	v3 =	vmul.f32 v7, v1  }
0x89: {  	v7 =	vld [tilespmem:s10+$0x70];
	[tilespmem:s11+$0xD0] =	vst v8;
	v9 =	vmul.f32 v9, v1  }
0x8a: {  	v8 =	vld [tilespmem:s10+$0xFFFFFF00];
	[tilespmem:s11+$0xE0] =	vst v3  }
0x8b: {  	v1 =	vmov v5;
	v3 =	vld [tilespmem:s10+$0xFFFFFF10];
	[tilespmem:s11+$0xF0] =	vst v9;
	s11 =	smov.u32 s10  }
0x8c: {  	v5 =	vld [tilespmem:s10+$0xFFFFFF20]  }
0x8d: {  	v9 =	vld [tilespmem:s10+$0xFFFFFF30]  }
0x8e: {  	v10 =	vld [tilespmem:s10+$0xFFFFFF40];
	v7 =	vmul.f32 v7, v2  }
0x8f: {  	v8 =	vmul.f32 v8, v6;
	v11 =	vld [tilespmem:s10+$0xFFFFFF50]  }
0x90: {  	v3 =	vmul.f32 v3, v6;
	v12 =	vld [tilespmem:s10+$0xFFFFFF60];
	[tilespmem:s10+$0x70] =	vst v7  }
0x91: {  	[tilespmem:s10+$0xFFFFFF00] =	vst v8;
	v5 =	vmul.f32 v5, v6;
	v7 =	vld [tilespmem:s10+$0xFFFFFF70]  }
0x92: {  	[tilespmem:s10+$0xFFFFFF10] =	vst v3;
	v3 =	vmul.f32 v9, v6;
	v8 =	vld [tilespmem:s10+$0xFFFFFF80]  }
0x93: {  	[tilespmem:s10+$0xFFFFFF20] =	vst v5;
	v5 =	vmul.f32 v10, v6;
	v9 =	vld [tilespmem:s10+$0xFFFFFF90]  }
0x94: {  	[tilespmem:s10+$0xFFFFFF30] =	vst v3;
	v3 =	vmul.f32 v11, v6;
	v10 =	vld [tilespmem:s10+$0xFFFFFFA0]  }
0x95: {  	[tilespmem:s10+$0xFFFFFF40] =	vst v5;
	v5 =	vmul.f32 v12, v6;
	v11 =	vld [tilespmem:s10+$0xFFFFFFB0]  }
0x96: {  	[tilespmem:s10+$0xFFFFFF50] =	vst v3;
	v3 =	vmul.f32 v7, v6;
	v6 =	vld [tilespmem:s10+$0xFFFFFFC0]  }
0x97: {  	[tilespmem:s10+$0xFFFFFF60] =	vst v5;
	v5 =	vmul.f32 v8, v4;
	v7 =	vld [tilespmem:s10+$0xFFFFFFD0]  }
0x98: {  	[tilespmem:s10+$0xFFFFFF70] =	vst v3;
	v3 =	vmul.f32 v9, v4;
	v8 =	vld [tilespmem:s10+$0xFFFFFFE0]  }
0x99: {  	[tilespmem:s10+$0xFFFFFF80] =	vst v5;
	v5 =	vmul.f32 v10, v4;
	v9 =	vld [tilespmem:s10+$0xFFFFFFF0]  }
0x9a: {  	[tilespmem:s10+$0xFFFFFF90] =	vst v3;
	v3 =	vmul.f32 v11, v4;
	v10 =	vld [tilespmem:s10+$0x0]  }
0x9b: {  	[tilespmem:s10+$0xFFFFFFA0] =	vst v5;
	v5 =	vmul.f32 v6, v4;
	v6 =	vld [tilespmem:s10+$0x10]  }
0x9c: {  	[tilespmem:s10+$0xFFFFFFB0] =	vst v3;
	v3 =	vmul.f32 v7, v4;
	v7 =	vld [tilespmem:s10+$0x20]  }
0x9d: {  	[tilespmem:s10+$0xFFFFFFC0] =	vst v5;
	v5 =	vmul.f32 v8, v4;
	v11 =	vld [tilespmem:s10+$0x30]  }
0x9e: {  	[tilespmem:s10+$0xFFFFFFD0] =	vst v3;
	v3 =	vmul.f32 v9, v4;
	v9 =	vld [tilespmem:s10+$0x40]  }
.Ltmp1:
0x9f: {  	[tilespmem:s10+$0xFFFFFFE0] =	vst v5;
	v5 =	vmul.f32 v10, v2;
	v4 =	vld [tilespmem:s10+$0x50];
	(pc) =	sbr.rel @p1 .LBB2_5-.Ltmp1, $4  }
0xa0: {  	[tilespmem:s10+$0xFFFFFFF0] =	vst v3;
	v6 =	vmul.f32 v6, v2;
	v3 =	vld [tilespmem:s10+$0x60]  }
0xa1: {  	s29 =	sadd.s32 $0x3, s12;
	v10 =	vmov s12;
	[tilespmem:s10+$0x0] =	vst v5;
	v13 =	vmul.f32 v7, v2;
	v8 =	vld [tilespmem:s10+$0x80]  }
0xa2: {  	s14 =	sadd.s32 $0x1, s12;
	v12 =	vand.u32 $0xFFFFFFFC, v10;
	v5 =	vmov s29;
	[tilespmem:s10+$0x10] =	vst v6;
	v10 =	vmul.f32 v11, v2;
	v7 =	vld [tilespmem:s10+$0x90]  }
0xa3: {  	s29 =	sadd.s32 $0x2, s12;
	s12 =	sadd.s32 $0x4, s12;
	v6 =	vbroadcast v12, $0x0;
	v12 =	vmov s14;
	[tilespmem:s10+$0x20] =	vst v13;
	v11 =	vmul.f32 v9, v2;
	v9 =	vld [tilespmem:s10+$0xA0]  }
0xa4: {  	v13 =	vld [tilespmem:s10+$0xB0]  }
0xa5: {  	v15 =	vld [tilespmem:s10+$0xC0]  }
0xa6: {  	v14 =	vmov s29;
	v16 =	vld [tilespmem:s10+$0xD0]  }
0xa7: {  	v17 =	vld [tilespmem:s10+$0xE0];
	[tilespmem:s10+$0x30] =	vst v10;
	v4 =	vmul.f32 v4, v2;
	v14 =	vand.u32 $0xFFFFFFFE, v14  }
0xa8: {  	v12 =	vand.u32 $0xFFFFFFFD, v12;
	v5 =	vld.idx.msk [tilespmem:v5+s31+$0x0], $0xffff;
	[tilespmem:s10+$0x40] =	vst v11;
	v2 =	vmul.f32 v3, v2;
	v14 =	vbroadcast v14, $0x0  }
0xa9: {  	s12 =	sadd.s32 $0x200, s10;
	v12 =	vbroadcast v12, $0x0;
	v3 =	vld.idx.msk [tilespmem:v6+s31+$0x0], $0xffff;
	v8 =	vmul.f32 v8, v1;
	[tilespmem:s10+$0x50] =	vst v4  }
0xaa: {  	v10 =	vld [tilespmem:s12+$0xFFFFFF00];
	v4 =	vmul.f32 v7, v1;
	[tilespmem:s10+$0x60] =	vst v2  }
0xab: {  	[tilespmem:s10+$0x80] =	vst v8;
	v8 =	vld [tilespmem:s10+$0xF0];
	v2 =	vmul.f32 v9, v1  }
0xac: {  	v11 =	vld [tilespmem:s12+$0xFFFFFF10];
	[tilespmem:s10+$0x90] =	vst v4;
	v4 =	vmul.f32 v13, v1  }
0xad: {  	v9 =	vld [tilespmem:s12+$0x70];
	[tilespmem:s10+$0xA0] =	vst v2;
	v2 =	vmul.f32 v15, v1  }
0xae: {  	[tilespmem:s10+$0xB0] =	vst v4;
	v4 =	vmul.f32 v16, v1;
	v7 =	vld.idx.msk [tilespmem:v14+s31+$0x0], $0xffff  }
0xaf: {  	v6 =	vld.idx.msk [tilespmem:v12+s31+$0x0], $0xffff;
	[tilespmem:s11+$0xC0] =	vst v2;
	v2 =	vmul.f32 v17, v1  }
0xb0: {  	v12 =	vld [tilespmem:s12+$0xFFFFFF20];
	[tilespmem:s11+$0xD0] =	vst v4;
	v1 =	vmul.f32 v8, v1  }
0xb1: {  	v4 =	vld [tilespmem:s12+$0xFFFFFF30];
	[tilespmem:s11+$0xE0] =	vst v2  }
0xb2: {  	v2 =	vld [tilespmem:s12+$0xFFFFFF40];
	[tilespmem:s11+$0xF0] =	vst v1;
	v1 =	vmul.f32 v10, v3  }
0xb3: {  	v8 =	vmul.f32 v9, v7;
	v9 =	vld [tilespmem:s12+$0xFFFFFF50]  }
0xb4: {  	v10 =	vmul.f32 v11, v3;
	v11 =	vld [tilespmem:s12+$0xFFFFFF60];
	[tilespmem:s12+$0xFFFFFF00] =	vst v1  }
0xb5: {  	v1 =	vmul.f32 v12, v3;
	[tilespmem:s12+$0x70] =	vst v8;
	v8 =	vld [tilespmem:s12+$0xFFFFFF70]  }
0xb6: {  	[tilespmem:s12+$0xFFFFFF10] =	vst v10;
	v10 =	vld [tilespmem:s12+$0xFFFFFF80];
	v4 =	vmul.f32 v4, v3  }
0xb7: {  	[tilespmem:s12+$0xFFFFFF20] =	vst v1;
	v1 =	vmul.f32 v2, v3;
	v2 =	vld [tilespmem:s12+$0xFFFFFF90]  }
0xb8: {  	[tilespmem:s12+$0xFFFFFF30] =	vst v4;
	v4 =	vmul.f32 v9, v3;
	v9 =	vld [tilespmem:s12+$0xFFFFFFA0]  }
0xb9: {  	[tilespmem:s12+$0xFFFFFF40] =	vst v1;
	v1 =	vmul.f32 v11, v3;
	v11 =	vld [tilespmem:s12+$0xFFFFFFB0]  }
0xba: {  	[tilespmem:s12+$0xFFFFFF50] =	vst v4;
	v3 =	vmul.f32 v8, v3;
	v4 =	vld [tilespmem:s12+$0xFFFFFFC0]  }
0xbb: {  	[tilespmem:s12+$0xFFFFFF60] =	vst v1;
	v1 =	vmul.f32 v10, v6;
	v8 =	vld [tilespmem:s12+$0xFFFFFFD0]  }
0xbc: {  	v2 =	vmul.f32 v2, v6;
	[tilespmem:s12+$0xFFFFFF70] =	vst v3;
	v3 =	vld [tilespmem:s12+$0xFFFFFFE0]  }
0xbd: {  	[tilespmem:s12+$0xFFFFFF80] =	vst v1;
	v1 =	vmul.f32 v9, v6;
	v9 =	vld [tilespmem:s12+$0xFFFFFFF0]  }
0xbe: {  	v10 =	vld [tilespmem:s12+$0x0];
	[tilespmem:s12+$0xFFFFFF90] =	vst v2;
	v2 =	vmul.f32 v11, v6  }
0xbf: {  	[tilespmem:s12+$0xFFFFFFA0] =	vst v1;
	v1 =	vmul.f32 v4, v6;
	v4 =	vld [tilespmem:s12+$0x10]  }
0xc0: {  	[tilespmem:s12+$0xFFFFFFB0] =	vst v2;
	v2 =	vmul.f32 v8, v6;
	v8 =	vld [tilespmem:s12+$0x20]  }
0xc1: {  	[tilespmem:s12+$0xFFFFFFC0] =	vst v1;
	v1 =	vmul.f32 v3, v6;
	v3 =	vld [tilespmem:s12+$0x30]  }
0xc2: {  	[tilespmem:s12+$0xFFFFFFD0] =	vst v2;
	v2 =	vmul.f32 v9, v6;
	v6 =	vld [tilespmem:s12+$0x40]  }
0xc3: {  	v9 =	vld [tilespmem:s12+$0x50];
	[tilespmem:s12+$0xFFFFFFE0] =	vst v1;
	v1 =	vmul.f32 v10, v7  }
0xc4: {  	[tilespmem:s12+$0xFFFFFFF0] =	vst v2;
	v2 =	vmul.f32 v4, v7;
	v4 =	vld [tilespmem:s12+$0x60]  }
0xc5: {  	[tilespmem:s12+$0x0] =	vst v1;
	v1 =	vmul.f32 v8, v7;
	v8 =	vld [tilespmem:s12+$0x80]  }
0xc6: {  	[tilespmem:s12+$0x10] =	vst v2;
	v2 =	vmul.f32 v3, v7;
	v3 =	vld [tilespmem:s12+$0x90]  }
0xc7: {  	[tilespmem:s12+$0x20] =	vst v1;
	v1 =	vmul.f32 v6, v7;
	v6 =	vld [tilespmem:s12+$0xA0]  }
0xc8: {  	[tilespmem:s12+$0x30] =	vst v2;
	v2 =	vmul.f32 v9, v7;
	v9 =	vld [tilespmem:s12+$0xB0]  }
0xc9: {  	[tilespmem:s12+$0x40] =	vst v1;
	v1 =	vmul.f32 v4, v7;
	v4 =	vld [tilespmem:s12+$0xC0]  }
0xca: {  	v7 =	vld [tilespmem:s12+$0xD0];
	[tilespmem:s12+$0x50] =	vst v2;
	v2 =	vmul.f32 v8, v5  }
0xcb: {  	[tilespmem:s12+$0x60] =	vst v1;
	v1 =	vmul.f32 v3, v5;
	v3 =	vld [tilespmem:s12+$0xE0]  }
0xcc: {  	[tilespmem:s12+$0x80] =	vst v2;
	v2 =	vmul.f32 v6, v5;
	v6 =	vld [tilespmem:s12+$0xF0]  }
0xcd: {  	[tilespmem:s12+$0x90] =	vst v1;
	v1 =	vmul.f32 v9, v5  }
0xce: {  	[tilespmem:s12+$0xA0] =	vst v2;
	v2 =	vmul.f32 v4, v5  }
0xcf: {  	[tilespmem:s12+$0xB0] =	vst v1;
	v1 =	vmul.f32 v7, v5  }
0xd0: {  	[tilespmem:s12+$0xC0] =	vst v2;
	v2 =	vmul.f32 v3, v5  }
0xd1: {  	[tilespmem:s12+$0xD0] =	vst v1;
	v1 =	vmul.f32 v6, v5  }
0xd2: {  	[tilespmem:s12+$0xE0] =	vst v2  }
0xd3: {  	s10 =	simm.s32 @!p0 $0x2;
	[tilespmem:s12+$0xF0] =	vst v1  }
0xd4: {  	_ =	swait.ge @!p0 [sflag:s10], $0x4000  }
0xd5: {  	p1 =	seq.s32 @!p0 s30, $0x4F;
	[sflag:s10] =	ssyncset.done @!p0 $0x0  }
0xd6: {  	p1 =	por p0, !p1;
	[sflag:s10] =	ssyncadd.s32 @!p0 $0xFFFFC000  }
0xd7: {  	_ =	swait.ge @p1 [sflag:s26], $0x80  }
0xd8: {  	s14 =	simm.s32 $0x40;
	s10 =	sadd.s32 @p1 $0x1, s30;
	[sflag:s26] =	ssyncset.done @p1 $0x0  }
0xd9: {  	s29 =	simm.s32 $0x42;
	v1 =	vmov s14;
	s11 =	smulhi.u32 @p1 $0xAAAAAAAB, s10;
	[sflag:s26] =	ssyncadd.s32 @p1 $0xFFFFFF80  }
0xda: {  	v2 =	vmov s29;
	v1 =	vand.u32 $0xFFFFFFFC, v1;
	_ =	swait.ge @p1 [sflag:s26], $0x80  }
0xdb: {  	v2 =	vand.u32 $0xFFFFFFFE, v2;
	v1 =	vbroadcast v1, $0x0;
	s11 =	sshrl.u32 @p1 s11, $0x1;
	[sflag:s26] =	ssyncset.done @p1 $0x0  }
0xdc: {  	v2 =	vbroadcast v2, $0x0;
	s11 =	smul.u32 @p1 $0x3, s11;
	[sflag:s26] =	ssyncadd.s32 @p1 $0xFFFFFF80  }
0xdd: {  	_ =	swait.ge @p1 [sflag:s26], $0x80  }
0xde: {  	s2 =	sxor.u32 @p1 $0x4000, s2;
	s10 =	ssub.s32 @p1 s10, s11;
	[sflag:s26] =	ssyncset.done @p1 $0x0  }
0xdf: {  	s2 =	sadd.s32 @p1 $0x600, s2;
	s10 =	sshll.u32 @p1 s10, $0x7;
	[sflag:s26] =	ssyncadd.s32 @p1 $0xFFFFFF80  }
0xe0: {  	[tilespmem:s2], [sflag:$0x1] =	stream.indirect.gather @p1 [hbm4b:s0+s28], $0x80, s10, s28, $0xb8;
	[tilespmem:$0x1C600] =	vst v63  }
0xe1: {  	s9 =	sshrl.u32 s9, $0x2;
	v1 =	vld.idx.msk [tilespmem:v1+s31+$0x0], $0xffff  }
0xe2: {  	s2 =	sadd.s32 $0x27F0, s9;
	v2 =	vld.idx.msk [tilespmem:v2+s31+$0x0], $0xffff  }
0xe3: {  	v4 =	vld [tilespmem:s2+$0xFFFFFF80]  }
0xe4: {  	v5 =	vld [tilespmem:s2+$0xFFFFFE10]  }
0xe5: {  	s10 =	simm.s32 $0x41;
	v6 =	vld [tilespmem:s2+$0xFFFFFE20]  }
0xe6: {  	v3 =	vmov s10;
	v7 =	vld [tilespmem:s2+$0xFFFFFE30]  }
0xe7: {  	v8 =	vld [tilespmem:s2+$0xFFFFFE40];
	v3 =	vand.u32 $0xFFFFFFFD, v3  }
0xe8: {  	v9 =	vld [tilespmem:s2+$0xFFFFFE50];
	v3 =	vbroadcast v3, $0x0  }
0xe9: {  	v10 =	vld [tilespmem:s2+$0xFFFFFE60]  }
0xea: {  	v11 =	vld [tilespmem:s2+$0xFFFFFE70];
	v5 =	vmul.f32 v5, v1  }
0xeb: {  	v13 =	vld [tilespmem:s2+$0xFFFFFF50];
	v4 =	vmul.f32 v4, v2  }
0xec: {  	[tilespmem:s2+$0xFFFFFE10] =	vst v5;
	v5 =	vmul.f32 v6, v1;
	v6 =	vld [tilespmem:s2+$0xFFFFFE80]  }
0xed: {  	[tilespmem:s2+$0xFFFFFF80] =	vst v4;
	v4 =	vmul.f32 v7, v1;
	v7 =	vld [tilespmem:s2+$0xFFFFFE90]  }
0xee: {  	v3 =	vld.idx.msk [tilespmem:v3+s31+$0x0], $0xffff;
	[tilespmem:s2+$0xFFFFFE20] =	vst v5;
	v5 =	vmul.f32 v8, v1  }
0xef: {  	v8 =	vld [tilespmem:s2+$0xFFFFFEA0];
	[tilespmem:s2+$0xFFFFFE30] =	vst v4;
	v4 =	vmul.f32 v9, v1  }
0xf0: {  	v9 =	vld [tilespmem:s2+$0xFFFFFEB0];
	[tilespmem:s2+$0xFFFFFE40] =	vst v5;
	v5 =	vmul.f32 v10, v1  }
0xf1: {  	v10 =	vld [tilespmem:s2+$0xFFFFFEC0];
	[tilespmem:s2+$0xFFFFFE50] =	vst v4;
	v4 =	vmul.f32 v11, v1  }
0xf2: {  	v11 =	vld [tilespmem:s2+$0xFFFFFED0];
	v6 =	vmul.f32 v6, v1;
	[tilespmem:s2+$0xFFFFFE60] =	vst v5  }
0xf3: {  	v5 =	vmul.f32 v7, v3;
	v7 =	vld [tilespmem:s2+$0xFFFFFEE0];
	[tilespmem:s2+$0xFFFFFE70] =	vst v4  }
0xf4: {  	s11 =	simm.s32 $0x43;
	v4 =	vld [tilespmem:s2+$0xFFFFFEF0];
	v8 =	vmul.f32 v8, v3;
	[tilespmem:s2+$0xFFFFFE80] =	vst v6  }
0xf5: {  	v12 =	vmov s11;
	v6 =	vld [tilespmem:s2+$0xFFFFFF00];
	[tilespmem:s2+$0xFFFFFE90] =	vst v5;
	v5 =	vmul.f32 v9, v3  }
0xf6: {  	v9 =	vld [tilespmem:s2+$0xFFFFFF10];
	[tilespmem:s2+$0xFFFFFEA0] =	vst v8;
	v8 =	vmul.f32 v10, v3  }
0xf7: {  	v10 =	vld [tilespmem:s2+$0xFFFFFF20];
	[tilespmem:s2+$0xFFFFFEB0] =	vst v5;
	v5 =	vmul.f32 v11, v3  }
0xf8: {  	[tilespmem:s2+$0xFFFFFEC0] =	vst v8;
	v7 =	vmul.f32 v7, v3;
	v8 =	vld [tilespmem:s2+$0xFFFFFF30]  }
0xf9: {  	v11 =	vld [tilespmem:s2+$0xFFFFFF40];
	v4 =	vmul.f32 v4, v3;
	[tilespmem:s2+$0xFFFFFED0] =	vst v5  }
0xfa: {  	v1 =	vld.idx.msk [tilespmem:v12+s31+$0x0], $0xffff;
	v3 =	vmul.f32 v6, v3;
	[tilespmem:s2+$0xFFFFFEE0] =	vst v7  }
0xfb: {  	[tilespmem:s2+$0xFFFFFEF0] =	vst v4;
	v5 =	vmul.f32 v9, v2;
	v4 =	vld [tilespmem:s2+$0xFFFFFF60]  }
0xfc: {  	s12 =	simm.s32 $0x44;
	[tilespmem:s2+$0xFFFFFF00] =	vst v3;
	v6 =	vmul.f32 v10, v2;
	v3 =	vld [tilespmem:s2+$0xFFFFFF70]  }
0xfd: {  	s14 =	simm.s32 $0x47;
	v7 =	vmov s12;
	[tilespmem:s2+$0xFFFFFF10] =	vst v5;
	v9 =	vmul.f32 v8, v2;
	v8 =	vld [tilespmem:s2+$0xFFFFFF90]  }
0xfe: {  	s29 =	simm.s32 $0x45;
	v12 =	vand.u32 $0xFFFFFFFC, v7;
	v7 =	vld [tilespmem:s2+$0xFFFFFFA0];
	v5 =	vmov s14;
	v10 =	vmul.f32 v11, v2;
	[tilespmem:s2+$0xFFFFFF20] =	vst v6  }
0xff: {  	s11 =	simm.s32 $0x46;
	s10 =	simm.s32 $0x48;
	s9 =	smov.u32 s2;
	v11 =	vmul.f32 v13, v2;
	v6 =	vbroadcast v12, $0x0;
	v12 =	vmov s29;
	[tilespmem:s2+$0xFFFFFF30] =	vst v9;
	v9 =	vld [tilespmem:s2+$0xFFFFFFB0]  }
.LBB2_7:
0x100: {  	p0 =	slt.u32 s10, $0x7C;
	v12 =	vand.u32 $0xFFFFFFFD, v12;
	v13 =	vmov s11;
	[tilespmem:s2+$0xFFFFFF40] =	vst v10;
	v4 =	vmul.f32 v4, v2;
	v10 =	vld [tilespmem:s2+$0xFFFFFFC0]  }
0x101: {  	v12 =	vbroadcast v12, $0x0;
	v13 =	vand.u32 $0xFFFFFFFE, v13;
	[tilespmem:s2+$0xFFFFFF50] =	vst v11;
	v2 =	vmul.f32 v3, v2;
	v3 =	vld [tilespmem:s2+$0xFFFFFFD0]  }
0x102: {  	v11 =	vbroadcast v13, $0x0;
	[tilespmem:s2+$0xFFFFFF60] =	vst v4;
	v4 =	vmul.f32 v8, v1;
	v8 =	vld [tilespmem:s2+$0xFFFFFFE0]  }
0x103: {  	[tilespmem:s2+$0xFFFFFF70] =	vst v2;
	v2 =	vmul.f32 v7, v1;
	v7 =	vld [tilespmem:s2+$0xFFFFFFF0]  }
0x104: {  	[tilespmem:s2+$0xFFFFFF90] =	vst v4;
	v4 =	vmul.f32 v9, v1;
	v9 =	vld [tilespmem:s2+$0x0]  }
0x105: {  	v5 =	vld.idx.msk [tilespmem:v5+s31+$0x0], $0xffff;
	[tilespmem:s2+$0xFFFFFFA0] =	vst v2;
	v2 =	vmul.f32 v10, v1  }
0x106: {  	v6 =	vld.idx.msk [tilespmem:v6+s31+$0x0], $0xffff;
	[tilespmem:s2+$0xFFFFFFB0] =	vst v4;
	v3 =	vmul.f32 v3, v1  }
0x107: {  	v4 =	vld.idx.msk [tilespmem:v12+s31+$0x0], $0xffff;
	[tilespmem:s2+$0xFFFFFFC0] =	vst v2;
	v8 =	vmul.f32 v8, v1  }
0x108: {  	s2 =	sadd.s32 $0x200, s2;
	v2 =	vld.idx.msk [tilespmem:v11+s31+$0x0], $0xffff;
	[tilespmem:s9+$0xFFFFFFD0] =	vst v3;
	v3 =	vmul.f32 v7, v1  }
0x109: {  	v7 =	vld [tilespmem:s2+$0xFFFFFF80];
	[tilespmem:s9+$0xFFFFFFE0] =	vst v8;
	v9 =	vmul.f32 v9, v1  }
0x10a: {  	v8 =	vld [tilespmem:s2+$0xFFFFFE10];
	[tilespmem:s9+$0xFFFFFFF0] =	vst v3  }
0x10b: {  	v1 =	vmov v5;
	v3 =	vld [tilespmem:s2+$0xFFFFFE20];
	[tilespmem:s9+$0x0] =	vst v9;
	s9 =	smov.u32 s2  }
0x10c: {  	v5 =	vld [tilespmem:s2+$0xFFFFFE30]  }
0x10d: {  	v9 =	vld [tilespmem:s2+$0xFFFFFE40]  }
0x10e: {  	v10 =	vld [tilespmem:s2+$0xFFFFFE50];
	v7 =	vmul.f32 v7, v2  }
0x10f: {  	v8 =	vmul.f32 v8, v6;
	v11 =	vld [tilespmem:s2+$0xFFFFFE60]  }
0x110: {  	v3 =	vmul.f32 v3, v6;
	v12 =	vld [tilespmem:s2+$0xFFFFFE70];
	[tilespmem:s2+$0xFFFFFF80] =	vst v7  }
0x111: {  	[tilespmem:s2+$0xFFFFFE10] =	vst v8;
	v5 =	vmul.f32 v5, v6;
	v7 =	vld [tilespmem:s2+$0xFFFFFE80]  }
0x112: {  	[tilespmem:s2+$0xFFFFFE20] =	vst v3;
	v3 =	vmul.f32 v9, v6;
	v8 =	vld [tilespmem:s2+$0xFFFFFE90]  }
0x113: {  	[tilespmem:s2+$0xFFFFFE30] =	vst v5;
	v5 =	vmul.f32 v10, v6;
	v9 =	vld [tilespmem:s2+$0xFFFFFEA0]  }
0x114: {  	[tilespmem:s2+$0xFFFFFE40] =	vst v3;
	v3 =	vmul.f32 v11, v6;
	v10 =	vld [tilespmem:s2+$0xFFFFFEB0]  }
0x115: {  	[tilespmem:s2+$0xFFFFFE50] =	vst v5;
	v5 =	vmul.f32 v12, v6;
	v11 =	vld [tilespmem:s2+$0xFFFFFEC0]  }
0x116: {  	[tilespmem:s2+$0xFFFFFE60] =	vst v3;
	v3 =	vmul.f32 v7, v6;
	v6 =	vld [tilespmem:s2+$0xFFFFFED0]  }
0x117: {  	[tilespmem:s2+$0xFFFFFE70] =	vst v5;
	v5 =	vmul.f32 v8, v4;
	v7 =	vld [tilespmem:s2+$0xFFFFFEE0]  }
0x118: {  	[tilespmem:s2+$0xFFFFFE80] =	vst v3;
	v3 =	vmul.f32 v9, v4;
	v8 =	vld [tilespmem:s2+$0xFFFFFEF0]  }
0x119: {  	[tilespmem:s2+$0xFFFFFE90] =	vst v5;
	v5 =	vmul.f32 v10, v4;
	v9 =	vld [tilespmem:s2+$0xFFFFFF00]  }
0x11a: {  	[tilespmem:s2+$0xFFFFFEA0] =	vst v3;
	v3 =	vmul.f32 v11, v4;
	v10 =	vld [tilespmem:s2+$0xFFFFFF10]  }
0x11b: {  	[tilespmem:s2+$0xFFFFFEB0] =	vst v5;
	v5 =	vmul.f32 v6, v4;
	v6 =	vld [tilespmem:s2+$0xFFFFFF20]  }
0x11c: {  	[tilespmem:s2+$0xFFFFFEC0] =	vst v3;
	v3 =	vmul.f32 v7, v4;
	v7 =	vld [tilespmem:s2+$0xFFFFFF30]  }
0x11d: {  	[tilespmem:s2+$0xFFFFFED0] =	vst v5;
	v5 =	vmul.f32 v8, v4;
	v11 =	vld [tilespmem:s2+$0xFFFFFF40]  }
0x11e: {  	[tilespmem:s2+$0xFFFFFEE0] =	vst v3;
	v3 =	vmul.f32 v9, v4;
	v9 =	vld [tilespmem:s2+$0xFFFFFF50]  }
.Ltmp2:
0x11f: {  	[tilespmem:s2+$0xFFFFFEF0] =	vst v5;
	v5 =	vmul.f32 v10, v2;
	v4 =	vld [tilespmem:s2+$0xFFFFFF60];
	(pc) =	sbr.rel @p0 .LBB2_7-.Ltmp2, $4  }
0x120: {  	[tilespmem:s2+$0xFFFFFF00] =	vst v3;
	v6 =	vmul.f32 v6, v2;
	v3 =	vld [tilespmem:s2+$0xFFFFFF70]  }
0x121: {  	s11 =	sadd.s32 $0x3, s10;
	v10 =	vmov s10;
	[tilespmem:s2+$0xFFFFFF10] =	vst v5;
	v13 =	vmul.f32 v7, v2;
	v8 =	vld [tilespmem:s2+$0xFFFFFF90]  }
0x122: {  	s12 =	sadd.s32 $0x1, s10;
	v12 =	vand.u32 $0xFFFFFFFC, v10;
	v5 =	vmov s11;
	[tilespmem:s2+$0xFFFFFF20] =	vst v6;
	v10 =	vmul.f32 v11, v2;
	v7 =	vld [tilespmem:s2+$0xFFFFFFA0]  }
0x123: {  	s11 =	sadd.s32 $0x2, s10;
	s10 =	sadd.s32 $0x4, s10;
	v6 =	vbroadcast v12, $0x0;
	v12 =	vmov s12;
	[tilespmem:s2+$0xFFFFFF30] =	vst v13;
	v11 =	vmul.f32 v9, v2;
	v9 =	vld [tilespmem:s2+$0xFFFFFFB0]  }
0x124: {  	v13 =	vld [tilespmem:s2+$0xFFFFFFC0]  }
0x125: {  	v15 =	vld [tilespmem:s2+$0xFFFFFFD0]  }
0x126: {  	v16 =	vld [tilespmem:s2+$0xFFFFFFE0]  }
0x127: {  	v17 =	vld [tilespmem:s2+$0xFFFFFFF0]  }
0x128: {  	v29 =	vld [tilespmem:s2+$0x0];
	[tilespmem:s2+$0xFFFFFF40] =	vst v10;
	v4 =	vmul.f32 v4, v2  }
0x129: {  	v5 =	vld.idx.msk [tilespmem:v5+s31+$0x0], $0xffff;
	[tilespmem:s2+$0xFFFFFF50] =	vst v11;
	v2 =	vmul.f32 v3, v2  }
0x12a: {  	s10 =	sadd.s32 $0x200, s2;
	v3 =	vld.idx.msk [tilespmem:v6+s31+$0x0], $0xffff;
	v8 =	vmul.f32 v8, v1;
	[tilespmem:s2+$0xFFFFFF60] =	vst v4  }
0x12b: {  	v14 =	vmov s11;
	v34 =	vld [tilespmem:s10+$0xFFFFFF80];
	v30 =	vmul.f32 v7, v1;
	[tilespmem:s2+$0xFFFFFF70] =	vst v2  }
0x12c: {  	v14 =	vand.u32 $0xFFFFFFFE, v14;
	v35 =	vld [tilespmem:s10+$0xFFFFFE10];
	[tilespmem:s2+$0xFFFFFF90] =	vst v8;
	v2 =	vmul.f32 v9, v1  }
0x12d: {  	v37 =	vld [tilespmem:s10+$0xFFFFFE20];
	v14 =	vbroadcast v14, $0x0;
	[tilespmem:s2+$0xFFFFFFA0] =	vst v30;
	v33 =	vmul.f32 v13, v1  }
0x12e: {  	v38 =	vld [tilespmem:s10+$0xFFFFFE30];
	[tilespmem:s2+$0xFFFFFFB0] =	vst v2;
	v2 =	vmul.f32 v15, v1  }
0x12f: {  	v12 =	vand.u32 $0xFFFFFFFD, v12;
	v39 =	vld [tilespmem:s10+$0xFFFFFE40];
	v36 =	vmul.f32 v16, v1;
	[tilespmem:s2+$0xFFFFFFC0] =	vst v33  }
0x130: {  	v12 =	vbroadcast v12, $0x0;
	v41 =	vld [tilespmem:s10+$0xFFFFFE60];
	[tilespmem:s9+$0xFFFFFFD0] =	vst v2;
	v2 =	vmul.f32 v17, v1  }
0x131: {  	v43 =	vld [tilespmem:s10+$0xFFFFFE70];
	[tilespmem:s9+$0xFFFFFFE0] =	vst v36;
	v1 =	vmul.f32 v29, v1  }
0x132: {  	v42 =	vmul.f32 v37, v3;
	[tilespmem:s9+$0xFFFFFFF0] =	vst v2;
	v2 =	vld [tilespmem:s10+$0xFFFFFE50]  }
0x133: {  	v32 =	vld.idx.msk [tilespmem:v14+s31+$0x0], $0xffff;
	[tilespmem:s9+$0x0] =	vst v1;
	v1 =	vmul.f32 v35, v3  }
0x134: {  	v44 =	vld [tilespmem:s10+$0xFFFFFE80];
	v4 =	vmul.f32 v39, v3;
	[tilespmem:s10+$0xFFFFFE20] =	vst v42  }
0x135: {  	v45 =	vld [tilespmem:s10+$0xFFFFFE90];
	[tilespmem:s10+$0xFFFFFE10] =	vst v1;
	v1 =	vmul.f32 v38, v3  }
0x136: {  	v46 =	vmul.f32 v41, v3;
	v31 =	vld.idx.msk [tilespmem:v12+s31+$0x0], $0xffff;
	[tilespmem:s10+$0xFFFFFE40] =	vst v4  }
0x137: {  	[tilespmem:s10+$0xFFFFFE30] =	vst v1;
	v1 =	vmul.f32 v2, v3;
	v2 =	vld [tilespmem:s10+$0xFFFFFEA0]  }
0x138: {  	v47 =	vld [tilespmem:s10+$0xFFFFFEB0];
	[tilespmem:s10+$0xFFFFFE60] =	vst v46;
	v40 =	vmul.f32 v34, v32  }
0x139: {  	v48 =	vld [tilespmem:s10+$0xFFFFFEC0];
	[tilespmem:s10+$0xFFFFFE50] =	vst v1;
	v1 =	vmul.f32 v43, v3  }
0x13a: {  	v49 =	vld [tilespmem:s10+$0xFFFFFED0];
	[tilespmem:s10+$0xFFFFFF80] =	vst v40;
	v3 =	vmul.f32 v44, v3  }
0x13b: {  	v50 =	vld [tilespmem:s10+$0xFFFFFEE0];
	[tilespmem:s10+$0xFFFFFE70] =	vst v1;
	v1 =	vmul.f32 v45, v31  }
0x13c: {  	[tilespmem:s10+$0xFFFFFE80] =	vst v3;
	v3 =	vld [tilespmem:s10+$0xFFFFFEF0];
	v2 =	vmul.f32 v2, v31  }
0x13d: {  	v51 =	vld [tilespmem:s10+$0xFFFFFF00];
	[tilespmem:s10+$0xFFFFFE90] =	vst v1;
	v1 =	vmul.f32 v47, v31  }
0x13e: {  	v52 =	vld [tilespmem:s10+$0xFFFFFF10];
	[tilespmem:s10+$0xFFFFFEA0] =	vst v2;
	v2 =	vmul.f32 v48, v31  }
0x13f: {  	v53 =	vld [tilespmem:s10+$0xFFFFFF20];
	[tilespmem:s10+$0xFFFFFEB0] =	vst v1;
	v1 =	vmul.f32 v49, v31  }
0x140: {  	v54 =	vld [tilespmem:s10+$0xFFFFFF30];
	[tilespmem:s10+$0xFFFFFEC0] =	vst v2;
	v2 =	vmul.f32 v50, v31  }
0x141: {  	[tilespmem:s10+$0xFFFFFED0] =	vst v1;
	v1 =	vmul.f32 v3, v31;
	v3 =	vld [tilespmem:s10+$0xFFFFFF40]  }
0x142: {  	v55 =	vld [tilespmem:s10+$0xFFFFFF50];
	[tilespmem:s10+$0xFFFFFEE0] =	vst v2;
	v2 =	vmul.f32 v51, v31  }
0x143: {  	v56 =	vld [tilespmem:s10+$0xFFFFFF60];
	[tilespmem:s10+$0xFFFFFEF0] =	vst v1;
	v1 =	vmul.f32 v52, v32  }
0x144: {  	v57 =	vld [tilespmem:s10+$0xFFFFFF70];
	[tilespmem:s10+$0xFFFFFF00] =	vst v2;
	v2 =	vmul.f32 v53, v32  }
0x145: {  	v58 =	vld [tilespmem:s10+$0xFFFFFF90];
	[tilespmem:s10+$0xFFFFFF10] =	vst v1;
	v1 =	vmul.f32 v54, v32  }
0x146: {  	[tilespmem:s10+$0xFFFFFF20] =	vst v2;
	v2 =	vmul.f32 v3, v32;
	v3 =	vld [tilespmem:s10+$0xFFFFFFA0]  }
0x147: {  	v59 =	vld [tilespmem:s10+$0xFFFFFFB0];
	[tilespmem:s10+$0xFFFFFF30] =	vst v1;
	v1 =	vmul.f32 v55, v32  }
0x148: {  	v60 =	vld [tilespmem:s10+$0xFFFFFFC0];
	[tilespmem:s10+$0xFFFFFF40] =	vst v2;
	v2 =	vmul.f32 v56, v32  }
0x149: {  	p0 =	sgt.u32 s30, $0x4D;
	v61 =	vld [tilespmem:s10+$0xFFFFFFD0];
	[tilespmem:s10+$0xFFFFFF50] =	vst v1;
	v1 =	vmul.f32 v57, v32  }
0x14a: {  	v62 =	vld [tilespmem:s10+$0xFFFFFFE0];
	s2 =	sadd.s32 @!p0 $0x2, s30;
	[tilespmem:s10+$0xFFFFFF60] =	vst v2;
	v2 =	vmul.f32 v58, v5  }
0x14b: {  	s9 =	smul.u32 @!p0 $0xAB, s2;
	[tilespmem:s10+$0xFFFFFF70] =	vst v1;
	v1 =	vmul.f32 v3, v5;
	v3 =	vld [tilespmem:s10+$0xFFFFFFF0]  }
0x14c: {  	v63 =	vld [tilespmem:s10+$0x0];
	[tilespmem:s10+$0xFFFFFF90] =	vst v2;
	v2 =	vmul.f32 v59, v5  }
0x14d: {  	s9 =	sshrl.u32 @!p0 s9, $0x9;
	[tilespmem:s10+$0xFFFFFFA0] =	vst v1;
	v1 =	vmul.f32 v60, v5  }
0x14e: {  	s9 =	sand.u32 @!p0 $0x7F, s9;
	[tilespmem:s10+$0xFFFFFFB0] =	vst v2;
	v2 =	vmul.f32 v61, v5  }
0x14f: {  	s11 =	sadd.s32 @!p0 s13, s2;
	s9 =	smul.u32 @!p0 $0x3, s9;
	[tilespmem:s10+$0xFFFFFFC0] =	vst v1;
	v1 =	vmul.f32 v62, v5  }
0x150: {  	s12 =	sshll.u32 @!p0 s2, $0x4;
	s11 =	sshll.u32 @!p0 s11, $0x4;
	[tilespmem:s10+$0xFFFFFFD0] =	vst v2;
	v2 =	vmul.f32 v3, v5  }
0x151: {  	s2 =	ssub.s32 @!p0 s2, s9;
	s9 =	sand.u32 @!p0 $0xFFFFF80, s11;
	s11 =	sand.u32 @!p0 $0x70, s12;
	[tilespmem:s10+$0xFFFFFFE0] =	vst v1;
	v1 =	vmul.f32 v63, v5  }
0x152: {  	s2 =	sand.u32 @!p0 $0xFF, s2;
	s9 =	sor.u32 @!p0 s11, s9;
	[tilespmem:s10+$0xFFFFFFF0] =	vst v2  }
0x153: {  	s11 =	simm.s32 @!p0 $0x0;
	s2 =	sshll.u32 @!p0 s2, $0x7;
	[tilespmem:s10+$0x0] =	vst v1;
	s10 =	sadd.s32 @!p0 s5, s9  }
0x154: {  	[tilespmem:s2], [sflag:$0x3] =	stream.linear.gather @!p0 [hbm4b:s10+s11], $0x80, $0x38;
	[tilespmem:$0x1C600] =	vst v63  }
0x155: {  	s12 =	sadd.s32 @!p0 s6, s9;
	s10 =	sor.u32 @!p0 $0x200, s2  }
0x156: {  	[tilespmem:s10], [sflag:$0x3] =	stream.linear.gather @!p0 [hbm4b:s12+s11], $0x80, $0x38;
	[tilespmem:$0x1C600] =	vst v63  }
0x157: {  	s30 =	sadd.s32 $0x1, s30;
	s9 =	sadd.s32 @!p0 s7, s9;
	s2 =	sor.u32 @!p0 $0x400, s2  }
0x158: {  	[tilespmem:s2], [sflag:$0x3] =	stream.linear.gather @!p0 [hbm4b:s9+s11], $0x80, $0x38;
	[tilespmem:$0x1C600] =	vst v63  }
0x159: {  	p0 =	sne.s32 s30, $0x50  }
.Ltmp3:
0x15a: {  	_ = 	snop;
	(pc) =	sbr.rel @p0 .LBB2_4-.Ltmp3, $1  }
0x15b: {  	_ =	sdelay $0x3  }
0x15c: {  	s10 =	simm.s32 $0x280;
	s2 =	simm.s32 $0x4600  }
0x15d: {  	[spmem:s3] =	stream.indirect.scatter.add.f32 [tilespmem:s2], [sflag:$0x2], $0x80, s10, s28, $0xb8;
	[tilespmem:$0x1C600] =	vst v63  }
0x15e: {  	s31 =	stileid.u32;
	_ =	swait.ge [sflag:s1], $0x4000  }
0x15f: {  	s9 =	sshrl.u32 s8, $0x3;
	s4 =	sadd.s32 $0x1, s4;
	[sflag:s1] =	ssyncset.done $0x0  }
0x160: {  	s2 =	sshll.u32 s31, $0x6;
	p0 =	sne.s32 s4, s21;
	[sflag:s1] =	ssyncadd.s32 $0xFFFFC000  }
.Ltmp4:
0x161: {  	s2 =	sor.u32 $0x1C04, s2;
	[bflag:$0x0] =	sbarrier.arrive $0xFFFF;
	(pc) =	sbr.rel @p0 .LBB2_1-.Ltmp4, $4  }
0x162: {  	[hbm:s20], [sflag:s2] =	dma.local [spmem:s9], $0x2800  }
0x163: {  	_ =	swait.ge [sflag:s24], $0x2800  }
0x164: {  	[sflag:s24] =	ssyncset.done $0x0  }
0x165: {  	[sflag:s24] =	ssyncadd.s32 $0xFFFFD800  }
0x166: {  	_ =	sfence.sel $0x180000  }
0x167: {  	[bflag:$0x0] =	sbarrier.arrive $0xFFFF  }
0x168: {  	_ =	strace $0x9000004A  }
0x169: {  	s0 =	stileid.u32;
	[bflag:$0x2] =	sbarrier.arrive $0xFFFF  }
0x16a: {  	p0 =	sne.s32 s0, $0x0;
	s0 =	rddreg [dreg:$0x3]  }
0x16b: {  	s0 =	sadd.s32 @!p0 $0x100000, s0  }
0x16c: {  	[sflag:s0] =	ssyncadd.tile.s32 @!p0 $0x1;
	_ =	shalt  }
.Lfunc_end2:
_tile_overlayer_lowered:
.L_overlay_start_2:
0x16d: {  	(tag) =	ssettag $0x2  }
0x16e: {  	s0 =	rddreg [dreg:$0x0];
	s2 =	stileid.u32  }
0x16f: {  	s1 =	rddreg [dreg:$0x1];
	p0 =	sne.s32 s2, $0x0  }
0x170: {  	s3 =	rddreg [dreg:$0x2];
	[bflag:$0x3] =	sbarrier.arrive $0xFFFF;
	s2 =	simm.s32 @!p0 $0x1C04  }
0x171: {  	[timem:s3], [sflag:s2] =	dma.local @!p0 [hbm:s0], s1  }
0x172: {  	s0 =	simm.s32 @!p0 $0x4  }
0x173: {  	_ =	swait.ge @!p0 [sflag:s0], s1  }
0x174: {  	s1 =	ssub.s32 @!p0 $0x0, s1;
	[sflag:s0] =	ssyncset.done @!p0 $0x0  }
0x175: {  	[sflag:s0] =	ssyncadd.s32 @!p0 s1  }
0x176: {  	[bflag:$0x3] =	sbarrier.arrive $0xFFFF  }
0x177: {  	_ =	shalt  }

// kernel: kernel.13.cloned.1.call-start
scs
__scs_entry_jumppad:
0x0: {  	(pc) =	sbr.rel $0x88, $3  }
0x1: {  	(tag) =	ssettag $0x0;
	lr =	simm.s32 $0x1  }
0x2: {  	[smem:$0x3F9A] =	sst lr;
	_ =	strace $0xD0000000  }
0x3: {  	_ = 	snop  }
0x4: {  	_ = 	snop  }
0x5: {  	_ = 	snop  }
0x6: {  	_ = 	snop  }
0x7: {  	_ = 	snop  }
__scs_overlays_trampoline_lowered:
0x8: {  	[smem:$0x3FA9] =	sst s0  }
0x9: {  	[smem:$0x3FAA] =	sst s1  }
0xa: {  	[smem:$0x3FAB] =	sst s2  }
0xb: {  	[smem:$0x3FAC] =	sst s3  }
0xc: {  	[smem:$0x3FAD] =	sst s4  }
0xd: {  	[smem:$0x3FAE] =	sst s5  }
0xe: {  	[smem:$0x3FAF] =	sst s6  }
0xf: {  	[smem:$0x3FB0] =	sst s7  }
0x10: {  	[smem:$0x3FB1] =	sst s8  }
0x11: {  	[smem:$0x3FB2] =	sst s9;
	s0 =	simm.s32 @!p0 $0x0  }
0x12: {  	s1 =	sld [smem:$0x3F98];
	s0 =	simm.s32 @p0 $0x1  }
0x13: {  	[smem:$0x3FB3] =	sst s0;
	s0 =	simm.s32 @!p1 $0x0  }
0x14: {  	s2 =	sld [smem:$0x3F97];
	s0 =	simm.s32 @p1 $0x1  }
0x15: {  	[smem:$0x3FB4] =	sst s0;
	s0 =	simm.s32 @!p2 $0x0  }
0x16: {  	s3 =	sld [smem:$0x3FDB];
	s0 =	simm.s32 @p2 $0x1  }
0x17: {  	s4 =	simm.s32 $0x1BF5;
	[smem:$0x3FB6] =	sst s0  }
0x18: {  	s0 =	sld [smem:$0x3F99];
	_ =	swait.ge [sflag:s4], $0x0  }
0x19: {  	s7 =	sld [smem:$0x3F9A]  }
0x1a: {  	s8 =	sadd.s32 $0xFFFFE003, lr  }
0x1b: {  	s9 =	sadd.s32 $0xFFFFFEF7, lr;
	s5 =	simm.s32 $0xFFFFFFFF;
	p2 =	slt.u32 s8, $0xFFFFF086  }
0x1c: {  	p1 =	slt.u32 s9, $0xF7A;
	s5 =	simm.s32 @!p2 $0x0  }
0x1d: {  	s5 =	simm.s32 @p1 $0x1;
	p0 =	seq.s32 s7, s2  }
0x1e: {  	s7 =	smul.u32 @!p0 $0xF7A, s2;
	p2 =	seq.s32 @!p0 s5, $0x0  }
0x1f: {  	s9 =	smul.u32 $0xF7A, s1;
	s8 =	simm.s32 @!p0 $0x1BF5;
	p2 =	por !p2, p0  }
0x20: {  	[sflag:s8] =	ssyncset.s32 @!p0 $0xFFFFF086;
	s6 =	sadd.s32 @!p0 s3, s7;
	s7 =	simm.s32 @!p0 $0x108  }
0x21: {  	s3 =	sadd.s32 s3, s9;
	s6 =	sadd.s32 @!p0 $0x88, s6;
	s7 =	simm.s32 @p2 $0x1082  }
0x22: {  	[simem:s7], [sflag:s8] =	dma.local @!p0 [hbm:s6], $0xF7A  }
0x23: {  	s9 =	sor.u32 $0xD0000000, s2;
	s6 =	simm.s32 $0x108;
	_ =	swait.ge @!p0 [sflag:s8], $0x0  }
0x24: {  	s3 =	sadd.s32 $0x88, s3;
	s6 =	simm.s32 @!p1 $0x1082;
	[sflag:s4] =	ssyncset.s32 $0xFFFFF086  }
0x25: {  	[simem:s6], [sflag:s4] =	dma.local [hbm:s3], $0xF7A  }
0x26: {  	[smem:$0x3F9A] =	sst s1;
	(tag) =	ssettag s2;
	_ =	strace s9  }
0x27: {  	s1 =	sld [smem:$0x3FAA]  }
0x28: {  	s2 =	sld [smem:$0x3FAB]  }
0x29: {  	s4 =	sld [smem:$0x3FAD]  }
0x2a: {  	p0 =	seq.s32 s5, $0x0;
	s5 =	sld [smem:$0x3FAE]  }
0x2b: {  	s6 =	sld [smem:$0x3FAF]  }
0x2c: {  	s7 =	sld [smem:$0x3FB0]  }
0x2d: {  	s3 =	simm.s32 $0x108;
	s8 =	sld [smem:$0x3FB1]  }
0x2e: {  	s3 =	simm.s32 @!p0 $0x1082;
	s9 =	sld [smem:$0x3FB2]  }
0x2f: {  	lr =	sadd.s32 s0, s3;
	s0 =	sld [smem:$0x3FA9]  }
0x30: {  	s3 =	sld [smem:$0x3FAC]  }
0x31: {  	[smem:$0x3FB5] =	sst s10  }
0x32: {  	s10 =	sld [smem:$0x3FB3];
	_ =	sdelay $0x3  }
0x33: {  	p0 =	seq.s32 s10, $0x1;
	s10 =	sld [smem:$0x3FB5];
	_ =	sdelay $0x3  }
0x34: {  	[smem:$0x3FB5] =	sst s10  }
0x35: {  	s10 =	sld [smem:$0x3FB4];
	_ =	sdelay $0x3  }
0x36: {  	p1 =	seq.s32 s10, $0x1;
	s10 =	sld [smem:$0x3FB5];
	_ =	sdelay $0x3  }
0x37: {  	[smem:$0x3FB5] =	sst s10  }
0x38: {  	s10 =	sld [smem:$0x3FB6]  }
0x39: {  	_ = 	snop;
	(pc) =	sbr.ind lr, $3  }
0x3a: {  	_ = 	snop  }
0x3b: {  	_ = 	snop  }
0x3c: {  	p2 =	seq.s32 s10, $0x1;
	s10 =	sld [smem:$0x3FB5]  }
0x3d: {  	_ =	shalt  }
0x3e: {  	_ =	shalt  }
0x3f: {  	_ =	shalt  }
0x40: {  	_ =	shalt  }
0x41: {  	_ =	shalt  }
0x42: {  	_ =	shalt  }
0x43: {  	_ =	shalt  }
0x44: {  	_ =	shalt  }
0x45: {  	_ =	shalt  }
0x46: {  	_ =	shalt  }
0x47: {  	_ =	shalt  }
0x48: {  	_ =	shalt  }
0x49: {  	_ =	shalt  }
0x4a: {  	_ =	shalt  }
0x4b: {  	_ =	shalt  }
0x4c: {  	_ =	shalt  }
0x4d: {  	_ =	shalt  }
0x4e: {  	_ =	shalt  }
0x4f: {  	_ =	shalt  }
0x50: {  	_ =	shalt  }
0x51: {  	_ =	shalt  }
0x52: {  	_ =	shalt  }
0x53: {  	_ =	shalt  }
0x54: {  	_ =	shalt  }
0x55: {  	_ =	shalt  }
0x56: {  	_ =	shalt  }
0x57: {  	_ =	shalt  }
0x58: {  	_ =	shalt  }
0x59: {  	_ =	shalt  }
0x5a: {  	_ =	shalt  }
0x5b: {  	_ =	shalt  }
0x5c: {  	_ =	shalt  }
0x5d: {  	_ =	shalt  }
0x5e: {  	_ =	shalt  }
0x5f: {  	_ =	shalt  }
0x60: {  	_ =	shalt  }
0x61: {  	_ =	shalt  }
0x62: {  	_ =	shalt  }
0x63: {  	_ =	shalt  }
0x64: {  	_ =	shalt  }
0x65: {  	_ =	shalt  }
0x66: {  	_ =	shalt  }
0x67: {  	_ =	shalt  }
0x68: {  	_ =	shalt  }
0x69: {  	_ =	shalt  }
0x6a: {  	_ =	shalt  }
0x6b: {  	_ =	shalt  }
0x6c: {  	_ =	shalt  }
0x6d: {  	_ =	shalt  }
0x6e: {  	_ =	shalt  }
0x6f: {  	_ =	shalt  }
0x70: {  	_ =	shalt  }
0x71: {  	_ =	shalt  }
0x72: {  	_ =	shalt  }
0x73: {  	_ =	shalt  }
0x74: {  	_ =	shalt  }
0x75: {  	_ =	shalt  }
0x76: {  	_ =	shalt  }
0x77: {  	_ =	shalt  }
0x78: {  	_ =	shalt  }
0x79: {  	_ =	shalt  }
0x7a: {  	_ =	shalt  }
0x7b: {  	_ =	shalt  }
0x7c: {  	_ =	shalt  }
0x7d: {  	_ =	shalt  }
0x7e: {  	_ =	shalt  }
0x7f: {  	_ =	shalt  }
0x80: {  	_ =	shalt  }
0x81: {  	_ =	shalt  }
0x82: {  	_ =	shalt  }
0x83: {  	_ =	shalt  }
0x84: {  	_ =	shalt  }
0x85: {  	_ =	shalt  }
0x86: {  	_ =	shalt  }
0x87: {  	_ =	shalt  }
.Lfunc_end0:
.L_simem_size_0:
called_computation.2_lowered:
.L_overlay_start_0:
0x88: {  	s2 =	sld [smem:$0x3FD9]  }
0x89: {  	s3 =	sld [smem:$0x3FFE];
	_ =	sdelay $0x1  }
0x8a: {  	s1 =	srdreg.scid  }
0x8b: {  	s0 =	sand.u32 $0x1, s1  }
0x8c: {  	s17 =	sshll.u32 s0, $0xA;
	s2 =	sadd.s32 s3, s2  }
0x8d: {  	s2 =	sadd.s32 s2, s17  }
0x8e: {  	[smem:$0x3FC1] =	sst s2  }
0x8f: {  	_ = 	snop  }
0x90: {  	s2 =	sld [smem:$0x3FD0];
	(tm) =	ssettm $0x1  }
0x91: {  	s18 =	sld [smem:$0x3FFB];
	_ =	sdelay $0x3  }
0x92: {  	_ =	strace s18  }
0x93: {  	s3 =	sld [smem:$0x3FFC];
	_ =	sdelay $0x3  }
0x94: {  	_ =	strace s3  }
0x95: {  	s3 =	sld [smem:$0x3FFD];
	_ =	sdelay $0x3  }
0x96: {  	_ =	strace s3  }
0x97: {  	_ =	strace $0x8FFFFFFF  }
0x98: {  	s19 =	sld [smem:$0x3FDB];
	_ =	sdelay $0x1  }
0x99: {  	s4 =	simm.s32 $_scs_section_size  }
0x9a: {  	s5 =	simm.s32 $_size__tile_overlayer_lowered;
	s6 =	simm.s32 $_tile_overlayer_lowered  }
0x9b: {  	s22 =	simm.s32 $0x1BFF;
	s21 =	sshll.u32 s6, $0x1;
	s3 =	sadd.s32 s4, s19  }
0x9c: {  	s7 =	simm.s32 $0x0;
	s20 =	sshll.u32 s5, $0x1;
	s5 =	sadd.s32 s21, s3  }
0x9d: {  	[timem:s7], [sflag:s22] =	dma.local [hbm:s5], s20  }
0x9e: {  	_ =	swait.ge [sflag:s22], s20  }
0x9f: {  	s4 =	ssub.s32 $0x0, s20;
	[sflag:s22] =	ssyncset.done $0x0  }
0xa0: {  	[sflag:s22] =	ssyncadd.s32 s4;
	_ =	sdelay $0x1  }
0xa1: {  	s23 =	simm.s32 $0x1B8B  }
0xa2: {  	_ =	swait.ge [sflag:s23], $0x1  }
0xa3: {  	[sflag:s23] =	ssyncset.done $0x0  }
0xa4: {  	s25 =	simm.s32 $0x1B8E;
	s24 =	sld [smem:$0x3FFE];
	[sflag:s23] =	ssyncadd.s32 $0xFFFFFFFF  }
0xa5: {  	s26 =	simm.s32 $execute0_lowered;
	[smem:$0x3FD2] =	sst s25  }
0xa6: {  	s5 =	sshll.u32 s26, $0x1;
	_ =	strace $0x8000004C;
	[dreg:$0x1] =	wrdreg $0xFFFFFFFF  }
0xa7: {  	s28 =	simm.s32 $_size_execute0_lowered;
	s3 =	sadd.s32 s3, s5;
	[dreg:$0x0] =	wrdreg $0x0  }
0xa8: {  	s5 =	sshll.u32 s28, $0x1;
	[dreg:$0x2] =	wrdreg s3  }
0xa9: {  	[dreg:$0x3] =	wrdreg s5  }
0xaa: {  	[dreg:$0x4] =	wrdreg $0xC0  }
0xab: {  	_ =	task [dreg:s7], $0x5FFFF  }
0xac: {  	[dreg:$0x1] =	wrdreg $0xFFFFFFFF  }
0xad: {  	[dreg:$0x0] =	wrdreg $0x60  }
0xae: {  	[dreg:$0x2] =	wrdreg s2  }
0xaf: {  	[dreg:$0x3] =	wrdreg s24  }
0xb0: {  	[dreg:$0x4] =	wrdreg $0x86000  }
0xb1: {  	[dreg:$0x5] =	wrdreg $0x9  }
0xb2: {  	_ =	task.clear_ibuf [dreg:s7], $0x6FFFF;
	_ =	strace $0x9000004C  }
0xb3: {  	s29 =	simm.s32 $0x9;
	_ =	strace $0x8000004E  }
0xb4: {  	_ =	swait.ge [sflag:s29], $0x1  }
0xb5: {  	[sflag:s29] =	ssyncadd.s32 $0xFFFFFFFF  }
0xb6: {  	_ =	strace $0x9000004E  }
0xb7: {  	_ =	sfence  }
0xb8: {  	s30 =	sld [smem:$0x0];
	_ =	sdelay $0x2  }
0xb9: {  	s31 =	sshll.u32 s1, $0xD;
	s1 =	sshrl.u32 s1, $0x2  }
0xba: {  	s3 =	sand.u32 $0x4000, s31;
	s1 =	sadd.s32 s1, s30  }
0xbb: {  	s0 =	sor.u32 s3, s0;
	s1 =	sshll.u32 s1, $0x11  }
0xbc: {  	s0 =	sor.u32 s1, s0  }
0xbd: {  	s0 =	sadd.s32 $0x8F2B, s0  }
0xbe: {  	[sflag:s0] =	ssyncadd.remote.s32 $0x1  }
0xbf: {  	_ =	sfence.sel $0xFFFF  }
0xc0: {  	[dreg:$0x0] =	wrdreg $0xFFFFFFFF;
	(pc) =	sbr.abs _section_cstart, $3  }
0xc1: {  	[dreg:$0x1] =	wrdreg $0xFFFFFFFF  }
0xc2: {  	_ =	task.clear_ibuf [dreg:s7], $0x2FFFF;
	_ =	strace $0x9FFFFFFF  }
0xc3: {  	(tm) =	ssettm $0x7FFFFFFF  }
tec
execute0_lowered:
.L_overlay_start_1:
0x0: {  	(tag) =	ssettag $0x1  }
0x1: {  	s0 =	rddreg [dreg:$0x0]  }
0x2: {  	s1 =	rddreg [dreg:$0x1];
	s2 =	srdreg.scid  }
0x3: {  	s3 =	rddreg [dreg:$0x2];
	s11 =	stileid.u32  }
0x4: {  	s4 =	simm.s32 $0x0;
	s28 =	simm.s32 $0x80;
	s6 =	smul.u32 $0x14000, s11  }
0x5: {  	s2 =	sand.u32 $0x1, s2;
	[smem:$0x7FF] =	sst s4;
	s9 =	smul.u32 $0x50000, s11  }
0x6: {  	s7 =	sadd.s32 $0x15600, s1;
	s5 =	smul.u32 $0x140000, s2;
	_ =	strace $0x8000004D  }
0x7: {  	s10 =	ssub.s32 $0x2, s2;
	s2 =	sshll.u32 s2, $0x4;
	s21 =	sshrl.u32 s9, $0x2  }
0x8: {  	s22 =	sshrl.u32 s10, $0x1;
	s2 =	sor.u32 s11, s2;
	s6 =	sadd.s32 s6, s5  }
0x9: {  	s5 =	sadd.s32 $0xB600, s1;
	s9 =	ssub.s32 s10, s22;
	s24 =	smul.u32 $0x500, s2  }
0xa: {  	s13 =	smul.u32 $0x50, s2;
	s22 =	simm.s32 $0x600;
	s8 =	sshrl.u32 s6, $0x3  }
0xb: {  	s10 =	simm.s32 $0x280;
	s6 =	sadd.s32 $0x1600, s1;
	s1 =	sadd.s32 s8, s1  }
0xc: {  	s8 =	sadd.s32 s21, s3;
	s30 =	sadd.s32 s5, s24;
	s31 =	sor.u32 $0x10, s24  }
0xd: {  	s15 =	sadd.s32 s6, s24;
	s16 =	sadd.s32 s7, s24;
	s21 =	smax.u32 s9, $0x1  }
0xe: {  	s24 =	simm.s32 $0x4;
	s23 =	sadd.s32 $0x4000, s8;
	[dreg:$0x8] =	wrdreg s30  }
0xf: {  	s25 =	sadd.s32 $0x8000, s8;
	s26 =	sadd.s32 $0xC000, s8;
	[dreg:$0x4] =	wrdreg s23  }
0x10: {  	s29 =	sadd.s32 $0x10000, s8;
	s17 =	sadd.s32 s5, s31;
	[dreg:$0x5] =	wrdreg s25  }
0x11: {  	s18 =	sadd.s32 s6, s31;
	s19 =	sadd.s32 s7, s31;
	[dreg:$0x6] =	wrdreg s26  }
0x12: {  	s20 =	sadd.s32 $0x1F600, s1;
	s1 =	simm.s32 $0x2;
	[dreg:$0x7] =	wrdreg s29  }
0x13: {  	v0 =	vimm.f32 $0.0e+00;
	s23 =	simm.s32 $0x1;
	s26 =	simm.s32 $0x3;
	s25 =	simm.s32 $0x0  }
.LBB2_1:
0x14: {  	s2 =	simm.s32 $0x0;
	s9 =	simm.s32 $0x200  }
.LBB2_2:
0x15: {  	p0 =	sne.s32 s9, $0xFE00;
	[tilespmem:s2+$0x670] =	vst v0  }
0x16: {  	[tilespmem:s2+$0x600] =	vst v0  }
0x17: {  	[tilespmem:s2+$0x610] =	vst v0  }
.Ltmp0:
0x18: {  	[tilespmem:s2+$0x620] =	vst v0;
	(pc) =	sbr.rel @p0 .LBB2_2-.Ltmp0, $4  }
0x19: {  	[tilespmem:s2+$0x630] =	vst v0  }
0x1a: {  	[tilespmem:s2+$0x640] =	vst v0  }
0x1b: {  	[tilespmem:s2+$0x650] =	vst v0  }
0x1c: {  	[tilespmem:s2+$0x660] =	vst v0;
	s2 =	sshra.s32 s9, $0x2;
	s9 =	sadd.s32 $0x200, s9  }
0x1d: {  	[tilespmem:s2+$0x670] =	vst v0  }
0x1e: {  	[tilespmem:s2+$0x600] =	vst v0  }
0x1f: {  	[tilespmem:s2+$0x610] =	vst v0  }
0x20: {  	[tilespmem:s2+$0x620] =	vst v0  }
0x21: {  	[tilespmem:s2+$0x630] =	vst v0  }
0x22: {  	[tilespmem:s2+$0x640] =	vst v0  }
0x23: {  	[tilespmem:s2+$0x650] =	vst v0  }
0x24: {  	[tilespmem:s2+$0x660] =	vst v0  }
0x25: {  	[spmem:s8] =	stream.linear.scatter [tilespmem:s22], [sflag:$0x1], $0x4000, $0x38;
	[tilespmem:$0x1C600] =	vst v63  }
0x26: {  	s29 =	rddreg [dreg:$0x4]  }
0x27: {  	[spmem:s29] =	stream.linear.scatter [tilespmem:s22], [sflag:$0x1], $0x4000, $0x38;
	[tilespmem:$0x1C600] =	vst v63  }
0x28: {  	s31 =	rddreg [dreg:$0x5]  }
0x29: {  	[spmem:s31] =	stream.linear.scatter [tilespmem:s22], [sflag:$0x1], $0x4000, $0x38;
	[tilespmem:$0x1C600] =	vst v63  }
0x2a: {  	s9 =	rddreg [dreg:$0x6]  }
0x2b: {  	[spmem:s9] =	stream.linear.scatter [tilespmem:s22], [sflag:$0x1], $0x4000, $0x38;
	[tilespmem:$0x1C600] =	vst v63  }
0x2c: {  	s11 =	rddreg [dreg:$0x7]  }
0x2d: {  	[spmem:s11] =	stream.linear.scatter [tilespmem:s22], [sflag:$0x1], $0x4000, $0x38;
	[tilespmem:$0x1C600] =	vst v63  }
0x2e: {  	_ =	swait.ge [sflag:s23], $0x4000  }
0x2f: {  	[sflag:s23] =	ssyncset.done $0x0  }
0x30: {  	[sflag:s23] =	ssyncadd.s32 $0xFFFFC000  }
0x31: {  	_ =	swait.ge [sflag:s23], $0x4000  }
0x32: {  	[sflag:s23] =	ssyncset.done $0x0  }
0x33: {  	[sflag:s23] =	ssyncadd.s32 $0xFFFFC000  }
0x34: {  	_ =	swait.ge [sflag:s23], $0x4000  }
0x35: {  	[sflag:s23] =	ssyncset.done $0x0  }
0x36: {  	[sflag:s23] =	ssyncadd.s32 $0xFFFFC000  }
0x37: {  	_ =	swait.ge [sflag:s23], $0x4000  }
0x38: {  	[sflag:s23] =	ssyncset.done $0x0  }
0x39: {  	[sflag:s23] =	ssyncadd.s32 $0xFFFFC000  }
0x3a: {  	_ =	swait.ge [sflag:s23], $0x4000  }
0x3b: {  	[sflag:s23] =	ssyncset.done $0x0  }
0x3c: {  	[sflag:s23] =	ssyncadd.s32 $0xFFFFC000  }
0x3d: {  	[bflag:$0x0] =	sbarrier.arrive $0xFFFF  }
0x3e: {  	s12 =	rddreg [dreg:$0x8]  }
0x3f: {  	[tilespmem:s25], [sflag:$0x3] =	stream.linear.gather [hbm4b:s12+s25], $0x80, $0x38;
	[tilespmem:$0x1C600] =	vst v63  }
0x40: {  	s14 =	simm.s32 $0x200  }
0x41: {  	[tilespmem:s14], [sflag:$0x3] =	stream.linear.gather [hbm4b:s15+s25], $0x80, $0x38;
	[tilespmem:$0x1C600] =	vst v63  }
0x42: {  	s29 =	simm.s32 $0x400  }
0x43: {  	[tilespmem:s29], [sflag:$0x3] =	stream.linear.gather [hbm4b:s16+s25], $0x80, $0x38;
	[tilespmem:$0x1C600] =	vst v63  }
0x44: {  	_ =	swait.ge [sflag:s26], $0x80  }
0x45: {  	[sflag:s26] =	ssyncset.done $0x0  }
0x46: {  	[sflag:s26] =	ssyncadd.s32 $0xFFFFFF80  }
0x47: {  	_ =	swait.ge [sflag:s26], $0x80  }
0x48: {  	[sflag:s26] =	ssyncset.done $0x0  }
0x49: {  	[sflag:s26] =	ssyncadd.s32 $0xFFFFFF80  }
0x4a: {  	_ =	swait.ge [sflag:s26], $0x80  }
0x4b: {  	[sflag:s26] =	ssyncset.done $0x0  }
0x4c: {  	[sflag:s26] =	ssyncadd.s32 $0xFFFFFF80  }
0x4d: {  	[tilespmem:s28], [sflag:$0x3] =	stream.linear.gather [hbm4b:s17+s25], $0x80, $0x38;
	[tilespmem:$0x1C600] =	vst v63  }
0x4e: {  	_ = 	snop  }
0x4f: {  	[tilespmem:s10], [sflag:$0x3] =	stream.linear.gather [hbm4b:s18+s25], $0x80, $0x38;
	[tilespmem:$0x1C600] =	vst v63  }
0x50: {  	s31 =	simm.s32 $0x480  }
0x51: {  	[tilespmem:s31], [sflag:$0x3] =	stream.linear.gather [hbm4b:s19+s25], $0x80, $0x38;
	[tilespmem:$0x1C600] =	vst v63  }
0x52: {  	s30 =	simm.s32 $0x0  }
0x53: {  	[tilespmem:s22], [sflag:$0x1] =	stream.indirect.gather [hbm4b:s0+s28], $0x80, s25, s28, $0xb8;
	[tilespmem:$0x1C600] =	vst v63  }
.LBB2_4:
0x54: {  	p0 =	seq.s32 s30, $0x0  }
0x55: {  	s2 =	sadd.s32 @!p0 $0xFFFFFFFF, s30  }
0x56: {  	s9 =	sand.u32 @!p0 $0xFF, s2  }
0x57: {  	s9 =	smul.u32 @!p0 $0xAB, s9;
	_ =	sdelay $0x1  }
0x58: {  	_ =	swait.ge [sflag:s23], $0x4000;
	s10 =	smulhi.u32 $0xAAAAAAAB, s30;
	s9 =	sshrl.u32 @!p0 s9, $0x9  }
0x59: {  	[sflag:s23] =	ssyncset.done $0x0;
	s9 =	smul.u32 @!p0 $0x3, s9  }
0x5a: {  	s11 =	simm.s32 $0x2;
	[sflag:s23] =	ssyncadd.s32 $0xFFFFC000  }
0x5b: {  	s10 =	sshrl.u32 s10, $0x1;
	s9 =	ssub.s32 @!p0 s2, s9;
	s2 =	sshll.u32 @!p0 s30, $0xE  }
0x5c: {  	s10 =	smul.u32 $0x3, s10;
	s2 =	sand.u32 @!p0 $0x4000, s2;
	s9 =	sand.u32 @!p0 $0xFB, s9  }
0x5d: {  	v1 =	vmov s25;
	s12 =	sxor.u32 @!p0 $0x4000, s2;
	s9 =	sshll.u32 @!p0 s9, $0x7;
	s2 =	simm.s32 @p0 $0x0  }
0x5e: {  	v1 =	vand.u32 $0xFFFFFFFC, v1;
	v2 =	vmov s11;
	s11 =	sor.u32 @!p0 $0x600, s12;
	s9 =	sor.u32 @!p0 $0x200, s9;
	s12 =	simm.s32 @!p0 $0x80  }
0x5f: {  	v1 =	vbroadcast v1, $0x0;
	v2 =	vand.u32 $0xFFFFFFFE, v2;
	[spmem:s3] =	stream.indirect.scatter.add.f32 @!p0 [tilespmem:s11], [sflag:$0x2], $0x80, s9, s12, $0xb8;
	[tilespmem:$0x1C600] =	vst v63  }
0x60: {  	v2 =	vbroadcast v2, $0x0;
	s11 =	ssub.s32 s30, s10;
	s10 =	sadd.s32 $0x700, s2  }
0x61: {  	v4 =	vld [tilespmem:s10+$0x70]  }
0x62: {  	v5 =	vld [tilespmem:s10+$0xFFFFFF00]  }
0x63: {  	s12 =	simm.s32 $0x1;
	s9 =	sshll.u32 s11, $0x7;
	v6 =	vld [tilespmem:s10+$0xFFFFFF10]  }
0x64: {  	v3 =	vmov s12;
	v7 =	vld [tilespmem:s10+$0xFFFFFF20];
	s31 =	sor.u32 $0x400, s9  }
0x65: {  	v3 =	vand.u32 $0xFFFFFFFD, v3;
	v1 =	vld.idx.msk [tilespmem:v1+s31+$0x0], $0xffff  }
0x66: {  	v2 =	vld.idx.msk [tilespmem:v2+s31+$0x0], $0xffff;
	v3 =	vbroadcast v3, $0x0  }
0x67: {  	v8 =	vld [tilespmem:s10+$0xFFFFFF30]  }
0x68: {  	v9 =	vld [tilespmem:s10+$0xFFFFFF40]  }
0x69: {  	v10 =	vld [tilespmem:s10+$0xFFFFFF50]  }
0x6a: {  	v11 =	vld [tilespmem:s10+$0xFFFFFF60];
	v5 =	vmul.f32 v5, v1  }
0x6b: {  	v13 =	vld [tilespmem:s10+$0x40];
	v4 =	vmul.f32 v4, v2  }
0x6c: {  	v3 =	vld.idx.msk [tilespmem:v3+s31+$0x0], $0xffff;
	[tilespmem:s10+$0xFFFFFF00] =	vst v5;
	v5 =	vmul.f32 v6, v1  }
0x6d: {  	v6 =	vld [tilespmem:s10+$0xFFFFFF70];
	[tilespmem:s10+$0x70] =	vst v4;
	v4 =	vmul.f32 v7, v1  }
0x6e: {  	v7 =	vld [tilespmem:s10+$0xFFFFFF80];
	[tilespmem:s10+$0xFFFFFF10] =	vst v5;
	v5 =	vmul.f32 v8, v1  }
0x6f: {  	v8 =	vld [tilespmem:s10+$0xFFFFFF90];
	[tilespmem:s10+$0xFFFFFF20] =	vst v4;
	v4 =	vmul.f32 v9, v1  }
0x70: {  	v9 =	vld [tilespmem:s10+$0xFFFFFFA0];
	[tilespmem:s10+$0xFFFFFF30] =	vst v5;
	v5 =	vmul.f32 v10, v1  }
0x71: {  	v10 =	vld [tilespmem:s10+$0xFFFFFFB0];
	[tilespmem:s10+$0xFFFFFF40] =	vst v4;
	v4 =	vmul.f32 v11, v1  }
0x72: {  	v11 =	vld [tilespmem:s10+$0xFFFFFFC0];
	v6 =	vmul.f32 v6, v1;
	[tilespmem:s10+$0xFFFFFF50] =	vst v5  }
0x73: {  	v5 =	vmul.f32 v7, v3;
	v7 =	vld [tilespmem:s10+$0xFFFFFFD0];
	[tilespmem:s10+$0xFFFFFF60] =	vst v4  }
0x74: {  	s14 =	simm.s32 $0x3;
	v4 =	vld [tilespmem:s10+$0xFFFFFFE0];
	v8 =	vmul.f32 v8, v3;
	[tilespmem:s10+$0xFFFFFF70] =	vst v6  }
0x75: {  	v12 =	vmov s14;
	v6 =	vld [tilespmem:s10+$0xFFFFFFF0];
	[tilespmem:s10+$0xFFFFFF80] =	vst v5;
	v5 =	vmul.f32 v9, v3  }
0x76: {  	v9 =	vld [tilespmem:s10+$0x0];
	[tilespmem:s10+$0xFFFFFF90] =	vst v8;
	v8 =	vmul.f32 v10, v3  }
0x77: {  	v10 =	vld [tilespmem:s10+$0x10];
	[tilespmem:s10+$0xFFFFFFA0] =	vst v5;
	v5 =	vmul.f32 v11, v3  }
0x78: {  	[tilespmem:s10+$0xFFFFFFB0] =	vst v8;
	v7 =	vmul.f32 v7, v3;
	v8 =	vld [tilespmem:s10+$0x20]  }
0x79: {  	v11 =	vld [tilespmem:s10+$0x30];
	v4 =	vmul.f32 v4, v3;
	[tilespmem:s10+$0xFFFFFFC0] =	vst v5  }
0x7a: {  	v1 =	vld.idx.msk [tilespmem:v12+s31+$0x0], $0xffff;
	v3 =	vmul.f32 v6, v3;
	[tilespmem:s10+$0xFFFFFFD0] =	vst v7  }
0x7b: {  	[tilespmem:s10+$0xFFFFFFE0] =	vst v4;
	v5 =	vmul.f32 v9, v2;
	v4 =	vld [tilespmem:s10+$0x50]  }
0x7c: {  	s11 =	simm.s32 $0x4;
	[tilespmem:s10+$0xFFFFFFF0] =	vst v3;
	v6 =	vmul.f32 v10, v2;
	v3 =	vld [tilespmem:s10+$0x60]  }
0x7d: {  	s12 =	simm.s32 $0x7;
	v7 =	vmov s11;
	[tilespmem:s10+$0x0] =	vst v5;
	v9 =	vmul.f32 v8, v2;
	v8 =	vld [tilespmem:s10+$0x80]  }
0x7e: {  	s29 =	simm.s32 $0x6;
	s14 =	simm.s32 $0x5;
	v12 =	vand.u32 $0xFFFFFFFC, v7;
	v7 =	vld [tilespmem:s10+$0x90];
	v5 =	vmov s12;
	v10 =	vmul.f32 v11, v2;
	[tilespmem:s10+$0x10] =	vst v6  }
0x7f: {  	s9 =	sshll.u32 s2, $0x2;
	s11 =	smov.u32 s10;
	s12 =	simm.s32 $0x8;
	v11 =	vmul.f32 v13, v2;
	v6 =	vbroadcast v12, $0x0;
	v12 =	vmov s14;
	[tilespmem:s10+$0x20] =	vst v9;
	v9 =	vld [tilespmem:s10+$0xA0]  }
.LBB2_5:
0x80: {  	p1 =	slt.u32 s12, $0x3C;
	v12 =	vand.u32 $0xFFFFFFFD, v12;
	v13 =	vmov s29;
	[tilespmem:s10+$0x30] =	vst v10;
	v4 =	vmul.f32 v4, v2;
	v10 =	vld [tilespmem:s10+$0xB0]  }
0x81: {  	v12 =	vbroadcast v12, $0x0;
	v13 =	vand.u32 $0xFFFFFFFE, v13;
	[tilespmem:s10+$0x40] =	vst v11;
	v2 =	vmul.f32 v3, v2;
	v3 =	vld [tilespmem:s10+$0xC0]  }
0x82: {  	v11 =	vbroadcast v13, $0x0;
	[tilespmem:s10+$0x50] =	vst v4;
	v4 =	vmul.f32 v8, v1;
	v8 =	vld [tilespmem:s10+$0xD0]  }
0x83: {  	[tilespmem:s10+$0x60] =	vst v2;
	v2 =	vmul.f32 v7, v1;
	v7 =	vld [tilespmem:s10+$0xE0]  }
0x84: {  	[tilespmem:s10+$0x80] =	vst v4;
	v4 =	vmul.f32 v9, v1;
	v9 =	vld [tilespmem:s10+$0xF0]  }
0x85: {  	v5 =	vld.idx.msk [tilespmem:v5+s31+$0x0], $0xffff;
	[tilespmem:s10+$0x90] =	vst v2;
	v2 =	vmul.f32 v10, v1  }
0x86: {  	v6 =	vld.idx.msk [tilespmem:v6+s31+$0x0], $0xffff;
	[tilespmem:s10+$0xA0] =	vst v4;
	v3 =	vmul.f32 v3, v1  }
0x87: {  	v4 =	vld.idx.msk [tilespmem:v12+s31+$0x0], $0xffff;
	[tilespmem:s10+$0xB0] =	vst v2;
	v8 =	vmul.f32 v8, v1  }
0x88: {  	s10 =	sadd.s32 $0x200, s10;
	v2 =	vld.idx.msk [tilespmem:v11+s31+$0x0], $0xffff;
	[tilespmem:s11+$0xC0] =	vst v3;
	v3 =	vmul.f32 v7, v1  }
0x89: {  	v7 =	vld [tilespmem:s10+$0x70];
	[tilespmem:s11+$0xD0] =	vst v8;
	v9 =	vmul.f32 v9, v1  }
0x8a: {  	v8 =	vld [tilespmem:s10+$0xFFFFFF00];
	[tilespmem:s11+$0xE0] =	vst v3  }
0x8b: {  	v1 =	vmov v5;
	v3 =	vld [tilespmem:s10+$0xFFFFFF10];
	[tilespmem:s11+$0xF0] =	vst v9;
	s11 =	smov.u32 s10  }
0x8c: {  	v5 =	vld [tilespmem:s10+$0xFFFFFF20]  }
0x8d: {  	v9 =	vld [tilespmem:s10+$0xFFFFFF30]  }
0x8e: {  	v10 =	vld [tilespmem:s10+$0xFFFFFF40];
	v7 =	vmul.f32 v7, v2  }
0x8f: {  	v8 =	vmul.f32 v8, v6;
	v11 =	vld [tilespmem:s10+$0xFFFFFF50]  }
0x90: {  	v3 =	vmul.f32 v3, v6;
	v12 =	vld [tilespmem:s10+$0xFFFFFF60];
	[tilespmem:s10+$0x70] =	vst v7  }
0x91: {  	[tilespmem:s10+$0xFFFFFF00] =	vst v8;
	v5 =	vmul.f32 v5, v6;
	v7 =	vld [tilespmem:s10+$0xFFFFFF70]  }
0x92: {  	[tilespmem:s10+$0xFFFFFF10] =	vst v3;
	v3 =	vmul.f32 v9, v6;
	v8 =	vld [tilespmem:s10+$0xFFFFFF80]  }
0x93: {  	[tilespmem:s10+$0xFFFFFF20] =	vst v5;
	v5 =	vmul.f32 v10, v6;
	v9 =	vld [tilespmem:s10+$0xFFFFFF90]  }
0x94: {  	[tilespmem:s10+$0xFFFFFF30] =	vst v3;
	v3 =	vmul.f32 v11, v6;
	v10 =	vld [tilespmem:s10+$0xFFFFFFA0]  }
0x95: {  	[tilespmem:s10+$0xFFFFFF40] =	vst v5;
	v5 =	vmul.f32 v12, v6;
	v11 =	vld [tilespmem:s10+$0xFFFFFFB0]  }
0x96: {  	[tilespmem:s10+$0xFFFFFF50] =	vst v3;
	v3 =	vmul.f32 v7, v6;
	v6 =	vld [tilespmem:s10+$0xFFFFFFC0]  }
0x97: {  	[tilespmem:s10+$0xFFFFFF60] =	vst v5;
	v5 =	vmul.f32 v8, v4;
	v7 =	vld [tilespmem:s10+$0xFFFFFFD0]  }
0x98: {  	[tilespmem:s10+$0xFFFFFF70] =	vst v3;
	v3 =	vmul.f32 v9, v4;
	v8 =	vld [tilespmem:s10+$0xFFFFFFE0]  }
0x99: {  	[tilespmem:s10+$0xFFFFFF80] =	vst v5;
	v5 =	vmul.f32 v10, v4;
	v9 =	vld [tilespmem:s10+$0xFFFFFFF0]  }
0x9a: {  	[tilespmem:s10+$0xFFFFFF90] =	vst v3;
	v3 =	vmul.f32 v11, v4;
	v10 =	vld [tilespmem:s10+$0x0]  }
0x9b: {  	[tilespmem:s10+$0xFFFFFFA0] =	vst v5;
	v5 =	vmul.f32 v6, v4;
	v6 =	vld [tilespmem:s10+$0x10]  }
0x9c: {  	[tilespmem:s10+$0xFFFFFFB0] =	vst v3;
	v3 =	vmul.f32 v7, v4;
	v7 =	vld [tilespmem:s10+$0x20]  }
0x9d: {  	[tilespmem:s10+$0xFFFFFFC0] =	vst v5;
	v5 =	vmul.f32 v8, v4;
	v11 =	vld [tilespmem:s10+$0x30]  }
0x9e: {  	[tilespmem:s10+$0xFFFFFFD0] =	vst v3;
	v3 =	vmul.f32 v9, v4;
	v9 =	vld [tilespmem:s10+$0x40]  }
.Ltmp1:
0x9f: {  	[tilespmem:s10+$0xFFFFFFE0] =	vst v5;
	v5 =	vmul.f32 v10, v2;
	v4 =	vld [tilespmem:s10+$0x50];
	(pc) =	sbr.rel @p1 .LBB2_5-.Ltmp1, $4  }
0xa0: {  	[tilespmem:s10+$0xFFFFFFF0] =	vst v3;
	v6 =	vmul.f32 v6, v2;
	v3 =	vld [tilespmem:s10+$0x60]  }
0xa1: {  	s29 =	sadd.s32 $0x3, s12;
	v10 =	vmov s12;
	[tilespmem:s10+$0x0] =	vst v5;
	v13 =	vmul.f32 v7, v2;
	v8 =	vld [tilespmem:s10+$0x80]  }
0xa2: {  	s14 =	sadd.s32 $0x1, s12;
	v12 =	vand.u32 $0xFFFFFFFC, v10;
	v5 =	vmov s29;
	[tilespmem:s10+$0x10] =	vst v6;
	v10 =	vmul.f32 v11, v2;
	v7 =	vld [tilespmem:s10+$0x90]  }
0xa3: {  	s29 =	sadd.s32 $0x2, s12;
	s12 =	sadd.s32 $0x4, s12;
	v6 =	vbroadcast v12, $0x0;
	v12 =	vmov s14;
	[tilespmem:s10+$0x20] =	vst v13;
	v11 =	vmul.f32 v9, v2;
	v9 =	vld [tilespmem:s10+$0xA0]  }
0xa4: {  	v13 =	vld [tilespmem:s10+$0xB0]  }
0xa5: {  	v15 =	vld [tilespmem:s10+$0xC0]  }
0xa6: {  	v14 =	vmov s29;
	v16 =	vld [tilespmem:s10+$0xD0]  }
0xa7: {  	v17 =	vld [tilespmem:s10+$0xE0];
	[tilespmem:s10+$0x30] =	vst v10;
	v4 =	vmul.f32 v4, v2;
	v14 =	vand.u32 $0xFFFFFFFE, v14  }
0xa8: {  	v12 =	vand.u32 $0xFFFFFFFD, v12;
	v5 =	vld.idx.msk [tilespmem:v5+s31+$0x0], $0xffff;
	[tilespmem:s10+$0x40] =	vst v11;
	v2 =	vmul.f32 v3, v2;
	v14 =	vbroadcast v14, $0x0  }
0xa9: {  	s12 =	sadd.s32 $0x200, s10;
	v12 =	vbroadcast v12, $0x0;
	v3 =	vld.idx.msk [tilespmem:v6+s31+$0x0], $0xffff;
	v8 =	vmul.f32 v8, v1;
	[tilespmem:s10+$0x50] =	vst v4  }
0xaa: {  	v10 =	vld [tilespmem:s12+$0xFFFFFF00];
	v4 =	vmul.f32 v7, v1;
	[tilespmem:s10+$0x60] =	vst v2  }
0xab: {  	[tilespmem:s10+$0x80] =	vst v8;
	v8 =	vld [tilespmem:s10+$0xF0];
	v2 =	vmul.f32 v9, v1  }
0xac: {  	v11 =	vld [tilespmem:s12+$0xFFFFFF10];
	[tilespmem:s10+$0x90] =	vst v4;
	v4 =	vmul.f32 v13, v1  }
0xad: {  	v9 =	vld [tilespmem:s12+$0x70];
	[tilespmem:s10+$0xA0] =	vst v2;
	v2 =	vmul.f32 v15, v1  }
0xae: {  	[tilespmem:s10+$0xB0] =	vst v4;
	v4 =	vmul.f32 v16, v1;
	v7 =	vld.idx.msk [tilespmem:v14+s31+$0x0], $0xffff  }
0xaf: {  	v6 =	vld.idx.msk [tilespmem:v12+s31+$0x0], $0xffff;
	[tilespmem:s11+$0xC0] =	vst v2;
	v2 =	vmul.f32 v17, v1  }
0xb0: {  	v12 =	vld [tilespmem:s12+$0xFFFFFF20];
	[tilespmem:s11+$0xD0] =	vst v4;
	v1 =	vmul.f32 v8, v1  }
0xb1: {  	v4 =	vld [tilespmem:s12+$0xFFFFFF30];
	[tilespmem:s11+$0xE0] =	vst v2  }
0xb2: {  	v2 =	vld [tilespmem:s12+$0xFFFFFF40];
	[tilespmem:s11+$0xF0] =	vst v1;
	v1 =	vmul.f32 v10, v3  }
0xb3: {  	v8 =	vmul.f32 v9, v7;
	v9 =	vld [tilespmem:s12+$0xFFFFFF50]  }
0xb4: {  	v10 =	vmul.f32 v11, v3;
	v11 =	vld [tilespmem:s12+$0xFFFFFF60];
	[tilespmem:s12+$0xFFFFFF00] =	vst v1  }
0xb5: {  	v1 =	vmul.f32 v12, v3;
	[tilespmem:s12+$0x70] =	vst v8;
	v8 =	vld [tilespmem:s12+$0xFFFFFF70]  }
0xb6: {  	[tilespmem:s12+$0xFFFFFF10] =	vst v10;
	v10 =	vld [tilespmem:s12+$0xFFFFFF80];
	v4 =	vmul.f32 v4, v3  }
0xb7: {  	[tilespmem:s12+$0xFFFFFF20] =	vst v1;
	v1 =	vmul.f32 v2, v3;
	v2 =	vld [tilespmem:s12+$0xFFFFFF90]  }
0xb8: {  	[tilespmem:s12+$0xFFFFFF30] =	vst v4;
	v4 =	vmul.f32 v9, v3;
	v9 =	vld [tilespmem:s12+$0xFFFFFFA0]  }
0xb9: {  	[tilespmem:s12+$0xFFFFFF40] =	vst v1;
	v1 =	vmul.f32 v11, v3;
	v11 =	vld [tilespmem:s12+$0xFFFFFFB0]  }
0xba: {  	[tilespmem:s12+$0xFFFFFF50] =	vst v4;
	v3 =	vmul.f32 v8, v3;
	v4 =	vld [tilespmem:s12+$0xFFFFFFC0]  }
0xbb: {  	[tilespmem:s12+$0xFFFFFF60] =	vst v1;
	v1 =	vmul.f32 v10, v6;
	v8 =	vld [tilespmem:s12+$0xFFFFFFD0]  }
0xbc: {  	v2 =	vmul.f32 v2, v6;
	[tilespmem:s12+$0xFFFFFF70] =	vst v3;
	v3 =	vld [tilespmem:s12+$0xFFFFFFE0]  }
0xbd: {  	[tilespmem:s12+$0xFFFFFF80] =	vst v1;
	v1 =	vmul.f32 v9, v6;
	v9 =	vld [tilespmem:s12+$0xFFFFFFF0]  }
0xbe: {  	v10 =	vld [tilespmem:s12+$0x0];
	[tilespmem:s12+$0xFFFFFF90] =	vst v2;
	v2 =	vmul.f32 v11, v6  }
0xbf: {  	[tilespmem:s12+$0xFFFFFFA0] =	vst v1;
	v1 =	vmul.f32 v4, v6;
	v4 =	vld [tilespmem:s12+$0x10]  }
0xc0: {  	[tilespmem:s12+$0xFFFFFFB0] =	vst v2;
	v2 =	vmul.f32 v8, v6;
	v8 =	vld [tilespmem:s12+$0x20]  }
0xc1: {  	[tilespmem:s12+$0xFFFFFFC0] =	vst v1;
	v1 =	vmul.f32 v3, v6;
	v3 =	vld [tilespmem:s12+$0x30]  }
0xc2: {  	[tilespmem:s12+$0xFFFFFFD0] =	vst v2;
	v2 =	vmul.f32 v9, v6;
	v6 =	vld [tilespmem:s12+$0x40]  }
0xc3: {  	v9 =	vld [tilespmem:s12+$0x50];
	[tilespmem:s12+$0xFFFFFFE0] =	vst v1;
	v1 =	vmul.f32 v10, v7  }
0xc4: {  	[tilespmem:s12+$0xFFFFFFF0] =	vst v2;
	v2 =	vmul.f32 v4, v7;
	v4 =	vld [tilespmem:s12+$0x60]  }
0xc5: {  	[tilespmem:s12+$0x0] =	vst v1;
	v1 =	vmul.f32 v8, v7;
	v8 =	vld [tilespmem:s12+$0x80]  }
0xc6: {  	[tilespmem:s12+$0x10] =	vst v2;
	v2 =	vmul.f32 v3, v7;
	v3 =	vld [tilespmem:s12+$0x90]  }
0xc7: {  	[tilespmem:s12+$0x20] =	vst v1;
	v1 =	vmul.f32 v6, v7;
	v6 =	vld [tilespmem:s12+$0xA0]  }
0xc8: {  	[tilespmem:s12+$0x30] =	vst v2;
	v2 =	vmul.f32 v9, v7;
	v9 =	vld [tilespmem:s12+$0xB0]  }
0xc9: {  	[tilespmem:s12+$0x40] =	vst v1;
	v1 =	vmul.f32 v4, v7;
	v4 =	vld [tilespmem:s12+$0xC0]  }
0xca: {  	v7 =	vld [tilespmem:s12+$0xD0];
	[tilespmem:s12+$0x50] =	vst v2;
	v2 =	vmul.f32 v8, v5  }
0xcb: {  	[tilespmem:s12+$0x60] =	vst v1;
	v1 =	vmul.f32 v3, v5;
	v3 =	vld [tilespmem:s12+$0xE0]  }
0xcc: {  	[tilespmem:s12+$0x80] =	vst v2;
	v2 =	vmul.f32 v6, v5;
	v6 =	vld [tilespmem:s12+$0xF0]  }
0xcd: {  	[tilespmem:s12+$0x90] =	vst v1;
	v1 =	vmul.f32 v9, v5  }
0xce: {  	[tilespmem:s12+$0xA0] =	vst v2;
	v2 =	vmul.f32 v4, v5  }
0xcf: {  	[tilespmem:s12+$0xB0] =	vst v1;
	v1 =	vmul.f32 v7, v5  }
0xd0: {  	[tilespmem:s12+$0xC0] =	vst v2;
	v2 =	vmul.f32 v3, v5  }
0xd1: {  	[tilespmem:s12+$0xD0] =	vst v1;
	v1 =	vmul.f32 v6, v5  }
0xd2: {  	[tilespmem:s12+$0xE0] =	vst v2  }
0xd3: {  	s10 =	simm.s32 @!p0 $0x2;
	[tilespmem:s12+$0xF0] =	vst v1  }
0xd4: {  	_ =	swait.ge @!p0 [sflag:s10], $0x4000  }
0xd5: {  	p1 =	seq.s32 @!p0 s30, $0x4F;
	[sflag:s10] =	ssyncset.done @!p0 $0x0  }
0xd6: {  	p1 =	por p0, !p1;
	[sflag:s10] =	ssyncadd.s32 @!p0 $0xFFFFC000  }
0xd7: {  	_ =	swait.ge @p1 [sflag:s26], $0x80  }
0xd8: {  	s14 =	simm.s32 $0x40;
	s10 =	sadd.s32 @p1 $0x1, s30;
	[sflag:s26] =	ssyncset.done @p1 $0x0  }
0xd9: {  	s29 =	simm.s32 $0x42;
	v1 =	vmov s14;
	s11 =	smulhi.u32 @p1 $0xAAAAAAAB, s10;
	[sflag:s26] =	ssyncadd.s32 @p1 $0xFFFFFF80  }
0xda: {  	v2 =	vmov s29;
	v1 =	vand.u32 $0xFFFFFFFC, v1;
	_ =	swait.ge @p1 [sflag:s26], $0x80  }
0xdb: {  	v2 =	vand.u32 $0xFFFFFFFE, v2;
	v1 =	vbroadcast v1, $0x0;
	s11 =	sshrl.u32 @p1 s11, $0x1;
	[sflag:s26] =	ssyncset.done @p1 $0x0  }
0xdc: {  	v2 =	vbroadcast v2, $0x0;
	s11 =	smul.u32 @p1 $0x3, s11;
	[sflag:s26] =	ssyncadd.s32 @p1 $0xFFFFFF80  }
0xdd: {  	_ =	swait.ge @p1 [sflag:s26], $0x80  }
0xde: {  	s2 =	sxor.u32 @p1 $0x4000, s2;
	s10 =	ssub.s32 @p1 s10, s11;
	[sflag:s26] =	ssyncset.done @p1 $0x0  }
0xdf: {  	s2 =	sadd.s32 @p1 $0x600, s2;
	s10 =	sshll.u32 @p1 s10, $0x7;
	[sflag:s26] =	ssyncadd.s32 @p1 $0xFFFFFF80  }
0xe0: {  	[tilespmem:s2], [sflag:$0x1] =	stream.indirect.gather @p1 [hbm4b:s0+s28], $0x80, s10, s28, $0xb8;
	[tilespmem:$0x1C600] =	vst v63  }
0xe1: {  	s9 =	sshrl.u32 s9, $0x2;
	v1 =	vld.idx.msk [tilespmem:v1+s31+$0x0], $0xffff  }
0xe2: {  	s2 =	sadd.s32 $0x27F0, s9;
	v2 =	vld.idx.msk [tilespmem:v2+s31+$0x0], $0xffff  }
0xe3: {  	v4 =	vld [tilespmem:s2+$0xFFFFFF80]  }
0xe4: {  	v5 =	vld [tilespmem:s2+$0xFFFFFE10]  }
0xe5: {  	s10 =	simm.s32 $0x41;
	v6 =	vld [tilespmem:s2+$0xFFFFFE20]  }
0xe6: {  	v3 =	vmov s10;
	v7 =	vld [tilespmem:s2+$0xFFFFFE30]  }
0xe7: {  	v8 =	vld [tilespmem:s2+$0xFFFFFE40];
	v3 =	vand.u32 $0xFFFFFFFD, v3  }
0xe8: {  	v9 =	vld [tilespmem:s2+$0xFFFFFE50];
	v3 =	vbroadcast v3, $0x0  }
0xe9: {  	v10 =	vld [tilespmem:s2+$0xFFFFFE60]  }
0xea: {  	v11 =	vld [tilespmem:s2+$0xFFFFFE70];
	v5 =	vmul.f32 v5, v1  }
0xeb: {  	v13 =	vld [tilespmem:s2+$0xFFFFFF50];
	v4 =	vmul.f32 v4, v2  }
0xec: {  	[tilespmem:s2+$0xFFFFFE10] =	vst v5;
	v5 =	vmul.f32 v6, v1;
	v6 =	vld [tilespmem:s2+$0xFFFFFE80]  }
0xed: {  	[tilespmem:s2+$0xFFFFFF80] =	vst v4;
	v4 =	vmul.f32 v7, v1;
	v7 =	vld [tilespmem:s2+$0xFFFFFE90]  }
0xee: {  	v3 =	vld.idx.msk [tilespmem:v3+s31+$0x0], $0xffff;
	[tilespmem:s2+$0xFFFFFE20] =	vst v5;
	v5 =	vmul.f32 v8, v1  }
0xef: {  	v8 =	vld [tilespmem:s2+$0xFFFFFEA0];
	[tilespmem:s2+$0xFFFFFE30] =	vst v4;
	v4 =	vmul.f32 v9, v1  }
0xf0: {  	v9 =	vld [tilespmem:s2+$0xFFFFFEB0];
	[tilespmem:s2+$0xFFFFFE40] =	vst v5;
	v5 =	vmul.f32 v10, v1  }
0xf1: {  	v10 =	vld [tilespmem:s2+$0xFFFFFEC0];
	[tilespmem:s2+$0xFFFFFE50] =	vst v4;
	v4 =	vmul.f32 v11, v1  }
0xf2: {  	v11 =	vld [tilespmem:s2+$0xFFFFFED0];
	v6 =	vmul.f32 v6, v1;
	[tilespmem:s2+$0xFFFFFE60] =	vst v5  }
0xf3: {  	v5 =	vmul.f32 v7, v3;
	v7 =	vld [tilespmem:s2+$0xFFFFFEE0];
	[tilespmem:s2+$0xFFFFFE70] =	vst v4  }
0xf4: {  	s11 =	simm.s32 $0x43;
	v4 =	vld [tilespmem:s2+$0xFFFFFEF0];
	v8 =	vmul.f32 v8, v3;
	[tilespmem:s2+$0xFFFFFE80] =	vst v6  }
0xf5: {  	v12 =	vmov s11;
	v6 =	vld [tilespmem:s2+$0xFFFFFF00];
	[tilespmem:s2+$0xFFFFFE90] =	vst v5;
	v5 =	vmul.f32 v9, v3  }
0xf6: {  	v9 =	vld [tilespmem:s2+$0xFFFFFF10];
	[tilespmem:s2+$0xFFFFFEA0] =	vst v8;
	v8 =	vmul.f32 v10, v3  }
0xf7: {  	v10 =	vld [tilespmem:s2+$0xFFFFFF20];
	[tilespmem:s2+$0xFFFFFEB0] =	vst v5;
	v5 =	vmul.f32 v11, v3  }
0xf8: {  	[tilespmem:s2+$0xFFFFFEC0] =	vst v8;
	v7 =	vmul.f32 v7, v3;
	v8 =	vld [tilespmem:s2+$0xFFFFFF30]  }
0xf9: {  	v11 =	vld [tilespmem:s2+$0xFFFFFF40];
	v4 =	vmul.f32 v4, v3;
	[tilespmem:s2+$0xFFFFFED0] =	vst v5  }
0xfa: {  	v1 =	vld.idx.msk [tilespmem:v12+s31+$0x0], $0xffff;
	v3 =	vmul.f32 v6, v3;
	[tilespmem:s2+$0xFFFFFEE0] =	vst v7  }
0xfb: {  	[tilespmem:s2+$0xFFFFFEF0] =	vst v4;
	v5 =	vmul.f32 v9, v2;
	v4 =	vld [tilespmem:s2+$0xFFFFFF60]  }
0xfc: {  	s12 =	simm.s32 $0x44;
	[tilespmem:s2+$0xFFFFFF00] =	vst v3;
	v6 =	vmul.f32 v10, v2;
	v3 =	vld [tilespmem:s2+$0xFFFFFF70]  }
0xfd: {  	s14 =	simm.s32 $0x47;
	v7 =	vmov s12;
	[tilespmem:s2+$0xFFFFFF10] =	vst v5;
	v9 =	vmul.f32 v8, v2;
	v8 =	vld [tilespmem:s2+$0xFFFFFF90]  }
0xfe: {  	s29 =	simm.s32 $0x45;
	v12 =	vand.u32 $0xFFFFFFFC, v7;
	v7 =	vld [tilespmem:s2+$0xFFFFFFA0];
	v5 =	vmov s14;
	v10 =	vmul.f32 v11, v2;
	[tilespmem:s2+$0xFFFFFF20] =	vst v6  }
0xff: {  	s11 =	simm.s32 $0x46;
	s10 =	simm.s32 $0x48;
	s9 =	smov.u32 s2;
	v11 =	vmul.f32 v13, v2;
	v6 =	vbroadcast v12, $0x0;
	v12 =	vmov s29;
	[tilespmem:s2+$0xFFFFFF30] =	vst v9;
	v9 =	vld [tilespmem:s2+$0xFFFFFFB0]  }
.LBB2_7:
0x100: {  	p0 =	slt.u32 s10, $0x7C;
	v12 =	vand.u32 $0xFFFFFFFD, v12;
	v13 =	vmov s11;
	[tilespmem:s2+$0xFFFFFF40] =	vst v10;
	v4 =	vmul.f32 v4, v2;
	v10 =	vld [tilespmem:s2+$0xFFFFFFC0]  }
0x101: {  	v12 =	vbroadcast v12, $0x0;
	v13 =	vand.u32 $0xFFFFFFFE, v13;
	[tilespmem:s2+$0xFFFFFF50] =	vst v11;
	v2 =	vmul.f32 v3, v2;
	v3 =	vld [tilespmem:s2+$0xFFFFFFD0]  }
0x102: {  	v11 =	vbroadcast v13, $0x0;
	[tilespmem:s2+$0xFFFFFF60] =	vst v4;
	v4 =	vmul.f32 v8, v1;
	v8 =	vld [tilespmem:s2+$0xFFFFFFE0]  }
0x103: {  	[tilespmem:s2+$0xFFFFFF70] =	vst v2;
	v2 =	vmul.f32 v7, v1;
	v7 =	vld [tilespmem:s2+$0xFFFFFFF0]  }
0x104: {  	[tilespmem:s2+$0xFFFFFF90] =	vst v4;
	v4 =	vmul.f32 v9, v1;
	v9 =	vld [tilespmem:s2+$0x0]  }
0x105: {  	v5 =	vld.idx.msk [tilespmem:v5+s31+$0x0], $0xffff;
	[tilespmem:s2+$0xFFFFFFA0] =	vst v2;
	v2 =	vmul.f32 v10, v1  }
0x106: {  	v6 =	vld.idx.msk [tilespmem:v6+s31+$0x0], $0xffff;
	[tilespmem:s2+$0xFFFFFFB0] =	vst v4;
	v3 =	vmul.f32 v3, v1  }
0x107: {  	v4 =	vld.idx.msk [tilespmem:v12+s31+$0x0], $0xffff;
	[tilespmem:s2+$0xFFFFFFC0] =	vst v2;
	v8 =	vmul.f32 v8, v1  }
0x108: {  	s2 =	sadd.s32 $0x200, s2;
	v2 =	vld.idx.msk [tilespmem:v11+s31+$0x0], $0xffff;
	[tilespmem:s9+$0xFFFFFFD0] =	vst v3;
	v3 =	vmul.f32 v7, v1  }
0x109: {  	v7 =	vld [tilespmem:s2+$0xFFFFFF80];
	[tilespmem:s9+$0xFFFFFFE0] =	vst v8;
	v9 =	vmul.f32 v9, v1  }
0x10a: {  	v8 =	vld [tilespmem:s2+$0xFFFFFE10];
	[tilespmem:s9+$0xFFFFFFF0] =	vst v3  }
0x10b: {  	v1 =	vmov v5;
	v3 =	vld [tilespmem:s2+$0xFFFFFE20];
	[tilespmem:s9+$0x0] =	vst v9;
	s9 =	smov.u32 s2  }
0x10c: {  	v5 =	vld [tilespmem:s2+$0xFFFFFE30]  }
0x10d: {  	v9 =	vld [tilespmem:s2+$0xFFFFFE40]  }
0x10e: {  	v10 =	vld [tilespmem:s2+$0xFFFFFE50];
	v7 =	vmul.f32 v7, v2  }
0x10f: {  	v8 =	vmul.f32 v8, v6;
	v11 =	vld [tilespmem:s2+$0xFFFFFE60]  }
0x110: {  	v3 =	vmul.f32 v3, v6;
	v12 =	vld [tilespmem:s2+$0xFFFFFE70];
	[tilespmem:s2+$0xFFFFFF80] =	vst v7  }
0x111: {  	[tilespmem:s2+$0xFFFFFE10] =	vst v8;
	v5 =	vmul.f32 v5, v6;
	v7 =	vld [tilespmem:s2+$0xFFFFFE80]  }
0x112: {  	[tilespmem:s2+$0xFFFFFE20] =	vst v3;
	v3 =	vmul.f32 v9, v6;
	v8 =	vld [tilespmem:s2+$0xFFFFFE90]  }
0x113: {  	[tilespmem:s2+$0xFFFFFE30] =	vst v5;
	v5 =	vmul.f32 v10, v6;
	v9 =	vld [tilespmem:s2+$0xFFFFFEA0]  }
0x114: {  	[tilespmem:s2+$0xFFFFFE40] =	vst v3;
	v3 =	vmul.f32 v11, v6;
	v10 =	vld [tilespmem:s2+$0xFFFFFEB0]  }
0x115: {  	[tilespmem:s2+$0xFFFFFE50] =	vst v5;
	v5 =	vmul.f32 v12, v6;
	v11 =	vld [tilespmem:s2+$0xFFFFFEC0]  }
0x116: {  	[tilespmem:s2+$0xFFFFFE60] =	vst v3;
	v3 =	vmul.f32 v7, v6;
	v6 =	vld [tilespmem:s2+$0xFFFFFED0]  }
0x117: {  	[tilespmem:s2+$0xFFFFFE70] =	vst v5;
	v5 =	vmul.f32 v8, v4;
	v7 =	vld [tilespmem:s2+$0xFFFFFEE0]  }
0x118: {  	[tilespmem:s2+$0xFFFFFE80] =	vst v3;
	v3 =	vmul.f32 v9, v4;
	v8 =	vld [tilespmem:s2+$0xFFFFFEF0]  }
0x119: {  	[tilespmem:s2+$0xFFFFFE90] =	vst v5;
	v5 =	vmul.f32 v10, v4;
	v9 =	vld [tilespmem:s2+$0xFFFFFF00]  }
0x11a: {  	[tilespmem:s2+$0xFFFFFEA0] =	vst v3;
	v3 =	vmul.f32 v11, v4;
	v10 =	vld [tilespmem:s2+$0xFFFFFF10]  }
0x11b: {  	[tilespmem:s2+$0xFFFFFEB0] =	vst v5;
	v5 =	vmul.f32 v6, v4;
	v6 =	vld [tilespmem:s2+$0xFFFFFF20]  }
0x11c: {  	[tilespmem:s2+$0xFFFFFEC0] =	vst v3;
	v3 =	vmul.f32 v7, v4;
	v7 =	vld [tilespmem:s2+$0xFFFFFF30]  }
0x11d: {  	[tilespmem:s2+$0xFFFFFED0] =	vst v5;
	v5 =	vmul.f32 v8, v4;
	v11 =	vld [tilespmem:s2+$0xFFFFFF40]  }
0x11e: {  	[tilespmem:s2+$0xFFFFFEE0] =	vst v3;
	v3 =	vmul.f32 v9, v4;
	v9 =	vld [tilespmem:s2+$0xFFFFFF50]  }
.Ltmp2:
0x11f: {  	[tilespmem:s2+$0xFFFFFEF0] =	vst v5;
	v5 =	vmul.f32 v10, v2;
	v4 =	vld [tilespmem:s2+$0xFFFFFF60];
	(pc) =	sbr.rel @p0 .LBB2_7-.Ltmp2, $4  }
0x120: {  	[tilespmem:s2+$0xFFFFFF00] =	vst v3;
	v6 =	vmul.f32 v6, v2;
	v3 =	vld [tilespmem:s2+$0xFFFFFF70]  }
0x121: {  	s11 =	sadd.s32 $0x3, s10;
	v10 =	vmov s10;
	[tilespmem:s2+$0xFFFFFF10] =	vst v5;
	v13 =	vmul.f32 v7, v2;
	v8 =	vld [tilespmem:s2+$0xFFFFFF90]  }
0x122: {  	s12 =	sadd.s32 $0x1, s10;
	v12 =	vand.u32 $0xFFFFFFFC, v10;
	v5 =	vmov s11;
	[tilespmem:s2+$0xFFFFFF20] =	vst v6;
	v10 =	vmul.f32 v11, v2;
	v7 =	vld [tilespmem:s2+$0xFFFFFFA0]  }
0x123: {  	s11 =	sadd.s32 $0x2, s10;
	s10 =	sadd.s32 $0x4, s10;
	v6 =	vbroadcast v12, $0x0;
	v12 =	vmov s12;
	[tilespmem:s2+$0xFFFFFF30] =	vst v13;
	v11 =	vmul.f32 v9, v2;
	v9 =	vld [tilespmem:s2+$0xFFFFFFB0]  }
0x124: {  	v13 =	vld [tilespmem:s2+$0xFFFFFFC0]  }
0x125: {  	v15 =	vld [tilespmem:s2+$0xFFFFFFD0]  }
0x126: {  	v16 =	vld [tilespmem:s2+$0xFFFFFFE0]  }
0x127: {  	v17 =	vld [tilespmem:s2+$0xFFFFFFF0]  }
0x128: {  	v29 =	vld [tilespmem:s2+$0x0];
	[tilespmem:s2+$0xFFFFFF40] =	vst v10;
	v4 =	vmul.f32 v4, v2  }
0x129: {  	v5 =	vld.idx.msk [tilespmem:v5+s31+$0x0], $0xffff;
	[tilespmem:s2+$0xFFFFFF50] =	vst v11;
	v2 =	vmul.f32 v3, v2  }
0x12a: {  	s10 =	sadd.s32 $0x200, s2;
	v3 =	vld.idx.msk [tilespmem:v6+s31+$0x0], $0xffff;
	v8 =	vmul.f32 v8, v1;
	[tilespmem:s2+$0xFFFFFF60] =	vst v4  }
0x12b: {  	v14 =	vmov s11;
	v34 =	vld [tilespmem:s10+$0xFFFFFF80];
	v30 =	vmul.f32 v7, v1;
	[tilespmem:s2+$0xFFFFFF70] =	vst v2  }
0x12c: {  	v14 =	vand.u32 $0xFFFFFFFE, v14;
	v35 =	vld [tilespmem:s10+$0xFFFFFE10];
	[tilespmem:s2+$0xFFFFFF90] =	vst v8;
	v2 =	vmul.f32 v9, v1  }
0x12d: {  	v37 =	vld [tilespmem:s10+$0xFFFFFE20];
	v14 =	vbroadcast v14, $0x0;
	[tilespmem:s2+$0xFFFFFFA0] =	vst v30;
	v33 =	vmul.f32 v13, v1  }
0x12e: {  	v38 =	vld [tilespmem:s10+$0xFFFFFE30];
	[tilespmem:s2+$0xFFFFFFB0] =	vst v2;
	v2 =	vmul.f32 v15, v1  }
0x12f: {  	v12 =	vand.u32 $0xFFFFFFFD, v12;
	v39 =	vld [tilespmem:s10+$0xFFFFFE40];
	v36 =	vmul.f32 v16, v1;
	[tilespmem:s2+$0xFFFFFFC0] =	vst v33  }
0x130: {  	v12 =	vbroadcast v12, $0x0;
	v41 =	vld [tilespmem:s10+$0xFFFFFE60];
	[tilespmem:s9+$0xFFFFFFD0] =	vst v2;
	v2 =	vmul.f32 v17, v1  }
0x131: {  	v43 =	vld [tilespmem:s10+$0xFFFFFE70];
	[tilespmem:s9+$0xFFFFFFE0] =	vst v36;
	v1 =	vmul.f32 v29, v1  }
0x132: {  	v42 =	vmul.f32 v37, v3;
	[tilespmem:s9+$0xFFFFFFF0] =	vst v2;
	v2 =	vld [tilespmem:s10+$0xFFFFFE50]  }
0x133: {  	v32 =	vld.idx.msk [tilespmem:v14+s31+$0x0], $0xffff;
	[tilespmem:s9+$0x0] =	vst v1;
	v1 =	vmul.f32 v35, v3  }
0x134: {  	v44 =	vld [tilespmem:s10+$0xFFFFFE80];
	v4 =	vmul.f32 v39, v3;
	[tilespmem:s10+$0xFFFFFE20] =	vst v42  }
0x135: {  	v45 =	vld [tilespmem:s10+$0xFFFFFE90];
	[tilespmem:s10+$0xFFFFFE10] =	vst v1;
	v1 =	vmul.f32 v38, v3  }
0x136: {  	v46 =	vmul.f32 v41, v3;
	v31 =	vld.idx.msk [tilespmem:v12+s31+$0x0], $0xffff;
	[tilespmem:s10+$0xFFFFFE40] =	vst v4  }
0x137: {  	[tilespmem:s10+$0xFFFFFE30] =	vst v1;
	v1 =	vmul.f32 v2, v3;
	v2 =	vld [tilespmem:s10+$0xFFFFFEA0]  }
0x138: {  	v47 =	vld [tilespmem:s10+$0xFFFFFEB0];
	[tilespmem:s10+$0xFFFFFE60] =	vst v46;
	v40 =	vmul.f32 v34, v32  }
0x139: {  	v48 =	vld [tilespmem:s10+$0xFFFFFEC0];
	[tilespmem:s10+$0xFFFFFE50] =	vst v1;
	v1 =	vmul.f32 v43, v3  }
0x13a: {  	v49 =	vld [tilespmem:s10+$0xFFFFFED0];
	[tilespmem:s10+$0xFFFFFF80] =	vst v40;
	v3 =	vmul.f32 v44, v3  }
0x13b: {  	v50 =	vld [tilespmem:s10+$0xFFFFFEE0];
	[tilespmem:s10+$0xFFFFFE70] =	vst v1;
	v1 =	vmul.f32 v45, v31  }
0x13c: {  	[tilespmem:s10+$0xFFFFFE80] =	vst v3;
	v3 =	vld [tilespmem:s10+$0xFFFFFEF0];
	v2 =	vmul.f32 v2, v31  }
0x13d: {  	v51 =	vld [tilespmem:s10+$0xFFFFFF00];
	[tilespmem:s10+$0xFFFFFE90] =	vst v1;
	v1 =	vmul.f32 v47, v31  }
0x13e: {  	v52 =	vld [tilespmem:s10+$0xFFFFFF10];
	[tilespmem:s10+$0xFFFFFEA0] =	vst v2;
	v2 =	vmul.f32 v48, v31  }
0x13f: {  	v53 =	vld [tilespmem:s10+$0xFFFFFF20];
	[tilespmem:s10+$0xFFFFFEB0] =	vst v1;
	v1 =	vmul.f32 v49, v31  }
0x140: {  	v54 =	vld [tilespmem:s10+$0xFFFFFF30];
	[tilespmem:s10+$0xFFFFFEC0] =	vst v2;
	v2 =	vmul.f32 v50, v31  }
0x141: {  	[tilespmem:s10+$0xFFFFFED0] =	vst v1;
	v1 =	vmul.f32 v3, v31;
	v3 =	vld [tilespmem:s10+$0xFFFFFF40]  }
0x142: {  	v55 =	vld [tilespmem:s10+$0xFFFFFF50];
	[tilespmem:s10+$0xFFFFFEE0] =	vst v2;
	v2 =	vmul.f32 v51, v31  }
0x143: {  	v56 =	vld [tilespmem:s10+$0xFFFFFF60];
	[tilespmem:s10+$0xFFFFFEF0] =	vst v1;
	v1 =	vmul.f32 v52, v32  }
0x144: {  	v57 =	vld [tilespmem:s10+$0xFFFFFF70];
	[tilespmem:s10+$0xFFFFFF00] =	vst v2;
	v2 =	vmul.f32 v53, v32  }
0x145: {  	v58 =	vld [tilespmem:s10+$0xFFFFFF90];
	[tilespmem:s10+$0xFFFFFF10] =	vst v1;
	v1 =	vmul.f32 v54, v32  }
0x146: {  	[tilespmem:s10+$0xFFFFFF20] =	vst v2;
	v2 =	vmul.f32 v3, v32;
	v3 =	vld [tilespmem:s10+$0xFFFFFFA0]  }
0x147: {  	v59 =	vld [tilespmem:s10+$0xFFFFFFB0];
	[tilespmem:s10+$0xFFFFFF30] =	vst v1;
	v1 =	vmul.f32 v55, v32  }
0x148: {  	v60 =	vld [tilespmem:s10+$0xFFFFFFC0];
	[tilespmem:s10+$0xFFFFFF40] =	vst v2;
	v2 =	vmul.f32 v56, v32  }
0x149: {  	p0 =	sgt.u32 s30, $0x4D;
	v61 =	vld [tilespmem:s10+$0xFFFFFFD0];
	[tilespmem:s10+$0xFFFFFF50] =	vst v1;
	v1 =	vmul.f32 v57, v32  }
0x14a: {  	v62 =	vld [tilespmem:s10+$0xFFFFFFE0];
	s2 =	sadd.s32 @!p0 $0x2, s30;
	[tilespmem:s10+$0xFFFFFF60] =	vst v2;
	v2 =	vmul.f32 v58, v5  }
0x14b: {  	s9 =	smul.u32 @!p0 $0xAB, s2;
	[tilespmem:s10+$0xFFFFFF70] =	vst v1;
	v1 =	vmul.f32 v3, v5;
	v3 =	vld [tilespmem:s10+$0xFFFFFFF0]  }
0x14c: {  	v63 =	vld [tilespmem:s10+$0x0];
	[tilespmem:s10+$0xFFFFFF90] =	vst v2;
	v2 =	vmul.f32 v59, v5  }
0x14d: {  	s9 =	sshrl.u32 @!p0 s9, $0x9;
	[tilespmem:s10+$0xFFFFFFA0] =	vst v1;
	v1 =	vmul.f32 v60, v5  }
0x14e: {  	s9 =	sand.u32 @!p0 $0x7F, s9;
	[tilespmem:s10+$0xFFFFFFB0] =	vst v2;
	v2 =	vmul.f32 v61, v5  }
0x14f: {  	s11 =	sadd.s32 @!p0 s13, s2;
	s9 =	smul.u32 @!p0 $0x3, s9;
	[tilespmem:s10+$0xFFFFFFC0] =	vst v1;
	v1 =	vmul.f32 v62, v5  }
0x150: {  	s12 =	sshll.u32 @!p0 s2, $0x4;
	s11 =	sshll.u32 @!p0 s11, $0x4;
	[tilespmem:s10+$0xFFFFFFD0] =	vst v2;
	v2 =	vmul.f32 v3, v5  }
0x151: {  	s2 =	ssub.s32 @!p0 s2, s9;
	s9 =	sand.u32 @!p0 $0xFFFFF80, s11;
	s11 =	sand.u32 @!p0 $0x70, s12;
	[tilespmem:s10+$0xFFFFFFE0] =	vst v1;
	v1 =	vmul.f32 v63, v5  }
0x152: {  	s2 =	sand.u32 @!p0 $0xFF, s2;
	s9 =	sor.u32 @!p0 s11, s9;
	[tilespmem:s10+$0xFFFFFFF0] =	vst v2  }
0x153: {  	s11 =	simm.s32 @!p0 $0x0;
	s2 =	sshll.u32 @!p0 s2, $0x7;
	[tilespmem:s10+$0x0] =	vst v1;
	s10 =	sadd.s32 @!p0 s5, s9  }
0x154: {  	[tilespmem:s2], [sflag:$0x3] =	stream.linear.gather @!p0 [hbm4b:s10+s11], $0x80, $0x38;
	[tilespmem:$0x1C600] =	vst v63  }
0x155: {  	s12 =	sadd.s32 @!p0 s6, s9;
	s10 =	sor.u32 @!p0 $0x200, s2  }
0x156: {  	[tilespmem:s10], [sflag:$0x3] =	stream.linear.gather @!p0 [hbm4b:s12+s11], $0x80, $0x38;
	[tilespmem:$0x1C600] =	vst v63  }
0x157: {  	s30 =	sadd.s32 $0x1, s30;
	s9 =	sadd.s32 @!p0 s7, s9;
	s2 =	sor.u32 @!p0 $0x400, s2  }
0x158: {  	[tilespmem:s2], [sflag:$0x3] =	stream.linear.gather @!p0 [hbm4b:s9+s11], $0x80, $0x38;
	[tilespmem:$0x1C600] =	vst v63  }
0x159: {  	p0 =	sne.s32 s30, $0x50  }
.Ltmp3:
0x15a: {  	_ = 	snop;
	(pc) =	sbr.rel @p0 .LBB2_4-.Ltmp3, $1  }
0x15b: {  	_ =	sdelay $0x3  }
0x15c: {  	s10 =	simm.s32 $0x280;
	s2 =	simm.s32 $0x4600  }
0x15d: {  	[spmem:s3] =	stream.indirect.scatter.add.f32 [tilespmem:s2], [sflag:$0x2], $0x80, s10, s28, $0xb8;
	[tilespmem:$0x1C600] =	vst v63  }
0x15e: {  	s31 =	stileid.u32;
	_ =	swait.ge [sflag:s1], $0x4000  }
0x15f: {  	s9 =	sshrl.u32 s8, $0x3;
	s4 =	sadd.s32 $0x1, s4;
	[sflag:s1] =	ssyncset.done $0x0  }
0x160: {  	s2 =	sshll.u32 s31, $0x6;
	p0 =	sne.s32 s4, s21;
	[sflag:s1] =	ssyncadd.s32 $0xFFFFC000  }
.Ltmp4:
0x161: {  	s2 =	sor.u32 $0x1C04, s2;
	[bflag:$0x0] =	sbarrier.arrive $0xFFFF;
	(pc) =	sbr.rel @p0 .LBB2_1-.Ltmp4, $4  }
0x162: {  	[hbm:s20], [sflag:s2] =	dma.local [spmem:s9], $0x2800  }
0x163: {  	_ =	swait.ge [sflag:s24], $0x2800  }
0x164: {  	[sflag:s24] =	ssyncset.done $0x0  }
0x165: {  	[sflag:s24] =	ssyncadd.s32 $0xFFFFD800  }
0x166: {  	_ =	sfence.sel $0x180000  }
0x167: {  	[bflag:$0x0] =	sbarrier.arrive $0xFFFF  }
0x168: {  	_ =	strace $0x9000004D  }
0x169: {  	s0 =	stileid.u32;
	[bflag:$0x2] =	sbarrier.arrive $0xFFFF  }
0x16a: {  	p0 =	sne.s32 s0, $0x0;
	s0 =	rddreg [dreg:$0x3]  }
0x16b: {  	s0 =	sadd.s32 @!p0 $0x100000, s0  }
0x16c: {  	[sflag:s0] =	ssyncadd.tile.s32 @!p0 $0x1;
	_ =	shalt  }
.Lfunc_end2:
_tile_overlayer_lowered:
.L_overlay_start_2:
0x16d: {  	(tag) =	ssettag $0x2  }
0x16e: {  	s0 =	rddreg [dreg:$0x0];
	s2 =	stileid.u32  }
0x16f: {  	s1 =	rddreg [dreg:$0x1];
	p0 =	sne.s32 s2, $0x0  }
0x170: {  	s3 =	rddreg [dreg:$0x2];
	[bflag:$0x3] =	sbarrier.arrive $0xFFFF;
	s2 =	simm.s32 @!p0 $0x1C04  }
0x171: {  	[timem:s3], [sflag:s2] =	dma.local @!p0 [hbm:s0], s1  }
0x172: {  	s0 =	simm.s32 @!p0 $0x4  }
0x173: {  	_ =	swait.ge @!p0 [sflag:s0], s1  }
0x174: {  	s1 =	ssub.s32 @!p0 $0x0, s1;
	[sflag:s0] =	ssyncset.done @!p0 $0x0  }
0x175: {  	[sflag:s0] =	ssyncadd.s32 @!p0 s1  }
0x176: {  	[bflag:$0x3] =	sbarrier.arrive $0xFFFF  }
0x177: {  	_ =	shalt  }

// kernel: kernel.7.cloned.1.call-start
scs
__scs_entry_jumppad:
0x0: {  	(pc) =	sbr.rel $0x88, $3  }
0x1: {  	(tag) =	ssettag $0x0;
	lr =	simm.s32 $0x1  }
0x2: {  	[smem:$0x3F9A] =	sst lr;
	_ =	strace $0xD0000000  }
0x3: {  	_ = 	snop  }
0x4: {  	_ = 	snop  }
0x5: {  	_ = 	snop  }
0x6: {  	_ = 	snop  }
0x7: {  	_ = 	snop  }
__scs_overlays_trampoline_lowered:
0x8: {  	[smem:$0x3FA9] =	sst s0  }
0x9: {  	[smem:$0x3FAA] =	sst s1  }
0xa: {  	[smem:$0x3FAB] =	sst s2  }
0xb: {  	[smem:$0x3FAC] =	sst s3  }
0xc: {  	[smem:$0x3FAD] =	sst s4  }
0xd: {  	[smem:$0x3FAE] =	sst s5  }
0xe: {  	[smem:$0x3FAF] =	sst s6  }
0xf: {  	[smem:$0x3FB0] =	sst s7  }
0x10: {  	[smem:$0x3FB1] =	sst s8  }
0x11: {  	[smem:$0x3FB2] =	sst s9;
	s0 =	simm.s32 @!p0 $0x0  }
0x12: {  	s1 =	sld [smem:$0x3F98];
	s0 =	simm.s32 @p0 $0x1  }
0x13: {  	[smem:$0x3FB3] =	sst s0;
	s0 =	simm.s32 @!p1 $0x0  }
0x14: {  	s2 =	sld [smem:$0x3F97];
	s0 =	simm.s32 @p1 $0x1  }
0x15: {  	[smem:$0x3FB4] =	sst s0;
	s0 =	simm.s32 @!p2 $0x0  }
0x16: {  	s3 =	sld [smem:$0x3FDB];
	s0 =	simm.s32 @p2 $0x1  }
0x17: {  	s4 =	simm.s32 $0x1BF5;
	[smem:$0x3FB6] =	sst s0  }
0x18: {  	s0 =	sld [smem:$0x3F99];
	_ =	swait.ge [sflag:s4], $0x0  }
0x19: {  	s7 =	sld [smem:$0x3F9A]  }
0x1a: {  	s8 =	sadd.s32 $0xFFFFE003, lr  }
0x1b: {  	s9 =	sadd.s32 $0xFFFFFEF7, lr;
	s5 =	simm.s32 $0xFFFFFFFF;
	p2 =	slt.u32 s8, $0xFFFFF086  }
0x1c: {  	p1 =	slt.u32 s9, $0xF7A;
	s5 =	simm.s32 @!p2 $0x0  }
0x1d: {  	s5 =	simm.s32 @p1 $0x1;
	p0 =	seq.s32 s7, s2  }
0x1e: {  	s7 =	smul.u32 @!p0 $0xF7A, s2;
	p2 =	seq.s32 @!p0 s5, $0x0  }
0x1f: {  	s9 =	smul.u32 $0xF7A, s1;
	s8 =	simm.s32 @!p0 $0x1BF5;
	p2 =	por !p2, p0  }
0x20: {  	[sflag:s8] =	ssyncset.s32 @!p0 $0xFFFFF086;
	s6 =	sadd.s32 @!p0 s3, s7;
	s7 =	simm.s32 @!p0 $0x108  }
0x21: {  	s3 =	sadd.s32 s3, s9;
	s6 =	sadd.s32 @!p0 $0x88, s6;
	s7 =	simm.s32 @p2 $0x1082  }
0x22: {  	[simem:s7], [sflag:s8] =	dma.local @!p0 [hbm:s6], $0xF7A  }
0x23: {  	s9 =	sor.u32 $0xD0000000, s2;
	s6 =	simm.s32 $0x108;
	_ =	swait.ge @!p0 [sflag:s8], $0x0  }
0x24: {  	s3 =	sadd.s32 $0x88, s3;
	s6 =	simm.s32 @!p1 $0x1082;
	[sflag:s4] =	ssyncset.s32 $0xFFFFF086  }
0x25: {  	[simem:s6], [sflag:s4] =	dma.local [hbm:s3], $0xF7A  }
0x26: {  	[smem:$0x3F9A] =	sst s1;
	(tag) =	ssettag s2;
	_ =	strace s9  }
0x27: {  	s1 =	sld [smem:$0x3FAA]  }
0x28: {  	s2 =	sld [smem:$0x3FAB]  }
0x29: {  	s4 =	sld [smem:$0x3FAD]  }
0x2a: {  	p0 =	seq.s32 s5, $0x0;
	s5 =	sld [smem:$0x3FAE]  }
0x2b: {  	s6 =	sld [smem:$0x3FAF]  }
0x2c: {  	s7 =	sld [smem:$0x3FB0]  }
0x2d: {  	s3 =	simm.s32 $0x108;
	s8 =	sld [smem:$0x3FB1]  }
0x2e: {  	s3 =	simm.s32 @!p0 $0x1082;
	s9 =	sld [smem:$0x3FB2]  }
0x2f: {  	lr =	sadd.s32 s0, s3;
	s0 =	sld [smem:$0x3FA9]  }
0x30: {  	s3 =	sld [smem:$0x3FAC]  }
0x31: {  	[smem:$0x3FB5] =	sst s10  }
0x32: {  	s10 =	sld [smem:$0x3FB3];
	_ =	sdelay $0x3  }
0x33: {  	p0 =	seq.s32 s10, $0x1;
	s10 =	sld [smem:$0x3FB5];
	_ =	sdelay $0x3  }
0x34: {  	[smem:$0x3FB5] =	sst s10  }
0x35: {  	s10 =	sld [smem:$0x3FB4];
	_ =	sdelay $0x3  }
0x36: {  	p1 =	seq.s32 s10, $0x1;
	s10 =	sld [smem:$0x3FB5];
	_ =	sdelay $0x3  }
0x37: {  	[smem:$0x3FB5] =	sst s10  }
0x38: {  	s10 =	sld [smem:$0x3FB6]  }
0x39: {  	_ = 	snop;
	(pc) =	sbr.ind lr, $3  }
0x3a: {  	_ = 	snop  }
0x3b: {  	_ = 	snop  }
0x3c: {  	p2 =	seq.s32 s10, $0x1;
	s10 =	sld [smem:$0x3FB5]  }
0x3d: {  	_ =	shalt  }
0x3e: {  	_ =	shalt  }
0x3f: {  	_ =	shalt  }
0x40: {  	_ =	shalt  }
0x41: {  	_ =	shalt  }
0x42: {  	_ =	shalt  }
0x43: {  	_ =	shalt  }
0x44: {  	_ =	shalt  }
0x45: {  	_ =	shalt  }
0x46: {  	_ =	shalt  }
0x47: {  	_ =	shalt  }
0x48: {  	_ =	shalt  }
0x49: {  	_ =	shalt  }
0x4a: {  	_ =	shalt  }
0x4b: {  	_ =	shalt  }
0x4c: {  	_ =	shalt  }
0x4d: {  	_ =	shalt  }
0x4e: {  	_ =	shalt  }
0x4f: {  	_ =	shalt  }
0x50: {  	_ =	shalt  }
0x51: {  	_ =	shalt  }
0x52: {  	_ =	shalt  }
0x53: {  	_ =	shalt  }
0x54: {  	_ =	shalt  }
0x55: {  	_ =	shalt  }
0x56: {  	_ =	shalt  }
0x57: {  	_ =	shalt  }
0x58: {  	_ =	shalt  }
0x59: {  	_ =	shalt  }
0x5a: {  	_ =	shalt  }
0x5b: {  	_ =	shalt  }
0x5c: {  	_ =	shalt  }
0x5d: {  	_ =	shalt  }
0x5e: {  	_ =	shalt  }
0x5f: {  	_ =	shalt  }
0x60: {  	_ =	shalt  }
0x61: {  	_ =	shalt  }
0x62: {  	_ =	shalt  }
0x63: {  	_ =	shalt  }
0x64: {  	_ =	shalt  }
0x65: {  	_ =	shalt  }
0x66: {  	_ =	shalt  }
0x67: {  	_ =	shalt  }
0x68: {  	_ =	shalt  }
0x69: {  	_ =	shalt  }
0x6a: {  	_ =	shalt  }
0x6b: {  	_ =	shalt  }
0x6c: {  	_ =	shalt  }
0x6d: {  	_ =	shalt  }
0x6e: {  	_ =	shalt  }
0x6f: {  	_ =	shalt  }
0x70: {  	_ =	shalt  }
0x71: {  	_ =	shalt  }
0x72: {  	_ =	shalt  }
0x73: {  	_ =	shalt  }
0x74: {  	_ =	shalt  }
0x75: {  	_ =	shalt  }
0x76: {  	_ =	shalt  }
0x77: {  	_ =	shalt  }
0x78: {  	_ =	shalt  }
0x79: {  	_ =	shalt  }
0x7a: {  	_ =	shalt  }
0x7b: {  	_ =	shalt  }
0x7c: {  	_ =	shalt  }
0x7d: {  	_ =	shalt  }
0x7e: {  	_ =	shalt  }
0x7f: {  	_ =	shalt  }
0x80: {  	_ =	shalt  }
0x81: {  	_ =	shalt  }
0x82: {  	_ =	shalt  }
0x83: {  	_ =	shalt  }
0x84: {  	_ =	shalt  }
0x85: {  	_ =	shalt  }
0x86: {  	_ =	shalt  }
0x87: {  	_ =	shalt  }
.Lfunc_end0:
.L_simem_size_0:
called_computation_lowered:
.L_overlay_start_0:
0x88: {  	s2 =	sld [smem:$0x3FD9]  }
0x89: {  	s3 =	sld [smem:$0x3FFE];
	_ =	sdelay $0x1  }
0x8a: {  	s1 =	srdreg.scid  }
0x8b: {  	s0 =	sand.u32 $0x1, s1  }
0x8c: {  	s17 =	sshll.u32 s0, $0xA;
	s2 =	sadd.s32 s3, s2  }
0x8d: {  	s2 =	sadd.s32 s2, s17  }
0x8e: {  	[smem:$0x3FC1] =	sst s2  }
0x8f: {  	_ = 	snop  }
0x90: {  	s2 =	sld [smem:$0x3FD0];
	(tm) =	ssettm $0x1  }
0x91: {  	s18 =	sld [smem:$0x3FFB];
	_ =	sdelay $0x3  }
0x92: {  	_ =	strace s18  }
0x93: {  	s3 =	sld [smem:$0x3FFC];
	_ =	sdelay $0x3  }
0x94: {  	_ =	strace s3  }
0x95: {  	s3 =	sld [smem:$0x3FFD];
	_ =	sdelay $0x3  }
0x96: {  	_ =	strace s3  }
0x97: {  	_ =	strace $0x8FFFFFFF  }
0x98: {  	s19 =	sld [smem:$0x3FDB];
	_ =	sdelay $0x1  }
0x99: {  	s4 =	simm.s32 $_scs_section_size  }
0x9a: {  	s5 =	simm.s32 $_size__tile_overlayer_lowered;
	s6 =	simm.s32 $_tile_overlayer_lowered  }
0x9b: {  	s22 =	simm.s32 $0x1BFF;
	s21 =	sshll.u32 s6, $0x1;
	s3 =	sadd.s32 s4, s19  }
0x9c: {  	s7 =	simm.s32 $0x0;
	s20 =	sshll.u32 s5, $0x1;
	s5 =	sadd.s32 s21, s3  }
0x9d: {  	[timem:s7], [sflag:s22] =	dma.local [hbm:s5], s20  }
0x9e: {  	_ =	swait.ge [sflag:s22], s20  }
0x9f: {  	s4 =	ssub.s32 $0x0, s20;
	[sflag:s22] =	ssyncset.done $0x0  }
0xa0: {  	[sflag:s22] =	ssyncadd.s32 s4;
	_ =	sdelay $0x1  }
0xa1: {  	s23 =	simm.s32 $0x1B8B  }
0xa2: {  	_ =	swait.ge [sflag:s23], $0x1  }
0xa3: {  	[sflag:s23] =	ssyncset.done $0x0  }
0xa4: {  	s25 =	simm.s32 $0x1B8E;
	s24 =	sld [smem:$0x3FFE];
	[sflag:s23] =	ssyncadd.s32 $0xFFFFFFFF  }
0xa5: {  	s26 =	simm.s32 $execute0_lowered;
	[smem:$0x3FD2] =	sst s25  }
0xa6: {  	s5 =	sshll.u32 s26, $0x1;
	_ =	strace $0x80000046;
	[dreg:$0x1] =	wrdreg $0xFFFFFFFF  }
0xa7: {  	s28 =	simm.s32 $_size_execute0_lowered;
	s3 =	sadd.s32 s3, s5;
	[dreg:$0x0] =	wrdreg $0x0  }
0xa8: {  	s5 =	sshll.u32 s28, $0x1;
	[dreg:$0x2] =	wrdreg s3  }
0xa9: {  	[dreg:$0x3] =	wrdreg s5  }
0xaa: {  	[dreg:$0x4] =	wrdreg $0xC0  }
0xab: {  	_ =	task [dreg:s7], $0x5FFFF  }
0xac: {  	[dreg:$0x1] =	wrdreg $0xFFFFFFFF  }
0xad: {  	[dreg:$0x0] =	wrdreg $0x60  }
0xae: {  	[dreg:$0x2] =	wrdreg s24  }
0xaf: {  	[dreg:$0x3] =	wrdreg s2  }
0xb0: {  	[dreg:$0x4] =	wrdreg $0x16C000  }
0xb1: {  	[dreg:$0x5] =	wrdreg $0x9  }
0xb2: {  	_ =	task.clear_ibuf [dreg:s7], $0x6FFFF;
	_ =	strace $0x90000046  }
0xb3: {  	s29 =	simm.s32 $0x9;
	_ =	strace $0x80000048  }
0xb4: {  	_ =	swait.ge [sflag:s29], $0x1  }
0xb5: {  	[sflag:s29] =	ssyncadd.s32 $0xFFFFFFFF  }
0xb6: {  	_ =	strace $0x90000048  }
0xb7: {  	_ =	sfence  }
0xb8: {  	s30 =	sld [smem:$0x0];
	_ =	sdelay $0x2  }
0xb9: {  	s31 =	sshll.u32 s1, $0xD;
	s1 =	sshrl.u32 s1, $0x2  }
0xba: {  	s3 =	sand.u32 $0x4000, s31;
	s1 =	sadd.s32 s1, s30  }
0xbb: {  	s0 =	sor.u32 s3, s0;
	s1 =	sshll.u32 s1, $0x11  }
0xbc: {  	s0 =	sor.u32 s1, s0  }
0xbd: {  	s0 =	sadd.s32 $0x8F2B, s0  }
0xbe: {  	[sflag:s0] =	ssyncadd.remote.s32 $0x1  }
0xbf: {  	_ =	sfence.sel $0xFFFF  }
0xc0: {  	[dreg:$0x0] =	wrdreg $0xFFFFFFFF;
	(pc) =	sbr.abs _section_cstart, $3  }
0xc1: {  	[dreg:$0x1] =	wrdreg $0xFFFFFFFF  }
0xc2: {  	_ =	task.clear_ibuf [dreg:s7], $0x2FFFF;
	_ =	strace $0x9FFFFFFF  }
0xc3: {  	(tm) =	ssettm $0x7FFFFFFF  }
tec
execute0_lowered:
.L_overlay_start_1:
0x0: {  	(tag) =	ssettag $0x1  }
0x1: {  	s0 =	rddreg [dreg:$0x0]  }
0x2: {  	s2 =	rddreg [dreg:$0x1]  }
0x3: {  	s1 =	rddreg [dreg:$0x2]  }
0x4: {  	s3 =	srdreg.scid;
	s6 =	stileid.u32  }
0x5: {  	s17 =	simm.s32 $0x2;
	s19 =	simm.s32 $0x14100;
	s20 =	simm.s32 $0x14180  }
0x6: {  	s21 =	simm.s32 $0x14200;
	s22 =	simm.s32 $0x5000;
	s23 =	simm.s32 $0x80  }
0x7: {  	s28 =	simm.s32 $0xC800;
	s29 =	simm.s32 $0xF000;
	s30 =	simm.s32 $0x11800  }
0x8: {  	s31 =	simm.s32 $0x0;
	s4 =	sand.u32 $0x1, s3;
	s3 =	simm.s32 $0x0  }
0x9: {  	s10 =	smul.u32 $0xA00, s6;
	s12 =	sadd.s32 $0x1600, s0;
	s5 =	sshll.u32 s4, $0x4  }
0xa: {  	[smem:$0x7FF] =	sst s3;
	s24 =	ssub.s32 $0x2, s4;
	s5 =	sor.u32 s6, s5  }
0xb: {  	_ =	strace $0x80000047;
	s25 =	sshrl.u32 s10, $0x2;
	s26 =	sshrl.u32 s24, $0x1  }
0xc: {  	s9 =	sadd.s32 s12, s10;
	s10 =	sadd.s32 s2, s10;
	s13 =	smul.u32 $0x500, s5  }
0xd: {  	s4 =	sadd.s32 s25, s1;
	s15 =	ssub.s32 s24, s26;
	s24 =	simm.s32 $0x1  }
0xe: {  	s25 =	simm.s32 $0x14400;
	s26 =	simm.s32 $0xA000;
	s5 =	sadd.s32 $0x80, s4  }
0xf: {  	s6 =	sadd.s32 $0x100, s4;
	s7 =	sadd.s32 $0x180, s4;
	s8 =	sadd.s32 $0x200, s4  }
0x10: {  	s15 =	smax.u32 s15, $0x1;
	s0 =	sadd.s32 s13, s0;
	s12 =	sadd.s32 s12, s13  }
0x11: {  	v0 =	vimm.f32 $0.0e+00;
	s13 =	sadd.s32 s2, s13;
	s11 =	sadd.s32 $0xB600, s0;
	s14 =	sadd.s32 $0x15600, s0  }
.LBB2_1:
0x12: {  	[tilespmem:$0x14000] =	vst v0  }
0x13: {  	[tilespmem:$0x14010] =	vst v0  }
0x14: {  	[tilespmem:$0x14020] =	vst v0  }
0x15: {  	[tilespmem:$0x14030] =	vst v0  }
0x16: {  	[tilespmem:$0x14040] =	vst v0  }
0x17: {  	[tilespmem:$0x14050] =	vst v0  }
0x18: {  	[tilespmem:$0x14060] =	vst v0  }
0x19: {  	[tilespmem:$0x14070] =	vst v0  }
0x1a: {  	[tilespmem:$0x14080] =	vst v0  }
0x1b: {  	[tilespmem:$0x14090] =	vst v0  }
0x1c: {  	[tilespmem:$0x140A0] =	vst v0  }
0x1d: {  	[tilespmem:$0x140B0] =	vst v0  }
0x1e: {  	[tilespmem:$0x140C0] =	vst v0  }
0x1f: {  	[tilespmem:$0x140D0] =	vst v0  }
0x20: {  	[tilespmem:$0x140E0] =	vst v0  }
0x21: {  	[tilespmem:$0x140F0] =	vst v0  }
0x22: {  	[tilespmem:$0x14100] =	vst v0  }
0x23: {  	[tilespmem:$0x14110] =	vst v0  }
0x24: {  	[tilespmem:$0x14120] =	vst v0  }
0x25: {  	[tilespmem:$0x14130] =	vst v0  }
0x26: {  	[tilespmem:$0x14140] =	vst v0  }
0x27: {  	[tilespmem:$0x14150] =	vst v0  }
0x28: {  	[tilespmem:$0x14160] =	vst v0  }
0x29: {  	[tilespmem:$0x14170] =	vst v0  }
0x2a: {  	[tilespmem:$0x14180] =	vst v0  }
0x2b: {  	[tilespmem:$0x14190] =	vst v0  }
0x2c: {  	[tilespmem:$0x141A0] =	vst v0  }
0x2d: {  	[tilespmem:$0x141B0] =	vst v0  }
0x2e: {  	[tilespmem:$0x141C0] =	vst v0  }
0x2f: {  	[tilespmem:$0x141D0] =	vst v0  }
0x30: {  	[tilespmem:$0x141E0] =	vst v0  }
0x31: {  	[tilespmem:$0x141F0] =	vst v0  }
0x32: {  	[tilespmem:$0x14200] =	vst v0  }
0x33: {  	[tilespmem:$0x14210] =	vst v0  }
0x34: {  	[tilespmem:$0x14220] =	vst v0  }
0x35: {  	[tilespmem:$0x14230] =	vst v0  }
0x36: {  	[tilespmem:$0x14240] =	vst v0  }
0x37: {  	[tilespmem:$0x14250] =	vst v0  }
0x38: {  	[tilespmem:$0x14260] =	vst v0  }
0x39: {  	[tilespmem:$0x14270] =	vst v0;
	s0 =	simm.s32 $0x14000  }
0x3a: {  	[spmem:s4] =	stream.linear.scatter [tilespmem:s0], [sflag:$0x2], $0x80, $0x38;
	[tilespmem:$0x16E80] =	vst v63  }
0x3b: {  	_ =	swait.ge [sflag:s17], $0x80  }
0x3c: {  	[sflag:s17] =	ssyncset.done $0x0  }
0x3d: {  	s18 =	simm.s32 $0x14080;
	[sflag:s17] =	ssyncadd.s32 $0xFFFFFF80  }
0x3e: {  	[spmem:s5] =	stream.linear.scatter [tilespmem:s18], [sflag:$0x2], $0x80, $0x38;
	[tilespmem:$0x16E80] =	vst v63  }
0x3f: {  	_ =	swait.ge [sflag:s17], $0x80  }
0x40: {  	[sflag:s17] =	ssyncset.done $0x0  }
0x41: {  	[sflag:s17] =	ssyncadd.s32 $0xFFFFFF80  }
0x42: {  	[spmem:s6] =	stream.linear.scatter [tilespmem:s19], [sflag:$0x2], $0x80, $0x38;
	[tilespmem:$0x16E80] =	vst v63  }
0x43: {  	_ =	swait.ge [sflag:s17], $0x80  }
0x44: {  	[sflag:s17] =	ssyncset.done $0x0  }
0x45: {  	[sflag:s17] =	ssyncadd.s32 $0xFFFFFF80  }
0x46: {  	[spmem:s7] =	stream.linear.scatter [tilespmem:s20], [sflag:$0x2], $0x80, $0x38;
	[tilespmem:$0x16E80] =	vst v63  }
0x47: {  	_ =	swait.ge [sflag:s17], $0x80  }
0x48: {  	[sflag:s17] =	ssyncset.done $0x0  }
0x49: {  	[sflag:s17] =	ssyncadd.s32 $0xFFFFFF80  }
0x4a: {  	[spmem:s8] =	stream.linear.scatter [tilespmem:s21], [sflag:$0x2], $0x80, $0x38;
	[tilespmem:$0x16E80] =	vst v63  }
0x4b: {  	_ =	swait.ge [sflag:s17], $0x80  }
0x4c: {  	[sflag:s17] =	ssyncset.done $0x0  }
0x4d: {  	[sflag:s17] =	ssyncadd.s32 $0xFFFFFF80  }
0x4e: {  	[bflag:$0x0] =	sbarrier.arrive $0xFFFF  }
0x4f: {  	[tilespmem:s3], [sflag:$0x2] =	stream.linear.gather [hbm4b:s9+s3], $0x5000, $0x38;
	[tilespmem:$0x16E80] =	vst v63  }
0x50: {  	_ =	swait.ge [sflag:s17], $0x5000  }
0x51: {  	[sflag:s17] =	ssyncset.done $0x0  }
0x52: {  	[sflag:s17] =	ssyncadd.s32 $0xFFFFB000  }
0x53: {  	[tilespmem:s22], [sflag:$0x2] =	stream.linear.gather [hbm4b:s10+s3], $0x5000, $0x38;
	[tilespmem:$0x16E80] =	vst v63  }
0x54: {  	_ =	swait.ge [sflag:s17], $0x5000  }
0x55: {  	[sflag:s17] =	ssyncset.done $0x0  }
0x56: {  	s0 =	simm.s32 $0x0;
	[sflag:s17] =	ssyncadd.s32 $0xFFFFB000  }
.LBB2_2:
0x57: {  	p0 =	sne.s32 s0, $0x13E00  }
.Ltmp0:
0x58: {  	_ = 	snop;
	(pc) =	sbr.rel @p0 .LBB2_2-.Ltmp0, $4  }
0x59: {  	_ = 	snop  }
0x5a: {  	s2 =	sshra.s32 s0, $0x2  }
0x5b: {  	s0 =	sadd.s32 $0x200, s0;
	s16 =	sadd.s32 $0x5000, s2  }
0x5c: {  	[spmem:s1] =	stream.indirect.scatter.add.f32 [tilespmem:s16], [sflag:$0x1], $0x1, s2, s23, $0xb8;
	[tilespmem:$0x16E80] =	vst v63  }
0x5d: {  	_ =	swait.ge [sflag:s24], $0x80  }
0x5e: {  	s0 =	simm.s32 $0x9F;
	[sflag:s24] =	ssyncset.done $0x0  }
.LBB2_4:
0x5f: {  	p0 =	sne.s32 s0, $0x1;
	s0 =	sadd.s32 $0xFFFFFFFF, s0;
	[sflag:s24] =	ssyncadd.s32 $0xFFFFFF80  }
.Ltmp1:
0x60: {  	(pc) =	sbr.rel @p0 .LBB2_4-.Ltmp1, $3  }
0x61: {  	_ =	sdelay $0x1  }
0x62: {  	_ =	swait.ge [sflag:s24], $0x80  }
0x63: {  	[sflag:s24] =	ssyncset.done $0x0  }
0x64: {  	[sflag:s24] =	ssyncadd.s32 $0xFFFFFF80  }
0x65: {  	[bflag:$0x0] =	sbarrier.arrive $0xFFFF  }
0x66: {  	[tilespmem:s25], [sflag:$0x2] =	stream.linear.gather [spmem:s4], $0x280, $0x38;
	[tilespmem:$0x16E80] =	vst v63  }
0x67: {  	_ =	swait.ge [sflag:s17], $0x280  }
0x68: {  	[sflag:s17] =	ssyncset.done $0x0  }
0x69: {  	s0 =	simm.s32 $0x0;
	s2 =	simm.s32 $0x40;
	[sflag:s17] =	ssyncadd.s32 $0xFFFFFD80  }
.LBB2_6:
0x6a: {  	p0 =	sne.s32 s2, $0x9C0;
	v1 =	vld [tilespmem:s0+$0x14400];
	_ =	sdelay $0x4  }
0x6b: {  	v2 =	vshra.s32 v1, $0x1;
	v3 =	vmul.f32 $5.000000000e-01, v1  }
0x6c: {  	v2 =	vsub.s32 $0x5F3759DF, v2  }
0x6d: {  	v4 =	vmul.f32 v2, v3;
	_ =	sdelay $0x1  }
0x6e: {  	v4 =	vmul.f32 v2, v4;
	_ =	sdelay $0x1  }
0x6f: {  	v4 =	vsub.f32 $1.500000000e+00, v4;
	_ =	sdelay $0x1  }
0x70: {  	v2 =	vmul.f32 v2, v4;
	_ =	sdelay $0x1  }
0x71: {  	v4 =	vmul.f32 v2, v3;
	_ =	sdelay $0x1  }
0x72: {  	v4 =	vmul.f32 v4, v2;
	_ =	sdelay $0x1  }
0x73: {  	v4 =	vsub.f32 $1.500000000e+00, v4;
	_ =	sdelay $0x1  }
0x74: {  	v2 =	vmul.f32 v4, v2;
	_ =	sdelay $0x1  }
0x75: {  	v3 =	vmul.f32 v2, v3;
	_ =	sdelay $0x1  }
0x76: {  	v3 =	vmul.f32 v3, v2;
	_ =	sdelay $0x1  }
0x77: {  	v3 =	vsub.f32 $1.500000000e+00, v3  }
.Ltmp2:
0x78: {  	(pc) =	sbr.rel @p0 .LBB2_6-.Ltmp2, $4  }
0x79: {  	v2 =	vmul.f32 v3, v2  }
0x7a: {  	vm0 =	vgt.f32 v1, $0.0e+00  }
0x7b: {  	v1 =	vnsel vm0, $0x0, v2  }
0x7c: {  	[tilespmem:s0+$0x14400] =	vst v1;
	s0 =	sshra.s32 s2, $0x2;
	s2 =	sadd.s32 $0x40, s2  }
0x7d: {  	v1 =	vld [tilespmem:s0+$0x14400];
	_ =	sdelay $0x4  }
0x7e: {  	v2 =	vshra.s32 v1, $0x1;
	v3 =	vmul.f32 $5.000000000e-01, v1  }
0x7f: {  	v2 =	vsub.s32 $0x5F3759DF, v2  }
0x80: {  	v4 =	vmul.f32 v2, v3;
	_ =	sdelay $0x1  }
0x81: {  	v4 =	vmul.f32 v2, v4;
	_ =	sdelay $0x1  }
0x82: {  	v4 =	vsub.f32 $1.500000000e+00, v4;
	_ =	sdelay $0x1  }
0x83: {  	v2 =	vmul.f32 v2, v4;
	_ =	sdelay $0x1  }
0x84: {  	v4 =	vmul.f32 v2, v3;
	_ =	sdelay $0x1  }
0x85: {  	v4 =	vmul.f32 v4, v2;
	_ =	sdelay $0x1  }
0x86: {  	v4 =	vsub.f32 $1.500000000e+00, v4;
	_ =	sdelay $0x1  }
0x87: {  	v2 =	vmul.f32 v4, v2;
	_ =	sdelay $0x1  }
0x88: {  	v3 =	vmul.f32 v2, v3;
	_ =	sdelay $0x1  }
0x89: {  	v3 =	vmul.f32 v3, v2;
	_ =	sdelay $0x1  }
0x8a: {  	v3 =	vsub.f32 $1.500000000e+00, v3;
	_ =	sdelay $0x1  }
0x8b: {  	v2 =	vmul.f32 v3, v2  }
0x8c: {  	vm0 =	vgt.f32 v1, $0.0e+00  }
0x8d: {  	v1 =	vnsel vm0, $0x0, v2  }
0x8e: {  	[tilespmem:s0+$0x14400] =	vst v1  }
0x8f: {  	[spmem:s4] =	stream.linear.scatter [tilespmem:s25], [sflag:$0x2], $0x280, $0x38;
	[tilespmem:$0x16E80] =	vst v63  }
0x90: {  	_ =	swait.ge [sflag:s17], $0x280  }
0x91: {  	[sflag:s17] =	ssyncset.done $0x0  }
0x92: {  	[sflag:s17] =	ssyncadd.s32 $0xFFFFFD80  }
0x93: {  	[bflag:$0x0] =	sbarrier.arrive $0xFFFF  }
0x94: {  	[tilespmem:s25], [sflag:$0x2] =	stream.linear.gather [spmem:s1], $0x2800, $0x38;
	[tilespmem:$0x16E80] =	vst v63  }
0x95: {  	_ =	swait.ge [sflag:s17], $0x2800  }
0x96: {  	[sflag:s17] =	ssyncset.done $0x0  }
0x97: {  	s18 =	simm.s32 $0x0;
	[sflag:s17] =	ssyncadd.s32 $0xFFFFD800  }
0x98: {  	[tilespmem:s26], [sflag:$0x2] =	stream.linear.gather [hbm4b:s11+s18], $0x2800, $0x38;
	[tilespmem:$0x16E80] =	vst v63  }
0x99: {  	_ =	swait.ge [sflag:s17], $0x2800  }
0x9a: {  	[sflag:s17] =	ssyncset.done $0x0  }
0x9b: {  	[sflag:s17] =	ssyncadd.s32 $0xFFFFD800  }
0x9c: {  	[tilespmem:s28], [sflag:$0x2] =	stream.linear.gather [hbm4b:s12+s18], $0x2800, $0x38;
	[tilespmem:$0x16E80] =	vst v63  }
0x9d: {  	_ =	swait.ge [sflag:s17], $0x2800  }
0x9e: {  	[sflag:s17] =	ssyncset.done $0x0  }
0x9f: {  	[sflag:s17] =	ssyncadd.s32 $0xFFFFD800  }
0xa0: {  	[tilespmem:s29], [sflag:$0x2] =	stream.linear.gather [hbm4b:s13+s18], $0x2800, $0x38;
	[tilespmem:$0x16E80] =	vst v63  }
0xa1: {  	_ =	swait.ge [sflag:s17], $0x2800  }
0xa2: {  	[sflag:s17] =	ssyncset.done $0x0  }
0xa3: {  	s0 =	simm.s32 $0x0;
	[sflag:s17] =	ssyncadd.s32 $0xFFFFD800  }
0xa4: {  	v1 =	vld [tilespmem:s0+$0xA000];
	_ =	sdelay $0x1  }
0xa5: {  	v2 =	vld [tilespmem:s0+$0xC800];
	_ =	sdelay $0x4  }
0xa6: {  	v3 =	vld [tilespmem:s0+$0xF000]  }
0xa7: {  	v1 =	vld.idx.msk [tilespmem:v1+s25+$0x0], $0xffff  }
0xa8: {  	v4 =	vld [tilespmem:s0+$0xA010]  }
0xa9: {  	v2 =	vld.idx.msk [tilespmem:v2+s25+$0x0], $0xffff  }
0xaa: {  	v5 =	vld [tilespmem:s0+$0xC810];
	_ =	sdelay $0x1  }
0xab: {  	v1 =	vmul.f32 v3, v1;
	_ =	sdelay $0x1  }
0xac: {  	v1 =	vmul.f32 v1, v2;
	_ =	sdelay $0x1  }
0xad: {  	v2 =	vld [tilespmem:s0+$0xF010];
	[tilespmem:s0+$0x11800] =	vst v1  }
0xae: {  	v1 =	vld.idx.msk [tilespmem:v4+s25+$0x0], $0xffff  }
0xaf: {  	v3 =	vld.idx.msk [tilespmem:v5+s25+$0x0], $0xffff  }
0xb0: {  	v4 =	vld [tilespmem:s0+$0xA020]  }
0xb1: {  	v5 =	vld [tilespmem:s0+$0xC820];
	_ =	sdelay $0x1  }
0xb2: {  	v1 =	vmul.f32 v2, v1;
	_ =	sdelay $0x1  }
0xb3: {  	v1 =	vmul.f32 v1, v3;
	_ =	sdelay $0x1  }
0xb4: {  	v2 =	vld [tilespmem:s0+$0xF020];
	[tilespmem:s0+$0x11810] =	vst v1  }
0xb5: {  	v1 =	vld.idx.msk [tilespmem:v4+s25+$0x0], $0xffff  }
0xb6: {  	v3 =	vld.idx.msk [tilespmem:v5+s25+$0x0], $0xffff  }
0xb7: {  	v4 =	vld [tilespmem:s0+$0xA030]  }
0xb8: {  	v5 =	vld [tilespmem:s0+$0xC830];
	_ =	sdelay $0x1  }
0xb9: {  	v1 =	vmul.f32 v2, v1;
	_ =	sdelay $0x1  }
0xba: {  	v1 =	vmul.f32 v1, v3;
	_ =	sdelay $0x1  }
0xbb: {  	v2 =	vld [tilespmem:s0+$0xF030];
	[tilespmem:s0+$0x11820] =	vst v1  }
0xbc: {  	v1 =	vld.idx.msk [tilespmem:v4+s25+$0x0], $0xffff  }
0xbd: {  	v3 =	vld.idx.msk [tilespmem:v5+s25+$0x0], $0xffff  }
0xbe: {  	v4 =	vld [tilespmem:s0+$0xA040]  }
0xbf: {  	v5 =	vld [tilespmem:s0+$0xC840];
	_ =	sdelay $0x1  }
0xc0: {  	v1 =	vmul.f32 v2, v1;
	_ =	sdelay $0x1  }
0xc1: {  	v1 =	vmul.f32 v1, v3;
	_ =	sdelay $0x1  }
0xc2: {  	v2 =	vld [tilespmem:s0+$0xF040];
	[tilespmem:s0+$0x11830] =	vst v1  }
0xc3: {  	v1 =	vld.idx.msk [tilespmem:v4+s25+$0x0], $0xffff  }
0xc4: {  	v3 =	vld.idx.msk [tilespmem:v5+s25+$0x0], $0xffff  }
0xc5: {  	v4 =	vld [tilespmem:s0+$0xA050]  }
0xc6: {  	v5 =	vld [tilespmem:s0+$0xC850];
	_ =	sdelay $0x1  }
0xc7: {  	v1 =	vmul.f32 v2, v1;
	_ =	sdelay $0x1  }
0xc8: {  	v1 =	vmul.f32 v1, v3;
	_ =	sdelay $0x1  }
0xc9: {  	[tilespmem:s0+$0x11840] =	vst v1;
	v1 =	vld [tilespmem:s0+$0xF050]  }
0xca: {  	v2 =	vld.idx.msk [tilespmem:v4+s25+$0x0], $0xffff  }
0xcb: {  	v3 =	vld.idx.msk [tilespmem:v5+s25+$0x0], $0xffff  }
0xcc: {  	v4 =	vld [tilespmem:s0+$0xA060]  }
0xcd: {  	v5 =	vld [tilespmem:s0+$0xC860];
	_ =	sdelay $0x1  }
0xce: {  	v1 =	vmul.f32 v1, v2;
	_ =	sdelay $0x1  }
0xcf: {  	v1 =	vmul.f32 v1, v3;
	_ =	sdelay $0x1  }
0xd0: {  	[tilespmem:s0+$0x11850] =	vst v1;
	v1 =	vld [tilespmem:s0+$0xF060]  }
0xd1: {  	v2 =	vld.idx.msk [tilespmem:v4+s25+$0x0], $0xffff  }
0xd2: {  	v3 =	vld.idx.msk [tilespmem:v5+s25+$0x0], $0xffff  }
0xd3: {  	v4 =	vld [tilespmem:s0+$0xA070];
	_ =	sdelay $0x2  }
0xd4: {  	v1 =	vmul.f32 v1, v2  }
0xd5: {  	v5 =	vld [tilespmem:s0+$0xC870]  }
0xd6: {  	v1 =	vmul.f32 v1, v3;
	_ =	sdelay $0x1  }
0xd7: {  	[tilespmem:s0+$0x11860] =	vst v1;
	v1 =	vld [tilespmem:s0+$0xF070]  }
0xd8: {  	v2 =	vld.idx.msk [tilespmem:v4+s25+$0x0], $0xffff;
	_ =	sdelay $0x3  }
0xd9: {  	s18 =	simm.s32 $0x80;
	v3 =	vld.idx.msk [tilespmem:v5+s25+$0x0], $0xffff  }
0xda: {  	v4 =	vmul.f32 v1, v2;
	v2 =	vld [tilespmem:s18+$0xA000];
	_ =	sdelay $0x1  }
0xdb: {  	v1 =	vld [tilespmem:s18+$0xC800];
	_ =	sdelay $0x2  }
0xdc: {  	s2 =	simm.s32 $0x400;
	v3 =	vmul.f32 v4, v3  }
.LBB2_8:
0xdd: {  	_ = 	snop  }
0xde: {  	p0 =	sne.s32 s2, $0x9E00;
	s16 =	smov.u32 s2;
	s2 =	sadd.s32 $0x200, s2;
	[tilespmem:s0+$0x11870] =	vst v3  }
0xdf: {  	s0 =	smov.u32 s18;
	v2 =	vld.idx.msk [tilespmem:v2+s25+$0x0], $0xffff  }
0xe0: {  	v3 =	vld [tilespmem:s0+$0xF000]  }
0xe1: {  	v1 =	vld.idx.msk [tilespmem:v1+s25+$0x0], $0xffff  }
0xe2: {  	v4 =	vld [tilespmem:s0+$0xA010];
	_ =	sdelay $0x1  }
0xe3: {  	v5 =	vld [tilespmem:s0+$0xC810]  }
0xe4: {  	v2 =	vmul.f32 v3, v2;
	_ =	sdelay $0x1  }
0xe5: {  	v1 =	vmul.f32 v2, v1;
	_ =	sdelay $0x1  }
0xe6: {  	[tilespmem:s0+$0x11800] =	vst v1  }
0xe7: {  	v1 =	vld.idx.msk [tilespmem:v4+s25+$0x0], $0xffff  }
0xe8: {  	v2 =	vld [tilespmem:s0+$0xF010]  }
0xe9: {  	v3 =	vld.idx.msk [tilespmem:v5+s25+$0x0], $0xffff  }
0xea: {  	v4 =	vld [tilespmem:s0+$0xA020];
	_ =	sdelay $0x1  }
0xeb: {  	v5 =	vld [tilespmem:s0+$0xC820]  }
0xec: {  	v1 =	vmul.f32 v2, v1;
	_ =	sdelay $0x1  }
0xed: {  	v1 =	vmul.f32 v1, v3;
	_ =	sdelay $0x1  }
0xee: {  	[tilespmem:s0+$0x11810] =	vst v1  }
0xef: {  	v1 =	vld.idx.msk [tilespmem:v4+s25+$0x0], $0xffff  }
0xf0: {  	v2 =	vld [tilespmem:s0+$0xF020]  }
0xf1: {  	v3 =	vld.idx.msk [tilespmem:v5+s25+$0x0], $0xffff  }
0xf2: {  	v4 =	vld [tilespmem:s0+$0xA030];
	_ =	sdelay $0x1  }
0xf3: {  	v5 =	vld [tilespmem:s0+$0xC830]  }
0xf4: {  	v1 =	vmul.f32 v2, v1;
	_ =	sdelay $0x1  }
0xf5: {  	v1 =	vmul.f32 v1, v3;
	_ =	sdelay $0x1  }
0xf6: {  	[tilespmem:s0+$0x11820] =	vst v1  }
0xf7: {  	v1 =	vld.idx.msk [tilespmem:v4+s25+$0x0], $0xffff  }
0xf8: {  	v2 =	vld [tilespmem:s0+$0xF030]  }
0xf9: {  	v3 =	vld.idx.msk [tilespmem:v5+s25+$0x0], $0xffff  }
0xfa: {  	v4 =	vld [tilespmem:s0+$0xA040];
	_ =	sdelay $0x1  }
0xfb: {  	v5 =	vld [tilespmem:s0+$0xC840]  }
0xfc: {  	v1 =	vmul.f32 v2, v1;
	_ =	sdelay $0x1  }
0xfd: {  	v1 =	vmul.f32 v1, v3;
	_ =	sdelay $0x1  }
0xfe: {  	[tilespmem:s0+$0x11830] =	vst v1  }
0xff: {  	v1 =	vld.idx.msk [tilespmem:v4+s25+$0x0], $0xffff  }
0x100: {  	v2 =	vld [tilespmem:s0+$0xF040]  }
0x101: {  	v3 =	vld.idx.msk [tilespmem:v5+s25+$0x0], $0xffff  }
0x102: {  	v4 =	vld [tilespmem:s0+$0xA050]  }
0x103: {  	v5 =	vld [tilespmem:s0+$0xC850];
	_ =	sdelay $0x1  }
0x104: {  	v1 =	vmul.f32 v2, v1;
	_ =	sdelay $0x1  }
0x105: {  	v1 =	vmul.f32 v1, v3;
	_ =	sdelay $0x1  }
0x106: {  	[tilespmem:s0+$0x11840] =	vst v1;
	v1 =	vld [tilespmem:s0+$0xF050]  }
0x107: {  	v2 =	vld.idx.msk [tilespmem:v4+s25+$0x0], $0xffff  }
0x108: {  	v3 =	vld.idx.msk [tilespmem:v5+s25+$0x0], $0xffff;
	_ =	sdelay $0x1  }
0x109: {  	v4 =	vld [tilespmem:s0+$0xA060]  }
0x10a: {  	v5 =	vld [tilespmem:s0+$0xC860];
	_ =	sdelay $0x1  }
0x10b: {  	v1 =	vmul.f32 v1, v2;
	_ =	sdelay $0x1  }
0x10c: {  	v1 =	vmul.f32 v1, v3;
	_ =	sdelay $0x1  }
0x10d: {  	[tilespmem:s0+$0x11850] =	vst v1;
	v1 =	vld [tilespmem:s0+$0xF060]  }
0x10e: {  	v2 =	vld.idx.msk [tilespmem:v4+s25+$0x0], $0xffff  }
0x10f: {  	v3 =	vld.idx.msk [tilespmem:v5+s25+$0x0], $0xffff;
	_ =	sdelay $0x1  }
0x110: {  	v4 =	vld [tilespmem:s0+$0xA070]  }
0x111: {  	v5 =	vld [tilespmem:s0+$0xC870];
	_ =	sdelay $0x1  }
0x112: {  	v1 =	vmul.f32 v1, v2;
	_ =	sdelay $0x1  }
0x113: {  	v1 =	vmul.f32 v1, v3;
	_ =	sdelay $0x1  }
0x114: {  	[tilespmem:s0+$0x11860] =	vst v1;
	v3 =	vld [tilespmem:s0+$0xF070]  }
0x115: {  	v4 =	vld.idx.msk [tilespmem:v4+s25+$0x0], $0xffff  }
0x116: {  	v5 =	vld.idx.msk [tilespmem:v5+s25+$0x0], $0xffff  }
0x117: {  	s18 =	sshra.s32 s16, $0x2  }
0x118: {  	v2 =	vld [tilespmem:s18+$0xA000]  }
.Ltmp3:
0x119: {  	v1 =	vld [tilespmem:s18+$0xC800];
	(pc) =	sbr.rel @p0 .LBB2_8-.Ltmp3, $3  }
0x11a: {  	_ = 	snop  }
0x11b: {  	v3 =	vmul.f32 v3, v4;
	_ =	sdelay $0x1  }
0x11c: {  	v3 =	vmul.f32 v3, v5  }
0x11d: {  	_ =	sdelay $0x2  }
0x11e: {  	[tilespmem:s0+$0x11870] =	vst v3  }
0x11f: {  	v2 =	vld.idx.msk [tilespmem:v2+s25+$0x0], $0xffff  }
0x120: {  	v3 =	vld [tilespmem:s18+$0xF000]  }
0x121: {  	v1 =	vld.idx.msk [tilespmem:v1+s25+$0x0], $0xffff  }
0x122: {  	v4 =	vld [tilespmem:s18+$0xA010];
	_ =	sdelay $0x1  }
0x123: {  	v5 =	vld [tilespmem:s18+$0xC810]  }
0x124: {  	v2 =	vmul.f32 v3, v2;
	_ =	sdelay $0x1  }
0x125: {  	v1 =	vmul.f32 v2, v1;
	_ =	sdelay $0x1  }
0x126: {  	v2 =	vld [tilespmem:s18+$0xF010];
	[tilespmem:s18+$0x11800] =	vst v1  }
0x127: {  	v1 =	vld.idx.msk [tilespmem:v4+s25+$0x0], $0xffff  }
0x128: {  	v52 =	vld [tilespmem:s18+$0xA020]  }
0x129: {  	v3 =	vld.idx.msk [tilespmem:v5+s25+$0x0], $0xffff;
	_ =	sdelay $0x1  }
0x12a: {  	v53 =	vld [tilespmem:s18+$0xC820]  }
0x12b: {  	v1 =	vmul.f32 v2, v1;
	_ =	sdelay $0x1  }
0x12c: {  	v1 =	vmul.f32 v1, v3;
	_ =	sdelay $0x1  }
0x12d: {  	v2 =	vld [tilespmem:s18+$0xF020];
	[tilespmem:s18+$0x11810] =	vst v1  }
0x12e: {  	v1 =	vld.idx.msk [tilespmem:v52+s25+$0x0], $0xffff  }
0x12f: {  	v54 =	vld [tilespmem:s18+$0xA030]  }
0x130: {  	v3 =	vld.idx.msk [tilespmem:v53+s25+$0x0], $0xffff;
	_ =	sdelay $0x1  }
0x131: {  	v55 =	vld [tilespmem:s18+$0xC830]  }
0x132: {  	v1 =	vmul.f32 v2, v1;
	_ =	sdelay $0x1  }
0x133: {  	v1 =	vmul.f32 v1, v3;
	_ =	sdelay $0x1  }
0x134: {  	v2 =	vld [tilespmem:s18+$0xF030];
	[tilespmem:s18+$0x11820] =	vst v1  }
0x135: {  	v1 =	vld.idx.msk [tilespmem:v54+s25+$0x0], $0xffff  }
0x136: {  	v56 =	vld [tilespmem:s18+$0xA040]  }
0x137: {  	v3 =	vld.idx.msk [tilespmem:v55+s25+$0x0], $0xffff;
	_ =	sdelay $0x1  }
0x138: {  	v57 =	vld [tilespmem:s18+$0xC840]  }
0x139: {  	v1 =	vmul.f32 v2, v1;
	_ =	sdelay $0x1  }
0x13a: {  	v1 =	vmul.f32 v1, v3;
	_ =	sdelay $0x1  }
0x13b: {  	v2 =	vld [tilespmem:s18+$0xF040];
	[tilespmem:s18+$0x11830] =	vst v1  }
0x13c: {  	v1 =	vld.idx.msk [tilespmem:v56+s25+$0x0], $0xffff  }
0x13d: {  	v58 =	vld [tilespmem:s18+$0xA050]  }
0x13e: {  	v3 =	vld.idx.msk [tilespmem:v57+s25+$0x0], $0xffff;
	_ =	sdelay $0x1  }
0x13f: {  	v59 =	vld [tilespmem:s18+$0xC850]  }
0x140: {  	v1 =	vmul.f32 v2, v1;
	_ =	sdelay $0x1  }
0x141: {  	v1 =	vmul.f32 v1, v3;
	_ =	sdelay $0x1  }
0x142: {  	[tilespmem:s18+$0x11840] =	vst v1;
	v1 =	vld [tilespmem:s18+$0xF050]  }
0x143: {  	v2 =	vld.idx.msk [tilespmem:v58+s25+$0x0], $0xffff  }
0x144: {  	v60 =	vld [tilespmem:s18+$0xA060]  }
0x145: {  	v3 =	vld.idx.msk [tilespmem:v59+s25+$0x0], $0xffff;
	_ =	sdelay $0x1  }
0x146: {  	v61 =	vld [tilespmem:s18+$0xC860]  }
0x147: {  	v1 =	vmul.f32 v1, v2;
	_ =	sdelay $0x1  }
0x148: {  	v1 =	vmul.f32 v1, v3;
	_ =	sdelay $0x1  }
0x149: {  	[tilespmem:s18+$0x11850] =	vst v1;
	v1 =	vld [tilespmem:s18+$0xF060]  }
0x14a: {  	v2 =	vld.idx.msk [tilespmem:v60+s25+$0x0], $0xffff  }
0x14b: {  	v62 =	vld [tilespmem:s18+$0xA070]  }
0x14c: {  	v3 =	vld.idx.msk [tilespmem:v61+s25+$0x0], $0xffff;
	_ =	sdelay $0x1  }
0x14d: {  	v63 =	vld [tilespmem:s18+$0xC870]  }
0x14e: {  	v1 =	vmul.f32 v1, v2;
	_ =	sdelay $0x1  }
0x14f: {  	v1 =	vmul.f32 v1, v3;
	_ =	sdelay $0x1  }
0x150: {  	[tilespmem:s18+$0x11860] =	vst v1;
	v1 =	vld [tilespmem:s18+$0xF070]  }
0x151: {  	v2 =	vld.idx.msk [tilespmem:v62+s25+$0x0], $0xffff;
	_ =	sdelay $0x1  }
0x152: {  	v3 =	vld.idx.msk [tilespmem:v63+s25+$0x0], $0xffff;
	_ =	sdelay $0x2  }
0x153: {  	v1 =	vmul.f32 v1, v2;
	_ =	sdelay $0x1  }
0x154: {  	s31 =	sadd.s32 $0x1, s31;
	v1 =	vmul.f32 v1, v3  }
0x155: {  	p0 =	sne.s32 s31, s15  }
.Ltmp4:
0x156: {  	[tilespmem:s18+$0x11870] =	vst v1;
	(pc) =	sbr.rel @p0 .LBB2_1-.Ltmp4, $4  }
0x157: {  	[hbm4b:s14+s3] =	stream.linear.scatter [tilespmem:s30], [sflag:$0x2], $0x2800, $0x38;
	[tilespmem:$0x16E80] =	vst v63  }
0x158: {  	_ =	swait.ge [sflag:s17], $0x2800  }
0x159: {  	[sflag:s17] =	ssyncset.done $0x0  }
0x15a: {  	[sflag:s17] =	ssyncadd.s32 $0xFFFFD800  }
0x15b: {  	_ =	sfence.sel $0x180000  }
0x15c: {  	[bflag:$0x0] =	sbarrier.arrive $0xFFFF  }
0x15d: {  	_ =	strace $0x90000047  }
0x15e: {  	s0 =	stileid.u32;
	[bflag:$0x2] =	sbarrier.arrive $0xFFFF  }
0x15f: {  	p0 =	sne.s32 s0, $0x0;
	s0 =	rddreg [dreg:$0x3]  }
0x160: {  	s0 =	sadd.s32 @!p0 $0x100000, s0  }
0x161: {  	[sflag:s0] =	ssyncadd.tile.s32 @!p0 $0x1;
	_ =	shalt  }
.Lfunc_end2:
_tile_overlayer_lowered:
.L_overlay_start_2:
0x162: {  	(tag) =	ssettag $0x2  }
0x163: {  	s0 =	rddreg [dreg:$0x0];
	s2 =	stileid.u32  }
0x164: {  	s1 =	rddreg [dreg:$0x1];
	p0 =	sne.s32 s2, $0x0  }
0x165: {  	s3 =	rddreg [dreg:$0x2];
	[bflag:$0x3] =	sbarrier.arrive $0xFFFF;
	s2 =	simm.s32 @!p0 $0x1C02  }
0x166: {  	[timem:s3], [sflag:s2] =	dma.local @!p0 [hbm:s0], s1  }
0x167: {  	s0 =	simm.s32 @!p0 $0x2  }
0x168: {  	_ =	swait.ge @!p0 [sflag:s0], s1  }
0x169: {  	s1 =	ssub.s32 @!p0 $0x0, s1;
	[sflag:s0] =	ssyncset.done @!p0 $0x0  }
0x16a: {  	[sflag:s0] =	ssyncadd.s32 @!p0 s1  }
0x16b: {  	[bflag:$0x3] =	sbarrier.arrive $0xFFFF  }
0x16c: {  	_ =	shalt  }

</sc_bundles>
